<compile_context>
chip_gen: v7x
topology: tpu7x:2x2x1
jax: 0.10.2.dev20260603
libtpu: 0.0.44.dev20260713+nightly
codegen_flags: <defaults>
</compile_context>

<pallas_src>
import functools

import jax
import jax.numpy as jnp
from jax import lax
from jax.experimental import pallas as pl
from jax.experimental.pallas import tpu as pltpu
from jax.experimental.pallas import tpu_sc as plsc

N_NODES = 10000
NUM_HEDGES = 10000
NNZ = 320000
D = 128
STAR = 64
SLOPE = 0.2
NC, NS = 2, 16
NW = NC * NS
L = 16
K = 64
CHUNK = 16
B0 = 160
B1 = 160
TOT_BLOCKS = NS * (B0 + B1)
NNZ_PAD = TOT_BLOCKS * K
R_PAD = 10240
P_PAD = 10016
GARBAGE = 10000
RPT = R_PAD // NS
BR = 512
GRID = R_PAD // BR



def _tc1_body(x_ref, wxT_ref, bx_ref, wvT_ref, bv_ref, att_ref,
              xi_ref, g_ref, p_ref):
    i = pl.program_id(0)
    x = x_ref[...]
    xi = jnp.dot(x, wxT_ref[...], preferred_element_type=jnp.float32)
    xi_ref[...] = xi + bx_ref[...]
    xf = jnp.dot(x, wvT_ref[...], preferred_element_type=jnp.float32)
    xf = xf + bv_ref[...]
    s = jnp.dot(xf, att_ref[...], preferred_element_type=jnp.float32)
    s = jnp.where(s > 0, s, SLOPE * s)
    p = jnp.exp(s)
    rows = i * BR + lax.broadcasted_iota(jnp.int32, (BR, 1), 0)
    mask = rows < N_NODES
    g_ref[...] = jnp.where(mask, xf * p, 0.0)
    p_ref[...] = jnp.where(mask, p, 0.0)


def _tc1(X, WxT, bx, WvT, bv, attT):
    return pl.pallas_call(
        _tc1_body,
        grid=(GRID,),
        in_specs=[
            pl.BlockSpec((BR, D), lambda i: (i, 0)),
            pl.BlockSpec((D, D), lambda i: (0, 0)),
            pl.BlockSpec((1, D), lambda i: (0, 0)),
            pl.BlockSpec((D, D), lambda i: (0, 0)),
            pl.BlockSpec((1, D), lambda i: (0, 0)),
            pl.BlockSpec((D, 1), lambda i: (0, 0)),
        ],
        out_specs=[
            pl.BlockSpec((BR, D), lambda i: (i, 0)),
            pl.BlockSpec((BR, D), lambda i: (i, 0)),
            pl.BlockSpec((BR, 1), lambda i: (i, 0)),
        ],
        out_shape=[
            jax.ShapeDtypeStruct((N_NODES, D), jnp.float32),
            jax.ShapeDtypeStruct((R_PAD, D), jnp.float32),
            jax.ShapeDtypeStruct((R_PAD, 1), jnp.float32),
        ],
    )(X, WxT, bx, WvT, bv, attT)


def _tc2_body(a0_ref, a1_ref, d_ref, s_ref, t1_ref, t2_ref, tb_ref, y_ref):
    i = pl.program_id(0)
    num = a0_ref[...] + a1_ref[...]
    den = jnp.sum(d_ref[...], axis=0)[:, None]
    yv = num / jnp.maximum(den, 1e-30)
    yv = jnp.where(yv > 0, yv, jnp.exp(yv) - 1.0)
    y = jnp.dot(yv, t1_ref[...], preferred_element_type=jnp.float32)
    y = y + jnp.dot(s_ref[...], t2_ref[...], preferred_element_type=jnp.float32)
    y = y + tb_ref[...]
    rows = i * BR + lax.broadcasted_iota(jnp.int32, (BR, 1), 0)
    y_ref[...] = jnp.where(rows < NUM_HEDGES, y, 0.0)


def _tc2(a0, a1, den, S_features, th1T, th2T, tb):
    return pl.pallas_call(
        _tc2_body,
        grid=(GRID,),
        in_specs=[
            pl.BlockSpec((BR, D), lambda i: (i, 0)),
            pl.BlockSpec((BR, D), lambda i: (i, 0)),
            pl.BlockSpec((NW, BR), lambda i: (0, i)),
            pl.BlockSpec((BR, STAR), lambda i: (i, 0)),
            pl.BlockSpec((D, D), lambda i: (0, 0)),
            pl.BlockSpec((STAR, D), lambda i: (0, 0)),
            pl.BlockSpec((1, D), lambda i: (0, 0)),
        ],
        out_specs=pl.BlockSpec((BR, D), lambda i: (i, 0)),
        out_shape=jax.ShapeDtypeStruct((R_PAD, D), jnp.float32),
    )(a0, a1, den, S_features, th1T, th2T, tb)


def _tc3_body(a0_ref, a1_ref, c_ref, xi_ref, o_ref):
    sv = a0_ref[...] + a1_ref[...]
    cnt = jnp.sum(c_ref[...], axis=0)[:, None]
    m = sv / jnp.maximum(cnt, 1.0)
    m = jnp.where(m > 0, m, jnp.exp(m) - 1.0)
    o_ref[...] = m + xi_ref[...]


def _tc3(a0, a1, cnt, xi):
    return pl.pallas_call(
        _tc3_body,
        grid=(GRID,),
        in_specs=[
            pl.BlockSpec((BR, D), lambda i: (i, 0)),
            pl.BlockSpec((BR, D), lambda i: (i, 0)),
            pl.BlockSpec((NW, BR), lambda i: (0, i)),
            pl.BlockSpec((BR, D), lambda i: (i, 0)),
        ],
        out_specs=pl.BlockSpec((BR, D), lambda i: (i, 0)),
        out_shape=jax.ShapeDtypeStruct((N_NODES, D), jnp.float32),
    )(a0, a1, cnt, xi)



NBUF = 3


def _sc_pass_body(with_ptab, src_hbm, gidx_hbm, sidx_hbm,
                  ptab_hbm, out_feat, out_den, acc, gv, sv, rows, ptab, den,
                  gsems, ssems):
    c = lax.axis_index("c")
    s = lax.axis_index("s")
    wid = c * NS + s
    z16 = jnp.zeros((L,), jnp.float32)

    def zrow(i, carry):
        for j in range(D // L):
            rows[0][i, pl.ds(j * L, L)] = z16
        return carry

    lax.fori_loop(0, K, zrow, 0)

    def zden(i, carry):
        den[pl.ds(i * L, L)] = z16
        return carry

    lax.fori_loop(0, R_PAD // L, zden, 0)
    for r in range(RPT // K):
        pltpu.sync_copy(rows[0], acc.at[pl.ds(s * RPT + r * K, K)])
    if with_ptab:
        pltpu.sync_copy(ptab_hbm.at[wid], ptab)
    plsc.subcore_barrier()

    def scalar_path(b):
        for j in range(K // L):
            e16 = sv[b, pl.ds(j * L, L)]
            if with_ptab:
                v16 = gv[b, pl.ds(j * L, L)]
                vals = plsc.load_gather(ptab, [v16])
            else:
                vals = jnp.full((L,), 1.0, jnp.float32)
            plsc.addupdate_scatter(den, [e16], vals)

    def gather(b):
        return pltpu.async_copy(src_hbm.at[gv.at[b]], rows[b % NBUF],
                                gsems[b % NBUF])

    def scatter(b):
        return pltpu.async_copy(rows[b % NBUF], acc.at[sv.at[b]],
                                ssems[b % NBUF], add=True)

    def chunk_body(ch, carry):
        blk = (ch * NW + wid) * CHUNK
        pltpu.sync_copy(gidx_hbm.at[pl.ds(blk, CHUNK)], gv)
        pltpu.sync_copy(sidx_hbm.at[pl.ds(blk, CHUNK)], sv)
        gd = {}
        for b in range(NBUF - 1):
            gd[b] = gather(b)
        sd = {}
        for b in range(CHUNK):
            gd[b].wait()
            sd[b] = scatter(b)
            scalar_path(b)
            if b >= 1:
                sd[b - 1].wait()
            nb = b + NBUF - 1
            if nb < CHUNK:
                gd[nb] = gather(nb)
        sd[CHUNK - 1].wait()
        return carry

    lax.fori_loop(0, B0 // CHUNK, chunk_body, 0)
    plsc.subcore_barrier()
    pltpu.sync_copy(acc.at[pl.ds(s * RPT, RPT)],
                    out_feat.at[c].at[pl.ds(s * RPT, RPT)])
    pltpu.sync_copy(den, out_den.at[wid])


def _make_sc_pass(with_ptab):
    scratch = [
        pltpu.VMEM_SHARED((R_PAD, D), jnp.float32),
        pltpu.VMEM((CHUNK, K), jnp.int32),
        pltpu.VMEM((CHUNK, K), jnp.int32),
    ]
    scratch += [pltpu.VMEM((K, D), jnp.float32)] * NBUF
    if with_ptab:
        scratch += [pltpu.VMEM((P_PAD,), jnp.float32)]
    scratch += [pltpu.VMEM((R_PAD,), jnp.float32)]
    scratch += [pltpu.SemaphoreType.DMA] * (2 * NBUF)

    kw = dict(
        out_type=[
            jax.ShapeDtypeStruct((NC, R_PAD, D), jnp.float32),
            jax.ShapeDtypeStruct((NW, R_PAD), jnp.float32),
        ],
        mesh=plsc.VectorSubcoreMesh(core_axis_name="c", subcore_axis_name="s"),
        compiler_params=pltpu.CompilerParams(needs_layout_passes=False),
        scratch_types=scratch,
    )

    if with_ptab:
        @functools.partial(pl.kernel, **kw)
        def sc_pass(src, gidx, sidx, ptab_hbm, out_feat, out_den,
                    acc, gv, sv, r0, r1, r2, ptab, den,
                    g0, g1, g2, s0, s1, s2):
            _sc_pass_body(True, src, gidx, sidx, ptab_hbm,
                          out_feat, out_den, acc, gv, sv, [r0, r1, r2],
                          ptab, den, [g0, g1, g2], [s0, s1, s2])
    else:
        @functools.partial(pl.kernel, **kw)
        def sc_pass(src, gidx, sidx, out_feat, out_den,
                    acc, gv, sv, r0, r1, r2, den,
                    g0, g1, g2, s0, s1, s2):
            _sc_pass_body(False, src, gidx, sidx, None,
                          out_feat, out_den, acc, gv, sv, [r0, r1, r2],
                          None, den, [g0, g1, g2], [s0, s1, s2])

    return sc_pass


_sc_pass1 = _make_sc_pass(True)
_sc_pass2 = _make_sc_pass(False)



def kernel(X, S_features, Wx_w, Wx_b, Wv_w, Wv_b, att_w, th_w, th_b,
           hyperedge_index):
    V = hyperedge_index[0]
    E = hyperedge_index[1]
    pad = jnp.full((NNZ_PAD - NNZ,), GARBAGE, jnp.int32)
    Vp = jnp.concatenate([V, pad]).reshape(TOT_BLOCKS, K)
    Ep = jnp.concatenate([E, pad]).reshape(TOT_BLOCKS, K)

    xi, g, p = _tc1(X, Wx_w.T, Wx_b[None], Wv_w.T, Wv_b[None], att_w.T)
    p_rep = jnp.broadcast_to(p.reshape(R_PAD)[:P_PAD], (NW, P_PAD))
    acc1, den = _sc_pass1(g, Vp, Ep, p_rep)
    y = _tc2(acc1[0], acc1[1], den, S_features, th_w[:, :D].T, th_w[:, D:].T,
             th_b[None])
    acc2, cnt = _sc_pass2(y, Ep, Vp)
    return _tc3(acc2[0], acc2[1], cnt, xi)

# --- scband reference (transcript-rebuilt; emitter-appended) ---
"""Pipeline reference for scband-dphgnnconv-67619965108633 (READ-ONLY COPY).

The authoritative reference and input builder live on the scoring server;
editing this copy changes nothing except your own understanding.
"""

import jax, jax.numpy as jnp
import numpy as np

N_NODES = 10000
NNZ = 320000
NUM_HEDGES = 10000
D_IN = 128
D_OUT = 128
STAR = 64
SLOPE = 0.2


def _uniform(key, shape, bound):
    return jax.random.uniform(key, shape, dtype=jnp.float32, minval=-bound, maxval=bound)


def setup_inputs(seed: int = 0):
    key = jax.random.key(seed)
    ks = jax.random.split(key, 12)
    X = jax.random.normal(ks[0], (N_NODES, D_IN), dtype=jnp.float32)
    V = jax.random.randint(ks[1], (NNZ,), 0, N_NODES, dtype=jnp.int32)
    E = jax.random.randint(ks[2], (NNZ,), 0, NUM_HEDGES, dtype=jnp.int32)
    hyperedge_index = jnp.stack([V, E], axis=0)
    S_features = jax.random.normal(ks[3], (NUM_HEDGES, STAR), dtype=jnp.float32)
    b1 = 1.0 / np.sqrt(D_IN)
    Wx_w = _uniform(ks[4], (D_OUT, D_IN), b1)
    Wx_b = _uniform(ks[5], (D_OUT,), b1)
    Wv_w = _uniform(ks[6], (D_OUT, D_IN), b1)
    Wv_b = _uniform(ks[7], (D_OUT,), b1)
    b2 = 1.0 / np.sqrt(D_OUT)
    att_w = _uniform(ks[8], (1, D_OUT), b2)
    b3 = 1.0 / np.sqrt(D_OUT + STAR)
    th_w = _uniform(ks[9], (D_OUT, D_OUT + STAR), b3)
    th_b = _uniform(ks[10], (D_OUT,), b3)
    return {"X": X, "S_features": S_features, "Wx_w": Wx_w, "Wx_b": Wx_b,
            "Wv_w": Wv_w, "Wv_b": Wv_b, "att_w": att_w, "th_w": th_w,
            "th_b": th_b, "hyperedge_index": hyperedge_index}


def reference(X, S_features, Wx_w, Wx_b, Wv_w, Wv_b, att_w, th_w, th_b, hyperedge_index):
    V = hyperedge_index[0]
    E = hyperedge_index[1]
    num_nodes = X.shape[0]
    num_edges = S_features.shape[0]
    # X_init = W_x(X); X_feat = W_vertex(X)
    X_init = X @ Wx_w.T + Wx_b
    X_feat = X @ Wv_w.T + Wv_b
    # atten_vertex(X_feat) -> [N, 1], gather to incidence pairs
    x_for_vertex = X_feat @ att_w.T
    score = x_for_vertex[V][:, 0]
    # LeakyReLU(atten_neg_slope); dropout p=0 (eval)
    score = jnp.where(score > 0, score, SLOPE * score)
    # scatter_softmax over hyperedge segments E
    seg_max = jax.ops.segment_max(score, E, num_segments=num_edges)
    ex = jnp.exp(score - seg_max[E])
    denom = jax.ops.segment_sum(ex, E, num_segments=num_edges)
    softmax_w = ex / denom[E]
    # vertex -> hyperedge aggregation (scatter_sum)
    Xev = X_feat[V] * softmax_w[:, None]
    Y_v2e = jax.ops.segment_sum(Xev, E, num_segments=num_edges)
    Y_v2e = jax.nn.elu(Y_v2e)
    # concat hyperedge structural features, transform
    e_msg = jnp.concatenate([Y_v2e, S_features], axis=1)
    Y = e_msg @ th_w.T + th_b
    # hyperedge -> vertex aggregation (scatter_mean)
    Yev = Y[E]
    sum_v = jax.ops.segment_sum(Yev, V, num_segments=num_nodes)
    cnt = jax.ops.segment_sum(jnp.ones_like(score), V, num_segments=num_nodes)
    Xmean = sum_v / jnp.maximum(cnt, 1.0)[:, None]
    Xout = jax.nn.elu(Xmean)
    return Xout + X_init

if __name__ == "__main__":
    import jax
    _d = setup_inputs()
    print(jax.jit(kernel)(*tuple(_d.values())))

</pallas_src>

<mosaic_0001>
#map = affine_map<(d0, d1) -> (0, 0)>
#map1 = affine_map<(d0, d1) -> (0, 0, 0)>
module attributes {stable_mosaic.version = 14 : i64} {
  func.func @sc_pass(%arg0: i32, %arg1: i32, %arg2: memref<10240x128xf32, #tpu.memory_space<hbm>>, %arg3: memref<5120x64xi32, #tpu.memory_space<hbm>>, %arg4: memref<5120x64xi32, #tpu.memory_space<hbm>>, %arg5: memref<32x10016xf32, #tpu.memory_space<hbm>>, %arg6: memref<2x10240x128xf32, #tpu.memory_space<hbm>>, %arg7: memref<32x10240xf32, #tpu.memory_space<hbm>>, %arg8: memref<10240x128xf32, #tpu.memory_space<vmem_shared>>, %arg9: memref<16x64xi32, #tpu.memory_space<vmem>>, %arg10: memref<16x64xi32, #tpu.memory_space<vmem>>, %arg11: memref<64x128xf32, #tpu.memory_space<vmem>>, %arg12: memref<64x128xf32, #tpu.memory_space<vmem>>, %arg13: memref<64x128xf32, #tpu.memory_space<vmem>>, %arg14: memref<10016xf32, #tpu.memory_space<vmem>>, %arg15: memref<10240xf32, #tpu.memory_space<vmem>>, %arg16: memref<!tpu.dma_semaphore, #tpu.memory_space<semaphore_mem>>, %arg17: memref<!tpu.dma_semaphore, #tpu.memory_space<semaphore_mem>>, %arg18: memref<!tpu.dma_semaphore, #tpu.memory_space<semaphore_mem>>, %arg19: memref<!tpu.dma_semaphore, #tpu.memory_space<semaphore_mem>>, %arg20: memref<!tpu.dma_semaphore, #tpu.memory_space<semaphore_mem>>, %arg21: memref<!tpu.dma_semaphore, #tpu.memory_space<semaphore_mem>>) attributes {dimension_semantics = [#tpu.dimension_semantics<core_parallel>, #tpu.dimension_semantics<subcore_parallel>], iteration_bounds = array<i64: 2, 16>, scalar_prefetch = 0 : i64, scratch_operands = 14 : i64, tpu.core_type = #tpu.core_type<sc_vector_subcore>, window_params = [{transform_indices = #map}, {transform_indices = #map}, {transform_indices = #map}, {transform_indices = #map}, {transform_indices = #map1}, {transform_indices = #map}]} {
    %mul3A = arith.constant 16 : i32
    %mul3A_0 = arith.muli %arg0, %mul3A : i32
    %add3A = arith.addi %mul3A_0, %arg1 : i32
    %broadcast_in_dim3A = arith.constant 0.000000e+00 : f32
    %broadcast_in_dim3A_1 = vector.broadcast %broadcast_in_dim3A : f32 to vector<16xf32>
    %scan3A = arith.constant 0 : i32
    %scan3A_2 = arith.constant 0 : i32
    %scan3A_3 = arith.constant 64 : i32
    %scan3A_4 = arith.addi %scan3A_2, %scan3A_3 : i32
    %scan3A_5 = arith.constant 1 : i32
    scf.for %scan3A_64 = %scan3A_2 to %scan3A_4 step %scan3A_5  : i32 {
      %swap3A = arith.index_cast %scan3A_64 : i32 to index
      %swap3A_65 = arith.constant 0 : index
      %swap3A_66 = tpu.vector_load %arg11[%swap3A, %swap3A_65] {strides = array<i32>} : memref<64x128xf32, #tpu.memory_space<vmem>>, vector<16xf32>,
      tpu.vector_store %arg11[%swap3A, %swap3A_65], %broadcast_in_dim3A_1 {strides = array<i32>} : memref<64x128xf32, #tpu.memory_space<vmem>>, vector<16xf32>,
      %swap3A_67 = arith.index_cast %scan3A_64 : i32 to index
      %swap3A_68 = arith.constant 16 : index
      %swap3A_69 = tpu.vector_load %arg11[%swap3A_67, %swap3A_68] {strides = array<i32>} : memref<64x128xf32, #tpu.memory_space<vmem>>, vector<16xf32>,
      tpu.vector_store %arg11[%swap3A_67, %swap3A_68], %broadcast_in_dim3A_1 {strides = array<i32>} : memref<64x128xf32, #tpu.memory_space<vmem>>, vector<16xf32>,
      %swap3A_70 = arith.index_cast %scan3A_64 : i32 to index
      %swap3A_71 = arith.constant 32 : index
      %swap3A_72 = tpu.vector_load %arg11[%swap3A_70, %swap3A_71] {strides = array<i32>} : memref<64x128xf32, #tpu.memory_space<vmem>>, vector<16xf32>,
      tpu.vector_store %arg11[%swap3A_70, %swap3A_71], %broadcast_in_dim3A_1 {strides = array<i32>} : memref<64x128xf32, #tpu.memory_space<vmem>>, vector<16xf32>,
      %swap3A_73 = arith.index_cast %scan3A_64 : i32 to index
      %swap3A_74 = arith.constant 48 : index
      %swap3A_75 = tpu.vector_load %arg11[%swap3A_73, %swap3A_74] {strides = array<i32>} : memref<64x128xf32, #tpu.memory_space<vmem>>, vector<16xf32>,
      tpu.vector_store %arg11[%swap3A_73, %swap3A_74], %broadcast_in_dim3A_1 {strides = array<i32>} : memref<64x128xf32, #tpu.memory_space<vmem>>, vector<16xf32>,
      %swap3A_76 = arith.index_cast %scan3A_64 : i32 to index
      %swap3A_77 = arith.constant 64 : index
      %swap3A_78 = tpu.vector_load %arg11[%swap3A_76, %swap3A_77] {strides = array<i32>} : memref<64x128xf32, #tpu.memory_space<vmem>>, vector<16xf32>,
      tpu.vector_store %arg11[%swap3A_76, %swap3A_77], %broadcast_in_dim3A_1 {strides = array<i32>} : memref<64x128xf32, #tpu.memory_space<vmem>>, vector<16xf32>,
      %swap3A_79 = arith.index_cast %scan3A_64 : i32 to index
      %swap3A_80 = arith.constant 80 : index
      %swap3A_81 = tpu.vector_load %arg11[%swap3A_79, %swap3A_80] {strides = array<i32>} : memref<64x128xf32, #tpu.memory_space<vmem>>, vector<16xf32>,
      tpu.vector_store %arg11[%swap3A_79, %swap3A_80], %broadcast_in_dim3A_1 {strides = array<i32>} : memref<64x128xf32, #tpu.memory_space<vmem>>, vector<16xf32>,
      %swap3A_82 = arith.index_cast %scan3A_64 : i32 to index
      %swap3A_83 = arith.constant 96 : index
      %swap3A_84 = tpu.vector_load %arg11[%swap3A_82, %swap3A_83] {strides = array<i32>} : memref<64x128xf32, #tpu.memory_space<vmem>>, vector<16xf32>,
      tpu.vector_store %arg11[%swap3A_82, %swap3A_83], %broadcast_in_dim3A_1 {strides = array<i32>} : memref<64x128xf32, #tpu.memory_space<vmem>>, vector<16xf32>,
      %swap3A_85 = arith.index_cast %scan3A_64 : i32 to index
      %swap3A_86 = arith.constant 112 : index
      %swap3A_87 = tpu.vector_load %arg11[%swap3A_85, %swap3A_86] {strides = array<i32>} : memref<64x128xf32, #tpu.memory_space<vmem>>, vector<16xf32>,
      tpu.vector_store %arg11[%swap3A_85, %swap3A_86], %broadcast_in_dim3A_1 {strides = array<i32>} : memref<64x128xf32, #tpu.memory_space<vmem>>, vector<16xf32>,
    }
    %scan3A_6 = arith.constant 64 : i32
    %scan3A_7 = arith.constant 0 : i32
    %scan3A_8 = arith.constant 0 : i32
    %scan3A_9 = arith.constant 640 : i32
    %scan3A_10 = arith.addi %scan3A_8, %scan3A_9 : i32
    %scan3A_11 = arith.constant 1 : i32
    scf.for %scan3A_64 = %scan3A_8 to %scan3A_10 step %scan3A_11  : i32 {
      %mul3A_65 = arith.constant 16 : i32
      %mul3A_66 = arith.muli %scan3A_64, %mul3A_65 : i32
      %swap3A = arith.index_cast %mul3A_66 : i32 to index
      %swap3A_67 = tpu.vector_load %arg15[%swap3A] {strides = array<i32>} : memref<10240xf32, #tpu.memory_space<vmem>>, vector<16xf32>,
      tpu.vector_store %arg15[%swap3A], %broadcast_in_dim3A_1 {strides = array<i32>} : memref<10240xf32, #tpu.memory_space<vmem>>, vector<16xf32>,
    }
    %scan3A_12 = arith.constant 640 : i32
    %mul3A_13 = arith.constant 640 : i32
    %mul3A_14 = arith.muli %arg1, %mul3A_13 : i32
    %add3A_15 = arith.constant 0 : i32
    %add3A_16 = arith.addi %mul3A_14, %add3A_15 : i32
    "tpu.region"() ({
      %run_scoped3A = tpu.sem_alloc : memref<!tpu.dma_semaphore, #tpu.memory_space<semaphore_mem>>
      %dma_start3A = arith.constant 0 : i32
      %dma_start3A_64 = tpu.memref_slice %arg8[%add3A_16, %dma_start3A] : memref<10240x128xf32, #tpu.memory_space<vmem_shared>> -> memref<64x128xf32, #tpu.memory_space<vmem_shared>>
      %dma_start3A_65 = arith.constant 0 : i32
      %dma_start3A_66 = tpu.memref_slice %arg8[%add3A_16, %dma_start3A_65] : memref<10240x128xf32, #tpu.memory_space<vmem_shared>> -> memref<64x128xf32, #tpu.memory_space<vmem_shared>>
      tpu.enqueue_dma source(%arg11 : memref<64x128xf32, #tpu.memory_space<vmem>>) target(%dma_start3A_66 : memref<64x128xf32, #tpu.memory_space<vmem_shared>>) target_semaphore(%run_scoped3A : memref<!tpu.dma_semaphore, #tpu.memory_space<semaphore_mem>>)
      %dma_wait3A = arith.constant 0 : i32
      %dma_wait3A_67 = tpu.memref_slice %arg8[%add3A_16, %dma_wait3A] : memref<10240x128xf32, #tpu.memory_space<vmem_shared>> -> memref<64x128xf32, #tpu.memory_space<vmem_shared>>
      %dma_wait3A_68 = arith.constant 0 : i32
      %dma_wait3A_69 = tpu.memref_slice %arg8[%add3A_16, %dma_wait3A_68] : memref<10240x128xf32, #tpu.memory_space<vmem_shared>> -> memref<64x128xf32, #tpu.memory_space<vmem_shared>>
      tpu.wait_dma2 semaphore(%run_scoped3A : memref<!tpu.dma_semaphore, #tpu.memory_space<semaphore_mem>>) src(%arg11 : memref<64x128xf32, #tpu.memory_space<vmem>>) dst(%dma_wait3A_69 : memref<64x128xf32, #tpu.memory_space<vmem_shared>>)
      tpu.yield
    }) : () -> ()
    %mul3A_17 = arith.constant 640 : i32
    %mul3A_18 = arith.muli %arg1, %mul3A_17 : i32
    %add3A_19 = arith.constant 64 : i32
    %add3A_20 = arith.addi %mul3A_18, %add3A_19 : i32
    "tpu.region"() ({
      %run_scoped3A = tpu.sem_alloc : memref<!tpu.dma_semaphore, #tpu.memory_space<semaphore_mem>>
      %dma_start3A = arith.constant 0 : i32
      %dma_start3A_64 = tpu.memref_slice %arg8[%add3A_20, %dma_start3A] : memref<10240x128xf32, #tpu.memory_space<vmem_shared>> -> memref<64x128xf32, #tpu.memory_space<vmem_shared>>
      %dma_start3A_65 = arith.constant 0 : i32
      %dma_start3A_66 = tpu.memref_slice %arg8[%add3A_20, %dma_start3A_65] : memref<10240x128xf32, #tpu.memory_space<vmem_shared>> -> memref<64x128xf32, #tpu.memory_space<vmem_shared>>
      tpu.enqueue_dma source(%arg11 : memref<64x128xf32, #tpu.memory_space<vmem>>) target(%dma_start3A_66 : memref<64x128xf32, #tpu.memory_space<vmem_shared>>) target_semaphore(%run_scoped3A : memref<!tpu.dma_semaphore, #tpu.memory_space<semaphore_mem>>)
      %dma_wait3A = arith.constant 0 : i32
      %dma_wait3A_67 = tpu.memref_slice %arg8[%add3A_20, %dma_wait3A] : memref<10240x128xf32, #tpu.memory_space<vmem_shared>> -> memref<64x128xf32, #tpu.memory_space<vmem_shared>>
      %dma_wait3A_68 = arith.constant 0 : i32
      %dma_wait3A_69 = tpu.memref_slice %arg8[%add3A_20, %dma_wait3A_68] : memref<10240x128xf32, #tpu.memory_space<vmem_shared>> -> memref<64x128xf32, #tpu.memory_space<vmem_shared>>
      tpu.wait_dma2 semaphore(%run_scoped3A : memref<!tpu.dma_semaphore, #tpu.memory_space<semaphore_mem>>) src(%arg11 : memref<64x128xf32, #tpu.memory_space<vmem>>) dst(%dma_wait3A_69 : memref<64x128xf32, #tpu.memory_space<vmem_shared>>)
      tpu.yield
    }) : () -> ()
    %mul3A_21 = arith.constant 640 : i32
    %mul3A_22 = arith.muli %arg1, %mul3A_21 : i32
    %add3A_23 = arith.constant 128 : i32
    %add3A_24 = arith.addi %mul3A_22, %add3A_23 : i32
    "tpu.region"() ({
      %run_scoped3A = tpu.sem_alloc : memref<!tpu.dma_semaphore, #tpu.memory_space<semaphore_mem>>
      %dma_start3A = arith.constant 0 : i32
      %dma_start3A_64 = tpu.memref_slice %arg8[%add3A_24, %dma_start3A] : memref<10240x128xf32, #tpu.memory_space<vmem_shared>> -> memref<64x128xf32, #tpu.memory_space<vmem_shared>>
      %dma_start3A_65 = arith.constant 0 : i32
      %dma_start3A_66 = tpu.memref_slice %arg8[%add3A_24, %dma_start3A_65] : memref<10240x128xf32, #tpu.memory_space<vmem_shared>> -> memref<64x128xf32, #tpu.memory_space<vmem_shared>>
      tpu.enqueue_dma source(%arg11 : memref<64x128xf32, #tpu.memory_space<vmem>>) target(%dma_start3A_66 : memref<64x128xf32, #tpu.memory_space<vmem_shared>>) target_semaphore(%run_scoped3A : memref<!tpu.dma_semaphore, #tpu.memory_space<semaphore_mem>>)
      %dma_wait3A = arith.constant 0 : i32
      %dma_wait3A_67 = tpu.memref_slice %arg8[%add3A_24, %dma_wait3A] : memref<10240x128xf32, #tpu.memory_space<vmem_shared>> -> memref<64x128xf32, #tpu.memory_space<vmem_shared>>
      %dma_wait3A_68 = arith.constant 0 : i32
      %dma_wait3A_69 = tpu.memref_slice %arg8[%add3A_24, %dma_wait3A_68] : memref<10240x128xf32, #tpu.memory_space<vmem_shared>> -> memref<64x128xf32, #tpu.memory_space<vmem_shared>>
      tpu.wait_dma2 semaphore(%run_scoped3A : memref<!tpu.dma_semaphore, #tpu.memory_space<semaphore_mem>>) src(%arg11 : memref<64x128xf32, #tpu.memory_space<vmem>>) dst(%dma_wait3A_69 : memref<64x128xf32, #tpu.memory_space<vmem_shared>>)
      tpu.yield
    }) : () -> ()
    %mul3A_25 = arith.constant 640 : i32
    %mul3A_26 = arith.muli %arg1, %mul3A_25 : i32
    %add3A_27 = arith.constant 192 : i32
    %add3A_28 = arith.addi %mul3A_26, %add3A_27 : i32
    "tpu.region"() ({
      %run_scoped3A = tpu.sem_alloc : memref<!tpu.dma_semaphore, #tpu.memory_space<semaphore_mem>>
      %dma_start3A = arith.constant 0 : i32
      %dma_start3A_64 = tpu.memref_slice %arg8[%add3A_28, %dma_start3A] : memref<10240x128xf32, #tpu.memory_space<vmem_shared>> -> memref<64x128xf32, #tpu.memory_space<vmem_shared>>
      %dma_start3A_65 = arith.constant 0 : i32
      %dma_start3A_66 = tpu.memref_slice %arg8[%add3A_28, %dma_start3A_65] : memref<10240x128xf32, #tpu.memory_space<vmem_shared>> -> memref<64x128xf32, #tpu.memory_space<vmem_shared>>
      tpu.enqueue_dma source(%arg11 : memref<64x128xf32, #tpu.memory_space<vmem>>) target(%dma_start3A_66 : memref<64x128xf32, #tpu.memory_space<vmem_shared>>) target_semaphore(%run_scoped3A : memref<!tpu.dma_semaphore, #tpu.memory_space<semaphore_mem>>)
      %dma_wait3A = arith.constant 0 : i32
      %dma_wait3A_67 = tpu.memref_slice %arg8[%add3A_28, %dma_wait3A] : memref<10240x128xf32, #tpu.memory_space<vmem_shared>> -> memref<64x128xf32, #tpu.memory_space<vmem_shared>>
      %dma_wait3A_68 = arith.constant 0 : i32
      %dma_wait3A_69 = tpu.memref_slice %arg8[%add3A_28, %dma_wait3A_68] : memref<10240x128xf32, #tpu.memory_space<vmem_shared>> -> memref<64x128xf32, #tpu.memory_space<vmem_shared>>
      tpu.wait_dma2 semaphore(%run_scoped3A : memref<!tpu.dma_semaphore, #tpu.memory_space<semaphore_mem>>) src(%arg11 : memref<64x128xf32, #tpu.memory_space<vmem>>) dst(%dma_wait3A_69 : memref<64x128xf32, #tpu.memory_space<vmem_shared>>)
      tpu.yield
    }) : () -> ()
    %mul3A_29 = arith.constant 640 : i32
    %mul3A_30 = arith.muli %arg1, %mul3A_29 : i32
    %add3A_31 = arith.constant 256 : i32
    %add3A_32 = arith.addi %mul3A_30, %add3A_31 : i32
    "tpu.region"() ({
      %run_scoped3A = tpu.sem_alloc : memref<!tpu.dma_semaphore, #tpu.memory_space<semaphore_mem>>
      %dma_start3A = arith.constant 0 : i32
      %dma_start3A_64 = tpu.memref_slice %arg8[%add3A_32, %dma_start3A] : memref<10240x128xf32, #tpu.memory_space<vmem_shared>> -> memref<64x128xf32, #tpu.memory_space<vmem_shared>>
      %dma_start3A_65 = arith.constant 0 : i32
      %dma_start3A_66 = tpu.memref_slice %arg8[%add3A_32, %dma_start3A_65] : memref<10240x128xf32, #tpu.memory_space<vmem_shared>> -> memref<64x128xf32, #tpu.memory_space<vmem_shared>>
      tpu.enqueue_dma source(%arg11 : memref<64x128xf32, #tpu.memory_space<vmem>>) target(%dma_start3A_66 : memref<64x128xf32, #tpu.memory_space<vmem_shared>>) target_semaphore(%run_scoped3A : memref<!tpu.dma_semaphore, #tpu.memory_space<semaphore_mem>>)
      %dma_wait3A = arith.constant 0 : i32
      %dma_wait3A_67 = tpu.memref_slice %arg8[%add3A_32, %dma_wait3A] : memref<10240x128xf32, #tpu.memory_space<vmem_shared>> -> memref<64x128xf32, #tpu.memory_space<vmem_shared>>
      %dma_wait3A_68 = arith.constant 0 : i32
      %dma_wait3A_69 = tpu.memref_slice %arg8[%add3A_32, %dma_wait3A_68] : memref<10240x128xf32, #tpu.memory_space<vmem_shared>> -> memref<64x128xf32, #tpu.memory_space<vmem_shared>>
      tpu.wait_dma2 semaphore(%run_scoped3A : memref<!tpu.dma_semaphore, #tpu.memory_space<semaphore_mem>>) src(%arg11 : memref<64x128xf32, #tpu.memory_space<vmem>>) dst(%dma_wait3A_69 : memref<64x128xf32, #tpu.memory_space<vmem_shared>>)
      tpu.yield
    }) : () -> ()
    %mul3A_33 = arith.constant 640 : i32
    %mul3A_34 = arith.muli %arg1, %mul3A_33 : i32
    %add3A_35 = arith.constant 320 : i32
    %add3A_36 = arith.addi %mul3A_34, %add3A_35 : i32
    "tpu.region"() ({
      %run_scoped3A = tpu.sem_alloc : memref<!tpu.dma_semaphore, #tpu.memory_space<semaphore_mem>>
      %dma_start3A = arith.constant 0 : i32
      %dma_start3A_64 = tpu.memref_slice %arg8[%add3A_36, %dma_start3A] : memref<10240x128xf32, #tpu.memory_space<vmem_shared>> -> memref<64x128xf32, #tpu.memory_space<vmem_shared>>
      %dma_start3A_65 = arith.constant 0 : i32
      %dma_start3A_66 = tpu.memref_slice %arg8[%add3A_36, %dma_start3A_65] : memref<10240x128xf32, #tpu.memory_space<vmem_shared>> -> memref<64x128xf32, #tpu.memory_space<vmem_shared>>
      tpu.enqueue_dma source(%arg11 : memref<64x128xf32, #tpu.memory_space<vmem>>) target(%dma_start3A_66 : memref<64x128xf32, #tpu.memory_space<vmem_shared>>) target_semaphore(%run_scoped3A : memref<!tpu.dma_semaphore, #tpu.memory_space<semaphore_mem>>)
      %dma_wait3A = arith.constant 0 : i32
      %dma_wait3A_67 = tpu.memref_slice %arg8[%add3A_36, %dma_wait3A] : memref<10240x128xf32, #tpu.memory_space<vmem_shared>> -> memref<64x128xf32, #tpu.memory_space<vmem_shared>>
      %dma_wait3A_68 = arith.constant 0 : i32
      %dma_wait3A_69 = tpu.memref_slice %arg8[%add3A_36, %dma_wait3A_68] : memref<10240x128xf32, #tpu.memory_space<vmem_shared>> -> memref<64x128xf32, #tpu.memory_space<vmem_shared>>
      tpu.wait_dma2 semaphore(%run_scoped3A : memref<!tpu.dma_semaphore, #tpu.memory_space<semaphore_mem>>) src(%arg11 : memref<64x128xf32, #tpu.memory_space<vmem>>) dst(%dma_wait3A_69 : memref<64x128xf32, #tpu.memory_space<vmem_shared>>)
      tpu.yield
    }) : () -> ()
    %mul3A_37 = arith.constant 640 : i32
    %mul3A_38 = arith.muli %arg1, %mul3A_37 : i32
    %add3A_39 = arith.constant 384 : i32
    %add3A_40 = arith.addi %mul3A_38, %add3A_39 : i32
    "tpu.region"() ({
      %run_scoped3A = tpu.sem_alloc : memref<!tpu.dma_semaphore, #tpu.memory_space<semaphore_mem>>
      %dma_start3A = arith.constant 0 : i32
      %dma_start3A_64 = tpu.memref_slice %arg8[%add3A_40, %dma_start3A] : memref<10240x128xf32, #tpu.memory_space<vmem_shared>> -> memref<64x128xf32, #tpu.memory_space<vmem_shared>>
      %dma_start3A_65 = arith.constant 0 : i32
      %dma_start3A_66 = tpu.memref_slice %arg8[%add3A_40, %dma_start3A_65] : memref<10240x128xf32, #tpu.memory_space<vmem_shared>> -> memref<64x128xf32, #tpu.memory_space<vmem_shared>>
      tpu.enqueue_dma source(%arg11 : memref<64x128xf32, #tpu.memory_space<vmem>>) target(%dma_start3A_66 : memref<64x128xf32, #tpu.memory_space<vmem_shared>>) target_semaphore(%run_scoped3A : memref<!tpu.dma_semaphore, #tpu.memory_space<semaphore_mem>>)
      %dma_wait3A = arith.constant 0 : i32
      %dma_wait3A_67 = tpu.memref_slice %arg8[%add3A_40, %dma_wait3A] : memref<10240x128xf32, #tpu.memory_space<vmem_shared>> -> memref<64x128xf32, #tpu.memory_space<vmem_shared>>
      %dma_wait3A_68 = arith.constant 0 : i32
      %dma_wait3A_69 = tpu.memref_slice %arg8[%add3A_40, %dma_wait3A_68] : memref<10240x128xf32, #tpu.memory_space<vmem_shared>> -> memref<64x128xf32, #tpu.memory_space<vmem_shared>>
      tpu.wait_dma2 semaphore(%run_scoped3A : memref<!tpu.dma_semaphore, #tpu.memory_space<semaphore_mem>>) src(%arg11 : memref<64x128xf32, #tpu.memory_space<vmem>>) dst(%dma_wait3A_69 : memref<64x128xf32, #tpu.memory_space<vmem_shared>>)
      tpu.yield
    }) : () -> ()
    %mul3A_41 = arith.constant 640 : i32
    %mul3A_42 = arith.muli %arg1, %mul3A_41 : i32
    %add3A_43 = arith.constant 448 : i32
    %add3A_44 = arith.addi %mul3A_42, %add3A_43 : i32
    "tpu.region"() ({
      %run_scoped3A = tpu.sem_alloc : memref<!tpu.dma_semaphore, #tpu.memory_space<semaphore_mem>>
      %dma_start3A = arith.constant 0 : i32
      %dma_start3A_64 = tpu.memref_slice %arg8[%add3A_44, %dma_start3A] : memref<10240x128xf32, #tpu.memory_space<vmem_shared>> -> memref<64x128xf32, #tpu.memory_space<vmem_shared>>
      %dma_start3A_65 = arith.constant 0 : i32
      %dma_start3A_66 = tpu.memref_slice %arg8[%add3A_44, %dma_start3A_65] : memref<10240x128xf32, #tpu.memory_space<vmem_shared>> -> memref<64x128xf32, #tpu.memory_space<vmem_shared>>
      tpu.enqueue_dma source(%arg11 : memref<64x128xf32, #tpu.memory_space<vmem>>) target(%dma_start3A_66 : memref<64x128xf32, #tpu.memory_space<vmem_shared>>) target_semaphore(%run_scoped3A : memref<!tpu.dma_semaphore, #tpu.memory_space<semaphore_mem>>)
      %dma_wait3A = arith.constant 0 : i32
      %dma_wait3A_67 = tpu.memref_slice %arg8[%add3A_44, %dma_wait3A] : memref<10240x128xf32, #tpu.memory_space<vmem_shared>> -> memref<64x128xf32, #tpu.memory_space<vmem_shared>>
      %dma_wait3A_68 = arith.constant 0 : i32
      %dma_wait3A_69 = tpu.memref_slice %arg8[%add3A_44, %dma_wait3A_68] : memref<10240x128xf32, #tpu.memory_space<vmem_shared>> -> memref<64x128xf32, #tpu.memory_space<vmem_shared>>
      tpu.wait_dma2 semaphore(%run_scoped3A : memref<!tpu.dma_semaphore, #tpu.memory_space<semaphore_mem>>) src(%arg11 : memref<64x128xf32, #tpu.memory_space<vmem>>) dst(%dma_wait3A_69 : memref<64x128xf32, #tpu.memory_space<vmem_shared>>)
      tpu.yield
    }) : () -> ()
    %mul3A_45 = arith.constant 640 : i32
    %mul3A_46 = arith.muli %arg1, %mul3A_45 : i32
    %add3A_47 = arith.constant 512 : i32
    %add3A_48 = arith.addi %mul3A_46, %add3A_47 : i32
    "tpu.region"() ({
      %run_scoped3A = tpu.sem_alloc : memref<!tpu.dma_semaphore, #tpu.memory_space<semaphore_mem>>
      %dma_start3A = arith.constant 0 : i32
      %dma_start3A_64 = tpu.memref_slice %arg8[%add3A_48, %dma_start3A] : memref<10240x128xf32, #tpu.memory_space<vmem_shared>> -> memref<64x128xf32, #tpu.memory_space<vmem_shared>>
      %dma_start3A_65 = arith.constant 0 : i32
      %dma_start3A_66 = tpu.memref_slice %arg8[%add3A_48, %dma_start3A_65] : memref<10240x128xf32, #tpu.memory_space<vmem_shared>> -> memref<64x128xf32, #tpu.memory_space<vmem_shared>>
      tpu.enqueue_dma source(%arg11 : memref<64x128xf32, #tpu.memory_space<vmem>>) target(%dma_start3A_66 : memref<64x128xf32, #tpu.memory_space<vmem_shared>>) target_semaphore(%run_scoped3A : memref<!tpu.dma_semaphore, #tpu.memory_space<semaphore_mem>>)
      %dma_wait3A = arith.constant 0 : i32
      %dma_wait3A_67 = tpu.memref_slice %arg8[%add3A_48, %dma_wait3A] : memref<10240x128xf32, #tpu.memory_space<vmem_shared>> -> memref<64x128xf32, #tpu.memory_space<vmem_shared>>
      %dma_wait3A_68 = arith.constant 0 : i32
      %dma_wait3A_69 = tpu.memref_slice %arg8[%add3A_48, %dma_wait3A_68] : memref<10240x128xf32, #tpu.memory_space<vmem_shared>> -> memref<64x128xf32, #tpu.memory_space<vmem_shared>>
      tpu.wait_dma2 semaphore(%run_scoped3A : memref<!tpu.dma_semaphore, #tpu.memory_space<semaphore_mem>>) src(%arg11 : memref<64x128xf32, #tpu.memory_space<vmem>>) dst(%dma_wait3A_69 : memref<64x128xf32, #tpu.memory_space<vmem_shared>>)
      tpu.yield
    }) : () -> ()
    %mul3A_49 = arith.constant 640 : i32
    %mul3A_50 = arith.muli %arg1, %mul3A_49 : i32
    %add3A_51 = arith.constant 576 : i32
    %add3A_52 = arith.addi %mul3A_50, %add3A_51 : i32
    "tpu.region"() ({
      %run_scoped3A = tpu.sem_alloc : memref<!tpu.dma_semaphore, #tpu.memory_space<semaphore_mem>>
      %dma_start3A = arith.constant 0 : i32
      %dma_start3A_64 = tpu.memref_slice %arg8[%add3A_52, %dma_start3A] : memref<10240x128xf32, #tpu.memory_space<vmem_shared>> -> memref<64x128xf32, #tpu.memory_space<vmem_shared>>
      %dma_start3A_65 = arith.constant 0 : i32
      %dma_start3A_66 = tpu.memref_slice %arg8[%add3A_52, %dma_start3A_65] : memref<10240x128xf32, #tpu.memory_space<vmem_shared>> -> memref<64x128xf32, #tpu.memory_space<vmem_shared>>
      tpu.enqueue_dma source(%arg11 : memref<64x128xf32, #tpu.memory_space<vmem>>) target(%dma_start3A_66 : memref<64x128xf32, #tpu.memory_space<vmem_shared>>) target_semaphore(%run_scoped3A : memref<!tpu.dma_semaphore, #tpu.memory_space<semaphore_mem>>)
      %dma_wait3A = arith.constant 0 : i32
      %dma_wait3A_67 = tpu.memref_slice %arg8[%add3A_52, %dma_wait3A] : memref<10240x128xf32, #tpu.memory_space<vmem_shared>> -> memref<64x128xf32, #tpu.memory_space<vmem_shared>>
      %dma_wait3A_68 = arith.constant 0 : i32
      %dma_wait3A_69 = tpu.memref_slice %arg8[%add3A_52, %dma_wait3A_68] : memref<10240x128xf32, #tpu.memory_space<vmem_shared>> -> memref<64x128xf32, #tpu.memory_space<vmem_shared>>
      tpu.wait_dma2 semaphore(%run_scoped3A : memref<!tpu.dma_semaphore, #tpu.memory_space<semaphore_mem>>) src(%arg11 : memref<64x128xf32, #tpu.memory_space<vmem>>) dst(%dma_wait3A_69 : memref<64x128xf32, #tpu.memory_space<vmem_shared>>)
      tpu.yield
    }) : () -> ()
    "tpu.region"() ({
      %run_scoped3A = tpu.sem_alloc : memref<!tpu.dma_semaphore, #tpu.memory_space<semaphore_mem>>
      %dma_start3A = arith.constant 0 : i32
      %dma_start3A_64 = tpu.memref_slice %arg5[%add3A, %dma_start3A] : memref<32x10016xf32, #tpu.memory_space<hbm>> -> memref<1x10016xf32, #tpu.memory_space<hbm>>
      %dma_start3A_65 = tpu.memref_squeeze %dma_start3A_64 : memref<1x10016xf32, #tpu.memory_space<hbm>> -> memref<10016xf32, #tpu.memory_space<hbm>>
      %dma_start3A_66 = arith.constant 0 : i32
      %dma_start3A_67 = tpu.memref_slice %arg5[%add3A, %dma_start3A_66] : memref<32x10016xf32, #tpu.memory_space<hbm>> -> memref<1x10016xf32, #tpu.memory_space<hbm>>
      %dma_start3A_68 = tpu.memref_squeeze %dma_start3A_67 : memref<1x10016xf32, #tpu.memory_space<hbm>> -> memref<10016xf32, #tpu.memory_space<hbm>>
      tpu.enqueue_dma source(%dma_start3A_68 : memref<10016xf32, #tpu.memory_space<hbm>>) target(%arg14 : memref<10016xf32, #tpu.memory_space<vmem>>) target_semaphore(%run_scoped3A : memref<!tpu.dma_semaphore, #tpu.memory_space<semaphore_mem>>)
      %dma_wait3A = arith.constant 0 : i32
      %dma_wait3A_69 = tpu.memref_slice %arg5[%add3A, %dma_wait3A] : memref<32x10016xf32, #tpu.memory_space<hbm>> -> memref<1x10016xf32, #tpu.memory_space<hbm>>
      %dma_wait3A_70 = tpu.memref_squeeze %dma_wait3A_69 : memref<1x10016xf32, #tpu.memory_space<hbm>> -> memref<10016xf32, #tpu.memory_space<hbm>>
      %dma_wait3A_71 = arith.constant 0 : i32
      %dma_wait3A_72 = tpu.memref_slice %arg5[%add3A, %dma_wait3A_71] : memref<32x10016xf32, #tpu.memory_space<hbm>> -> memref<1x10016xf32, #tpu.memory_space<hbm>>
      %dma_wait3A_73 = tpu.memref_squeeze %dma_wait3A_72 : memref<1x10016xf32, #tpu.memory_space<hbm>> -> memref<10016xf32, #tpu.memory_space<hbm>>
      tpu.wait_dma2 semaphore(%run_scoped3A : memref<!tpu.dma_semaphore, #tpu.memory_space<semaphore_mem>>) src(%dma_wait3A_73 : memref<10016xf32, #tpu.memory_space<hbm>>) dst(%arg14 : memref<10016xf32, #tpu.memory_space<vmem>>)
      tpu.yield
    }) : () -> ()
    %barrier3A = arith.constant 0 : index
    tpu.barrier barrier_id(%barrier3A)
    %scan3A_53 = arith.constant 0 : i32
    %scan3A_54 = arith.constant 0 : i32
    %scan3A_55 = arith.constant 10 : i32
    %scan3A_56 = arith.addi %scan3A_54, %scan3A_55 : i32
    %scan3A_57 = arith.constant 1 : i32
    scf.for %scan3A_64 = %scan3A_54 to %scan3A_56 step %scan3A_57  : i32 {
      %mul3A_65 = arith.constant 32 : i32
      %mul3A_66 = arith.muli %scan3A_64, %mul3A_65 : i32
      %add3A_67 = arith.addi %mul3A_66, %add3A : i32
      %mul3A_68 = arith.constant 16 : i32
      %mul3A_69 = arith.muli %add3A_67, %mul3A_68 : i32
      "tpu.region"() ({
        %run_scoped3A = tpu.sem_alloc : memref<!tpu.dma_semaphore, #tpu.memory_space<semaphore_mem>>
        %dma_start3A_1090 = arith.constant 0 : i32
        %dma_start3A_1091 = tpu.memref_slice %arg3[%mul3A_69, %dma_start3A_1090] : memref<5120x64xi32, #tpu.memory_space<hbm>> -> memref<16x64xi32, #tpu.memory_space<hbm>>
        %dma_start3A_1092 = arith.constant 0 : i32
        %dma_start3A_1093 = tpu.memref_slice %arg3[%mul3A_69, %dma_start3A_1092] : memref<5120x64xi32, #tpu.memory_space<hbm>> -> memref<16x64xi32, #tpu.memory_space<hbm>>
        tpu.enqueue_dma source(%dma_start3A_1093 : memref<16x64xi32, #tpu.memory_space<hbm>>) target(%arg9 : memref<16x64xi32, #tpu.memory_space<vmem>>) target_semaphore(%run_scoped3A : memref<!tpu.dma_semaphore, #tpu.memory_space<semaphore_mem>>)
        %dma_wait3A_1094 = arith.constant 0 : i32
        %dma_wait3A_1095 = tpu.memref_slice %arg3[%mul3A_69, %dma_wait3A_1094] : memref<5120x64xi32, #tpu.memory_space<hbm>> -> memref<16x64xi32, #tpu.memory_space<hbm>>
        %dma_wait3A_1096 = arith.constant 0 : i32
        %dma_wait3A_1097 = tpu.memref_slice %arg3[%mul3A_69, %dma_wait3A_1096] : memref<5120x64xi32, #tpu.memory_space<hbm>> -> memref<16x64xi32, #tpu.memory_space<hbm>>
        tpu.wait_dma2 semaphore(%run_scoped3A : memref<!tpu.dma_semaphore, #tpu.memory_space<semaphore_mem>>) src(%dma_wait3A_1097 : memref<16x64xi32, #tpu.memory_space<hbm>>) dst(%arg9 : memref<16x64xi32, #tpu.memory_space<vmem>>)
        tpu.yield
      }) : () -> ()
      "tpu.region"() ({
        %run_scoped3A = tpu.sem_alloc : memref<!tpu.dma_semaphore, #tpu.memory_space<semaphore_mem>>
        %dma_start3A_1090 = arith.constant 0 : i32
        %dma_start3A_1091 = tpu.memref_slice %arg4[%mul3A_69, %dma_start3A_1090] : memref<5120x64xi32, #tpu.memory_space<hbm>> -> memref<16x64xi32, #tpu.memory_space<hbm>>
        %dma_start3A_1092 = arith.constant 0 : i32
        %dma_start3A_1093 = tpu.memref_slice %arg4[%mul3A_69, %dma_start3A_1092] : memref<5120x64xi32, #tpu.memory_space<hbm>> -> memref<16x64xi32, #tpu.memory_space<hbm>>
        tpu.enqueue_dma source(%dma_start3A_1093 : memref<16x64xi32, #tpu.memory_space<hbm>>) target(%arg10 : memref<16x64xi32, #tpu.memory_space<vmem>>) target_semaphore(%run_scoped3A : memref<!tpu.dma_semaphore, #tpu.memory_space<semaphore_mem>>)
        %dma_wait3A_1094 = arith.constant 0 : i32
        %dma_wait3A_1095 = tpu.memref_slice %arg4[%mul3A_69, %dma_wait3A_1094] : memref<5120x64xi32, #tpu.memory_space<hbm>> -> memref<16x64xi32, #tpu.memory_space<hbm>>
        %dma_wait3A_1096 = arith.constant 0 : i32
        %dma_wait3A_1097 = tpu.memref_slice %arg4[%mul3A_69, %dma_wait3A_1096] : memref<5120x64xi32, #tpu.memory_space<hbm>> -> memref<16x64xi32, #tpu.memory_space<hbm>>
        tpu.wait_dma2 semaphore(%run_scoped3A : memref<!tpu.dma_semaphore, #tpu.memory_space<semaphore_mem>>) src(%dma_wait3A_1097 : memref<16x64xi32, #tpu.memory_space<hbm>>) dst(%arg10 : memref<16x64xi32, #tpu.memory_space<vmem>>)
        tpu.yield
      }) : () -> ()
      %dma_start3A = arith.constant 0 : i32
      %dma_start3A_70 = arith.constant 0 : i32
      %dma_start3A_71 = tpu.memref_slice %arg9[%dma_start3A, %dma_start3A_70] : memref<16x64xi32, #tpu.memory_space<vmem>> -> memref<1x64xi32, #tpu.memory_space<vmem>>
      %dma_start3A_72 = tpu.memref_squeeze %dma_start3A_71 : memref<1x64xi32, #tpu.memory_space<vmem>> -> memref<64xi32, #tpu.memory_space<vmem>>
      %dma_start3A_73 = arith.constant 0 : i32
      %dma_start3A_74 = arith.constant 0 : i32
      %dma_start3A_75 = tpu.memref_slice %arg2[%dma_start3A_73, %dma_start3A_74] : memref<10240x128xf32, #tpu.memory_space<hbm>> -> memref<10240x128xf32, #tpu.memory_space<hbm>>
      tpu.enqueue_indirect_dma source(%dma_start3A_75 : memref<10240x128xf32, #tpu.memory_space<hbm>>) target(%arg11 : memref<64x128xf32, #tpu.memory_space<vmem>>) offsets(%dma_start3A_72 : memref<64xi32, #tpu.memory_space<vmem>>) semaphore(%arg16 : memref<!tpu.dma_semaphore, #tpu.memory_space<semaphore_mem>>)
      %dma_start3A_76 = arith.constant 1 : i32
      %dma_start3A_77 = arith.constant 0 : i32
      %dma_start3A_78 = tpu.memref_slice %arg9[%dma_start3A_76, %dma_start3A_77] : memref<16x64xi32, #tpu.memory_space<vmem>> -> memref<1x64xi32, #tpu.memory_space<vmem>>
      %dma_start3A_79 = tpu.memref_squeeze %dma_start3A_78 : memref<1x64xi32, #tpu.memory_space<vmem>> -> memref<64xi32, #tpu.memory_space<vmem>>
      %dma_start3A_80 = arith.constant 0 : i32
      %dma_start3A_81 = arith.constant 0 : i32
      %dma_start3A_82 = tpu.memref_slice %arg2[%dma_start3A_80, %dma_start3A_81] : memref<10240x128xf32, #tpu.memory_space<hbm>> -> memref<10240x128xf32, #tpu.memory_space<hbm>>
      tpu.enqueue_indirect_dma source(%dma_start3A_82 : memref<10240x128xf32, #tpu.memory_space<hbm>>) target(%arg12 : memref<64x128xf32, #tpu.memory_space<vmem>>) offsets(%dma_start3A_79 : memref<64xi32, #tpu.memory_space<vmem>>) semaphore(%arg17 : memref<!tpu.dma_semaphore, #tpu.memory_space<semaphore_mem>>)
      %dma_wait3A = arith.constant 0 : i32
      %dma_wait3A_83 = arith.constant 0 : i32
      %dma_wait3A_84 = tpu.memref_slice %arg9[%dma_wait3A, %dma_wait3A_83] : memref<16x64xi32, #tpu.memory_space<vmem>> -> memref<1x64xi32, #tpu.memory_space<vmem>>
      %dma_wait3A_85 = tpu.memref_squeeze %dma_wait3A_84 : memref<1x64xi32, #tpu.memory_space<vmem>> -> memref<64xi32, #tpu.memory_space<vmem>>
      %dma_wait3A_86 = arith.constant 0 : i32
      %dma_wait3A_87 = arith.constant 0 : i32
      %dma_wait3A_88 = tpu.memref_slice %arg2[%dma_wait3A_86, %dma_wait3A_87] : memref<10240x128xf32, #tpu.memory_space<hbm>> -> memref<10240x128xf32, #tpu.memory_space<hbm>>
      tpu.wait_indirect_dma semaphore(%arg16 : memref<!tpu.dma_semaphore, #tpu.memory_space<semaphore_mem>>) src(%dma_wait3A_88 : memref<10240x128xf32, #tpu.memory_space<hbm>>) dst(%arg11 : memref<64x128xf32, #tpu.memory_space<vmem>>)
      %dma_start3A_89 = arith.constant 0 : i32
      %dma_start3A_90 = arith.constant 0 : i32
      %dma_start3A_91 = tpu.memref_slice %arg10[%dma_start3A_89, %dma_start3A_90] : memref<16x64xi32, #tpu.memory_space<vmem>> -> memref<1x64xi32, #tpu.memory_space<vmem>>
      %dma_start3A_92 = tpu.memref_squeeze %dma_start3A_91 : memref<1x64xi32, #tpu.memory_space<vmem>> -> memref<64xi32, #tpu.memory_space<vmem>>
      %dma_start3A_93 = arith.constant 0 : i32
      %dma_start3A_94 = arith.constant 0 : i32
      %dma_start3A_95 = tpu.memref_slice %arg8[%dma_start3A_93, %dma_start3A_94] : memref<10240x128xf32, #tpu.memory_space<vmem_shared>> -> memref<10240x128xf32, #tpu.memory_space<vmem_shared>>
      tpu.enqueue_indirect_dma source(%arg11 : memref<64x128xf32, #tpu.memory_space<vmem>>) target(%dma_start3A_95 : memref<10240x128xf32, #tpu.memory_space<vmem_shared>>) offsets(%dma_start3A_92 : memref<64xi32, #tpu.memory_space<vmem>>) semaphore(%arg19 : memref<!tpu.dma_semaphore, #tpu.memory_space<semaphore_mem>>) {add = true}
      %get3A = arith.constant 0 : i32
      %get3A_96 = arith.index_cast %get3A : i32 to index
      %get3A_97 = arith.constant 0 : index
      %get3A_98 = tpu.vector_load %arg10[%get3A_96, %get3A_97] {strides = array<i32>} : memref<16x64xi32, #tpu.memory_space<vmem>>, vector<16xi32>,
      %get3A_99 = arith.constant 0 : i32
      %get3A_100 = arith.index_cast %get3A_99 : i32 to index
      %get3A_101 = arith.constant 0 : index
      %get3A_102 = tpu.vector_load %arg9[%get3A_100, %get3A_101] {strides = array<i32>} : memref<16x64xi32, #tpu.memory_space<vmem>>, vector<16xi32>,
      %gather3A = tpu.vector_load_idx %arg14[%get3A_102] : memref<10016xf32, #tpu.memory_space<vmem>>[vector<16xi32>], vector<16xf32>,
      tpu.vector_store_idx %arg15[%get3A_98], %gather3A {add = true} : memref<10240xf32, #tpu.memory_space<vmem>>[vector<16xi32>], vector<16xf32>,
      %get3A_103 = arith.constant 0 : i32
      %get3A_104 = arith.index_cast %get3A_103 : i32 to index
      %get3A_105 = arith.constant 16 : index
      %get3A_106 = tpu.vector_load %arg10[%get3A_104, %get3A_105] {strides = array<i32>} : memref<16x64xi32, #tpu.memory_space<vmem>>, vector<16xi32>,
      %get3A_107 = arith.constant 0 : i32
      %get3A_108 = arith.index_cast %get3A_107 : i32 to index
      %get3A_109 = arith.constant 16 : index
      %get3A_110 = tpu.vector_load %arg9[%get3A_108, %get3A_109] {strides = array<i32>} : memref<16x64xi32, #tpu.memory_space<vmem>>, vector<16xi32>,
      %gather3A_111 = tpu.vector_load_idx %arg14[%get3A_110] : memref<10016xf32, #tpu.memory_space<vmem>>[vector<16xi32>], vector<16xf32>,
      tpu.vector_store_idx %arg15[%get3A_106], %gather3A_111 {add = true} : memref<10240xf32, #tpu.memory_space<vmem>>[vector<16xi32>], vector<16xf32>,
      %get3A_112 = arith.constant 0 : i32
      %get3A_113 = arith.index_cast %get3A_112 : i32 to index
      %get3A_114 = arith.constant 32 : index
      %get3A_115 = tpu.vector_load %arg10[%get3A_113, %get3A_114] {strides = array<i32>} : memref<16x64xi32, #tpu.memory_space<vmem>>, vector<16xi32>,
      %get3A_116 = arith.constant 0 : i32
      %get3A_117 = arith.index_cast %get3A_116 : i32 to index
      %get3A_118 = arith.constant 32 : index
      %get3A_119 = tpu.vector_load %arg9[%get3A_117, %get3A_118] {strides = array<i32>} : memref<16x64xi32, #tpu.memory_space<vmem>>, vector<16xi32>,
      %gather3A_120 = tpu.vector_load_idx %arg14[%get3A_119] : memref<10016xf32, #tpu.memory_space<vmem>>[vector<16xi32>], vector<16xf32>,
      tpu.vector_store_idx %arg15[%get3A_115], %gather3A_120 {add = true} : memref<10240xf32, #tpu.memory_space<vmem>>[vector<16xi32>], vector<16xf32>,
      %get3A_121 = arith.constant 0 : i32
      %get3A_122 = arith.index_cast %get3A_121 : i32 to index
      %get3A_123 = arith.constant 48 : index
      %get3A_124 = tpu.vector_load %arg10[%get3A_122, %get3A_123] {strides = array<i32>} : memref<16x64xi32, #tpu.memory_space<vmem>>, vector<16xi32>,
      %get3A_125 = arith.constant 0 : i32
      %get3A_126 = arith.index_cast %get3A_125 : i32 to index
      %get3A_127 = arith.constant 48 : index
      %get3A_128 = tpu.vector_load %arg9[%get3A_126, %get3A_127] {strides = array<i32>} : memref<16x64xi32, #tpu.memory_space<vmem>>, vector<16xi32>,
      %gather3A_129 = tpu.vector_load_idx %arg14[%get3A_128] : memref<10016xf32, #tpu.memory_space<vmem>>[vector<16xi32>], vector<16xf32>,
      tpu.vector_store_idx %arg15[%get3A_124], %gather3A_129 {add = true} : memref<10240xf32, #tpu.memory_space<vmem>>[vector<16xi32>], vector<16xf32>,
      %dma_start3A_130 = arith.constant 2 : i32
      %dma_start3A_131 = arith.constant 0 : i32
      %dma_start3A_132 = tpu.memref_slice %arg9[%dma_start3A_130, %dma_start3A_131] : memref<16x64xi32, #tpu.memory_space<vmem>> -> memref<1x64xi32, #tpu.memory_space<vmem>>
      %dma_start3A_133 = tpu.memref_squeeze %dma_start3A_132 : memref<1x64xi32, #tpu.memory_space<vmem>> -> memref<64xi32, #tpu.memory_space<vmem>>
      %dma_start3A_134 = arith.constant 0 : i32
      %dma_start3A_135 = arith.constant 0 : i32
      %dma_start3A_136 = tpu.memref_slice %arg2[%dma_start3A_134, %dma_start3A_135] : memref<10240x128xf32, #tpu.memory_space<hbm>> -> memref<10240x128xf32, #tpu.memory_space<hbm>>
      tpu.enqueue_indirect_dma source(%dma_start3A_136 : memref<10240x128xf32, #tpu.memory_space<hbm>>) target(%arg13 : memref<64x128xf32, #tpu.memory_space<vmem>>) offsets(%dma_start3A_133 : memref<64xi32, #tpu.memory_space<vmem>>) semaphore(%arg18 : memref<!tpu.dma_semaphore, #tpu.memory_space<semaphore_mem>>)
      %dma_wait3A_137 = arith.constant 1 : i32
      %dma_wait3A_138 = arith.constant 0 : i32
      %dma_wait3A_139 = tpu.memref_slice %arg9[%dma_wait3A_137, %dma_wait3A_138] : memref<16x64xi32, #tpu.memory_space<vmem>> -> memref<1x64xi32, #tpu.memory_space<vmem>>
      %dma_wait3A_140 = tpu.memref_squeeze %dma_wait3A_139 : memref<1x64xi32, #tpu.memory_space<vmem>> -> memref<64xi32, #tpu.memory_space<vmem>>
      %dma_wait3A_141 = arith.constant 0 : i32
      %dma_wait3A_142 = arith.constant 0 : i32
      %dma_wait3A_143 = tpu.memref_slice %arg2[%dma_wait3A_141, %dma_wait3A_142] : memref<10240x128xf32, #tpu.memory_space<hbm>> -> memref<10240x128xf32, #tpu.memory_space<hbm>>
      tpu.wait_indirect_dma semaphore(%arg17 : memref<!tpu.dma_semaphore, #tpu.memory_space<semaphore_mem>>) src(%dma_wait3A_143 : memref<10240x128xf32, #tpu.memory_space<hbm>>) dst(%arg12 : memref<64x128xf32, #tpu.memory_space<vmem>>)
      %dma_start3A_144 = arith.constant 1 : i32
      %dma_start3A_145 = arith.constant 0 : i32
      %dma_start3A_146 = tpu.memref_slice %arg10[%dma_start3A_144, %dma_start3A_145] : memref<16x64xi32, #tpu.memory_space<vmem>> -> memref<1x64xi32, #tpu.memory_space<vmem>>
      %dma_start3A_147 = tpu.memref_squeeze %dma_start3A_146 : memref<1x64xi32, #tpu.memory_space<vmem>> -> memref<64xi32, #tpu.memory_space<vmem>>
      %dma_start3A_148 = arith.constant 0 : i32
      %dma_start3A_149 = arith.constant 0 : i32
      %dma_start3A_150 = tpu.memref_slice %arg8[%dma_start3A_148, %dma_start3A_149] : memref<10240x128xf32, #tpu.memory_space<vmem_shared>> -> memref<10240x128xf32, #tpu.memory_space<vmem_shared>>
      tpu.enqueue_indirect_dma source(%arg12 : memref<64x128xf32, #tpu.memory_space<vmem>>) target(%dma_start3A_150 : memref<10240x128xf32, #tpu.memory_space<vmem_shared>>) offsets(%dma_start3A_147 : memref<64xi32, #tpu.memory_space<vmem>>) semaphore(%arg20 : memref<!tpu.dma_semaphore, #tpu.memory_space<semaphore_mem>>) {add = true}
      %get3A_151 = arith.constant 1 : i32
      %get3A_152 = arith.index_cast %get3A_151 : i32 to index
      %get3A_153 = arith.constant 0 : index
      %get3A_154 = tpu.vector_load %arg10[%get3A_152, %get3A_153] {strides = array<i32>} : memref<16x64xi32, #tpu.memory_space<vmem>>, vector<16xi32>,
      %get3A_155 = arith.constant 1 : i32
      %get3A_156 = arith.index_cast %get3A_155 : i32 to index
      %get3A_157 = arith.constant 0 : index
      %get3A_158 = tpu.vector_load %arg9[%get3A_156, %get3A_157] {strides = array<i32>} : memref<16x64xi32, #tpu.memory_space<vmem>>, vector<16xi32>,
      %gather3A_159 = tpu.vector_load_idx %arg14[%get3A_158] : memref<10016xf32, #tpu.memory_space<vmem>>[vector<16xi32>], vector<16xf32>,
      tpu.vector_store_idx %arg15[%get3A_154], %gather3A_159 {add = true} : memref<10240xf32, #tpu.memory_space<vmem>>[vector<16xi32>], vector<16xf32>,
      %get3A_160 = arith.constant 1 : i32
      %get3A_161 = arith.index_cast %get3A_160 : i32 to index
      %get3A_162 = arith.constant 16 : index
      %get3A_163 = tpu.vector_load %arg10[%get3A_161, %get3A_162] {strides = array<i32>} : memref<16x64xi32, #tpu.memory_space<vmem>>, vector<16xi32>,
      %get3A_164 = arith.constant 1 : i32
      %get3A_165 = arith.index_cast %get3A_164 : i32 to index
      %get3A_166 = arith.constant 16 : index
      %get3A_167 = tpu.vector_load %arg9[%get3A_165, %get3A_166] {strides = array<i32>} : memref<16x64xi32, #tpu.memory_space<vmem>>, vector<16xi32>,
      %gather3A_168 = tpu.vector_load_idx %arg14[%get3A_167] : memref<10016xf32, #tpu.memory_space<vmem>>[vector<16xi32>], vector<16xf32>,
      tpu.vector_store_idx %arg15[%get3A_163], %gather3A_168 {add = true} : memref<10240xf32, #tpu.memory_space<vmem>>[vector<16xi32>], vector<16xf32>,
      %get3A_169 = arith.constant 1 : i32
      %get3A_170 = arith.index_cast %get3A_169 : i32 to index
      %get3A_171 = arith.constant 32 : index
      %get3A_172 = tpu.vector_load %arg10[%get3A_170, %get3A_171] {strides = array<i32>} : memref<16x64xi32, #tpu.memory_space<vmem>>, vector<16xi32>,
      %get3A_173 = arith.constant 1 : i32
      %get3A_174 = arith.index_cast %get3A_173 : i32 to index
      %get3A_175 = arith.constant 32 : index
      %get3A_176 = tpu.vector_load %arg9[%get3A_174, %get3A_175] {strides = array<i32>} : memref<16x64xi32, #tpu.memory_space<vmem>>, vector<16xi32>,
      %gather3A_177 = tpu.vector_load_idx %arg14[%get3A_176] : memref<10016xf32, #tpu.memory_space<vmem>>[vector<16xi32>], vector<16xf32>,
      tpu.vector_store_idx %arg15[%get3A_172], %gather3A_177 {add = true} : memref<10240xf32, #tpu.memory_space<vmem>>[vector<16xi32>], vector<16xf32>,
      %get3A_178 = arith.constant 1 : i32
      %get3A_179 = arith.index_cast %get3A_178 : i32 to index
      %get3A_180 = arith.constant 48 : index
      %get3A_181 = tpu.vector_load %arg10[%get3A_179, %get3A_180] {strides = array<i32>} : memref<16x64xi32, #tpu.memory_space<vmem>>, vector<16xi32>,
      %get3A_182 = arith.constant 1 : i32
      %get3A_183 = arith.index_cast %get3A_182 : i32 to index
      %get3A_184 = arith.constant 48 : index
      %get3A_185 = tpu.vector_load %arg9[%get3A_183, %get3A_184] {strides = array<i32>} : memref<16x64xi32, #tpu.memory_space<vmem>>, vector<16xi32>,
      %gather3A_186 = tpu.vector_load_idx %arg14[%get3A_185] : memref<10016xf32, #tpu.memory_space<vmem>>[vector<16xi32>], vector<16xf32>,
      tpu.vector_store_idx %arg15[%get3A_181], %gather3A_186 {add = true} : memref<10240xf32, #tpu.memory_space<vmem>>[vector<16xi32>], vector<16xf32>,
      %dma_wait3A_187 = arith.constant 0 : i32
      %dma_wait3A_188 = arith.constant 0 : i32
      %dma_wait3A_189 = tpu.memref_slice %arg10[%dma_wait3A_187, %dma_wait3A_188] : memref<16x64xi32, #tpu.memory_space<vmem>> -> memref<1x64xi32, #tpu.memory_space<vmem>>
      %dma_wait3A_190 = tpu.memref_squeeze %dma_wait3A_189 : memref<1x64xi32, #tpu.memory_space<vmem>> -> memref<64xi32, #tpu.memory_space<vmem>>
      %dma_wait3A_191 = arith.constant 0 : i32
      %dma_wait3A_192 = arith.constant 0 : i32
      %dma_wait3A_193 = tpu.memref_slice %arg8[%dma_wait3A_191, %dma_wait3A_192] : memref<10240x128xf32, #tpu.memory_space<vmem_shared>> -> memref<10240x128xf32, #tpu.memory_space<vmem_shared>>
      tpu.wait_indirect_dma semaphore(%arg19 : memref<!tpu.dma_semaphore, #tpu.memory_space<semaphore_mem>>) src(%arg11 : memref<64x128xf32, #tpu.memory_space<vmem>>) dst(%dma_wait3A_193 : memref<10240x128xf32, #tpu.memory_space<vmem_shared>>)
      %dma_start3A_194 = arith.constant 3 : i32
      %dma_start3A_195 = arith.constant 0 : i32
      %dma_start3A_196 = tpu.memref_slice %arg9[%dma_start3A_194, %dma_start3A_195] : memref<16x64xi32, #tpu.memory_space<vmem>> -> memref<1x64xi32, #tpu.memory_space<vmem>>
      %dma_start3A_197 = tpu.memref_squeeze %dma_start3A_196 : memref<1x64xi32, #tpu.memory_space<vmem>> -> memref<64xi32, #tpu.memory_space<vmem>>
      %dma_start3A_198 = arith.constant 0 : i32
      %dma_start3A_199 = arith.constant 0 : i32
      %dma_start3A_200 = tpu.memref_slice %arg2[%dma_start3A_198, %dma_start3A_199] : memref<10240x128xf32, #tpu.memory_space<hbm>> -> memref<10240x128xf32, #tpu.memory_space<hbm>>
      tpu.enqueue_indirect_dma source(%dma_start3A_200 : memref<10240x128xf32, #tpu.memory_space<hbm>>) target(%arg11 : memref<64x128xf32, #tpu.memory_space<vmem>>) offsets(%dma_start3A_197 : memref<64xi32, #tpu.memory_space<vmem>>) semaphore(%arg16 : memref<!tpu.dma_semaphore, #tpu.memory_space<semaphore_mem>>)
      %dma_wait3A_201 = arith.constant 2 : i32
      %dma_wait3A_202 = arith.constant 0 : i32
      %dma_wait3A_203 = tpu.memref_slice %arg9[%dma_wait3A_201, %dma_wait3A_202] : memref<16x64xi32, #tpu.memory_space<vmem>> -> memref<1x64xi32, #tpu.memory_space<vmem>>
      %dma_wait3A_204 = tpu.memref_squeeze %dma_wait3A_203 : memref<1x64xi32, #tpu.memory_space<vmem>> -> memref<64xi32, #tpu.memory_space<vmem>>
      %dma_wait3A_205 = arith.constant 0 : i32
      %dma_wait3A_206 = arith.constant 0 : i32
      %dma_wait3A_207 = tpu.memref_slice %arg2[%dma_wait3A_205, %dma_wait3A_206] : memref<10240x128xf32, #tpu.memory_space<hbm>> -> memref<10240x128xf32, #tpu.memory_space<hbm>>
      tpu.wait_indirect_dma semaphore(%arg18 : memref<!tpu.dma_semaphore, #tpu.memory_space<semaphore_mem>>) src(%dma_wait3A_207 : memref<10240x128xf32, #tpu.memory_space<hbm>>) dst(%arg13 : memref<64x128xf32, #tpu.memory_space<vmem>>)
      %dma_start3A_208 = arith.constant 2 : i32
      %dma_start3A_209 = arith.constant 0 : i32
      %dma_start3A_210 = tpu.memref_slice %arg10[%dma_start3A_208, %dma_start3A_209] : memref<16x64xi32, #tpu.memory_space<vmem>> -> memref<1x64xi32, #tpu.memory_space<vmem>>
      %dma_start3A_211 = tpu.memref_squeeze %dma_start3A_210 : memref<1x64xi32, #tpu.memory_space<vmem>> -> memref<64xi32, #tpu.memory_space<vmem>>
      %dma_start3A_212 = arith.constant 0 : i32
      %dma_start3A_213 = arith.constant 0 : i32
      %dma_start3A_214 = tpu.memref_slice %arg8[%dma_start3A_212, %dma_start3A_213] : memref<10240x128xf32, #tpu.memory_space<vmem_shared>> -> memref<10240x128xf32, #tpu.memory_space<vmem_shared>>
      tpu.enqueue_indirect_dma source(%arg13 : memref<64x128xf32, #tpu.memory_space<vmem>>) target(%dma_start3A_214 : memref<10240x128xf32, #tpu.memory_space<vmem_shared>>) offsets(%dma_start3A_211 : memref<64xi32, #tpu.memory_space<vmem>>) semaphore(%arg21 : memref<!tpu.dma_semaphore, #tpu.memory_space<semaphore_mem>>) {add = true}
      %get3A_215 = arith.constant 2 : i32
      %get3A_216 = arith.index_cast %get3A_215 : i32 to index
      %get3A_217 = arith.constant 0 : index
      %get3A_218 = tpu.vector_load %arg10[%get3A_216, %get3A_217] {strides = array<i32>} : memref<16x64xi32, #tpu.memory_space<vmem>>, vector<16xi32>,
      %get3A_219 = arith.constant 2 : i32
      %get3A_220 = arith.index_cast %get3A_219 : i32 to index
      %get3A_221 = arith.constant 0 : index
      %get3A_222 = tpu.vector_load %arg9[%get3A_220, %get3A_221] {strides = array<i32>} : memref<16x64xi32, #tpu.memory_space<vmem>>, vector<16xi32>,
      %gather3A_223 = tpu.vector_load_idx %arg14[%get3A_222] : memref<10016xf32, #tpu.memory_space<vmem>>[vector<16xi32>], vector<16xf32>,
      tpu.vector_store_idx %arg15[%get3A_218], %gather3A_223 {add = true} : memref<10240xf32, #tpu.memory_space<vmem>>[vector<16xi32>], vector<16xf32>,
      %get3A_224 = arith.constant 2 : i32
      %get3A_225 = arith.index_cast %get3A_224 : i32 to index
      %get3A_226 = arith.constant 16 : index
      %get3A_227 = tpu.vector_load %arg10[%get3A_225, %get3A_226] {strides = array<i32>} : memref<16x64xi32, #tpu.memory_space<vmem>>, vector<16xi32>,
      %get3A_228 = arith.constant 2 : i32
      %get3A_229 = arith.index_cast %get3A_228 : i32 to index
      %get3A_230 = arith.constant 16 : index
      %get3A_231 = tpu.vector_load %arg9[%get3A_229, %get3A_230] {strides = array<i32>} : memref<16x64xi32, #tpu.memory_space<vmem>>, vector<16xi32>,
      %gather3A_232 = tpu.vector_load_idx %arg14[%get3A_231] : memref<10016xf32, #tpu.memory_space<vmem>>[vector<16xi32>], vector<16xf32>,
      tpu.vector_store_idx %arg15[%get3A_227], %gather3A_232 {add = true} : memref<10240xf32, #tpu.memory_space<vmem>>[vector<16xi32>], vector<16xf32>,
      %get3A_233 = arith.constant 2 : i32
      %get3A_234 = arith.index_cast %get3A_233 : i32 to index
      %get3A_235 = arith.constant 32 : index
      %get3A_236 = tpu.vector_load %arg10[%get3A_234, %get3A_235] {strides = array<i32>} : memref<16x64xi32, #tpu.memory_space<vmem>>, vector<16xi32>,
      %get3A_237 = arith.constant 2 : i32
      %get3A_238 = arith.index_cast %get3A_237 : i32 to index
      %get3A_239 = arith.constant 32 : index
      %get3A_240 = tpu.vector_load %arg9[%get3A_238, %get3A_239] {strides = array<i32>} : memref<16x64xi32, #tpu.memory_space<vmem>>, vector<16xi32>,
      %gather3A_241 = tpu.vector_load_idx %arg14[%get3A_240] : memref<10016xf32, #tpu.memory_space<vmem>>[vector<16xi32>], vector<16xf32>,
      tpu.vector_store_idx %arg15[%get3A_236], %gather3A_241 {add = true} : memref<10240xf32, #tpu.memory_space<vmem>>[vector<16xi32>], vector<16xf32>,
      %get3A_242 = arith.constant 2 : i32
      %get3A_243 = arith.index_cast %get3A_242 : i32 to index
      %get3A_244 = arith.constant 48 : index
      %get3A_245 = tpu.vector_load %arg10[%get3A_243, %get3A_244] {strides = array<i32>} : memref<16x64xi32, #tpu.memory_space<vmem>>, vector<16xi32>,
      %get3A_246 = arith.constant 2 : i32
      %get3A_247 = arith.index_cast %get3A_246 : i32 to index
      %get3A_248 = arith.constant 48 : index
      %get3A_249 = tpu.vector_load %arg9[%get3A_247, %get3A_248] {strides = array<i32>} : memref<16x64xi32, #tpu.memory_space<vmem>>, vector<16xi32>,
      %gather3A_250 = tpu.vector_load_idx %arg14[%get3A_249] : memref<10016xf32, #tpu.memory_space<vmem>>[vector<16xi32>], vector<16xf32>,
      tpu.vector_store_idx %arg15[%get3A_245], %gather3A_250 {add = true} : memref<10240xf32, #tpu.memory_space<vmem>>[vector<16xi32>], vector<16xf32>,
      %dma_wait3A_251 = arith.constant 1 : i32
      %dma_wait3A_252 = arith.constant 0 : i32
      %dma_wait3A_253 = tpu.memref_slice %arg10[%dma_wait3A_251, %dma_wait3A_252] : memref<16x64xi32, #tpu.memory_space<vmem>> -> memref<1x64xi32, #tpu.memory_space<vmem>>
      %dma_wait3A_254 = tpu.memref_squeeze %dma_wait3A_253 : memref<1x64xi32, #tpu.memory_space<vmem>> -> memref<64xi32, #tpu.memory_space<vmem>>
      %dma_wait3A_255 = arith.constant 0 : i32
      %dma_wait3A_256 = arith.constant 0 : i32
      %dma_wait3A_257 = tpu.memref_slice %arg8[%dma_wait3A_255, %dma_wait3A_256] : memref<10240x128xf32, #tpu.memory_space<vmem_shared>> -> memref<10240x128xf32, #tpu.memory_space<vmem_shared>>
      tpu.wait_indirect_dma semaphore(%arg20 : memref<!tpu.dma_semaphore, #tpu.memory_space<semaphore_mem>>) src(%arg12 : memref<64x128xf32, #tpu.memory_space<vmem>>) dst(%dma_wait3A_257 : memref<10240x128xf32, #tpu.memory_space<vmem_shared>>)
      %dma_start3A_258 = arith.constant 4 : i32
      %dma_start3A_259 = arith.constant 0 : i32
      %dma_start3A_260 = tpu.memref_slice %arg9[%dma_start3A_258, %dma_start3A_259] : memref<16x64xi32, #tpu.memory_space<vmem>> -> memref<1x64xi32, #tpu.memory_space<vmem>>
      %dma_start3A_261 = tpu.memref_squeeze %dma_start3A_260 : memref<1x64xi32, #tpu.memory_space<vmem>> -> memref<64xi32, #tpu.memory_space<vmem>>
      %dma_start3A_262 = arith.constant 0 : i32
      %dma_start3A_263 = arith.constant 0 : i32
      %dma_start3A_264 = tpu.memref_slice %arg2[%dma_start3A_262, %dma_start3A_263] : memref<10240x128xf32, #tpu.memory_space<hbm>> -> memref<10240x128xf32, #tpu.memory_space<hbm>>
      tpu.enqueue_indirect_dma source(%dma_start3A_264 : memref<10240x128xf32, #tpu.memory_space<hbm>>) target(%arg12 : memref<64x128xf32, #tpu.memory_space<vmem>>) offsets(%dma_start3A_261 : memref<64xi32, #tpu.memory_space<vmem>>) semaphore(%arg17 : memref<!tpu.dma_semaphore, #tpu.memory_space<semaphore_mem>>)
      %dma_wait3A_265 = arith.constant 3 : i32
      %dma_wait3A_266 = arith.constant 0 : i32
      %dma_wait3A_267 = tpu.memref_slice %arg9[%dma_wait3A_265, %dma_wait3A_266] : memref<16x64xi32, #tpu.memory_space<vmem>> -> memref<1x64xi32, #tpu.memory_space<vmem>>
      %dma_wait3A_268 = tpu.memref_squeeze %dma_wait3A_267 : memref<1x64xi32, #tpu.memory_space<vmem>> -> memref<64xi32, #tpu.memory_space<vmem>>
      %dma_wait3A_269 = arith.constant 0 : i32
      %dma_wait3A_270 = arith.constant 0 : i32
      %dma_wait3A_271 = tpu.memref_slice %arg2[%dma_wait3A_269, %dma_wait3A_270] : memref<10240x128xf32, #tpu.memory_space<hbm>> -> memref<10240x128xf32, #tpu.memory_space<hbm>>
      tpu.wait_indirect_dma semaphore(%arg16 : memref<!tpu.dma_semaphore, #tpu.memory_space<semaphore_mem>>) src(%dma_wait3A_271 : memref<10240x128xf32, #tpu.memory_space<hbm>>) dst(%arg11 : memref<64x128xf32, #tpu.memory_space<vmem>>)
      %dma_start3A_272 = arith.constant 3 : i32
      %dma_start3A_273 = arith.constant 0 : i32
      %dma_start3A_274 = tpu.memref_slice %arg10[%dma_start3A_272, %dma_start3A_273] : memref<16x64xi32, #tpu.memory_space<vmem>> -> memref<1x64xi32, #tpu.memory_space<vmem>>
      %dma_start3A_275 = tpu.memref_squeeze %dma_start3A_274 : memref<1x64xi32, #tpu.memory_space<vmem>> -> memref<64xi32, #tpu.memory_space<vmem>>
      %dma_start3A_276 = arith.constant 0 : i32
      %dma_start3A_277 = arith.constant 0 : i32
      %dma_start3A_278 = tpu.memref_slice %arg8[%dma_start3A_276, %dma_start3A_277] : memref<10240x128xf32, #tpu.memory_space<vmem_shared>> -> memref<10240x128xf32, #tpu.memory_space<vmem_shared>>
      tpu.enqueue_indirect_dma source(%arg11 : memref<64x128xf32, #tpu.memory_space<vmem>>) target(%dma_start3A_278 : memref<10240x128xf32, #tpu.memory_space<vmem_shared>>) offsets(%dma_start3A_275 : memref<64xi32, #tpu.memory_space<vmem>>) semaphore(%arg19 : memref<!tpu.dma_semaphore, #tpu.memory_space<semaphore_mem>>) {add = true}
      %get3A_279 = arith.constant 3 : i32
      %get3A_280 = arith.index_cast %get3A_279 : i32 to index
      %get3A_281 = arith.constant 0 : index
      %get3A_282 = tpu.vector_load %arg10[%get3A_280, %get3A_281] {strides = array<i32>} : memref<16x64xi32, #tpu.memory_space<vmem>>, vector<16xi32>,
      %get3A_283 = arith.constant 3 : i32
      %get3A_284 = arith.index_cast %get3A_283 : i32 to index
      %get3A_285 = arith.constant 0 : index
      %get3A_286 = tpu.vector_load %arg9[%get3A_284, %get3A_285] {strides = array<i32>} : memref<16x64xi32, #tpu.memory_space<vmem>>, vector<16xi32>,
      %gather3A_287 = tpu.vector_load_idx %arg14[%get3A_286] : memref<10016xf32, #tpu.memory_space<vmem>>[vector<16xi32>], vector<16xf32>,
      tpu.vector_store_idx %arg15[%get3A_282], %gather3A_287 {add = true} : memref<10240xf32, #tpu.memory_space<vmem>>[vector<16xi32>], vector<16xf32>,
      %get3A_288 = arith.constant 3 : i32
      %get3A_289 = arith.index_cast %get3A_288 : i32 to index
      %get3A_290 = arith.constant 16 : index
      %get3A_291 = tpu.vector_load %arg10[%get3A_289, %get3A_290] {strides = array<i32>} : memref<16x64xi32, #tpu.memory_space<vmem>>, vector<16xi32>,
      %get3A_292 = arith.constant 3 : i32
      %get3A_293 = arith.index_cast %get3A_292 : i32 to index
      %get3A_294 = arith.constant 16 : index
      %get3A_295 = tpu.vector_load %arg9[%get3A_293, %get3A_294] {strides = array<i32>} : memref<16x64xi32, #tpu.memory_space<vmem>>, vector<16xi32>,
      %gather3A_296 = tpu.vector_load_idx %arg14[%get3A_295] : memref<10016xf32, #tpu.memory_space<vmem>>[vector<16xi32>], vector<16xf32>,
      tpu.vector_store_idx %arg15[%get3A_291], %gather3A_296 {add = true} : memref<10240xf32, #tpu.memory_space<vmem>>[vector<16xi32>], vector<16xf32>,
      %get3A_297 = arith.constant 3 : i32
      %get3A_298 = arith.index_cast %get3A_297 : i32 to index
      %get3A_299 = arith.constant 32 : index
      %get3A_300 = tpu.vector_load %arg10[%get3A_298, %get3A_299] {strides = array<i32>} : memref<16x64xi32, #tpu.memory_space<vmem>>, vector<16xi32>,
      %get3A_301 = arith.constant 3 : i32
      %get3A_302 = arith.index_cast %get3A_301 : i32 to index
      %get3A_303 = arith.constant 32 : index
      %get3A_304 = tpu.vector_load %arg9[%get3A_302, %get3A_303] {strides = array<i32>} : memref<16x64xi32, #tpu.memory_space<vmem>>, vector<16xi32>,
      %gather3A_305 = tpu.vector_load_idx %arg14[%get3A_304] : memref<10016xf32, #tpu.memory_space<vmem>>[vector<16xi32>], vector<16xf32>,
      tpu.vector_store_idx %arg15[%get3A_300], %gather3A_305 {add = true} : memref<10240xf32, #tpu.memory_space<vmem>>[vector<16xi32>], vector<16xf32>,
      %get3A_306 = arith.constant 3 : i32
      %get3A_307 = arith.index_cast %get3A_306 : i32 to index
      %get3A_308 = arith.constant 48 : index
      %get3A_309 = tpu.vector_load %arg10[%get3A_307, %get3A_308] {strides = array<i32>} : memref<16x64xi32, #tpu.memory_space<vmem>>, vector<16xi32>,
      %get3A_310 = arith.constant 3 : i32
      %get3A_311 = arith.index_cast %get3A_310 : i32 to index
      %get3A_312 = arith.constant 48 : index
      %get3A_313 = tpu.vector_load %arg9[%get3A_311, %get3A_312] {strides = array<i32>} : memref<16x64xi32, #tpu.memory_space<vmem>>, vector<16xi32>,
      %gather3A_314 = tpu.vector_load_idx %arg14[%get3A_313] : memref<10016xf32, #tpu.memory_space<vmem>>[vector<16xi32>], vector<16xf32>,
      tpu.vector_store_idx %arg15[%get3A_309], %gather3A_314 {add = true} : memref<10240xf32, #tpu.memory_space<vmem>>[vector<16xi32>], vector<16xf32>,
      %dma_wait3A_315 = arith.constant 2 : i32
      %dma_wait3A_316 = arith.constant 0 : i32
      %dma_wait3A_317 = tpu.memref_slice %arg10[%dma_wait3A_315, %dma_wait3A_316] : memref<16x64xi32, #tpu.memory_space<vmem>> -> memref<1x64xi32, #tpu.memory_space<vmem>>
      %dma_wait3A_318 = tpu.memref_squeeze %dma_wait3A_317 : memref<1x64xi32, #tpu.memory_space<vmem>> -> memref<64xi32, #tpu.memory_space<vmem>>
      %dma_wait3A_319 = arith.constant 0 : i32
      %dma_wait3A_320 = arith.constant 0 : i32
      %dma_wait3A_321 = tpu.memref_slice %arg8[%dma_wait3A_319, %dma_wait3A_320] : memref<10240x128xf32, #tpu.memory_space<vmem_shared>> -> memref<10240x128xf32, #tpu.memory_space<vmem_shared>>
      tpu.wait_indirect_dma semaphore(%arg21 : memref<!tpu.dma_semaphore, #tpu.memory_space<semaphore_mem>>) src(%arg13 : memref<64x128xf32, #tpu.memory_space<vmem>>) dst(%dma_wait3A_321 : memref<10240x128xf32, #tpu.memory_space<vmem_shared>>)
      %dma_start3A_322 = arith.constant 5 : i32
      %dma_start3A_323 = arith.constant 0 : i32
      %dma_start3A_324 = tpu.memref_slice %arg9[%dma_start3A_322, %dma_start3A_323] : memref<16x64xi32, #tpu.memory_space<vmem>> -> memref<1x64xi32, #tpu.memory_space<vmem>>
      %dma_start3A_325 = tpu.memref_squeeze %dma_start3A_324 : memref<1x64xi32, #tpu.memory_space<vmem>> -> memref<64xi32, #tpu.memory_space<vmem>>
      %dma_start3A_326 = arith.constant 0 : i32
      %dma_start3A_327 = arith.constant 0 : i32
      %dma_start3A_328 = tpu.memref_slice %arg2[%dma_start3A_326, %dma_start3A_327] : memref<10240x128xf32, #tpu.memory_space<hbm>> -> memref<10240x128xf32, #tpu.memory_space<hbm>>
      tpu.enqueue_indirect_dma source(%dma_start3A_328 : memref<10240x128xf32, #tpu.memory_space<hbm>>) target(%arg13 : memref<64x128xf32, #tpu.memory_space<vmem>>) offsets(%dma_start3A_325 : memref<64xi32, #tpu.memory_space<vmem>>) semaphore(%arg18 : memref<!tpu.dma_semaphore, #tpu.memory_space<semaphore_mem>>)
      %dma_wait3A_329 = arith.constant 4 : i32
      %dma_wait3A_330 = arith.constant 0 : i32
      %dma_wait3A_331 = tpu.memref_slice %arg9[%dma_wait3A_329, %dma_wait3A_330] : memref<16x64xi32, #tpu.memory_space<vmem>> -> memref<1x64xi32, #tpu.memory_space<vmem>>
      %dma_wait3A_332 = tpu.memref_squeeze %dma_wait3A_331 : memref<1x64xi32, #tpu.memory_space<vmem>> -> memref<64xi32, #tpu.memory_space<vmem>>
      %dma_wait3A_333 = arith.constant 0 : i32
      %dma_wait3A_334 = arith.constant 0 : i32
      %dma_wait3A_335 = tpu.memref_slice %arg2[%dma_wait3A_333, %dma_wait3A_334] : memref<10240x128xf32, #tpu.memory_space<hbm>> -> memref<10240x128xf32, #tpu.memory_space<hbm>>
      tpu.wait_indirect_dma semaphore(%arg17 : memref<!tpu.dma_semaphore, #tpu.memory_space<semaphore_mem>>) src(%dma_wait3A_335 : memref<10240x128xf32, #tpu.memory_space<hbm>>) dst(%arg12 : memref<64x128xf32, #tpu.memory_space<vmem>>)
      %dma_start3A_336 = arith.constant 4 : i32
      %dma_start3A_337 = arith.constant 0 : i32
      %dma_start3A_338 = tpu.memref_slice %arg10[%dma_start3A_336, %dma_start3A_337] : memref<16x64xi32, #tpu.memory_space<vmem>> -> memref<1x64xi32, #tpu.memory_space<vmem>>
      %dma_start3A_339 = tpu.memref_squeeze %dma_start3A_338 : memref<1x64xi32, #tpu.memory_space<vmem>> -> memref<64xi32, #tpu.memory_space<vmem>>
      %dma_start3A_340 = arith.constant 0 : i32
      %dma_start3A_341 = arith.constant 0 : i32
      %dma_start3A_342 = tpu.memref_slice %arg8[%dma_start3A_340, %dma_start3A_341] : memref<10240x128xf32, #tpu.memory_space<vmem_shared>> -> memref<10240x128xf32, #tpu.memory_space<vmem_shared>>
      tpu.enqueue_indirect_dma source(%arg12 : memref<64x128xf32, #tpu.memory_space<vmem>>) target(%dma_start3A_342 : memref<10240x128xf32, #tpu.memory_space<vmem_shared>>) offsets(%dma_start3A_339 : memref<64xi32, #tpu.memory_space<vmem>>) semaphore(%arg20 : memref<!tpu.dma_semaphore, #tpu.memory_space<semaphore_mem>>) {add = true}
      %get3A_343 = arith.constant 4 : i32
      %get3A_344 = arith.index_cast %get3A_343 : i32 to index
      %get3A_345 = arith.constant 0 : index
      %get3A_346 = tpu.vector_load %arg10[%get3A_344, %get3A_345] {strides = array<i32>} : memref<16x64xi32, #tpu.memory_space<vmem>>, vector<16xi32>,
      %get3A_347 = arith.constant 4 : i32
      %get3A_348 = arith.index_cast %get3A_347 : i32 to index
      %get3A_349 = arith.constant 0 : index
      %get3A_350 = tpu.vector_load %arg9[%get3A_348, %get3A_349] {strides = array<i32>} : memref<16x64xi32, #tpu.memory_space<vmem>>, vector<16xi32>,
      %gather3A_351 = tpu.vector_load_idx %arg14[%get3A_350] : memref<10016xf32, #tpu.memory_space<vmem>>[vector<16xi32>], vector<16xf32>,
      tpu.vector_store_idx %arg15[%get3A_346], %gather3A_351 {add = true} : memref<10240xf32, #tpu.memory_space<vmem>>[vector<16xi32>], vector<16xf32>,
      %get3A_352 = arith.constant 4 : i32
      %get3A_353 = arith.index_cast %get3A_352 : i32 to index
      %get3A_354 = arith.constant 16 : index
      %get3A_355 = tpu.vector_load %arg10[%get3A_353, %get3A_354] {strides = array<i32>} : memref<16x64xi32, #tpu.memory_space<vmem>>, vector<16xi32>,
      %get3A_356 = arith.constant 4 : i32
      %get3A_357 = arith.index_cast %get3A_356 : i32 to index
      %get3A_358 = arith.constant 16 : index
      %get3A_359 = tpu.vector_load %arg9[%get3A_357, %get3A_358] {strides = array<i32>} : memref<16x64xi32, #tpu.memory_space<vmem>>, vector<16xi32>,
      %gather3A_360 = tpu.vector_load_idx %arg14[%get3A_359] : memref<10016xf32, #tpu.memory_space<vmem>>[vector<16xi32>], vector<16xf32>,
      tpu.vector_store_idx %arg15[%get3A_355], %gather3A_360 {add = true} : memref<10240xf32, #tpu.memory_space<vmem>>[vector<16xi32>], vector<16xf32>,
      %get3A_361 = arith.constant 4 : i32
      %get3A_362 = arith.index_cast %get3A_361 : i32 to index
      %get3A_363 = arith.constant 32 : index
      %get3A_364 = tpu.vector_load %arg10[%get3A_362, %get3A_363] {strides = array<i32>} : memref<16x64xi32, #tpu.memory_space<vmem>>, vector<16xi32>,
      %get3A_365 = arith.constant 4 : i32
      %get3A_366 = arith.index_cast %get3A_365 : i32 to index
      %get3A_367 = arith.constant 32 : index
      %get3A_368 = tpu.vector_load %arg9[%get3A_366, %get3A_367] {strides = array<i32>} : memref<16x64xi32, #tpu.memory_space<vmem>>, vector<16xi32>,
      %gather3A_369 = tpu.vector_load_idx %arg14[%get3A_368] : memref<10016xf32, #tpu.memory_space<vmem>>[vector<16xi32>], vector<16xf32>,
      tpu.vector_store_idx %arg15[%get3A_364], %gather3A_369 {add = true} : memref<10240xf32, #tpu.memory_space<vmem>>[vector<16xi32>], vector<16xf32>,
      %get3A_370 = arith.constant 4 : i32
      %get3A_371 = arith.index_cast %get3A_370 : i32 to index
      %get3A_372 = arith.constant 48 : index
      %get3A_373 = tpu.vector_load %arg10[%get3A_371, %get3A_372] {strides = array<i32>} : memref<16x64xi32, #tpu.memory_space<vmem>>, vector<16xi32>,
      %get3A_374 = arith.constant 4 : i32
      %get3A_375 = arith.index_cast %get3A_374 : i32 to index
      %get3A_376 = arith.constant 48 : index
      %get3A_377 = tpu.vector_load %arg9[%get3A_375, %get3A_376] {strides = array<i32>} : memref<16x64xi32, #tpu.memory_space<vmem>>, vector<16xi32>,
      %gather3A_378 = tpu.vector_load_idx %arg14[%get3A_377] : memref<10016xf32, #tpu.memory_space<vmem>>[vector<16xi32>], vector<16xf32>,
      tpu.vector_store_idx %arg15[%get3A_373], %gather3A_378 {add = true} : memref<10240xf32, #tpu.memory_space<vmem>>[vector<16xi32>], vector<16xf32>,
      %dma_wait3A_379 = arith.constant 3 : i32
      %dma_wait3A_380 = arith.constant 0 : i32
      %dma_wait3A_381 = tpu.memref_slice %arg10[%dma_wait3A_379, %dma_wait3A_380] : memref<16x64xi32, #tpu.memory_space<vmem>> -> memref<1x64xi32, #tpu.memory_space<vmem>>
      %dma_wait3A_382 = tpu.memref_squeeze %dma_wait3A_381 : memref<1x64xi32, #tpu.memory_space<vmem>> -> memref<64xi32, #tpu.memory_space<vmem>>
      %dma_wait3A_383 = arith.constant 0 : i32
      %dma_wait3A_384 = arith.constant 0 : i32
      %dma_wait3A_385 = tpu.memref_slice %arg8[%dma_wait3A_383, %dma_wait3A_384] : memref<10240x128xf32, #tpu.memory_space<vmem_shared>> -> memref<10240x128xf32, #tpu.memory_space<vmem_shared>>
      tpu.wait_indirect_dma semaphore(%arg19 : memref<!tpu.dma_semaphore, #tpu.memory_space<semaphore_mem>>) src(%arg11 : memref<64x128xf32, #tpu.memory_space<vmem>>) dst(%dma_wait3A_385 : memref<10240x128xf32, #tpu.memory_space<vmem_shared>>)
      %dma_start3A_386 = arith.constant 6 : i32
      %dma_start3A_387 = arith.constant 0 : i32
      %dma_start3A_388 = tpu.memref_slice %arg9[%dma_start3A_386, %dma_start3A_387] : memref<16x64xi32, #tpu.memory_space<vmem>> -> memref<1x64xi32, #tpu.memory_space<vmem>>
      %dma_start3A_389 = tpu.memref_squeeze %dma_start3A_388 : memref<1x64xi32, #tpu.memory_space<vmem>> -> memref<64xi32, #tpu.memory_space<vmem>>
      %dma_start3A_390 = arith.constant 0 : i32
      %dma_start3A_391 = arith.constant 0 : i32
      %dma_start3A_392 = tpu.memref_slice %arg2[%dma_start3A_390, %dma_start3A_391] : memref<10240x128xf32, #tpu.memory_space<hbm>> -> memref<10240x128xf32, #tpu.memory_space<hbm>>
      tpu.enqueue_indirect_dma source(%dma_start3A_392 : memref<10240x128xf32, #tpu.memory_space<hbm>>) target(%arg11 : memref<64x128xf32, #tpu.memory_space<vmem>>) offsets(%dma_start3A_389 : memref<64xi32, #tpu.memory_space<vmem>>) semaphore(%arg16 : memref<!tpu.dma_semaphore, #tpu.memory_space<semaphore_mem>>)
      %dma_wait3A_393 = arith.constant 5 : i32
      %dma_wait3A_394 = arith.constant 0 : i32
      %dma_wait3A_395 = tpu.memref_slice %arg9[%dma_wait3A_393, %dma_wait3A_394] : memref<16x64xi32, #tpu.memory_space<vmem>> -> memref<1x64xi32, #tpu.memory_space<vmem>>
      %dma_wait3A_396 = tpu.memref_squeeze %dma_wait3A_395 : memref<1x64xi32, #tpu.memory_space<vmem>> -> memref<64xi32, #tpu.memory_space<vmem>>
      %dma_wait3A_397 = arith.constant 0 : i32
      %dma_wait3A_398 = arith.constant 0 : i32
      %dma_wait3A_399 = tpu.memref_slice %arg2[%dma_wait3A_397, %dma_wait3A_398] : memref<10240x128xf32, #tpu.memory_space<hbm>> -> memref<10240x128xf32, #tpu.memory_space<hbm>>
      tpu.wait_indirect_dma semaphore(%arg18 : memref<!tpu.dma_semaphore, #tpu.memory_space<semaphore_mem>>) src(%dma_wait3A_399 : memref<10240x128xf32, #tpu.memory_space<hbm>>) dst(%arg13 : memref<64x128xf32, #tpu.memory_space<vmem>>)
      %dma_start3A_400 = arith.constant 5 : i32
      %dma_start3A_401 = arith.constant 0 : i32
      %dma_start3A_402 = tpu.memref_slice %arg10[%dma_start3A_400, %dma_start3A_401] : memref<16x64xi32, #tpu.memory_space<vmem>> -> memref<1x64xi32, #tpu.memory_space<vmem>>
      %dma_start3A_403 = tpu.memref_squeeze %dma_start3A_402 : memref<1x64xi32, #tpu.memory_space<vmem>> -> memref<64xi32, #tpu.memory_space<vmem>>
      %dma_start3A_404 = arith.constant 0 : i32
      %dma_start3A_405 = arith.constant 0 : i32
      %dma_start3A_406 = tpu.memref_slice %arg8[%dma_start3A_404, %dma_start3A_405] : memref<10240x128xf32, #tpu.memory_space<vmem_shared>> -> memref<10240x128xf32, #tpu.memory_space<vmem_shared>>
      tpu.enqueue_indirect_dma source(%arg13 : memref<64x128xf32, #tpu.memory_space<vmem>>) target(%dma_start3A_406 : memref<10240x128xf32, #tpu.memory_space<vmem_shared>>) offsets(%dma_start3A_403 : memref<64xi32, #tpu.memory_space<vmem>>) semaphore(%arg21 : memref<!tpu.dma_semaphore, #tpu.memory_space<semaphore_mem>>) {add = true}
      %get3A_407 = arith.constant 5 : i32
      %get3A_408 = arith.index_cast %get3A_407 : i32 to index
      %get3A_409 = arith.constant 0 : index
      %get3A_410 = tpu.vector_load %arg10[%get3A_408, %get3A_409] {strides = array<i32>} : memref<16x64xi32, #tpu.memory_space<vmem>>, vector<16xi32>,
      %get3A_411 = arith.constant 5 : i32
      %get3A_412 = arith.index_cast %get3A_411 : i32 to index
      %get3A_413 = arith.constant 0 : index
      %get3A_414 = tpu.vector_load %arg9[%get3A_412, %get3A_413] {strides = array<i32>} : memref<16x64xi32, #tpu.memory_space<vmem>>, vector<16xi32>,
      %gather3A_415 = tpu.vector_load_idx %arg14[%get3A_414] : memref<10016xf32, #tpu.memory_space<vmem>>[vector<16xi32>], vector<16xf32>,
      tpu.vector_store_idx %arg15[%get3A_410], %gather3A_415 {add = true} : memref<10240xf32, #tpu.memory_space<vmem>>[vector<16xi32>], vector<16xf32>,
      %get3A_416 = arith.constant 5 : i32
      %get3A_417 = arith.index_cast %get3A_416 : i32 to index
      %get3A_418 = arith.constant 16 : index
      %get3A_419 = tpu.vector_load %arg10[%get3A_417, %get3A_418] {strides = array<i32>} : memref<16x64xi32, #tpu.memory_space<vmem>>, vector<16xi32>,
      %get3A_420 = arith.constant 5 : i32
      %get3A_421 = arith.index_cast %get3A_420 : i32 to index
      %get3A_422 = arith.constant 16 : index
      %get3A_423 = tpu.vector_load %arg9[%get3A_421, %get3A_422] {strides = array<i32>} : memref<16x64xi32, #tpu.memory_space<vmem>>, vector<16xi32>,
      %gather3A_424 = tpu.vector_load_idx %arg14[%get3A_423] : memref<10016xf32, #tpu.memory_space<vmem>>[vector<16xi32>], vector<16xf32>,
      tpu.vector_store_idx %arg15[%get3A_419], %gather3A_424 {add = true} : memref<10240xf32, #tpu.memory_space<vmem>>[vector<16xi32>], vector<16xf32>,
      %get3A_425 = arith.constant 5 : i32
      %get3A_426 = arith.index_cast %get3A_425 : i32 to index
      %get3A_427 = arith.constant 32 : index
      %get3A_428 = tpu.vector_load %arg10[%get3A_426, %get3A_427] {strides = array<i32>} : memref<16x64xi32, #tpu.memory_space<vmem>>, vector<16xi32>,
      %get3A_429 = arith.constant 5 : i32
      %get3A_430 = arith.index_cast %get3A_429 : i32 to index
      %get3A_431 = arith.constant 32 : index
      %get3A_432 = tpu.vector_load %arg9[%get3A_430, %get3A_431] {strides = array<i32>} : memref<16x64xi32, #tpu.memory_space<vmem>>, vector<16xi32>,
      %gather3A_433 = tpu.vector_load_idx %arg14[%get3A_432] : memref<10016xf32, #tpu.memory_space<vmem>>[vector<16xi32>], vector<16xf32>,
      tpu.vector_store_idx %arg15[%get3A_428], %gather3A_433 {add = true} : memref<10240xf32, #tpu.memory_space<vmem>>[vector<16xi32>], vector<16xf32>,
      %get3A_434 = arith.constant 5 : i32
      %get3A_435 = arith.index_cast %get3A_434 : i32 to index
      %get3A_436 = arith.constant 48 : index
      %get3A_437 = tpu.vector_load %arg10[%get3A_435, %get3A_436] {strides = array<i32>} : memref<16x64xi32, #tpu.memory_space<vmem>>, vector<16xi32>,
      %get3A_438 = arith.constant 5 : i32
      %get3A_439 = arith.index_cast %get3A_438 : i32 to index
      %get3A_440 = arith.constant 48 : index
      %get3A_441 = tpu.vector_load %arg9[%get3A_439, %get3A_440] {strides = array<i32>} : memref<16x64xi32, #tpu.memory_space<vmem>>, vector<16xi32>,
      %gather3A_442 = tpu.vector_load_idx %arg14[%get3A_441] : memref<10016xf32, #tpu.memory_space<vmem>>[vector<16xi32>], vector<16xf32>,
      tpu.vector_store_idx %arg15[%get3A_437], %gather3A_442 {add = true} : memref<10240xf32, #tpu.memory_space<vmem>>[vector<16xi32>], vector<16xf32>,
      %dma_wait3A_443 = arith.constant 4 : i32
      %dma_wait3A_444 = arith.constant 0 : i32
      %dma_wait3A_445 = tpu.memref_slice %arg10[%dma_wait3A_443, %dma_wait3A_444] : memref<16x64xi32, #tpu.memory_space<vmem>> -> memref<1x64xi32, #tpu.memory_space<vmem>>
      %dma_wait3A_446 = tpu.memref_squeeze %dma_wait3A_445 : memref<1x64xi32, #tpu.memory_space<vmem>> -> memref<64xi32, #tpu.memory_space<vmem>>
      %dma_wait3A_447 = arith.constant 0 : i32
      %dma_wait3A_448 = arith.constant 0 : i32
      %dma_wait3A_449 = tpu.memref_slice %arg8[%dma_wait3A_447, %dma_wait3A_448] : memref<10240x128xf32, #tpu.memory_space<vmem_shared>> -> memref<10240x128xf32, #tpu.memory_space<vmem_shared>>
      tpu.wait_indirect_dma semaphore(%arg20 : memref<!tpu.dma_semaphore, #tpu.memory_space<semaphore_mem>>) src(%arg12 : memref<64x128xf32, #tpu.memory_space<vmem>>) dst(%dma_wait3A_449 : memref<10240x128xf32, #tpu.memory_space<vmem_shared>>)
      %dma_start3A_450 = arith.constant 7 : i32
      %dma_start3A_451 = arith.constant 0 : i32
      %dma_start3A_452 = tpu.memref_slice %arg9[%dma_start3A_450, %dma_start3A_451] : memref<16x64xi32, #tpu.memory_space<vmem>> -> memref<1x64xi32, #tpu.memory_space<vmem>>
      %dma_start3A_453 = tpu.memref_squeeze %dma_start3A_452 : memref<1x64xi32, #tpu.memory_space<vmem>> -> memref<64xi32, #tpu.memory_space<vmem>>
      %dma_start3A_454 = arith.constant 0 : i32
      %dma_start3A_455 = arith.constant 0 : i32
      %dma_start3A_456 = tpu.memref_slice %arg2[%dma_start3A_454, %dma_start3A_455] : memref<10240x128xf32, #tpu.memory_space<hbm>> -> memref<10240x128xf32, #tpu.memory_space<hbm>>
      tpu.enqueue_indirect_dma source(%dma_start3A_456 : memref<10240x128xf32, #tpu.memory_space<hbm>>) target(%arg12 : memref<64x128xf32, #tpu.memory_space<vmem>>) offsets(%dma_start3A_453 : memref<64xi32, #tpu.memory_space<vmem>>) semaphore(%arg17 : memref<!tpu.dma_semaphore, #tpu.memory_space<semaphore_mem>>)
      %dma_wait3A_457 = arith.constant 6 : i32
      %dma_wait3A_458 = arith.constant 0 : i32
      %dma_wait3A_459 = tpu.memref_slice %arg9[%dma_wait3A_457, %dma_wait3A_458] : memref<16x64xi32, #tpu.memory_space<vmem>> -> memref<1x64xi32, #tpu.memory_space<vmem>>
      %dma_wait3A_460 = tpu.memref_squeeze %dma_wait3A_459 : memref<1x64xi32, #tpu.memory_space<vmem>> -> memref<64xi32, #tpu.memory_space<vmem>>
      %dma_wait3A_461 = arith.constant 0 : i32
      %dma_wait3A_462 = arith.constant 0 : i32
      %dma_wait3A_463 = tpu.memref_slice %arg2[%dma_wait3A_461, %dma_wait3A_462] : memref<10240x128xf32, #tpu.memory_space<hbm>> -> memref<10240x128xf32, #tpu.memory_space<hbm>>
      tpu.wait_indirect_dma semaphore(%arg16 : memref<!tpu.dma_semaphore, #tpu.memory_space<semaphore_mem>>) src(%dma_wait3A_463 : memref<10240x128xf32, #tpu.memory_space<hbm>>) dst(%arg11 : memref<64x128xf32, #tpu.memory_space<vmem>>)
      %dma_start3A_464 = arith.constant 6 : i32
      %dma_start3A_465 = arith.constant 0 : i32
      %dma_start3A_466 = tpu.memref_slice %arg10[%dma_start3A_464, %dma_start3A_465] : memref<16x64xi32, #tpu.memory_space<vmem>> -> memref<1x64xi32, #tpu.memory_space<vmem>>
      %dma_start3A_467 = tpu.memref_squeeze %dma_start3A_466 : memref<1x64xi32, #tpu.memory_space<vmem>> -> memref<64xi32, #tpu.memory_space<vmem>>
      %dma_start3A_468 = arith.constant 0 : i32
      %dma_start3A_469 = arith.constant 0 : i32
      %dma_start3A_470 = tpu.memref_slice %arg8[%dma_start3A_468, %dma_start3A_469] : memref<10240x128xf32, #tpu.memory_space<vmem_shared>> -> memref<10240x128xf32, #tpu.memory_space<vmem_shared>>
      tpu.enqueue_indirect_dma source(%arg11 : memref<64x128xf32, #tpu.memory_space<vmem>>) target(%dma_start3A_470 : memref<10240x128xf32, #tpu.memory_space<vmem_shared>>) offsets(%dma_start3A_467 : memref<64xi32, #tpu.memory_space<vmem>>) semaphore(%arg19 : memref<!tpu.dma_semaphore, #tpu.memory_space<semaphore_mem>>) {add = true}
      %get3A_471 = arith.constant 6 : i32
      %get3A_472 = arith.index_cast %get3A_471 : i32 to index
      %get3A_473 = arith.constant 0 : index
      %get3A_474 = tpu.vector_load %arg10[%get3A_472, %get3A_473] {strides = array<i32>} : memref<16x64xi32, #tpu.memory_space<vmem>>, vector<16xi32>,
      %get3A_475 = arith.constant 6 : i32
      %get3A_476 = arith.index_cast %get3A_475 : i32 to index
      %get3A_477 = arith.constant 0 : index
      %get3A_478 = tpu.vector_load %arg9[%get3A_476, %get3A_477] {strides = array<i32>} : memref<16x64xi32, #tpu.memory_space<vmem>>, vector<16xi32>,
      %gather3A_479 = tpu.vector_load_idx %arg14[%get3A_478] : memref<10016xf32, #tpu.memory_space<vmem>>[vector<16xi32>], vector<16xf32>,
      tpu.vector_store_idx %arg15[%get3A_474], %gather3A_479 {add = true} : memref<10240xf32, #tpu.memory_space<vmem>>[vector<16xi32>], vector<16xf32>,
      %get3A_480 = arith.constant 6 : i32
      %get3A_481 = arith.index_cast %get3A_480 : i32 to index
      %get3A_482 = arith.constant 16 : index
      %get3A_483 = tpu.vector_load %arg10[%get3A_481, %get3A_482] {strides = array<i32>} : memref<16x64xi32, #tpu.memory_space<vmem>>, vector<16xi32>,
      %get3A_484 = arith.constant 6 : i32
      %get3A_485 = arith.index_cast %get3A_484 : i32 to index
      %get3A_486 = arith.constant 16 : index
      %get3A_487 = tpu.vector_load %arg9[%get3A_485, %get3A_486] {strides = array<i32>} : memref<16x64xi32, #tpu.memory_space<vmem>>, vector<16xi32>,
      %gather3A_488 = tpu.vector_load_idx %arg14[%get3A_487] : memref<10016xf32, #tpu.memory_space<vmem>>[vector<16xi32>], vector<16xf32>,
      tpu.vector_store_idx %arg15[%get3A_483], %gather3A_488 {add = true} : memref<10240xf32, #tpu.memory_space<vmem>>[vector<16xi32>], vector<16xf32>,
      %get3A_489 = arith.constant 6 : i32
      %get3A_490 = arith.index_cast %get3A_489 : i32 to index
      %get3A_491 = arith.constant 32 : index
      %get3A_492 = tpu.vector_load %arg10[%get3A_490, %get3A_491] {strides = array<i32>} : memref<16x64xi32, #tpu.memory_space<vmem>>, vector<16xi32>,
      %get3A_493 = arith.constant 6 : i32
      %get3A_494 = arith.index_cast %get3A_493 : i32 to index
      %get3A_495 = arith.constant 32 : index
      %get3A_496 = tpu.vector_load %arg9[%get3A_494, %get3A_495] {strides = array<i32>} : memref<16x64xi32, #tpu.memory_space<vmem>>, vector<16xi32>,
      %gather3A_497 = tpu.vector_load_idx %arg14[%get3A_496] : memref<10016xf32, #tpu.memory_space<vmem>>[vector<16xi32>], vector<16xf32>,
      tpu.vector_store_idx %arg15[%get3A_492], %gather3A_497 {add = true} : memref<10240xf32, #tpu.memory_space<vmem>>[vector<16xi32>], vector<16xf32>,
      %get3A_498 = arith.constant 6 : i32
      %get3A_499 = arith.index_cast %get3A_498 : i32 to index
      %get3A_500 = arith.constant 48 : index
      %get3A_501 = tpu.vector_load %arg10[%get3A_499, %get3A_500] {strides = array<i32>} : memref<16x64xi32, #tpu.memory_space<vmem>>, vector<16xi32>,
      %get3A_502 = arith.constant 6 : i32
      %get3A_503 = arith.index_cast %get3A_502 : i32 to index
      %get3A_504 = arith.constant 48 : index
      %get3A_505 = tpu.vector_load %arg9[%get3A_503, %get3A_504] {strides = array<i32>} : memref<16x64xi32, #tpu.memory_space<vmem>>, vector<16xi32>,
      %gather3A_506 = tpu.vector_load_idx %arg14[%get3A_505] : memref<10016xf32, #tpu.memory_space<vmem>>[vector<16xi32>], vector<16xf32>,
      tpu.vector_store_idx %arg15[%get3A_501], %gather3A_506 {add = true} : memref<10240xf32, #tpu.memory_space<vmem>>[vector<16xi32>], vector<16xf32>,
      %dma_wait3A_507 = arith.constant 5 : i32
      %dma_wait3A_508 = arith.constant 0 : i32
      %dma_wait3A_509 = tpu.memref_slice %arg10[%dma_wait3A_507, %dma_wait3A_508] : memref<16x64xi32, #tpu.memory_space<vmem>> -> memref<1x64xi32, #tpu.memory_space<vmem>>
      %dma_wait3A_510 = tpu.memref_squeeze %dma_wait3A_509 : memref<1x64xi32, #tpu.memory_space<vmem>> -> memref<64xi32, #tpu.memory_space<vmem>>
      %dma_wait3A_511 = arith.constant 0 : i32
      %dma_wait3A_512 = arith.constant 0 : i32
      %dma_wait3A_513 = tpu.memref_slice %arg8[%dma_wait3A_511, %dma_wait3A_512] : memref<10240x128xf32, #tpu.memory_space<vmem_shared>> -> memref<10240x128xf32, #tpu.memory_space<vmem_shared>>
      tpu.wait_indirect_dma semaphore(%arg21 : memref<!tpu.dma_semaphore, #tpu.memory_space<semaphore_mem>>) src(%arg13 : memref<64x128xf32, #tpu.memory_space<vmem>>) dst(%dma_wait3A_513 : memref<10240x128xf32, #tpu.memory_space<vmem_shared>>)
      %dma_start3A_514 = arith.constant 8 : i32
      %dma_start3A_515 = arith.constant 0 : i32
      %dma_start3A_516 = tpu.memref_slice %arg9[%dma_start3A_514, %dma_start3A_515] : memref<16x64xi32, #tpu.memory_space<vmem>> -> memref<1x64xi32, #tpu.memory_space<vmem>>
      %dma_start3A_517 = tpu.memref_squeeze %dma_start3A_516 : memref<1x64xi32, #tpu.memory_space<vmem>> -> memref<64xi32, #tpu.memory_space<vmem>>
      %dma_start3A_518 = arith.constant 0 : i32
      %dma_start3A_519 = arith.constant 0 : i32
      %dma_start3A_520 = tpu.memref_slice %arg2[%dma_start3A_518, %dma_start3A_519] : memref<10240x128xf32, #tpu.memory_space<hbm>> -> memref<10240x128xf32, #tpu.memory_space<hbm>>
      tpu.enqueue_indirect_dma source(%dma_start3A_520 : memref<10240x128xf32, #tpu.memory_space<hbm>>) target(%arg13 : memref<64x128xf32, #tpu.memory_space<vmem>>) offsets(%dma_start3A_517 : memref<64xi32, #tpu.memory_space<vmem>>) semaphore(%arg18 : memref<!tpu.dma_semaphore, #tpu.memory_space<semaphore_mem>>)
      %dma_wait3A_521 = arith.constant 7 : i32
      %dma_wait3A_522 = arith.constant 0 : i32
      %dma_wait3A_523 = tpu.memref_slice %arg9[%dma_wait3A_521, %dma_wait3A_522] : memref<16x64xi32, #tpu.memory_space<vmem>> -> memref<1x64xi32, #tpu.memory_space<vmem>>
      %dma_wait3A_524 = tpu.memref_squeeze %dma_wait3A_523 : memref<1x64xi32, #tpu.memory_space<vmem>> -> memref<64xi32, #tpu.memory_space<vmem>>
      %dma_wait3A_525 = arith.constant 0 : i32
      %dma_wait3A_526 = arith.constant 0 : i32
      %dma_wait3A_527 = tpu.memref_slice %arg2[%dma_wait3A_525, %dma_wait3A_526] : memref<10240x128xf32, #tpu.memory_space<hbm>> -> memref<10240x128xf32, #tpu.memory_space<hbm>>
      tpu.wait_indirect_dma semaphore(%arg17 : memref<!tpu.dma_semaphore, #tpu.memory_space<semaphore_mem>>) src(%dma_wait3A_527 : memref<10240x128xf32, #tpu.memory_space<hbm>>) dst(%arg12 : memref<64x128xf32, #tpu.memory_space<vmem>>)
      %dma_start3A_528 = arith.constant 7 : i32
      %dma_start3A_529 = arith.constant 0 : i32
      %dma_start3A_530 = tpu.memref_slice %arg10[%dma_start3A_528, %dma_start3A_529] : memref<16x64xi32, #tpu.memory_space<vmem>> -> memref<1x64xi32, #tpu.memory_space<vmem>>
      %dma_start3A_531 = tpu.memref_squeeze %dma_start3A_530 : memref<1x64xi32, #tpu.memory_space<vmem>> -> memref<64xi32, #tpu.memory_space<vmem>>
      %dma_start3A_532 = arith.constant 0 : i32
      %dma_start3A_533 = arith.constant 0 : i32
      %dma_start3A_534 = tpu.memref_slice %arg8[%dma_start3A_532, %dma_start3A_533] : memref<10240x128xf32, #tpu.memory_space<vmem_shared>> -> memref<10240x128xf32, #tpu.memory_space<vmem_shared>>
      tpu.enqueue_indirect_dma source(%arg12 : memref<64x128xf32, #tpu.memory_space<vmem>>) target(%dma_start3A_534 : memref<10240x128xf32, #tpu.memory_space<vmem_shared>>) offsets(%dma_start3A_531 : memref<64xi32, #tpu.memory_space<vmem>>) semaphore(%arg20 : memref<!tpu.dma_semaphore, #tpu.memory_space<semaphore_mem>>) {add = true}
      %get3A_535 = arith.constant 7 : i32
      %get3A_536 = arith.index_cast %get3A_535 : i32 to index
      %get3A_537 = arith.constant 0 : index
      %get3A_538 = tpu.vector_load %arg10[%get3A_536, %get3A_537] {strides = array<i32>} : memref<16x64xi32, #tpu.memory_space<vmem>>, vector<16xi32>,
      %get3A_539 = arith.constant 7 : i32
      %get3A_540 = arith.index_cast %get3A_539 : i32 to index
      %get3A_541 = arith.constant 0 : index
      %get3A_542 = tpu.vector_load %arg9[%get3A_540, %get3A_541] {strides = array<i32>} : memref<16x64xi32, #tpu.memory_space<vmem>>, vector<16xi32>,
      %gather3A_543 = tpu.vector_load_idx %arg14[%get3A_542] : memref<10016xf32, #tpu.memory_space<vmem>>[vector<16xi32>], vector<16xf32>,
      tpu.vector_store_idx %arg15[%get3A_538], %gather3A_543 {add = true} : memref<10240xf32, #tpu.memory_space<vmem>>[vector<16xi32>], vector<16xf32>,
      %get3A_544 = arith.constant 7 : i32
      %get3A_545 = arith.index_cast %get3A_544 : i32 to index
      %get3A_546 = arith.constant 16 : index
      %get3A_547 = tpu.vector_load %arg10[%get3A_545, %get3A_546] {strides = array<i32>} : memref<16x64xi32, #tpu.memory_space<vmem>>, vector<16xi32>,
      %get3A_548 = arith.constant 7 : i32
      %get3A_549 = arith.index_cast %get3A_548 : i32 to index
      %get3A_550 = arith.constant 16 : index
      %get3A_551 = tpu.vector_load %arg9[%get3A_549, %get3A_550] {strides = array<i32>} : memref<16x64xi32, #tpu.memory_space<vmem>>, vector<16xi32>,
      %gather3A_552 = tpu.vector_load_idx %arg14[%get3A_551] : memref<10016xf32, #tpu.memory_space<vmem>>[vector<16xi32>], vector<16xf32>,
      tpu.vector_store_idx %arg15[%get3A_547], %gather3A_552 {add = true} : memref<10240xf32, #tpu.memory_space<vmem>>[vector<16xi32>], vector<16xf32>,
      %get3A_553 = arith.constant 7 : i32
      %get3A_554 = arith.index_cast %get3A_553 : i32 to index
      %get3A_555 = arith.constant 32 : index
      %get3A_556 = tpu.vector_load %arg10[%get3A_554, %get3A_555] {strides = array<i32>} : memref<16x64xi32, #tpu.memory_space<vmem>>, vector<16xi32>,
      %get3A_557 = arith.constant 7 : i32
      %get3A_558 = arith.index_cast %get3A_557 : i32 to index
      %get3A_559 = arith.constant 32 : index
      %get3A_560 = tpu.vector_load %arg9[%get3A_558, %get3A_559] {strides = array<i32>} : memref<16x64xi32, #tpu.memory_space<vmem>>, vector<16xi32>,
      %gather3A_561 = tpu.vector_load_idx %arg14[%get3A_560] : memref<10016xf32, #tpu.memory_space<vmem>>[vector<16xi32>], vector<16xf32>,
      tpu.vector_store_idx %arg15[%get3A_556], %gather3A_561 {add = true} : memref<10240xf32, #tpu.memory_space<vmem>>[vector<16xi32>], vector<16xf32>,
      %get3A_562 = arith.constant 7 : i32
      %get3A_563 = arith.index_cast %get3A_562 : i32 to index
      %get3A_564 = arith.constant 48 : index
      %get3A_565 = tpu.vector_load %arg10[%get3A_563, %get3A_564] {strides = array<i32>} : memref<16x64xi32, #tpu.memory_space<vmem>>, vector<16xi32>,
      %get3A_566 = arith.constant 7 : i32
      %get3A_567 = arith.index_cast %get3A_566 : i32 to index
      %get3A_568 = arith.constant 48 : index
      %get3A_569 = tpu.vector_load %arg9[%get3A_567, %get3A_568] {strides = array<i32>} : memref<16x64xi32, #tpu.memory_space<vmem>>, vector<16xi32>,
      %gather3A_570 = tpu.vector_load_idx %arg14[%get3A_569] : memref<10016xf32, #tpu.memory_space<vmem>>[vector<16xi32>], vector<16xf32>,
      tpu.vector_store_idx %arg15[%get3A_565], %gather3A_570 {add = true} : memref<10240xf32, #tpu.memory_space<vmem>>[vector<16xi32>], vector<16xf32>,
      %dma_wait3A_571 = arith.constant 6 : i32
      %dma_wait3A_572 = arith.constant 0 : i32
      %dma_wait3A_573 = tpu.memref_slice %arg10[%dma_wait3A_571, %dma_wait3A_572] : memref<16x64xi32, #tpu.memory_space<vmem>> -> memref<1x64xi32, #tpu.memory_space<vmem>>
      %dma_wait3A_574 = tpu.memref_squeeze %dma_wait3A_573 : memref<1x64xi32, #tpu.memory_space<vmem>> -> memref<64xi32, #tpu.memory_space<vmem>>
      %dma_wait3A_575 = arith.constant 0 : i32
      %dma_wait3A_576 = arith.constant 0 : i32
      %dma_wait3A_577 = tpu.memref_slice %arg8[%dma_wait3A_575, %dma_wait3A_576] : memref<10240x128xf32, #tpu.memory_space<vmem_shared>> -> memref<10240x128xf32, #tpu.memory_space<vmem_shared>>
      tpu.wait_indirect_dma semaphore(%arg19 : memref<!tpu.dma_semaphore, #tpu.memory_space<semaphore_mem>>) src(%arg11 : memref<64x128xf32, #tpu.memory_space<vmem>>) dst(%dma_wait3A_577 : memref<10240x128xf32, #tpu.memory_space<vmem_shared>>)
      %dma_start3A_578 = arith.constant 9 : i32
      %dma_start3A_579 = arith.constant 0 : i32
      %dma_start3A_580 = tpu.memref_slice %arg9[%dma_start3A_578, %dma_start3A_579] : memref<16x64xi32, #tpu.memory_space<vmem>> -> memref<1x64xi32, #tpu.memory_space<vmem>>
      %dma_start3A_581 = tpu.memref_squeeze %dma_start3A_580 : memref<1x64xi32, #tpu.memory_space<vmem>> -> memref<64xi32, #tpu.memory_space<vmem>>
      %dma_start3A_582 = arith.constant 0 : i32
      %dma_start3A_583 = arith.constant 0 : i32
      %dma_start3A_584 = tpu.memref_slice %arg2[%dma_start3A_582, %dma_start3A_583] : memref<10240x128xf32, #tpu.memory_space<hbm>> -> memref<10240x128xf32, #tpu.memory_space<hbm>>
      tpu.enqueue_indirect_dma source(%dma_start3A_584 : memref<10240x128xf32, #tpu.memory_space<hbm>>) target(%arg11 : memref<64x128xf32, #tpu.memory_space<vmem>>) offsets(%dma_start3A_581 : memref<64xi32, #tpu.memory_space<vmem>>) semaphore(%arg16 : memref<!tpu.dma_semaphore, #tpu.memory_space<semaphore_mem>>)
      %dma_wait3A_585 = arith.constant 8 : i32
      %dma_wait3A_586 = arith.constant 0 : i32
      %dma_wait3A_587 = tpu.memref_slice %arg9[%dma_wait3A_585, %dma_wait3A_586] : memref<16x64xi32, #tpu.memory_space<vmem>> -> memref<1x64xi32, #tpu.memory_space<vmem>>
      %dma_wait3A_588 = tpu.memref_squeeze %dma_wait3A_587 : memref<1x64xi32, #tpu.memory_space<vmem>> -> memref<64xi32, #tpu.memory_space<vmem>>
      %dma_wait3A_589 = arith.constant 0 : i32
      %dma_wait3A_590 = arith.constant 0 : i32
      %dma_wait3A_591 = tpu.memref_slice %arg2[%dma_wait3A_589, %dma_wait3A_590] : memref<10240x128xf32, #tpu.memory_space<hbm>> -> memref<10240x128xf32, #tpu.memory_space<hbm>>
      tpu.wait_indirect_dma semaphore(%arg18 : memref<!tpu.dma_semaphore, #tpu.memory_space<semaphore_mem>>) src(%dma_wait3A_591 : memref<10240x128xf32, #tpu.memory_space<hbm>>) dst(%arg13 : memref<64x128xf32, #tpu.memory_space<vmem>>)
      %dma_start3A_592 = arith.constant 8 : i32
      %dma_start3A_593 = arith.constant 0 : i32
      %dma_start3A_594 = tpu.memref_slice %arg10[%dma_start3A_592, %dma_start3A_593] : memref<16x64xi32, #tpu.memory_space<vmem>> -> memref<1x64xi32, #tpu.memory_space<vmem>>
      %dma_start3A_595 = tpu.memref_squeeze %dma_start3A_594 : memref<1x64xi32, #tpu.memory_space<vmem>> -> memref<64xi32, #tpu.memory_space<vmem>>
      %dma_start3A_596 = arith.constant 0 : i32
      %dma_start3A_597 = arith.constant 0 : i32
      %dma_start3A_598 = tpu.memref_slice %arg8[%dma_start3A_596, %dma_start3A_597] : memref<10240x128xf32, #tpu.memory_space<vmem_shared>> -> memref<10240x128xf32, #tpu.memory_space<vmem_shared>>
      tpu.enqueue_indirect_dma source(%arg13 : memref<64x128xf32, #tpu.memory_space<vmem>>) target(%dma_start3A_598 : memref<10240x128xf32, #tpu.memory_space<vmem_shared>>) offsets(%dma_start3A_595 : memref<64xi32, #tpu.memory_space<vmem>>) semaphore(%arg21 : memref<!tpu.dma_semaphore, #tpu.memory_space<semaphore_mem>>) {add = true}
      %get3A_599 = arith.constant 8 : i32
      %get3A_600 = arith.index_cast %get3A_599 : i32 to index
      %get3A_601 = arith.constant 0 : index
      %get3A_602 = tpu.vector_load %arg10[%get3A_600, %get3A_601] {strides = array<i32>} : memref<16x64xi32, #tpu.memory_space<vmem>>, vector<16xi32>,
      %get3A_603 = arith.constant 8 : i32
      %get3A_604 = arith.index_cast %get3A_603 : i32 to index
      %get3A_605 = arith.constant 0 : index
      %get3A_606 = tpu.vector_load %arg9[%get3A_604, %get3A_605] {strides = array<i32>} : memref<16x64xi32, #tpu.memory_space<vmem>>, vector<16xi32>,
      %gather3A_607 = tpu.vector_load_idx %arg14[%get3A_606] : memref<10016xf32, #tpu.memory_space<vmem>>[vector<16xi32>], vector<16xf32>,
      tpu.vector_store_idx %arg15[%get3A_602], %gather3A_607 {add = true} : memref<10240xf32, #tpu.memory_space<vmem>>[vector<16xi32>], vector<16xf32>,
      %get3A_608 = arith.constant 8 : i32
      %get3A_609 = arith.index_cast %get3A_608 : i32 to index
      %get3A_610 = arith.constant 16 : index
      %get3A_611 = tpu.vector_load %arg10[%get3A_609, %get3A_610] {strides = array<i32>} : memref<16x64xi32, #tpu.memory_space<vmem>>, vector<16xi32>,
      %get3A_612 = arith.constant 8 : i32
      %get3A_613 = arith.index_cast %get3A_612 : i32 to index
      %get3A_614 = arith.constant 16 : index
      %get3A_615 = tpu.vector_load %arg9[%get3A_613, %get3A_614] {strides = array<i32>} : memref<16x64xi32, #tpu.memory_space<vmem>>, vector<16xi32>,
      %gather3A_616 = tpu.vector_load_idx %arg14[%get3A_615] : memref<10016xf32, #tpu.memory_space<vmem>>[vector<16xi32>], vector<16xf32>,
      tpu.vector_store_idx %arg15[%get3A_611], %gather3A_616 {add = true} : memref<10240xf32, #tpu.memory_space<vmem>>[vector<16xi32>], vector<16xf32>,
      %get3A_617 = arith.constant 8 : i32
      %get3A_618 = arith.index_cast %get3A_617 : i32 to index
      %get3A_619 = arith.constant 32 : index
      %get3A_620 = tpu.vector_load %arg10[%get3A_618, %get3A_619] {strides = array<i32>} : memref<16x64xi32, #tpu.memory_space<vmem>>, vector<16xi32>,
      %get3A_621 = arith.constant 8 : i32
      %get3A_622 = arith.index_cast %get3A_621 : i32 to index
      %get3A_623 = arith.constant 32 : index
      %get3A_624 = tpu.vector_load %arg9[%get3A_622, %get3A_623] {strides = array<i32>} : memref<16x64xi32, #tpu.memory_space<vmem>>, vector<16xi32>,
      %gather3A_625 = tpu.vector_load_idx %arg14[%get3A_624] : memref<10016xf32, #tpu.memory_space<vmem>>[vector<16xi32>], vector<16xf32>,
      tpu.vector_store_idx %arg15[%get3A_620], %gather3A_625 {add = true} : memref<10240xf32, #tpu.memory_space<vmem>>[vector<16xi32>], vector<16xf32>,
      %get3A_626 = arith.constant 8 : i32
      %get3A_627 = arith.index_cast %get3A_626 : i32 to index
      %get3A_628 = arith.constant 48 : index
      %get3A_629 = tpu.vector_load %arg10[%get3A_627, %get3A_628] {strides = array<i32>} : memref<16x64xi32, #tpu.memory_space<vmem>>, vector<16xi32>,
      %get3A_630 = arith.constant 8 : i32
      %get3A_631 = arith.index_cast %get3A_630 : i32 to index
      %get3A_632 = arith.constant 48 : index
      %get3A_633 = tpu.vector_load %arg9[%get3A_631, %get3A_632] {strides = array<i32>} : memref<16x64xi32, #tpu.memory_space<vmem>>, vector<16xi32>,
      %gather3A_634 = tpu.vector_load_idx %arg14[%get3A_633] : memref<10016xf32, #tpu.memory_space<vmem>>[vector<16xi32>], vector<16xf32>,
      tpu.vector_store_idx %arg15[%get3A_629], %gather3A_634 {add = true} : memref<10240xf32, #tpu.memory_space<vmem>>[vector<16xi32>], vector<16xf32>,
      %dma_wait3A_635 = arith.constant 7 : i32
      %dma_wait3A_636 = arith.constant 0 : i32
      %dma_wait3A_637 = tpu.memref_slice %arg10[%dma_wait3A_635, %dma_wait3A_636] : memref<16x64xi32, #tpu.memory_space<vmem>> -> memref<1x64xi32, #tpu.memory_space<vmem>>
      %dma_wait3A_638 = tpu.memref_squeeze %dma_wait3A_637 : memref<1x64xi32, #tpu.memory_space<vmem>> -> memref<64xi32, #tpu.memory_space<vmem>>
      %dma_wait3A_639 = arith.constant 0 : i32
      %dma_wait3A_640 = arith.constant 0 : i32
      %dma_wait3A_641 = tpu.memref_slice %arg8[%dma_wait3A_639, %dma_wait3A_640] : memref<10240x128xf32, #tpu.memory_space<vmem_shared>> -> memref<10240x128xf32, #tpu.memory_space<vmem_shared>>
      tpu.wait_indirect_dma semaphore(%arg20 : memref<!tpu.dma_semaphore, #tpu.memory_space<semaphore_mem>>) src(%arg12 : memref<64x128xf32, #tpu.memory_space<vmem>>) dst(%dma_wait3A_641 : memref<10240x128xf32, #tpu.memory_space<vmem_shared>>)
      %dma_start3A_642 = arith.constant 10 : i32
      %dma_start3A_643 = arith.constant 0 : i32
      %dma_start3A_644 = tpu.memref_slice %arg9[%dma_start3A_642, %dma_start3A_643] : memref<16x64xi32, #tpu.memory_space<vmem>> -> memref<1x64xi32, #tpu.memory_space<vmem>>
      %dma_start3A_645 = tpu.memref_squeeze %dma_start3A_644 : memref<1x64xi32, #tpu.memory_space<vmem>> -> memref<64xi32, #tpu.memory_space<vmem>>
      %dma_start3A_646 = arith.constant 0 : i32
      %dma_start3A_647 = arith.constant 0 : i32
      %dma_start3A_648 = tpu.memref_slice %arg2[%dma_start3A_646, %dma_start3A_647] : memref<10240x128xf32, #tpu.memory_space<hbm>> -> memref<10240x128xf32, #tpu.memory_space<hbm>>
      tpu.enqueue_indirect_dma source(%dma_start3A_648 : memref<10240x128xf32, #tpu.memory_space<hbm>>) target(%arg12 : memref<64x128xf32, #tpu.memory_space<vmem>>) offsets(%dma_start3A_645 : memref<64xi32, #tpu.memory_space<vmem>>) semaphore(%arg17 : memref<!tpu.dma_semaphore, #tpu.memory_space<semaphore_mem>>)
      %dma_wait3A_649 = arith.constant 9 : i32
      %dma_wait3A_650 = arith.constant 0 : i32
      %dma_wait3A_651 = tpu.memref_slice %arg9[%dma_wait3A_649, %dma_wait3A_650] : memref<16x64xi32, #tpu.memory_space<vmem>> -> memref<1x64xi32, #tpu.memory_space<vmem>>
      %dma_wait3A_652 = tpu.memref_squeeze %dma_wait3A_651 : memref<1x64xi32, #tpu.memory_space<vmem>> -> memref<64xi32, #tpu.memory_space<vmem>>
      %dma_wait3A_653 = arith.constant 0 : i32
      %dma_wait3A_654 = arith.constant 0 : i32
      %dma_wait3A_655 = tpu.memref_slice %arg2[%dma_wait3A_653, %dma_wait3A_654] : memref<10240x128xf32, #tpu.memory_space<hbm>> -> memref<10240x128xf32, #tpu.memory_space<hbm>>
      tpu.wait_indirect_dma semaphore(%arg16 : memref<!tpu.dma_semaphore, #tpu.memory_space<semaphore_mem>>) src(%dma_wait3A_655 : memref<10240x128xf32, #tpu.memory_space<hbm>>) dst(%arg11 : memref<64x128xf32, #tpu.memory_space<vmem>>)
      %dma_start3A_656 = arith.constant 9 : i32
      %dma_start3A_657 = arith.constant 0 : i32
      %dma_start3A_658 = tpu.memref_slice %arg10[%dma_start3A_656, %dma_start3A_657] : memref<16x64xi32, #tpu.memory_space<vmem>> -> memref<1x64xi32, #tpu.memory_space<vmem>>
      %dma_start3A_659 = tpu.memref_squeeze %dma_start3A_658 : memref<1x64xi32, #tpu.memory_space<vmem>> -> memref<64xi32, #tpu.memory_space<vmem>>
      %dma_start3A_660 = arith.constant 0 : i32
      %dma_start3A_661 = arith.constant 0 : i32
      %dma_start3A_662 = tpu.memref_slice %arg8[%dma_start3A_660, %dma_start3A_661] : memref<10240x128xf32, #tpu.memory_space<vmem_shared>> -> memref<10240x128xf32, #tpu.memory_space<vmem_shared>>
      tpu.enqueue_indirect_dma source(%arg11 : memref<64x128xf32, #tpu.memory_space<vmem>>) target(%dma_start3A_662 : memref<10240x128xf32, #tpu.memory_space<vmem_shared>>) offsets(%dma_start3A_659 : memref<64xi32, #tpu.memory_space<vmem>>) semaphore(%arg19 : memref<!tpu.dma_semaphore, #tpu.memory_space<semaphore_mem>>) {add = true}
      %get3A_663 = arith.constant 9 : i32
      %get3A_664 = arith.index_cast %get3A_663 : i32 to index
      %get3A_665 = arith.constant 0 : index
      %get3A_666 = tpu.vector_load %arg10[%get3A_664, %get3A_665] {strides = array<i32>} : memref<16x64xi32, #tpu.memory_space<vmem>>, vector<16xi32>,
      %get3A_667 = arith.constant 9 : i32
      %get3A_668 = arith.index_cast %get3A_667 : i32 to index
      %get3A_669 = arith.constant 0 : index
      %get3A_670 = tpu.vector_load %arg9[%get3A_668, %get3A_669] {strides = array<i32>} : memref<16x64xi32, #tpu.memory_space<vmem>>, vector<16xi32>,
      %gather3A_671 = tpu.vector_load_idx %arg14[%get3A_670] : memref<10016xf32, #tpu.memory_space<vmem>>[vector<16xi32>], vector<16xf32>,
      tpu.vector_store_idx %arg15[%get3A_666], %gather3A_671 {add = true} : memref<10240xf32, #tpu.memory_space<vmem>>[vector<16xi32>], vector<16xf32>,
      %get3A_672 = arith.constant 9 : i32
      %get3A_673 = arith.index_cast %get3A_672 : i32 to index
      %get3A_674 = arith.constant 16 : index
      %get3A_675 = tpu.vector_load %arg10[%get3A_673, %get3A_674] {strides = array<i32>} : memref<16x64xi32, #tpu.memory_space<vmem>>, vector<16xi32>,
      %get3A_676 = arith.constant 9 : i32
      %get3A_677 = arith.index_cast %get3A_676 : i32 to index
      %get3A_678 = arith.constant 16 : index
      %get3A_679 = tpu.vector_load %arg9[%get3A_677, %get3A_678] {strides = array<i32>} : memref<16x64xi32, #tpu.memory_space<vmem>>, vector<16xi32>,
      %gather3A_680 = tpu.vector_load_idx %arg14[%get3A_679] : memref<10016xf32, #tpu.memory_space<vmem>>[vector<16xi32>], vector<16xf32>,
      tpu.vector_store_idx %arg15[%get3A_675], %gather3A_680 {add = true} : memref<10240xf32, #tpu.memory_space<vmem>>[vector<16xi32>], vector<16xf32>,
      %get3A_681 = arith.constant 9 : i32
      %get3A_682 = arith.index_cast %get3A_681 : i32 to index
      %get3A_683 = arith.constant 32 : index
      %get3A_684 = tpu.vector_load %arg10[%get3A_682, %get3A_683] {strides = array<i32>} : memref<16x64xi32, #tpu.memory_space<vmem>>, vector<16xi32>,
      %get3A_685 = arith.constant 9 : i32
      %get3A_686 = arith.index_cast %get3A_685 : i32 to index
      %get3A_687 = arith.constant 32 : index
      %get3A_688 = tpu.vector_load %arg9[%get3A_686, %get3A_687] {strides = array<i32>} : memref<16x64xi32, #tpu.memory_space<vmem>>, vector<16xi32>,
      %gather3A_689 = tpu.vector_load_idx %arg14[%get3A_688] : memref<10016xf32, #tpu.memory_space<vmem>>[vector<16xi32>], vector<16xf32>,
      tpu.vector_store_idx %arg15[%get3A_684], %gather3A_689 {add = true} : memref<10240xf32, #tpu.memory_space<vmem>>[vector<16xi32>], vector<16xf32>,
      %get3A_690 = arith.constant 9 : i32
      %get3A_691 = arith.index_cast %get3A_690 : i32 to index
      %get3A_692 = arith.constant 48 : index
      %get3A_693 = tpu.vector_load %arg10[%get3A_691, %get3A_692] {strides = array<i32>} : memref<16x64xi32, #tpu.memory_space<vmem>>, vector<16xi32>,
      %get3A_694 = arith.constant 9 : i32
      %get3A_695 = arith.index_cast %get3A_694 : i32 to index
      %get3A_696 = arith.constant 48 : index
      %get3A_697 = tpu.vector_load %arg9[%get3A_695, %get3A_696] {strides = array<i32>} : memref<16x64xi32, #tpu.memory_space<vmem>>, vector<16xi32>,
      %gather3A_698 = tpu.vector_load_idx %arg14[%get3A_697] : memref<10016xf32, #tpu.memory_space<vmem>>[vector<16xi32>], vector<16xf32>,
      tpu.vector_store_idx %arg15[%get3A_693], %gather3A_698 {add = true} : memref<10240xf32, #tpu.memory_space<vmem>>[vector<16xi32>], vector<16xf32>,
      %dma_wait3A_699 = arith.constant 8 : i32
      %dma_wait3A_700 = arith.constant 0 : i32
      %dma_wait3A_701 = tpu.memref_slice %arg10[%dma_wait3A_699, %dma_wait3A_700] : memref<16x64xi32, #tpu.memory_space<vmem>> -> memref<1x64xi32, #tpu.memory_space<vmem>>
      %dma_wait3A_702 = tpu.memref_squeeze %dma_wait3A_701 : memref<1x64xi32, #tpu.memory_space<vmem>> -> memref<64xi32, #tpu.memory_space<vmem>>
      %dma_wait3A_703 = arith.constant 0 : i32
      %dma_wait3A_704 = arith.constant 0 : i32
      %dma_wait3A_705 = tpu.memref_slice %arg8[%dma_wait3A_703, %dma_wait3A_704] : memref<10240x128xf32, #tpu.memory_space<vmem_shared>> -> memref<10240x128xf32, #tpu.memory_space<vmem_shared>>
      tpu.wait_indirect_dma semaphore(%arg21 : memref<!tpu.dma_semaphore, #tpu.memory_space<semaphore_mem>>) src(%arg13 : memref<64x128xf32, #tpu.memory_space<vmem>>) dst(%dma_wait3A_705 : memref<10240x128xf32, #tpu.memory_space<vmem_shared>>)
      %dma_start3A_706 = arith.constant 11 : i32
      %dma_start3A_707 = arith.constant 0 : i32
      %dma_start3A_708 = tpu.memref_slice %arg9[%dma_start3A_706, %dma_start3A_707] : memref<16x64xi32, #tpu.memory_space<vmem>> -> memref<1x64xi32, #tpu.memory_space<vmem>>
      %dma_start3A_709 = tpu.memref_squeeze %dma_start3A_708 : memref<1x64xi32, #tpu.memory_space<vmem>> -> memref<64xi32, #tpu.memory_space<vmem>>
      %dma_start3A_710 = arith.constant 0 : i32
      %dma_start3A_711 = arith.constant 0 : i32
      %dma_start3A_712 = tpu.memref_slice %arg2[%dma_start3A_710, %dma_start3A_711] : memref<10240x128xf32, #tpu.memory_space<hbm>> -> memref<10240x128xf32, #tpu.memory_space<hbm>>
      tpu.enqueue_indirect_dma source(%dma_start3A_712 : memref<10240x128xf32, #tpu.memory_space<hbm>>) target(%arg13 : memref<64x128xf32, #tpu.memory_space<vmem>>) offsets(%dma_start3A_709 : memref<64xi32, #tpu.memory_space<vmem>>) semaphore(%arg18 : memref<!tpu.dma_semaphore, #tpu.memory_space<semaphore_mem>>)
      %dma_wait3A_713 = arith.constant 10 : i32
      %dma_wait3A_714 = arith.constant 0 : i32
      %dma_wait3A_715 = tpu.memref_slice %arg9[%dma_wait3A_713, %dma_wait3A_714] : memref<16x64xi32, #tpu.memory_space<vmem>> -> memref<1x64xi32, #tpu.memory_space<vmem>>
      %dma_wait3A_716 = tpu.memref_squeeze %dma_wait3A_715 : memref<1x64xi32, #tpu.memory_space<vmem>> -> memref<64xi32, #tpu.memory_space<vmem>>
      %dma_wait3A_717 = arith.constant 0 : i32
      %dma_wait3A_718 = arith.constant 0 : i32
      %dma_wait3A_719 = tpu.memref_slice %arg2[%dma_wait3A_717, %dma_wait3A_718] : memref<10240x128xf32, #tpu.memory_space<hbm>> -> memref<10240x128xf32, #tpu.memory_space<hbm>>
      tpu.wait_indirect_dma semaphore(%arg17 : memref<!tpu.dma_semaphore, #tpu.memory_space<semaphore_mem>>) src(%dma_wait3A_719 : memref<10240x128xf32, #tpu.memory_space<hbm>>) dst(%arg12 : memref<64x128xf32, #tpu.memory_space<vmem>>)
      %dma_start3A_720 = arith.constant 10 : i32
      %dma_start3A_721 = arith.constant 0 : i32
      %dma_start3A_722 = tpu.memref_slice %arg10[%dma_start3A_720, %dma_start3A_721] : memref<16x64xi32, #tpu.memory_space<vmem>> -> memref<1x64xi32, #tpu.memory_space<vmem>>
      %dma_start3A_723 = tpu.memref_squeeze %dma_start3A_722 : memref<1x64xi32, #tpu.memory_space<vmem>> -> memref<64xi32, #tpu.memory_space<vmem>>
      %dma_start3A_724 = arith.constant 0 : i32
      %dma_start3A_725 = arith.constant 0 : i32
      %dma_start3A_726 = tpu.memref_slice %arg8[%dma_start3A_724, %dma_start3A_725] : memref<10240x128xf32, #tpu.memory_space<vmem_shared>> -> memref<10240x128xf32, #tpu.memory_space<vmem_shared>>
      tpu.enqueue_indirect_dma source(%arg12 : memref<64x128xf32, #tpu.memory_space<vmem>>) target(%dma_start3A_726 : memref<10240x128xf32, #tpu.memory_space<vmem_shared>>) offsets(%dma_start3A_723 : memref<64xi32, #tpu.memory_space<vmem>>) semaphore(%arg20 : memref<!tpu.dma_semaphore, #tpu.memory_space<semaphore_mem>>) {add = true}
      %get3A_727 = arith.constant 10 : i32
      %get3A_728 = arith.index_cast %get3A_727 : i32 to index
      %get3A_729 = arith.constant 0 : index
      %get3A_730 = tpu.vector_load %arg10[%get3A_728, %get3A_729] {strides = array<i32>} : memref<16x64xi32, #tpu.memory_space<vmem>>, vector<16xi32>,
      %get3A_731 = arith.constant 10 : i32
      %get3A_732 = arith.index_cast %get3A_731 : i32 to index
      %get3A_733 = arith.constant 0 : index
      %get3A_734 = tpu.vector_load %arg9[%get3A_732, %get3A_733] {strides = array<i32>} : memref<16x64xi32, #tpu.memory_space<vmem>>, vector<16xi32>,
      %gather3A_735 = tpu.vector_load_idx %arg14[%get3A_734] : memref<10016xf32, #tpu.memory_space<vmem>>[vector<16xi32>], vector<16xf32>,
      tpu.vector_store_idx %arg15[%get3A_730], %gather3A_735 {add = true} : memref<10240xf32, #tpu.memory_space<vmem>>[vector<16xi32>], vector<16xf32>,
      %get3A_736 = arith.constant 10 : i32
      %get3A_737 = arith.index_cast %get3A_736 : i32 to index
      %get3A_738 = arith.constant 16 : index
      %get3A_739 = tpu.vector_load %arg10[%get3A_737, %get3A_738] {strides = array<i32>} : memref<16x64xi32, #tpu.memory_space<vmem>>, vector<16xi32>,
      %get3A_740 = arith.constant 10 : i32
      %get3A_741 = arith.index_cast %get3A_740 : i32 to index
      %get3A_742 = arith.constant 16 : index
      %get3A_743 = tpu.vector_load %arg9[%get3A_741, %get3A_742] {strides = array<i32>} : memref<16x64xi32, #tpu.memory_space<vmem>>, vector<16xi32>,
      %gather3A_744 = tpu.vector_load_idx %arg14[%get3A_743] : memref<10016xf32, #tpu.memory_space<vmem>>[vector<16xi32>], vector<16xf32>,
      tpu.vector_store_idx %arg15[%get3A_739], %gather3A_744 {add = true} : memref<10240xf32, #tpu.memory_space<vmem>>[vector<16xi32>], vector<16xf32>,
      %get3A_745 = arith.constant 10 : i32
      %get3A_746 = arith.index_cast %get3A_745 : i32 to index
      %get3A_747 = arith.constant 32 : index
      %get3A_748 = tpu.vector_load %arg10[%get3A_746, %get3A_747] {strides = array<i32>} : memref<16x64xi32, #tpu.memory_space<vmem>>, vector<16xi32>,
      %get3A_749 = arith.constant 10 : i32
      %get3A_750 = arith.index_cast %get3A_749 : i32 to index
      %get3A_751 = arith.constant 32 : index
      %get3A_752 = tpu.vector_load %arg9[%get3A_750, %get3A_751] {strides = array<i32>} : memref<16x64xi32, #tpu.memory_space<vmem>>, vector<16xi32>,
      %gather3A_753 = tpu.vector_load_idx %arg14[%get3A_752] : memref<10016xf32, #tpu.memory_space<vmem>>[vector<16xi32>], vector<16xf32>,
      tpu.vector_store_idx %arg15[%get3A_748], %gather3A_753 {add = true} : memref<10240xf32, #tpu.memory_space<vmem>>[vector<16xi32>], vector<16xf32>,
      %get3A_754 = arith.constant 10 : i32
      %get3A_755 = arith.index_cast %get3A_754 : i32 to index
      %get3A_756 = arith.constant 48 : index
      %get3A_757 = tpu.vector_load %arg10[%get3A_755, %get3A_756] {strides = array<i32>} : memref<16x64xi32, #tpu.memory_space<vmem>>, vector<16xi32>,
      %get3A_758 = arith.constant 10 : i32
      %get3A_759 = arith.index_cast %get3A_758 : i32 to index
      %get3A_760 = arith.constant 48 : index
      %get3A_761 = tpu.vector_load %arg9[%get3A_759, %get3A_760] {strides = array<i32>} : memref<16x64xi32, #tpu.memory_space<vmem>>, vector<16xi32>,
      %gather3A_762 = tpu.vector_load_idx %arg14[%get3A_761] : memref<10016xf32, #tpu.memory_space<vmem>>[vector<16xi32>], vector<16xf32>,
      tpu.vector_store_idx %arg15[%get3A_757], %gather3A_762 {add = true} : memref<10240xf32, #tpu.memory_space<vmem>>[vector<16xi32>], vector<16xf32>,
      %dma_wait3A_763 = arith.constant 9 : i32
      %dma_wait3A_764 = arith.constant 0 : i32
      %dma_wait3A_765 = tpu.memref_slice %arg10[%dma_wait3A_763, %dma_wait3A_764] : memref<16x64xi32, #tpu.memory_space<vmem>> -> memref<1x64xi32, #tpu.memory_space<vmem>>
      %dma_wait3A_766 = tpu.memref_squeeze %dma_wait3A_765 : memref<1x64xi32, #tpu.memory_space<vmem>> -> memref<64xi32, #tpu.memory_space<vmem>>
      %dma_wait3A_767 = arith.constant 0 : i32
      %dma_wait3A_768 = arith.constant 0 : i32
      %dma_wait3A_769 = tpu.memref_slice %arg8[%dma_wait3A_767, %dma_wait3A_768] : memref<10240x128xf32, #tpu.memory_space<vmem_shared>> -> memref<10240x128xf32, #tpu.memory_space<vmem_shared>>
      tpu.wait_indirect_dma semaphore(%arg19 : memref<!tpu.dma_semaphore, #tpu.memory_space<semaphore_mem>>) src(%arg11 : memref<64x128xf32, #tpu.memory_space<vmem>>) dst(%dma_wait3A_769 : memref<10240x128xf32, #tpu.memory_space<vmem_shared>>)
      %dma_start3A_770 = arith.constant 12 : i32
      %dma_start3A_771 = arith.constant 0 : i32
      %dma_start3A_772 = tpu.memref_slice %arg9[%dma_start3A_770, %dma_start3A_771] : memref<16x64xi32, #tpu.memory_space<vmem>> -> memref<1x64xi32, #tpu.memory_space<vmem>>
      %dma_start3A_773 = tpu.memref_squeeze %dma_start3A_772 : memref<1x64xi32, #tpu.memory_space<vmem>> -> memref<64xi32, #tpu.memory_space<vmem>>
      %dma_start3A_774 = arith.constant 0 : i32
      %dma_start3A_775 = arith.constant 0 : i32
      %dma_start3A_776 = tpu.memref_slice %arg2[%dma_start3A_774, %dma_start3A_775] : memref<10240x128xf32, #tpu.memory_space<hbm>> -> memref<10240x128xf32, #tpu.memory_space<hbm>>
      tpu.enqueue_indirect_dma source(%dma_start3A_776 : memref<10240x128xf32, #tpu.memory_space<hbm>>) target(%arg11 : memref<64x128xf32, #tpu.memory_space<vmem>>) offsets(%dma_start3A_773 : memref<64xi32, #tpu.memory_space<vmem>>) semaphore(%arg16 : memref<!tpu.dma_semaphore, #tpu.memory_space<semaphore_mem>>)
      %dma_wait3A_777 = arith.constant 11 : i32
      %dma_wait3A_778 = arith.constant 0 : i32
      %dma_wait3A_779 = tpu.memref_slice %arg9[%dma_wait3A_777, %dma_wait3A_778] : memref<16x64xi32, #tpu.memory_space<vmem>> -> memref<1x64xi32, #tpu.memory_space<vmem>>
      %dma_wait3A_780 = tpu.memref_squeeze %dma_wait3A_779 : memref<1x64xi32, #tpu.memory_space<vmem>> -> memref<64xi32, #tpu.memory_space<vmem>>
      %dma_wait3A_781 = arith.constant 0 : i32
      %dma_wait3A_782 = arith.constant 0 : i32
      %dma_wait3A_783 = tpu.memref_slice %arg2[%dma_wait3A_781, %dma_wait3A_782] : memref<10240x128xf32, #tpu.memory_space<hbm>> -> memref<10240x128xf32, #tpu.memory_space<hbm>>
      tpu.wait_indirect_dma semaphore(%arg18 : memref<!tpu.dma_semaphore, #tpu.memory_space<semaphore_mem>>) src(%dma_wait3A_783 : memref<10240x128xf32, #tpu.memory_space<hbm>>) dst(%arg13 : memref<64x128xf32, #tpu.memory_space<vmem>>)
      %dma_start3A_784 = arith.constant 11 : i32
      %dma_start3A_785 = arith.constant 0 : i32
      %dma_start3A_786 = tpu.memref_slice %arg10[%dma_start3A_784, %dma_start3A_785] : memref<16x64xi32, #tpu.memory_space<vmem>> -> memref<1x64xi32, #tpu.memory_space<vmem>>
      %dma_start3A_787 = tpu.memref_squeeze %dma_start3A_786 : memref<1x64xi32, #tpu.memory_space<vmem>> -> memref<64xi32, #tpu.memory_space<vmem>>
      %dma_start3A_788 = arith.constant 0 : i32
      %dma_start3A_789 = arith.constant 0 : i32
      %dma_start3A_790 = tpu.memref_slice %arg8[%dma_start3A_788, %dma_start3A_789] : memref<10240x128xf32, #tpu.memory_space<vmem_shared>> -> memref<10240x128xf32, #tpu.memory_space<vmem_shared>>
      tpu.enqueue_indirect_dma source(%arg13 : memref<64x128xf32, #tpu.memory_space<vmem>>) target(%dma_start3A_790 : memref<10240x128xf32, #tpu.memory_space<vmem_shared>>) offsets(%dma_start3A_787 : memref<64xi32, #tpu.memory_space<vmem>>) semaphore(%arg21 : memref<!tpu.dma_semaphore, #tpu.memory_space<semaphore_mem>>) {add = true}
      %get3A_791 = arith.constant 11 : i32
      %get3A_792 = arith.index_cast %get3A_791 : i32 to index
      %get3A_793 = arith.constant 0 : index
      %get3A_794 = tpu.vector_load %arg10[%get3A_792, %get3A_793] {strides = array<i32>} : memref<16x64xi32, #tpu.memory_space<vmem>>, vector<16xi32>,
      %get3A_795 = arith.constant 11 : i32
      %get3A_796 = arith.index_cast %get3A_795 : i32 to index
      %get3A_797 = arith.constant 0 : index
      %get3A_798 = tpu.vector_load %arg9[%get3A_796, %get3A_797] {strides = array<i32>} : memref<16x64xi32, #tpu.memory_space<vmem>>, vector<16xi32>,
      %gather3A_799 = tpu.vector_load_idx %arg14[%get3A_798] : memref<10016xf32, #tpu.memory_space<vmem>>[vector<16xi32>], vector<16xf32>,
      tpu.vector_store_idx %arg15[%get3A_794], %gather3A_799 {add = true} : memref<10240xf32, #tpu.memory_space<vmem>>[vector<16xi32>], vector<16xf32>,
      %get3A_800 = arith.constant 11 : i32
      %get3A_801 = arith.index_cast %get3A_800 : i32 to index
      %get3A_802 = arith.constant 16 : index
      %get3A_803 = tpu.vector_load %arg10[%get3A_801, %get3A_802] {strides = array<i32>} : memref<16x64xi32, #tpu.memory_space<vmem>>, vector<16xi32>,
      %get3A_804 = arith.constant 11 : i32
      %get3A_805 = arith.index_cast %get3A_804 : i32 to index
      %get3A_806 = arith.constant 16 : index
      %get3A_807 = tpu.vector_load %arg9[%get3A_805, %get3A_806] {strides = array<i32>} : memref<16x64xi32, #tpu.memory_space<vmem>>, vector<16xi32>,
      %gather3A_808 = tpu.vector_load_idx %arg14[%get3A_807] : memref<10016xf32, #tpu.memory_space<vmem>>[vector<16xi32>], vector<16xf32>,
      tpu.vector_store_idx %arg15[%get3A_803], %gather3A_808 {add = true} : memref<10240xf32, #tpu.memory_space<vmem>>[vector<16xi32>], vector<16xf32>,
      %get3A_809 = arith.constant 11 : i32
      %get3A_810 = arith.index_cast %get3A_809 : i32 to index
      %get3A_811 = arith.constant 32 : index
      %get3A_812 = tpu.vector_load %arg10[%get3A_810, %get3A_811] {strides = array<i32>} : memref<16x64xi32, #tpu.memory_space<vmem>>, vector<16xi32>,
      %get3A_813 = arith.constant 11 : i32
      %get3A_814 = arith.index_cast %get3A_813 : i32 to index
      %get3A_815 = arith.constant 32 : index
      %get3A_816 = tpu.vector_load %arg9[%get3A_814, %get3A_815] {strides = array<i32>} : memref<16x64xi32, #tpu.memory_space<vmem>>, vector<16xi32>,
      %gather3A_817 = tpu.vector_load_idx %arg14[%get3A_816] : memref<10016xf32, #tpu.memory_space<vmem>>[vector<16xi32>], vector<16xf32>,
      tpu.vector_store_idx %arg15[%get3A_812], %gather3A_817 {add = true} : memref<10240xf32, #tpu.memory_space<vmem>>[vector<16xi32>], vector<16xf32>,
      %get3A_818 = arith.constant 11 : i32
      %get3A_819 = arith.index_cast %get3A_818 : i32 to index
      %get3A_820 = arith.constant 48 : index
      %get3A_821 = tpu.vector_load %arg10[%get3A_819, %get3A_820] {strides = array<i32>} : memref<16x64xi32, #tpu.memory_space<vmem>>, vector<16xi32>,
      %get3A_822 = arith.constant 11 : i32
      %get3A_823 = arith.index_cast %get3A_822 : i32 to index
      %get3A_824 = arith.constant 48 : index
      %get3A_825 = tpu.vector_load %arg9[%get3A_823, %get3A_824] {strides = array<i32>} : memref<16x64xi32, #tpu.memory_space<vmem>>, vector<16xi32>,
      %gather3A_826 = tpu.vector_load_idx %arg14[%get3A_825] : memref<10016xf32, #tpu.memory_space<vmem>>[vector<16xi32>], vector<16xf32>,
      tpu.vector_store_idx %arg15[%get3A_821], %gather3A_826 {add = true} : memref<10240xf32, #tpu.memory_space<vmem>>[vector<16xi32>], vector<16xf32>,
      %dma_wait3A_827 = arith.constant 10 : i32
      %dma_wait3A_828 = arith.constant 0 : i32
      %dma_wait3A_829 = tpu.memref_slice %arg10[%dma_wait3A_827, %dma_wait3A_828] : memref<16x64xi32, #tpu.memory_space<vmem>> -> memref<1x64xi32, #tpu.memory_space<vmem>>
      %dma_wait3A_830 = tpu.memref_squeeze %dma_wait3A_829 : memref<1x64xi32, #tpu.memory_space<vmem>> -> memref<64xi32, #tpu.memory_space<vmem>>
      %dma_wait3A_831 = arith.constant 0 : i32
      %dma_wait3A_832 = arith.constant 0 : i32
      %dma_wait3A_833 = tpu.memref_slice %arg8[%dma_wait3A_831, %dma_wait3A_832] : memref<10240x128xf32, #tpu.memory_space<vmem_shared>> -> memref<10240x128xf32, #tpu.memory_space<vmem_shared>>
      tpu.wait_indirect_dma semaphore(%arg20 : memref<!tpu.dma_semaphore, #tpu.memory_space<semaphore_mem>>) src(%arg12 : memref<64x128xf32, #tpu.memory_space<vmem>>) dst(%dma_wait3A_833 : memref<10240x128xf32, #tpu.memory_space<vmem_shared>>)
      %dma_start3A_834 = arith.constant 13 : i32
      %dma_start3A_835 = arith.constant 0 : i32
      %dma_start3A_836 = tpu.memref_slice %arg9[%dma_start3A_834, %dma_start3A_835] : memref<16x64xi32, #tpu.memory_space<vmem>> -> memref<1x64xi32, #tpu.memory_space<vmem>>
      %dma_start3A_837 = tpu.memref_squeeze %dma_start3A_836 : memref<1x64xi32, #tpu.memory_space<vmem>> -> memref<64xi32, #tpu.memory_space<vmem>>
      %dma_start3A_838 = arith.constant 0 : i32
      %dma_start3A_839 = arith.constant 0 : i32
      %dma_start3A_840 = tpu.memref_slice %arg2[%dma_start3A_838, %dma_start3A_839] : memref<10240x128xf32, #tpu.memory_space<hbm>> -> memref<10240x128xf32, #tpu.memory_space<hbm>>
      tpu.enqueue_indirect_dma source(%dma_start3A_840 : memref<10240x128xf32, #tpu.memory_space<hbm>>) target(%arg12 : memref<64x128xf32, #tpu.memory_space<vmem>>) offsets(%dma_start3A_837 : memref<64xi32, #tpu.memory_space<vmem>>) semaphore(%arg17 : memref<!tpu.dma_semaphore, #tpu.memory_space<semaphore_mem>>)
      %dma_wait3A_841 = arith.constant 12 : i32
      %dma_wait3A_842 = arith.constant 0 : i32
      %dma_wait3A_843 = tpu.memref_slice %arg9[%dma_wait3A_841, %dma_wait3A_842] : memref<16x64xi32, #tpu.memory_space<vmem>> -> memref<1x64xi32, #tpu.memory_space<vmem>>
      %dma_wait3A_844 = tpu.memref_squeeze %dma_wait3A_843 : memref<1x64xi32, #tpu.memory_space<vmem>> -> memref<64xi32, #tpu.memory_space<vmem>>
      %dma_wait3A_845 = arith.constant 0 : i32
      %dma_wait3A_846 = arith.constant 0 : i32
      %dma_wait3A_847 = tpu.memref_slice %arg2[%dma_wait3A_845, %dma_wait3A_846] : memref<10240x128xf32, #tpu.memory_space<hbm>> -> memref<10240x128xf32, #tpu.memory_space<hbm>>
      tpu.wait_indirect_dma semaphore(%arg16 : memref<!tpu.dma_semaphore, #tpu.memory_space<semaphore_mem>>) src(%dma_wait3A_847 : memref<10240x128xf32, #tpu.memory_space<hbm>>) dst(%arg11 : memref<64x128xf32, #tpu.memory_space<vmem>>)
      %dma_start3A_848 = arith.constant 12 : i32
      %dma_start3A_849 = arith.constant 0 : i32
      %dma_start3A_850 = tpu.memref_slice %arg10[%dma_start3A_848, %dma_start3A_849] : memref<16x64xi32, #tpu.memory_space<vmem>> -> memref<1x64xi32, #tpu.memory_space<vmem>>
      %dma_start3A_851 = tpu.memref_squeeze %dma_start3A_850 : memref<1x64xi32, #tpu.memory_space<vmem>> -> memref<64xi32, #tpu.memory_space<vmem>>
      %dma_start3A_852 = arith.constant 0 : i32
      %dma_start3A_853 = arith.constant 0 : i32
      %dma_start3A_854 = tpu.memref_slice %arg8[%dma_start3A_852, %dma_start3A_853] : memref<10240x128xf32, #tpu.memory_space<vmem_shared>> -> memref<10240x128xf32, #tpu.memory_space<vmem_shared>>
      tpu.enqueue_indirect_dma source(%arg11 : memref<64x128xf32, #tpu.memory_space<vmem>>) target(%dma_start3A_854 : memref<10240x128xf32, #tpu.memory_space<vmem_shared>>) offsets(%dma_start3A_851 : memref<64xi32, #tpu.memory_space<vmem>>) semaphore(%arg19 : memref<!tpu.dma_semaphore, #tpu.memory_space<semaphore_mem>>) {add = true}
      %get3A_855 = arith.constant 12 : i32
      %get3A_856 = arith.index_cast %get3A_855 : i32 to index
      %get3A_857 = arith.constant 0 : index
      %get3A_858 = tpu.vector_load %arg10[%get3A_856, %get3A_857] {strides = array<i32>} : memref<16x64xi32, #tpu.memory_space<vmem>>, vector<16xi32>,
      %get3A_859 = arith.constant 12 : i32
      %get3A_860 = arith.index_cast %get3A_859 : i32 to index
      %get3A_861 = arith.constant 0 : index
      %get3A_862 = tpu.vector_load %arg9[%get3A_860, %get3A_861] {strides = array<i32>} : memref<16x64xi32, #tpu.memory_space<vmem>>, vector<16xi32>,
      %gather3A_863 = tpu.vector_load_idx %arg14[%get3A_862] : memref<10016xf32, #tpu.memory_space<vmem>>[vector<16xi32>], vector<16xf32>,
      tpu.vector_store_idx %arg15[%get3A_858], %gather3A_863 {add = true} : memref<10240xf32, #tpu.memory_space<vmem>>[vector<16xi32>], vector<16xf32>,
      %get3A_864 = arith.constant 12 : i32
      %get3A_865 = arith.index_cast %get3A_864 : i32 to index
      %get3A_866 = arith.constant 16 : index
      %get3A_867 = tpu.vector_load %arg10[%get3A_865, %get3A_866] {strides = array<i32>} : memref<16x64xi32, #tpu.memory_space<vmem>>, vector<16xi32>,
      %get3A_868 = arith.constant 12 : i32
      %get3A_869 = arith.index_cast %get3A_868 : i32 to index
      %get3A_870 = arith.constant 16 : index
      %get3A_871 = tpu.vector_load %arg9[%get3A_869, %get3A_870] {strides = array<i32>} : memref<16x64xi32, #tpu.memory_space<vmem>>, vector<16xi32>,
      %gather3A_872 = tpu.vector_load_idx %arg14[%get3A_871] : memref<10016xf32, #tpu.memory_space<vmem>>[vector<16xi32>], vector<16xf32>,
      tpu.vector_store_idx %arg15[%get3A_867], %gather3A_872 {add = true} : memref<10240xf32, #tpu.memory_space<vmem>>[vector<16xi32>], vector<16xf32>,
      %get3A_873 = arith.constant 12 : i32
      %get3A_874 = arith.index_cast %get3A_873 : i32 to index
      %get3A_875 = arith.constant 32 : index
      %get3A_876 = tpu.vector_load %arg10[%get3A_874, %get3A_875] {strides = array<i32>} : memref<16x64xi32, #tpu.memory_space<vmem>>, vector<16xi32>,
      %get3A_877 = arith.constant 12 : i32
      %get3A_878 = arith.index_cast %get3A_877 : i32 to index
      %get3A_879 = arith.constant 32 : index
      %get3A_880 = tpu.vector_load %arg9[%get3A_878, %get3A_879] {strides = array<i32>} : memref<16x64xi32, #tpu.memory_space<vmem>>, vector<16xi32>,
      %gather3A_881 = tpu.vector_load_idx %arg14[%get3A_880] : memref<10016xf32, #tpu.memory_space<vmem>>[vector<16xi32>], vector<16xf32>,
      tpu.vector_store_idx %arg15[%get3A_876], %gather3A_881 {add = true} : memref<10240xf32, #tpu.memory_space<vmem>>[vector<16xi32>], vector<16xf32>,
      %get3A_882 = arith.constant 12 : i32
      %get3A_883 = arith.index_cast %get3A_882 : i32 to index
      %get3A_884 = arith.constant 48 : index
      %get3A_885 = tpu.vector_load %arg10[%get3A_883, %get3A_884] {strides = array<i32>} : memref<16x64xi32, #tpu.memory_space<vmem>>, vector<16xi32>,
      %get3A_886 = arith.constant 12 : i32
      %get3A_887 = arith.index_cast %get3A_886 : i32 to index
      %get3A_888 = arith.constant 48 : index
      %get3A_889 = tpu.vector_load %arg9[%get3A_887, %get3A_888] {strides = array<i32>} : memref<16x64xi32, #tpu.memory_space<vmem>>, vector<16xi32>,
      %gather3A_890 = tpu.vector_load_idx %arg14[%get3A_889] : memref<10016xf32, #tpu.memory_space<vmem>>[vector<16xi32>], vector<16xf32>,
      tpu.vector_store_idx %arg15[%get3A_885], %gather3A_890 {add = true} : memref<10240xf32, #tpu.memory_space<vmem>>[vector<16xi32>], vector<16xf32>,
      %dma_wait3A_891 = arith.constant 11 : i32
      %dma_wait3A_892 = arith.constant 0 : i32
      %dma_wait3A_893 = tpu.memref_slice %arg10[%dma_wait3A_891, %dma_wait3A_892] : memref<16x64xi32, #tpu.memory_space<vmem>> -> memref<1x64xi32, #tpu.memory_space<vmem>>
      %dma_wait3A_894 = tpu.memref_squeeze %dma_wait3A_893 : memref<1x64xi32, #tpu.memory_space<vmem>> -> memref<64xi32, #tpu.memory_space<vmem>>
      %dma_wait3A_895 = arith.constant 0 : i32
      %dma_wait3A_896 = arith.constant 0 : i32
      %dma_wait3A_897 = tpu.memref_slice %arg8[%dma_wait3A_895, %dma_wait3A_896] : memref<10240x128xf32, #tpu.memory_space<vmem_shared>> -> memref<10240x128xf32, #tpu.memory_space<vmem_shared>>
      tpu.wait_indirect_dma semaphore(%arg21 : memref<!tpu.dma_semaphore, #tpu.memory_space<semaphore_mem>>) src(%arg13 : memref<64x128xf32, #tpu.memory_space<vmem>>) dst(%dma_wait3A_897 : memref<10240x128xf32, #tpu.memory_space<vmem_shared>>)
      %dma_start3A_898 = arith.constant 14 : i32
      %dma_start3A_899 = arith.constant 0 : i32
      %dma_start3A_900 = tpu.memref_slice %arg9[%dma_start3A_898, %dma_start3A_899] : memref<16x64xi32, #tpu.memory_space<vmem>> -> memref<1x64xi32, #tpu.memory_space<vmem>>
      %dma_start3A_901 = tpu.memref_squeeze %dma_start3A_900 : memref<1x64xi32, #tpu.memory_space<vmem>> -> memref<64xi32, #tpu.memory_space<vmem>>
      %dma_start3A_902 = arith.constant 0 : i32
      %dma_start3A_903 = arith.constant 0 : i32
      %dma_start3A_904 = tpu.memref_slice %arg2[%dma_start3A_902, %dma_start3A_903] : memref<10240x128xf32, #tpu.memory_space<hbm>> -> memref<10240x128xf32, #tpu.memory_space<hbm>>
      tpu.enqueue_indirect_dma source(%dma_start3A_904 : memref<10240x128xf32, #tpu.memory_space<hbm>>) target(%arg13 : memref<64x128xf32, #tpu.memory_space<vmem>>) offsets(%dma_start3A_901 : memref<64xi32, #tpu.memory_space<vmem>>) semaphore(%arg18 : memref<!tpu.dma_semaphore, #tpu.memory_space<semaphore_mem>>)
      %dma_wait3A_905 = arith.constant 13 : i32
      %dma_wait3A_906 = arith.constant 0 : i32
      %dma_wait3A_907 = tpu.memref_slice %arg9[%dma_wait3A_905, %dma_wait3A_906] : memref<16x64xi32, #tpu.memory_space<vmem>> -> memref<1x64xi32, #tpu.memory_space<vmem>>
      %dma_wait3A_908 = tpu.memref_squeeze %dma_wait3A_907 : memref<1x64xi32, #tpu.memory_space<vmem>> -> memref<64xi32, #tpu.memory_space<vmem>>
      %dma_wait3A_909 = arith.constant 0 : i32
      %dma_wait3A_910 = arith.constant 0 : i32
      %dma_wait3A_911 = tpu.memref_slice %arg2[%dma_wait3A_909, %dma_wait3A_910] : memref<10240x128xf32, #tpu.memory_space<hbm>> -> memref<10240x128xf32, #tpu.memory_space<hbm>>
      tpu.wait_indirect_dma semaphore(%arg17 : memref<!tpu.dma_semaphore, #tpu.memory_space<semaphore_mem>>) src(%dma_wait3A_911 : memref<10240x128xf32, #tpu.memory_space<hbm>>) dst(%arg12 : memref<64x128xf32, #tpu.memory_space<vmem>>)
      %dma_start3A_912 = arith.constant 13 : i32
      %dma_start3A_913 = arith.constant 0 : i32
      %dma_start3A_914 = tpu.memref_slice %arg10[%dma_start3A_912, %dma_start3A_913] : memref<16x64xi32, #tpu.memory_space<vmem>> -> memref<1x64xi32, #tpu.memory_space<vmem>>
      %dma_start3A_915 = tpu.memref_squeeze %dma_start3A_914 : memref<1x64xi32, #tpu.memory_space<vmem>> -> memref<64xi32, #tpu.memory_space<vmem>>
      %dma_start3A_916 = arith.constant 0 : i32
      %dma_start3A_917 = arith.constant 0 : i32
      %dma_start3A_918 = tpu.memref_slice %arg8[%dma_start3A_916, %dma_start3A_917] : memref<10240x128xf32, #tpu.memory_space<vmem_shared>> -> memref<10240x128xf32, #tpu.memory_space<vmem_shared>>
      tpu.enqueue_indirect_dma source(%arg12 : memref<64x128xf32, #tpu.memory_space<vmem>>) target(%dma_start3A_918 : memref<10240x128xf32, #tpu.memory_space<vmem_shared>>) offsets(%dma_start3A_915 : memref<64xi32, #tpu.memory_space<vmem>>) semaphore(%arg20 : memref<!tpu.dma_semaphore, #tpu.memory_space<semaphore_mem>>) {add = true}
      %get3A_919 = arith.constant 13 : i32
      %get3A_920 = arith.index_cast %get3A_919 : i32 to index
      %get3A_921 = arith.constant 0 : index
      %get3A_922 = tpu.vector_load %arg10[%get3A_920, %get3A_921] {strides = array<i32>} : memref<16x64xi32, #tpu.memory_space<vmem>>, vector<16xi32>,
      %get3A_923 = arith.constant 13 : i32
      %get3A_924 = arith.index_cast %get3A_923 : i32 to index
      %get3A_925 = arith.constant 0 : index
      %get3A_926 = tpu.vector_load %arg9[%get3A_924, %get3A_925] {strides = array<i32>} : memref<16x64xi32, #tpu.memory_space<vmem>>, vector<16xi32>,
      %gather3A_927 = tpu.vector_load_idx %arg14[%get3A_926] : memref<10016xf32, #tpu.memory_space<vmem>>[vector<16xi32>], vector<16xf32>,
      tpu.vector_store_idx %arg15[%get3A_922], %gather3A_927 {add = true} : memref<10240xf32, #tpu.memory_space<vmem>>[vector<16xi32>], vector<16xf32>,
      %get3A_928 = arith.constant 13 : i32
      %get3A_929 = arith.index_cast %get3A_928 : i32 to index
      %get3A_930 = arith.constant 16 : index
      %get3A_931 = tpu.vector_load %arg10[%get3A_929, %get3A_930] {strides = array<i32>} : memref<16x64xi32, #tpu.memory_space<vmem>>, vector<16xi32>,
      %get3A_932 = arith.constant 13 : i32
      %get3A_933 = arith.index_cast %get3A_932 : i32 to index
      %get3A_934 = arith.constant 16 : index
      %get3A_935 = tpu.vector_load %arg9[%get3A_933, %get3A_934] {strides = array<i32>} : memref<16x64xi32, #tpu.memory_space<vmem>>, vector<16xi32>,
      %gather3A_936 = tpu.vector_load_idx %arg14[%get3A_935] : memref<10016xf32, #tpu.memory_space<vmem>>[vector<16xi32>], vector<16xf32>,
      tpu.vector_store_idx %arg15[%get3A_931], %gather3A_936 {add = true} : memref<10240xf32, #tpu.memory_space<vmem>>[vector<16xi32>], vector<16xf32>,
      %get3A_937 = arith.constant 13 : i32
      %get3A_938 = arith.index_cast %get3A_937 : i32 to index
      %get3A_939 = arith.constant 32 : index
      %get3A_940 = tpu.vector_load %arg10[%get3A_938, %get3A_939] {strides = array<i32>} : memref<16x64xi32, #tpu.memory_space<vmem>>, vector<16xi32>,
      %get3A_941 = arith.constant 13 : i32
      %get3A_942 = arith.index_cast %get3A_941 : i32 to index
      %get3A_943 = arith.constant 32 : index
      %get3A_944 = tpu.vector_load %arg9[%get3A_942, %get3A_943] {strides = array<i32>} : memref<16x64xi32, #tpu.memory_space<vmem>>, vector<16xi32>,
      %gather3A_945 = tpu.vector_load_idx %arg14[%get3A_944] : memref<10016xf32, #tpu.memory_space<vmem>>[vector<16xi32>], vector<16xf32>,
      tpu.vector_store_idx %arg15[%get3A_940], %gather3A_945 {add = true} : memref<10240xf32, #tpu.memory_space<vmem>>[vector<16xi32>], vector<16xf32>,
      %get3A_946 = arith.constant 13 : i32
      %get3A_947 = arith.index_cast %get3A_946 : i32 to index
      %get3A_948 = arith.constant 48 : index
      %get3A_949 = tpu.vector_load %arg10[%get3A_947, %get3A_948] {strides = array<i32>} : memref<16x64xi32, #tpu.memory_space<vmem>>, vector<16xi32>,
      %get3A_950 = arith.constant 13 : i32
      %get3A_951 = arith.index_cast %get3A_950 : i32 to index
      %get3A_952 = arith.constant 48 : index
      %get3A_953 = tpu.vector_load %arg9[%get3A_951, %get3A_952] {strides = array<i32>} : memref<16x64xi32, #tpu.memory_space<vmem>>, vector<16xi32>,
      %gather3A_954 = tpu.vector_load_idx %arg14[%get3A_953] : memref<10016xf32, #tpu.memory_space<vmem>>[vector<16xi32>], vector<16xf32>,
      tpu.vector_store_idx %arg15[%get3A_949], %gather3A_954 {add = true} : memref<10240xf32, #tpu.memory_space<vmem>>[vector<16xi32>], vector<16xf32>,
      %dma_wait3A_955 = arith.constant 12 : i32
      %dma_wait3A_956 = arith.constant 0 : i32
      %dma_wait3A_957 = tpu.memref_slice %arg10[%dma_wait3A_955, %dma_wait3A_956] : memref<16x64xi32, #tpu.memory_space<vmem>> -> memref<1x64xi32, #tpu.memory_space<vmem>>
      %dma_wait3A_958 = tpu.memref_squeeze %dma_wait3A_957 : memref<1x64xi32, #tpu.memory_space<vmem>> -> memref<64xi32, #tpu.memory_space<vmem>>
      %dma_wait3A_959 = arith.constant 0 : i32
      %dma_wait3A_960 = arith.constant 0 : i32
      %dma_wait3A_961 = tpu.memref_slice %arg8[%dma_wait3A_959, %dma_wait3A_960] : memref<10240x128xf32, #tpu.memory_space<vmem_shared>> -> memref<10240x128xf32, #tpu.memory_space<vmem_shared>>
      tpu.wait_indirect_dma semaphore(%arg19 : memref<!tpu.dma_semaphore, #tpu.memory_space<semaphore_mem>>) src(%arg11 : memref<64x128xf32, #tpu.memory_space<vmem>>) dst(%dma_wait3A_961 : memref<10240x128xf32, #tpu.memory_space<vmem_shared>>)
      %dma_start3A_962 = arith.constant 15 : i32
      %dma_start3A_963 = arith.constant 0 : i32
      %dma_start3A_964 = tpu.memref_slice %arg9[%dma_start3A_962, %dma_start3A_963] : memref<16x64xi32, #tpu.memory_space<vmem>> -> memref<1x64xi32, #tpu.memory_space<vmem>>
      %dma_start3A_965 = tpu.memref_squeeze %dma_start3A_964 : memref<1x64xi32, #tpu.memory_space<vmem>> -> memref<64xi32, #tpu.memory_space<vmem>>
      %dma_start3A_966 = arith.constant 0 : i32
      %dma_start3A_967 = arith.constant 0 : i32
      %dma_start3A_968 = tpu.memref_slice %arg2[%dma_start3A_966, %dma_start3A_967] : memref<10240x128xf32, #tpu.memory_space<hbm>> -> memref<10240x128xf32, #tpu.memory_space<hbm>>
      tpu.enqueue_indirect_dma source(%dma_start3A_968 : memref<10240x128xf32, #tpu.memory_space<hbm>>) target(%arg11 : memref<64x128xf32, #tpu.memory_space<vmem>>) offsets(%dma_start3A_965 : memref<64xi32, #tpu.memory_space<vmem>>) semaphore(%arg16 : memref<!tpu.dma_semaphore, #tpu.memory_space<semaphore_mem>>)
      %dma_wait3A_969 = arith.constant 14 : i32
      %dma_wait3A_970 = arith.constant 0 : i32
      %dma_wait3A_971 = tpu.memref_slice %arg9[%dma_wait3A_969, %dma_wait3A_970] : memref<16x64xi32, #tpu.memory_space<vmem>> -> memref<1x64xi32, #tpu.memory_space<vmem>>
      %dma_wait3A_972 = tpu.memref_squeeze %dma_wait3A_971 : memref<1x64xi32, #tpu.memory_space<vmem>> -> memref<64xi32, #tpu.memory_space<vmem>>
      %dma_wait3A_973 = arith.constant 0 : i32
      %dma_wait3A_974 = arith.constant 0 : i32
      %dma_wait3A_975 = tpu.memref_slice %arg2[%dma_wait3A_973, %dma_wait3A_974] : memref<10240x128xf32, #tpu.memory_space<hbm>> -> memref<10240x128xf32, #tpu.memory_space<hbm>>
      tpu.wait_indirect_dma semaphore(%arg18 : memref<!tpu.dma_semaphore, #tpu.memory_space<semaphore_mem>>) src(%dma_wait3A_975 : memref<10240x128xf32, #tpu.memory_space<hbm>>) dst(%arg13 : memref<64x128xf32, #tpu.memory_space<vmem>>)
      %dma_start3A_976 = arith.constant 14 : i32
      %dma_start3A_977 = arith.constant 0 : i32
      %dma_start3A_978 = tpu.memref_slice %arg10[%dma_start3A_976, %dma_start3A_977] : memref<16x64xi32, #tpu.memory_space<vmem>> -> memref<1x64xi32, #tpu.memory_space<vmem>>
      %dma_start3A_979 = tpu.memref_squeeze %dma_start3A_978 : memref<1x64xi32, #tpu.memory_space<vmem>> -> memref<64xi32, #tpu.memory_space<vmem>>
      %dma_start3A_980 = arith.constant 0 : i32
      %dma_start3A_981 = arith.constant 0 : i32
      %dma_start3A_982 = tpu.memref_slice %arg8[%dma_start3A_980, %dma_start3A_981] : memref<10240x128xf32, #tpu.memory_space<vmem_shared>> -> memref<10240x128xf32, #tpu.memory_space<vmem_shared>>
      tpu.enqueue_indirect_dma source(%arg13 : memref<64x128xf32, #tpu.memory_space<vmem>>) target(%dma_start3A_982 : memref<10240x128xf32, #tpu.memory_space<vmem_shared>>) offsets(%dma_start3A_979 : memref<64xi32, #tpu.memory_space<vmem>>) semaphore(%arg21 : memref<!tpu.dma_semaphore, #tpu.memory_space<semaphore_mem>>) {add = true}
      %get3A_983 = arith.constant 14 : i32
      %get3A_984 = arith.index_cast %get3A_983 : i32 to index
      %get3A_985 = arith.constant 0 : index
      %get3A_986 = tpu.vector_load %arg10[%get3A_984, %get3A_985] {strides = array<i32>} : memref<16x64xi32, #tpu.memory_space<vmem>>, vector<16xi32>,
      %get3A_987 = arith.constant 14 : i32
      %get3A_988 = arith.index_cast %get3A_987 : i32 to index
      %get3A_989 = arith.constant 0 : index
      %get3A_990 = tpu.vector_load %arg9[%get3A_988, %get3A_989] {strides = array<i32>} : memref<16x64xi32, #tpu.memory_space<vmem>>, vector<16xi32>,
      %gather3A_991 = tpu.vector_load_idx %arg14[%get3A_990] : memref<10016xf32, #tpu.memory_space<vmem>>[vector<16xi32>], vector<16xf32>,
      tpu.vector_store_idx %arg15[%get3A_986], %gather3A_991 {add = true} : memref<10240xf32, #tpu.memory_space<vmem>>[vector<16xi32>], vector<16xf32>,
      %get3A_992 = arith.constant 14 : i32
      %get3A_993 = arith.index_cast %get3A_992 : i32 to index
      %get3A_994 = arith.constant 16 : index
      %get3A_995 = tpu.vector_load %arg10[%get3A_993, %get3A_994] {strides = array<i32>} : memref<16x64xi32, #tpu.memory_space<vmem>>, vector<16xi32>,
      %get3A_996 = arith.constant 14 : i32
      %get3A_997 = arith.index_cast %get3A_996 : i32 to index
      %get3A_998 = arith.constant 16 : index
      %get3A_999 = tpu.vector_load %arg9[%get3A_997, %get3A_998] {strides = array<i32>} : memref<16x64xi32, #tpu.memory_space<vmem>>, vector<16xi32>,
      %gather3A_1000 = tpu.vector_load_idx %arg14[%get3A_999] : memref<10016xf32, #tpu.memory_space<vmem>>[vector<16xi32>], vector<16xf32>,
      tpu.vector_store_idx %arg15[%get3A_995], %gather3A_1000 {add = true} : memref<10240xf32, #tpu.memory_space<vmem>>[vector<16xi32>], vector<16xf32>,
      %get3A_1001 = arith.constant 14 : i32
      %get3A_1002 = arith.index_cast %get3A_1001 : i32 to index
      %get3A_1003 = arith.constant 32 : index
      %get3A_1004 = tpu.vector_load %arg10[%get3A_1002, %get3A_1003] {strides = array<i32>} : memref<16x64xi32, #tpu.memory_space<vmem>>, vector<16xi32>,
      %get3A_1005 = arith.constant 14 : i32
      %get3A_1006 = arith.index_cast %get3A_1005 : i32 to index
      %get3A_1007 = arith.constant 32 : index
      %get3A_1008 = tpu.vector_load %arg9[%get3A_1006, %get3A_1007] {strides = array<i32>} : memref<16x64xi32, #tpu.memory_space<vmem>>, vector<16xi32>,
      %gather3A_1009 = tpu.vector_load_idx %arg14[%get3A_1008] : memref<10016xf32, #tpu.memory_space<vmem>>[vector<16xi32>], vector<16xf32>,
      tpu.vector_store_idx %arg15[%get3A_1004], %gather3A_1009 {add = true} : memref<10240xf32, #tpu.memory_space<vmem>>[vector<16xi32>], vector<16xf32>,
      %get3A_1010 = arith.constant 14 : i32
      %get3A_1011 = arith.index_cast %get3A_1010 : i32 to index
      %get3A_1012 = arith.constant 48 : index
      %get3A_1013 = tpu.vector_load %arg10[%get3A_1011, %get3A_1012] {strides = array<i32>} : memref<16x64xi32, #tpu.memory_space<vmem>>, vector<16xi32>,
      %get3A_1014 = arith.constant 14 : i32
      %get3A_1015 = arith.index_cast %get3A_1014 : i32 to index
      %get3A_1016 = arith.constant 48 : index
      %get3A_1017 = tpu.vector_load %arg9[%get3A_1015, %get3A_1016] {strides = array<i32>} : memref<16x64xi32, #tpu.memory_space<vmem>>, vector<16xi32>,
      %gather3A_1018 = tpu.vector_load_idx %arg14[%get3A_1017] : memref<10016xf32, #tpu.memory_space<vmem>>[vector<16xi32>], vector<16xf32>,
      tpu.vector_store_idx %arg15[%get3A_1013], %gather3A_1018 {add = true} : memref<10240xf32, #tpu.memory_space<vmem>>[vector<16xi32>], vector<16xf32>,
      %dma_wait3A_1019 = arith.constant 13 : i32
      %dma_wait3A_1020 = arith.constant 0 : i32
      %dma_wait3A_1021 = tpu.memref_slice %arg10[%dma_wait3A_1019, %dma_wait3A_1020] : memref<16x64xi32, #tpu.memory_space<vmem>> -> memref<1x64xi32, #tpu.memory_space<vmem>>
      %dma_wait3A_1022 = tpu.memref_squeeze %dma_wait3A_1021 : memref<1x64xi32, #tpu.memory_space<vmem>> -> memref<64xi32, #tpu.memory_space<vmem>>
      %dma_wait3A_1023 = arith.constant 0 : i32
      %dma_wait3A_1024 = arith.constant 0 : i32
      %dma_wait3A_1025 = tpu.memref_slice %arg8[%dma_wait3A_1023, %dma_wait3A_1024] : memref<10240x128xf32, #tpu.memory_space<vmem_shared>> -> memref<10240x128xf32, #tpu.memory_space<vmem_shared>>
      tpu.wait_indirect_dma semaphore(%arg20 : memref<!tpu.dma_semaphore, #tpu.memory_space<semaphore_mem>>) src(%arg12 : memref<64x128xf32, #tpu.memory_space<vmem>>) dst(%dma_wait3A_1025 : memref<10240x128xf32, #tpu.memory_space<vmem_shared>>)
      %dma_wait3A_1026 = arith.constant 15 : i32
      %dma_wait3A_1027 = arith.constant 0 : i32
      %dma_wait3A_1028 = tpu.memref_slice %arg9[%dma_wait3A_1026, %dma_wait3A_1027] : memref<16x64xi32, #tpu.memory_space<vmem>> -> memref<1x64xi32, #tpu.memory_space<vmem>>
      %dma_wait3A_1029 = tpu.memref_squeeze %dma_wait3A_1028 : memref<1x64xi32, #tpu.memory_space<vmem>> -> memref<64xi32, #tpu.memory_space<vmem>>
      %dma_wait3A_1030 = arith.constant 0 : i32
      %dma_wait3A_1031 = arith.constant 0 : i32
      %dma_wait3A_1032 = tpu.memref_slice %arg2[%dma_wait3A_1030, %dma_wait3A_1031] : memref<10240x128xf32, #tpu.memory_space<hbm>> -> memref<10240x128xf32, #tpu.memory_space<hbm>>
      tpu.wait_indirect_dma semaphore(%arg16 : memref<!tpu.dma_semaphore, #tpu.memory_space<semaphore_mem>>) src(%dma_wait3A_1032 : memref<10240x128xf32, #tpu.memory_space<hbm>>) dst(%arg11 : memref<64x128xf32, #tpu.memory_space<vmem>>)
      %dma_start3A_1033 = arith.constant 15 : i32
      %dma_start3A_1034 = arith.constant 0 : i32
      %dma_start3A_1035 = tpu.memref_slice %arg10[%dma_start3A_1033, %dma_start3A_1034] : memref<16x64xi32, #tpu.memory_space<vmem>> -> memref<1x64xi32, #tpu.memory_space<vmem>>
      %dma_start3A_1036 = tpu.memref_squeeze %dma_start3A_1035 : memref<1x64xi32, #tpu.memory_space<vmem>> -> memref<64xi32, #tpu.memory_space<vmem>>
      %dma_start3A_1037 = arith.constant 0 : i32
      %dma_start3A_1038 = arith.constant 0 : i32
      %dma_start3A_1039 = tpu.memref_slice %arg8[%dma_start3A_1037, %dma_start3A_1038] : memref<10240x128xf32, #tpu.memory_space<vmem_shared>> -> memref<10240x128xf32, #tpu.memory_space<vmem_shared>>
      tpu.enqueue_indirect_dma source(%arg11 : memref<64x128xf32, #tpu.memory_space<vmem>>) target(%dma_start3A_1039 : memref<10240x128xf32, #tpu.memory_space<vmem_shared>>) offsets(%dma_start3A_1036 : memref<64xi32, #tpu.memory_space<vmem>>) semaphore(%arg19 : memref<!tpu.dma_semaphore, #tpu.memory_space<semaphore_mem>>) {add = true}
      %get3A_1040 = arith.constant 15 : i32
      %get3A_1041 = arith.index_cast %get3A_1040 : i32 to index
      %get3A_1042 = arith.constant 0 : index
      %get3A_1043 = tpu.vector_load %arg10[%get3A_1041, %get3A_1042] {strides = array<i32>} : memref<16x64xi32, #tpu.memory_space<vmem>>, vector<16xi32>,
      %get3A_1044 = arith.constant 15 : i32
      %get3A_1045 = arith.index_cast %get3A_1044 : i32 to index
      %get3A_1046 = arith.constant 0 : index
      %get3A_1047 = tpu.vector_load %arg9[%get3A_1045, %get3A_1046] {strides = array<i32>} : memref<16x64xi32, #tpu.memory_space<vmem>>, vector<16xi32>,
      %gather3A_1048 = tpu.vector_load_idx %arg14[%get3A_1047] : memref<10016xf32, #tpu.memory_space<vmem>>[vector<16xi32>], vector<16xf32>,
      tpu.vector_store_idx %arg15[%get3A_1043], %gather3A_1048 {add = true} : memref<10240xf32, #tpu.memory_space<vmem>>[vector<16xi32>], vector<16xf32>,
      %get3A_1049 = arith.constant 15 : i32
      %get3A_1050 = arith.index_cast %get3A_1049 : i32 to index
      %get3A_1051 = arith.constant 16 : index
      %get3A_1052 = tpu.vector_load %arg10[%get3A_1050, %get3A_1051] {strides = array<i32>} : memref<16x64xi32, #tpu.memory_space<vmem>>, vector<16xi32>,
      %get3A_1053 = arith.constant 15 : i32
      %get3A_1054 = arith.index_cast %get3A_1053 : i32 to index
      %get3A_1055 = arith.constant 16 : index
      %get3A_1056 = tpu.vector_load %arg9[%get3A_1054, %get3A_1055] {strides = array<i32>} : memref<16x64xi32, #tpu.memory_space<vmem>>, vector<16xi32>,
      %gather3A_1057 = tpu.vector_load_idx %arg14[%get3A_1056] : memref<10016xf32, #tpu.memory_space<vmem>>[vector<16xi32>], vector<16xf32>,
      tpu.vector_store_idx %arg15[%get3A_1052], %gather3A_1057 {add = true} : memref<10240xf32, #tpu.memory_space<vmem>>[vector<16xi32>], vector<16xf32>,
      %get3A_1058 = arith.constant 15 : i32
      %get3A_1059 = arith.index_cast %get3A_1058 : i32 to index
      %get3A_1060 = arith.constant 32 : index
      %get3A_1061 = tpu.vector_load %arg10[%get3A_1059, %get3A_1060] {strides = array<i32>} : memref<16x64xi32, #tpu.memory_space<vmem>>, vector<16xi32>,
      %get3A_1062 = arith.constant 15 : i32
      %get3A_1063 = arith.index_cast %get3A_1062 : i32 to index
      %get3A_1064 = arith.constant 32 : index
      %get3A_1065 = tpu.vector_load %arg9[%get3A_1063, %get3A_1064] {strides = array<i32>} : memref<16x64xi32, #tpu.memory_space<vmem>>, vector<16xi32>,
      %gather3A_1066 = tpu.vector_load_idx %arg14[%get3A_1065] : memref<10016xf32, #tpu.memory_space<vmem>>[vector<16xi32>], vector<16xf32>,
      tpu.vector_store_idx %arg15[%get3A_1061], %gather3A_1066 {add = true} : memref<10240xf32, #tpu.memory_space<vmem>>[vector<16xi32>], vector<16xf32>,
      %get3A_1067 = arith.constant 15 : i32
      %get3A_1068 = arith.index_cast %get3A_1067 : i32 to index
      %get3A_1069 = arith.constant 48 : index
      %get3A_1070 = tpu.vector_load %arg10[%get3A_1068, %get3A_1069] {strides = array<i32>} : memref<16x64xi32, #tpu.memory_space<vmem>>, vector<16xi32>,
      %get3A_1071 = arith.constant 15 : i32
      %get3A_1072 = arith.index_cast %get3A_1071 : i32 to index
      %get3A_1073 = arith.constant 48 : index
      %get3A_1074 = tpu.vector_load %arg9[%get3A_1072, %get3A_1073] {strides = array<i32>} : memref<16x64xi32, #tpu.memory_space<vmem>>, vector<16xi32>,
      %gather3A_1075 = tpu.vector_load_idx %arg14[%get3A_1074] : memref<10016xf32, #tpu.memory_space<vmem>>[vector<16xi32>], vector<16xf32>,
      tpu.vector_store_idx %arg15[%get3A_1070], %gather3A_1075 {add = true} : memref<10240xf32, #tpu.memory_space<vmem>>[vector<16xi32>], vector<16xf32>,
      %dma_wait3A_1076 = arith.constant 14 : i32
      %dma_wait3A_1077 = arith.constant 0 : i32
      %dma_wait3A_1078 = tpu.memref_slice %arg10[%dma_wait3A_1076, %dma_wait3A_1077] : memref<16x64xi32, #tpu.memory_space<vmem>> -> memref<1x64xi32, #tpu.memory_space<vmem>>
      %dma_wait3A_1079 = tpu.memref_squeeze %dma_wait3A_1078 : memref<1x64xi32, #tpu.memory_space<vmem>> -> memref<64xi32, #tpu.memory_space<vmem>>
      %dma_wait3A_1080 = arith.constant 0 : i32
      %dma_wait3A_1081 = arith.constant 0 : i32
      %dma_wait3A_1082 = tpu.memref_slice %arg8[%dma_wait3A_1080, %dma_wait3A_1081] : memref<10240x128xf32, #tpu.memory_space<vmem_shared>> -> memref<10240x128xf32, #tpu.memory_space<vmem_shared>>
      tpu.wait_indirect_dma semaphore(%arg21 : memref<!tpu.dma_semaphore, #tpu.memory_space<semaphore_mem>>) src(%arg13 : memref<64x128xf32, #tpu.memory_space<vmem>>) dst(%dma_wait3A_1082 : memref<10240x128xf32, #tpu.memory_space<vmem_shared>>)
      %dma_wait3A_1083 = arith.constant 15 : i32
      %dma_wait3A_1084 = arith.constant 0 : i32
      %dma_wait3A_1085 = tpu.memref_slice %arg10[%dma_wait3A_1083, %dma_wait3A_1084] : memref<16x64xi32, #tpu.memory_space<vmem>> -> memref<1x64xi32, #tpu.memory_space<vmem>>
      %dma_wait3A_1086 = tpu.memref_squeeze %dma_wait3A_1085 : memref<1x64xi32, #tpu.memory_space<vmem>> -> memref<64xi32, #tpu.memory_space<vmem>>
      %dma_wait3A_1087 = arith.constant 0 : i32
      %dma_wait3A_1088 = arith.constant 0 : i32
      %dma_wait3A_1089 = tpu.memref_slice %arg8[%dma_wait3A_1087, %dma_wait3A_1088] : memref<10240x128xf32, #tpu.memory_space<vmem_shared>> -> memref<10240x128xf32, #tpu.memory_space<vmem_shared>>
      tpu.wait_indirect_dma semaphore(%arg19 : memref<!tpu.dma_semaphore, #tpu.memory_space<semaphore_mem>>) src(%arg11 : memref<64x128xf32, #tpu.memory_space<vmem>>) dst(%dma_wait3A_1089 : memref<10240x128xf32, #tpu.memory_space<vmem_shared>>)
    }
    %scan3A_58 = arith.constant 10 : i32
    %barrier3A_59 = arith.constant 0 : index
    tpu.barrier barrier_id(%barrier3A_59)
    %mul3A_60 = arith.constant 640 : i32
    %mul3A_61 = arith.muli %arg1, %mul3A_60 : i32
    %mul3A_62 = arith.constant 640 : i32
    %mul3A_63 = arith.muli %arg1, %mul3A_62 : i32
    "tpu.region"() ({
      %run_scoped3A = tpu.sem_alloc : memref<!tpu.dma_semaphore, #tpu.memory_space<semaphore_mem>>
      %dma_start3A = arith.constant 0 : i32
      %dma_start3A_64 = arith.constant 0 : i32
      %dma_start3A_65 = tpu.memref_slice %arg6[%arg0, %dma_start3A, %dma_start3A_64] : memref<2x10240x128xf32, #tpu.memory_space<hbm>> -> memref<1x10240x128xf32, #tpu.memory_space<hbm>>
      %dma_start3A_66 = tpu.memref_squeeze %dma_start3A_65 : memref<1x10240x128xf32, #tpu.memory_space<hbm>> -> memref<10240x128xf32, #tpu.memory_space<hbm>>
      %dma_start3A_67 = arith.constant 0 : i32
      %dma_start3A_68 = tpu.memref_slice %dma_start3A_66[%mul3A_63, %dma_start3A_67] : memref<10240x128xf32, #tpu.memory_space<hbm>> -> memref<640x128xf32, #tpu.memory_space<hbm>>
      %dma_start3A_69 = arith.constant 0 : i32
      %dma_start3A_70 = tpu.memref_slice %arg8[%mul3A_61, %dma_start3A_69] : memref<10240x128xf32, #tpu.memory_space<vmem_shared>> -> memref<640x128xf32, #tpu.memory_space<vmem_shared>>
      tpu.enqueue_dma source(%dma_start3A_70 : memref<640x128xf32, #tpu.memory_space<vmem_shared>>) target(%dma_start3A_68 : memref<640x128xf32, #tpu.memory_space<hbm>>) target_semaphore(%run_scoped3A : memref<!tpu.dma_semaphore, #tpu.memory_space<semaphore_mem>>)
      %dma_wait3A = arith.constant 0 : i32
      %dma_wait3A_71 = arith.constant 0 : i32
      %dma_wait3A_72 = tpu.memref_slice %arg6[%arg0, %dma_wait3A, %dma_wait3A_71] : memref<2x10240x128xf32, #tpu.memory_space<hbm>> -> memref<1x10240x128xf32, #tpu.memory_space<hbm>>
      %dma_wait3A_73 = tpu.memref_squeeze %dma_wait3A_72 : memref<1x10240x128xf32, #tpu.memory_space<hbm>> -> memref<10240x128xf32, #tpu.memory_space<hbm>>
      %dma_wait3A_74 = arith.constant 0 : i32
      %dma_wait3A_75 = tpu.memref_slice %dma_wait3A_73[%mul3A_63, %dma_wait3A_74] : memref<10240x128xf32, #tpu.memory_space<hbm>> -> memref<640x128xf32, #tpu.memory_space<hbm>>
      %dma_wait3A_76 = arith.constant 0 : i32
      %dma_wait3A_77 = tpu.memref_slice %arg8[%mul3A_61, %dma_wait3A_76] : memref<10240x128xf32, #tpu.memory_space<vmem_shared>> -> memref<640x128xf32, #tpu.memory_space<vmem_shared>>
      tpu.wait_dma2 semaphore(%run_scoped3A : memref<!tpu.dma_semaphore, #tpu.memory_space<semaphore_mem>>) src(%dma_wait3A_77 : memref<640x128xf32, #tpu.memory_space<vmem_shared>>) dst(%dma_wait3A_75 : memref<640x128xf32, #tpu.memory_space<hbm>>)
      tpu.yield
    }) : () -> ()
    "tpu.region"() ({
      %run_scoped3A = tpu.sem_alloc : memref<!tpu.dma_semaphore, #tpu.memory_space<semaphore_mem>>
      %dma_start3A = arith.constant 0 : i32
      %dma_start3A_64 = tpu.memref_slice %arg7[%add3A, %dma_start3A] : memref<32x10240xf32, #tpu.memory_space<hbm>> -> memref<1x10240xf32, #tpu.memory_space<hbm>>
      %dma_start3A_65 = tpu.memref_squeeze %dma_start3A_64 : memref<1x10240xf32, #tpu.memory_space<hbm>> -> memref<10240xf32, #tpu.memory_space<hbm>>
      %dma_start3A_66 = arith.constant 0 : i32
      %dma_start3A_67 = tpu.memref_slice %arg7[%add3A, %dma_start3A_66] : memref<32x10240xf32, #tpu.memory_space<hbm>> -> memref<1x10240xf32, #tpu.memory_space<hbm>>
      %dma_start3A_68 = tpu.memref_squeeze %dma_start3A_67 : memref<1x10240xf32, #tpu.memory_space<hbm>> -> memref<10240xf32, #tpu.memory_space<hbm>>
      tpu.enqueue_dma source(%arg15 : memref<10240xf32, #tpu.memory_space<vmem>>) target(%dma_start3A_68 : memref<10240xf32, #tpu.memory_space<hbm>>) target_semaphore(%run_scoped3A : memref<!tpu.dma_semaphore, #tpu.memory_space<semaphore_mem>>)
      %dma_wait3A = arith.constant 0 : i32
      %dma_wait3A_69 = tpu.memref_slice %arg7[%add3A, %dma_wait3A] : memref<32x10240xf32, #tpu.memory_space<hbm>> -> memref<1x10240xf32, #tpu.memory_space<hbm>>
      %dma_wait3A_70 = tpu.memref_squeeze %dma_wait3A_69 : memref<1x10240xf32, #tpu.memory_space<hbm>> -> memref<10240xf32, #tpu.memory_space<hbm>>
      %dma_wait3A_71 = arith.constant 0 : i32
      %dma_wait3A_72 = tpu.memref_slice %arg7[%add3A, %dma_wait3A_71] : memref<32x10240xf32, #tpu.memory_space<hbm>> -> memref<1x10240xf32, #tpu.memory_space<hbm>>
      %dma_wait3A_73 = tpu.memref_squeeze %dma_wait3A_72 : memref<1x10240xf32, #tpu.memory_space<hbm>> -> memref<10240xf32, #tpu.memory_space<hbm>>
      tpu.wait_dma2 semaphore(%run_scoped3A : memref<!tpu.dma_semaphore, #tpu.memory_space<semaphore_mem>>) src(%arg15 : memref<10240xf32, #tpu.memory_space<vmem>>) dst(%dma_wait3A_73 : memref<10240xf32, #tpu.memory_space<hbm>>)
      tpu.yield
    }) : () -> ()
    return
  }
}

#map = affine_map<(d0, d1) -> (0, 0)>
#map1 = affine_map<(d0, d1) -> (0, 0, 0)>
module attributes {stable_mosaic.version = 14 : i64} {
  func.func @sc_pass(%arg0: i32, %arg1: i32, %arg2: memref<10240x128xf32, #tpu.memory_space<hbm>>, %arg3: memref<5120x64xi32, #tpu.memory_space<hbm>>, %arg4: memref<5120x64xi32, #tpu.memory_space<hbm>>, %arg5: memref<2x10240x128xf32, #tpu.memory_space<hbm>>, %arg6: memref<32x10240xf32, #tpu.memory_space<hbm>>, %arg7: memref<10240x128xf32, #tpu.memory_space<vmem_shared>>, %arg8: memref<16x64xi32, #tpu.memory_space<vmem>>, %arg9: memref<16x64xi32, #tpu.memory_space<vmem>>, %arg10: memref<64x128xf32, #tpu.memory_space<vmem>>, %arg11: memref<64x128xf32, #tpu.memory_space<vmem>>, %arg12: memref<64x128xf32, #tpu.memory_space<vmem>>, %arg13: memref<10240xf32, #tpu.memory_space<vmem>>, %arg14: memref<!tpu.dma_semaphore, #tpu.memory_space<semaphore_mem>>, %arg15: memref<!tpu.dma_semaphore, #tpu.memory_space<semaphore_mem>>, %arg16: memref<!tpu.dma_semaphore, #tpu.memory_space<semaphore_mem>>, %arg17: memref<!tpu.dma_semaphore, #tpu.memory_space<semaphore_mem>>, %arg18: memref<!tpu.dma_semaphore, #tpu.memory_space<semaphore_mem>>, %arg19: memref<!tpu.dma_semaphore, #tpu.memory_space<semaphore_mem>>) attributes {dimension_semantics = [#tpu.dimension_semantics<core_parallel>, #tpu.dimension_semantics<subcore_parallel>], iteration_bounds = array<i64: 2, 16>, scalar_prefetch = 0 : i64, scratch_operands = 13 : i64, tpu.core_type = #tpu.core_type<sc_vector_subcore>, window_params = [{transform_indices = #map}, {transform_indices = #map}, {transform_indices = #map}, {transform_indices = #map1}, {transform_indices = #map}]} {
    %mul3A = arith.constant 16 : i32
    %mul3A_0 = arith.muli %arg0, %mul3A : i32
    %add3A = arith.addi %mul3A_0, %arg1 : i32
    %broadcast_in_dim3A = arith.constant 0.000000e+00 : f32
    %broadcast_in_dim3A_1 = vector.broadcast %broadcast_in_dim3A : f32 to vector<16xf32>
    %scan3A = arith.constant 0 : i32
    %scan3A_2 = arith.constant 0 : i32
    %scan3A_3 = arith.constant 64 : i32
    %scan3A_4 = arith.addi %scan3A_2, %scan3A_3 : i32
    %scan3A_5 = arith.constant 1 : i32
    scf.for %scan3A_64 = %scan3A_2 to %scan3A_4 step %scan3A_5  : i32 {
      %swap3A = arith.index_cast %scan3A_64 : i32 to index
      %swap3A_65 = arith.constant 0 : index
      %swap3A_66 = tpu.vector_load %arg10[%swap3A, %swap3A_65] {strides = array<i32>} : memref<64x128xf32, #tpu.memory_space<vmem>>, vector<16xf32>,
      tpu.vector_store %arg10[%swap3A, %swap3A_65], %broadcast_in_dim3A_1 {strides = array<i32>} : memref<64x128xf32, #tpu.memory_space<vmem>>, vector<16xf32>,
      %swap3A_67 = arith.index_cast %scan3A_64 : i32 to index
      %swap3A_68 = arith.constant 16 : index
      %swap3A_69 = tpu.vector_load %arg10[%swap3A_67, %swap3A_68] {strides = array<i32>} : memref<64x128xf32, #tpu.memory_space<vmem>>, vector<16xf32>,
      tpu.vector_store %arg10[%swap3A_67, %swap3A_68], %broadcast_in_dim3A_1 {strides = array<i32>} : memref<64x128xf32, #tpu.memory_space<vmem>>, vector<16xf32>,
      %swap3A_70 = arith.index_cast %scan3A_64 : i32 to index
      %swap3A_71 = arith.constant 32 : index
      %swap3A_72 = tpu.vector_load %arg10[%swap3A_70, %swap3A_71] {strides = array<i32>} : memref<64x128xf32, #tpu.memory_space<vmem>>, vector<16xf32>,
      tpu.vector_store %arg10[%swap3A_70, %swap3A_71], %broadcast_in_dim3A_1 {strides = array<i32>} : memref<64x128xf32, #tpu.memory_space<vmem>>, vector<16xf32>,
      %swap3A_73 = arith.index_cast %scan3A_64 : i32 to index
      %swap3A_74 = arith.constant 48 : index
      %swap3A_75 = tpu.vector_load %arg10[%swap3A_73, %swap3A_74] {strides = array<i32>} : memref<64x128xf32, #tpu.memory_space<vmem>>, vector<16xf32>,
      tpu.vector_store %arg10[%swap3A_73, %swap3A_74], %broadcast_in_dim3A_1 {strides = array<i32>} : memref<64x128xf32, #tpu.memory_space<vmem>>, vector<16xf32>,
      %swap3A_76 = arith.index_cast %scan3A_64 : i32 to index
      %swap3A_77 = arith.constant 64 : index
      %swap3A_78 = tpu.vector_load %arg10[%swap3A_76, %swap3A_77] {strides = array<i32>} : memref<64x128xf32, #tpu.memory_space<vmem>>, vector<16xf32>,
      tpu.vector_store %arg10[%swap3A_76, %swap3A_77], %broadcast_in_dim3A_1 {strides = array<i32>} : memref<64x128xf32, #tpu.memory_space<vmem>>, vector<16xf32>,
      %swap3A_79 = arith.index_cast %scan3A_64 : i32 to index
      %swap3A_80 = arith.constant 80 : index
      %swap3A_81 = tpu.vector_load %arg10[%swap3A_79, %swap3A_80] {strides = array<i32>} : memref<64x128xf32, #tpu.memory_space<vmem>>, vector<16xf32>,
      tpu.vector_store %arg10[%swap3A_79, %swap3A_80], %broadcast_in_dim3A_1 {strides = array<i32>} : memref<64x128xf32, #tpu.memory_space<vmem>>, vector<16xf32>,
      %swap3A_82 = arith.index_cast %scan3A_64 : i32 to index
      %swap3A_83 = arith.constant 96 : index
      %swap3A_84 = tpu.vector_load %arg10[%swap3A_82, %swap3A_83] {strides = array<i32>} : memref<64x128xf32, #tpu.memory_space<vmem>>, vector<16xf32>,
      tpu.vector_store %arg10[%swap3A_82, %swap3A_83], %broadcast_in_dim3A_1 {strides = array<i32>} : memref<64x128xf32, #tpu.memory_space<vmem>>, vector<16xf32>,
      %swap3A_85 = arith.index_cast %scan3A_64 : i32 to index
      %swap3A_86 = arith.constant 112 : index
      %swap3A_87 = tpu.vector_load %arg10[%swap3A_85, %swap3A_86] {strides = array<i32>} : memref<64x128xf32, #tpu.memory_space<vmem>>, vector<16xf32>,
      tpu.vector_store %arg10[%swap3A_85, %swap3A_86], %broadcast_in_dim3A_1 {strides = array<i32>} : memref<64x128xf32, #tpu.memory_space<vmem>>, vector<16xf32>,
    }
    %scan3A_6 = arith.constant 64 : i32
    %scan3A_7 = arith.constant 0 : i32
    %scan3A_8 = arith.constant 0 : i32
    %scan3A_9 = arith.constant 640 : i32
    %scan3A_10 = arith.addi %scan3A_8, %scan3A_9 : i32
    %scan3A_11 = arith.constant 1 : i32
    scf.for %scan3A_64 = %scan3A_8 to %scan3A_10 step %scan3A_11  : i32 {
      %mul3A_65 = arith.constant 16 : i32
      %mul3A_66 = arith.muli %scan3A_64, %mul3A_65 : i32
      %swap3A = arith.index_cast %mul3A_66 : i32 to index
      %swap3A_67 = tpu.vector_load %arg13[%swap3A] {strides = array<i32>} : memref<10240xf32, #tpu.memory_space<vmem>>, vector<16xf32>,
      tpu.vector_store %arg13[%swap3A], %broadcast_in_dim3A_1 {strides = array<i32>} : memref<10240xf32, #tpu.memory_space<vmem>>, vector<16xf32>,
    }
    %scan3A_12 = arith.constant 640 : i32
    %mul3A_13 = arith.constant 640 : i32
    %mul3A_14 = arith.muli %arg1, %mul3A_13 : i32
    %add3A_15 = arith.constant 0 : i32
    %add3A_16 = arith.addi %mul3A_14, %add3A_15 : i32
    "tpu.region"() ({
      %run_scoped3A = tpu.sem_alloc : memref<!tpu.dma_semaphore, #tpu.memory_space<semaphore_mem>>
      %dma_start3A = arith.constant 0 : i32
      %dma_start3A_64 = tpu.memref_slice %arg7[%add3A_16, %dma_start3A] : memref<10240x128xf32, #tpu.memory_space<vmem_shared>> -> memref<64x128xf32, #tpu.memory_space<vmem_shared>>
      %dma_start3A_65 = arith.constant 0 : i32
      %dma_start3A_66 = tpu.memref_slice %arg7[%add3A_16, %dma_start3A_65] : memref<10240x128xf32, #tpu.memory_space<vmem_shared>> -> memref<64x128xf32, #tpu.memory_space<vmem_shared>>
      tpu.enqueue_dma source(%arg10 : memref<64x128xf32, #tpu.memory_space<vmem>>) target(%dma_start3A_66 : memref<64x128xf32, #tpu.memory_space<vmem_shared>>) target_semaphore(%run_scoped3A : memref<!tpu.dma_semaphore, #tpu.memory_space<semaphore_mem>>)
      %dma_wait3A = arith.constant 0 : i32
      %dma_wait3A_67 = tpu.memref_slice %arg7[%add3A_16, %dma_wait3A] : memref<10240x128xf32, #tpu.memory_space<vmem_shared>> -> memref<64x128xf32, #tpu.memory_space<vmem_shared>>
      %dma_wait3A_68 = arith.constant 0 : i32
      %dma_wait3A_69 = tpu.memref_slice %arg7[%add3A_16, %dma_wait3A_68] : memref<10240x128xf32, #tpu.memory_space<vmem_shared>> -> memref<64x128xf32, #tpu.memory_space<vmem_shared>>
      tpu.wait_dma2 semaphore(%run_scoped3A : memref<!tpu.dma_semaphore, #tpu.memory_space<semaphore_mem>>) src(%arg10 : memref<64x128xf32, #tpu.memory_space<vmem>>) dst(%dma_wait3A_69 : memref<64x128xf32, #tpu.memory_space<vmem_shared>>)
      tpu.yield
    }) : () -> ()
    %mul3A_17 = arith.constant 640 : i32
    %mul3A_18 = arith.muli %arg1, %mul3A_17 : i32
    %add3A_19 = arith.constant 64 : i32
    %add3A_20 = arith.addi %mul3A_18, %add3A_19 : i32
    "tpu.region"() ({
      %run_scoped3A = tpu.sem_alloc : memref<!tpu.dma_semaphore, #tpu.memory_space<semaphore_mem>>
      %dma_start3A = arith.constant 0 : i32
      %dma_start3A_64 = tpu.memref_slice %arg7[%add3A_20, %dma_start3A] : memref<10240x128xf32, #tpu.memory_space<vmem_shared>> -> memref<64x128xf32, #tpu.memory_space<vmem_shared>>
      %dma_start3A_65 = arith.constant 0 : i32
      %dma_start3A_66 = tpu.memref_slice %arg7[%add3A_20, %dma_start3A_65] : memref<10240x128xf32, #tpu.memory_space<vmem_shared>> -> memref<64x128xf32, #tpu.memory_space<vmem_shared>>
      tpu.enqueue_dma source(%arg10 : memref<64x128xf32, #tpu.memory_space<vmem>>) target(%dma_start3A_66 : memref<64x128xf32, #tpu.memory_space<vmem_shared>>) target_semaphore(%run_scoped3A : memref<!tpu.dma_semaphore, #tpu.memory_space<semaphore_mem>>)
      %dma_wait3A = arith.constant 0 : i32
      %dma_wait3A_67 = tpu.memref_slice %arg7[%add3A_20, %dma_wait3A] : memref<10240x128xf32, #tpu.memory_space<vmem_shared>> -> memref<64x128xf32, #tpu.memory_space<vmem_shared>>
      %dma_wait3A_68 = arith.constant 0 : i32
      %dma_wait3A_69 = tpu.memref_slice %arg7[%add3A_20, %dma_wait3A_68] : memref<10240x128xf32, #tpu.memory_space<vmem_shared>> -> memref<64x128xf32, #tpu.memory_space<vmem_shared>>
      tpu.wait_dma2 semaphore(%run_scoped3A : memref<!tpu.dma_semaphore, #tpu.memory_space<semaphore_mem>>) src(%arg10 : memref<64x128xf32, #tpu.memory_space<vmem>>) dst(%dma_wait3A_69 : memref<64x128xf32, #tpu.memory_space<vmem_shared>>)
      tpu.yield
    }) : () -> ()
    %mul3A_21 = arith.constant 640 : i32
    %mul3A_22 = arith.muli %arg1, %mul3A_21 : i32
    %add3A_23 = arith.constant 128 : i32
    %add3A_24 = arith.addi %mul3A_22, %add3A_23 : i32
    "tpu.region"() ({
      %run_scoped3A = tpu.sem_alloc : memref<!tpu.dma_semaphore, #tpu.memory_space<semaphore_mem>>
      %dma_start3A = arith.constant 0 : i32
      %dma_start3A_64 = tpu.memref_slice %arg7[%add3A_24, %dma_start3A] : memref<10240x128xf32, #tpu.memory_space<vmem_shared>> -> memref<64x128xf32, #tpu.memory_space<vmem_shared>>
      %dma_start3A_65 = arith.constant 0 : i32
      %dma_start3A_66 = tpu.memref_slice %arg7[%add3A_24, %dma_start3A_65] : memref<10240x128xf32, #tpu.memory_space<vmem_shared>> -> memref<64x128xf32, #tpu.memory_space<vmem_shared>>
      tpu.enqueue_dma source(%arg10 : memref<64x128xf32, #tpu.memory_space<vmem>>) target(%dma_start3A_66 : memref<64x128xf32, #tpu.memory_space<vmem_shared>>) target_semaphore(%run_scoped3A : memref<!tpu.dma_semaphore, #tpu.memory_space<semaphore_mem>>)
      %dma_wait3A = arith.constant 0 : i32
      %dma_wait3A_67 = tpu.memref_slice %arg7[%add3A_24, %dma_wait3A] : memref<10240x128xf32, #tpu.memory_space<vmem_shared>> -> memref<64x128xf32, #tpu.memory_space<vmem_shared>>
      %dma_wait3A_68 = arith.constant 0 : i32
      %dma_wait3A_69 = tpu.memref_slice %arg7[%add3A_24, %dma_wait3A_68] : memref<10240x128xf32, #tpu.memory_space<vmem_shared>> -> memref<64x128xf32, #tpu.memory_space<vmem_shared>>
      tpu.wait_dma2 semaphore(%run_scoped3A : memref<!tpu.dma_semaphore, #tpu.memory_space<semaphore_mem>>) src(%arg10 : memref<64x128xf32, #tpu.memory_space<vmem>>) dst(%dma_wait3A_69 : memref<64x128xf32, #tpu.memory_space<vmem_shared>>)
      tpu.yield
    }) : () -> ()
    %mul3A_25 = arith.constant 640 : i32
    %mul3A_26 = arith.muli %arg1, %mul3A_25 : i32
    %add3A_27 = arith.constant 192 : i32
    %add3A_28 = arith.addi %mul3A_26, %add3A_27 : i32
    "tpu.region"() ({
      %run_scoped3A = tpu.sem_alloc : memref<!tpu.dma_semaphore, #tpu.memory_space<semaphore_mem>>
      %dma_start3A = arith.constant 0 : i32
      %dma_start3A_64 = tpu.memref_slice %arg7[%add3A_28, %dma_start3A] : memref<10240x128xf32, #tpu.memory_space<vmem_shared>> -> memref<64x128xf32, #tpu.memory_space<vmem_shared>>
      %dma_start3A_65 = arith.constant 0 : i32
      %dma_start3A_66 = tpu.memref_slice %arg7[%add3A_28, %dma_start3A_65] : memref<10240x128xf32, #tpu.memory_space<vmem_shared>> -> memref<64x128xf32, #tpu.memory_space<vmem_shared>>
      tpu.enqueue_dma source(%arg10 : memref<64x128xf32, #tpu.memory_space<vmem>>) target(%dma_start3A_66 : memref<64x128xf32, #tpu.memory_space<vmem_shared>>) target_semaphore(%run_scoped3A : memref<!tpu.dma_semaphore, #tpu.memory_space<semaphore_mem>>)
      %dma_wait3A = arith.constant 0 : i32
      %dma_wait3A_67 = tpu.memref_slice %arg7[%add3A_28, %dma_wait3A] : memref<10240x128xf32, #tpu.memory_space<vmem_shared>> -> memref<64x128xf32, #tpu.memory_space<vmem_shared>>
      %dma_wait3A_68 = arith.constant 0 : i32
      %dma_wait3A_69 = tpu.memref_slice %arg7[%add3A_28, %dma_wait3A_68] : memref<10240x128xf32, #tpu.memory_space<vmem_shared>> -> memref<64x128xf32, #tpu.memory_space<vmem_shared>>
      tpu.wait_dma2 semaphore(%run_scoped3A : memref<!tpu.dma_semaphore, #tpu.memory_space<semaphore_mem>>) src(%arg10 : memref<64x128xf32, #tpu.memory_space<vmem>>) dst(%dma_wait3A_69 : memref<64x128xf32, #tpu.memory_space<vmem_shared>>)
      tpu.yield
    }) : () -> ()
    %mul3A_29 = arith.constant 640 : i32
    %mul3A_30 = arith.muli %arg1, %mul3A_29 : i32
    %add3A_31 = arith.constant 256 : i32
    %add3A_32 = arith.addi %mul3A_30, %add3A_31 : i32
    "tpu.region"() ({
      %run_scoped3A = tpu.sem_alloc : memref<!tpu.dma_semaphore, #tpu.memory_space<semaphore_mem>>
      %dma_start3A = arith.constant 0 : i32
      %dma_start3A_64 = tpu.memref_slice %arg7[%add3A_32, %dma_start3A] : memref<10240x128xf32, #tpu.memory_space<vmem_shared>> -> memref<64x128xf32, #tpu.memory_space<vmem_shared>>
      %dma_start3A_65 = arith.constant 0 : i32
      %dma_start3A_66 = tpu.memref_slice %arg7[%add3A_32, %dma_start3A_65] : memref<10240x128xf32, #tpu.memory_space<vmem_shared>> -> memref<64x128xf32, #tpu.memory_space<vmem_shared>>
      tpu.enqueue_dma source(%arg10 : memref<64x128xf32, #tpu.memory_space<vmem>>) target(%dma_start3A_66 : memref<64x128xf32, #tpu.memory_space<vmem_shared>>) target_semaphore(%run_scoped3A : memref<!tpu.dma_semaphore, #tpu.memory_space<semaphore_mem>>)
      %dma_wait3A = arith.constant 0 : i32
      %dma_wait3A_67 = tpu.memref_slice %arg7[%add3A_32, %dma_wait3A] : memref<10240x128xf32, #tpu.memory_space<vmem_shared>> -> memref<64x128xf32, #tpu.memory_space<vmem_shared>>
      %dma_wait3A_68 = arith.constant 0 : i32
      %dma_wait3A_69 = tpu.memref_slice %arg7[%add3A_32, %dma_wait3A_68] : memref<10240x128xf32, #tpu.memory_space<vmem_shared>> -> memref<64x128xf32, #tpu.memory_space<vmem_shared>>
      tpu.wait_dma2 semaphore(%run_scoped3A : memref<!tpu.dma_semaphore, #tpu.memory_space<semaphore_mem>>) src(%arg10 : memref<64x128xf32, #tpu.memory_space<vmem>>) dst(%dma_wait3A_69 : memref<64x128xf32, #tpu.memory_space<vmem_shared>>)
      tpu.yield
    }) : () -> ()
    %mul3A_33 = arith.constant 640 : i32
    %mul3A_34 = arith.muli %arg1, %mul3A_33 : i32
    %add3A_35 = arith.constant 320 : i32
    %add3A_36 = arith.addi %mul3A_34, %add3A_35 : i32
    "tpu.region"() ({
      %run_scoped3A = tpu.sem_alloc : memref<!tpu.dma_semaphore, #tpu.memory_space<semaphore_mem>>
      %dma_start3A = arith.constant 0 : i32
      %dma_start3A_64 = tpu.memref_slice %arg7[%add3A_36, %dma_start3A] : memref<10240x128xf32, #tpu.memory_space<vmem_shared>> -> memref<64x128xf32, #tpu.memory_space<vmem_shared>>
      %dma_start3A_65 = arith.constant 0 : i32
      %dma_start3A_66 = tpu.memref_slice %arg7[%add3A_36, %dma_start3A_65] : memref<10240x128xf32, #tpu.memory_space<vmem_shared>> -> memref<64x128xf32, #tpu.memory_space<vmem_shared>>
      tpu.enqueue_dma source(%arg10 : memref<64x128xf32, #tpu.memory_space<vmem>>) target(%dma_start3A_66 : memref<64x128xf32, #tpu.memory_space<vmem_shared>>) target_semaphore(%run_scoped3A : memref<!tpu.dma_semaphore, #tpu.memory_space<semaphore_mem>>)
      %dma_wait3A = arith.constant 0 : i32
      %dma_wait3A_67 = tpu.memref_slice %arg7[%add3A_36, %dma_wait3A] : memref<10240x128xf32, #tpu.memory_space<vmem_shared>> -> memref<64x128xf32, #tpu.memory_space<vmem_shared>>
      %dma_wait3A_68 = arith.constant 0 : i32
      %dma_wait3A_69 = tpu.memref_slice %arg7[%add3A_36, %dma_wait3A_68] : memref<10240x128xf32, #tpu.memory_space<vmem_shared>> -> memref<64x128xf32, #tpu.memory_space<vmem_shared>>
      tpu.wait_dma2 semaphore(%run_scoped3A : memref<!tpu.dma_semaphore, #tpu.memory_space<semaphore_mem>>) src(%arg10 : memref<64x128xf32, #tpu.memory_space<vmem>>) dst(%dma_wait3A_69 : memref<64x128xf32, #tpu.memory_space<vmem_shared>>)
      tpu.yield
    }) : () -> ()
    %mul3A_37 = arith.constant 640 : i32
    %mul3A_38 = arith.muli %arg1, %mul3A_37 : i32
    %add3A_39 = arith.constant 384 : i32
    %add3A_40 = arith.addi %mul3A_38, %add3A_39 : i32
    "tpu.region"() ({
      %run_scoped3A = tpu.sem_alloc : memref<!tpu.dma_semaphore, #tpu.memory_space<semaphore_mem>>
      %dma_start3A = arith.constant 0 : i32
      %dma_start3A_64 = tpu.memref_slice %arg7[%add3A_40, %dma_start3A] : memref<10240x128xf32, #tpu.memory_space<vmem_shared>> -> memref<64x128xf32, #tpu.memory_space<vmem_shared>>
      %dma_start3A_65 = arith.constant 0 : i32
      %dma_start3A_66 = tpu.memref_slice %arg7[%add3A_40, %dma_start3A_65] : memref<10240x128xf32, #tpu.memory_space<vmem_shared>> -> memref<64x128xf32, #tpu.memory_space<vmem_shared>>
      tpu.enqueue_dma source(%arg10 : memref<64x128xf32, #tpu.memory_space<vmem>>) target(%dma_start3A_66 : memref<64x128xf32, #tpu.memory_space<vmem_shared>>) target_semaphore(%run_scoped3A : memref<!tpu.dma_semaphore, #tpu.memory_space<semaphore_mem>>)
      %dma_wait3A = arith.constant 0 : i32
      %dma_wait3A_67 = tpu.memref_slice %arg7[%add3A_40, %dma_wait3A] : memref<10240x128xf32, #tpu.memory_space<vmem_shared>> -> memref<64x128xf32, #tpu.memory_space<vmem_shared>>
      %dma_wait3A_68 = arith.constant 0 : i32
      %dma_wait3A_69 = tpu.memref_slice %arg7[%add3A_40, %dma_wait3A_68] : memref<10240x128xf32, #tpu.memory_space<vmem_shared>> -> memref<64x128xf32, #tpu.memory_space<vmem_shared>>
      tpu.wait_dma2 semaphore(%run_scoped3A : memref<!tpu.dma_semaphore, #tpu.memory_space<semaphore_mem>>) src(%arg10 : memref<64x128xf32, #tpu.memory_space<vmem>>) dst(%dma_wait3A_69 : memref<64x128xf32, #tpu.memory_space<vmem_shared>>)
      tpu.yield
    }) : () -> ()
    %mul3A_41 = arith.constant 640 : i32
    %mul3A_42 = arith.muli %arg1, %mul3A_41 : i32
    %add3A_43 = arith.constant 448 : i32
    %add3A_44 = arith.addi %mul3A_42, %add3A_43 : i32
    "tpu.region"() ({
      %run_scoped3A = tpu.sem_alloc : memref<!tpu.dma_semaphore, #tpu.memory_space<semaphore_mem>>
      %dma_start3A = arith.constant 0 : i32
      %dma_start3A_64 = tpu.memref_slice %arg7[%add3A_44, %dma_start3A] : memref<10240x128xf32, #tpu.memory_space<vmem_shared>> -> memref<64x128xf32, #tpu.memory_space<vmem_shared>>
      %dma_start3A_65 = arith.constant 0 : i32
      %dma_start3A_66 = tpu.memref_slice %arg7[%add3A_44, %dma_start3A_65] : memref<10240x128xf32, #tpu.memory_space<vmem_shared>> -> memref<64x128xf32, #tpu.memory_space<vmem_shared>>
      tpu.enqueue_dma source(%arg10 : memref<64x128xf32, #tpu.memory_space<vmem>>) target(%dma_start3A_66 : memref<64x128xf32, #tpu.memory_space<vmem_shared>>) target_semaphore(%run_scoped3A : memref<!tpu.dma_semaphore, #tpu.memory_space<semaphore_mem>>)
      %dma_wait3A = arith.constant 0 : i32
      %dma_wait3A_67 = tpu.memref_slice %arg7[%add3A_44, %dma_wait3A] : memref<10240x128xf32, #tpu.memory_space<vmem_shared>> -> memref<64x128xf32, #tpu.memory_space<vmem_shared>>
      %dma_wait3A_68 = arith.constant 0 : i32
      %dma_wait3A_69 = tpu.memref_slice %arg7[%add3A_44, %dma_wait3A_68] : memref<10240x128xf32, #tpu.memory_space<vmem_shared>> -> memref<64x128xf32, #tpu.memory_space<vmem_shared>>
      tpu.wait_dma2 semaphore(%run_scoped3A : memref<!tpu.dma_semaphore, #tpu.memory_space<semaphore_mem>>) src(%arg10 : memref<64x128xf32, #tpu.memory_space<vmem>>) dst(%dma_wait3A_69 : memref<64x128xf32, #tpu.memory_space<vmem_shared>>)
      tpu.yield
    }) : () -> ()
    %mul3A_45 = arith.constant 640 : i32
    %mul3A_46 = arith.muli %arg1, %mul3A_45 : i32
    %add3A_47 = arith.constant 512 : i32
    %add3A_48 = arith.addi %mul3A_46, %add3A_47 : i32
    "tpu.region"() ({
      %run_scoped3A = tpu.sem_alloc : memref<!tpu.dma_semaphore, #tpu.memory_space<semaphore_mem>>
      %dma_start3A = arith.constant 0 : i32
      %dma_start3A_64 = tpu.memref_slice %arg7[%add3A_48, %dma_start3A] : memref<10240x128xf32, #tpu.memory_space<vmem_shared>> -> memref<64x128xf32, #tpu.memory_space<vmem_shared>>
      %dma_start3A_65 = arith.constant 0 : i32
      %dma_start3A_66 = tpu.memref_slice %arg7[%add3A_48, %dma_start3A_65] : memref<10240x128xf32, #tpu.memory_space<vmem_shared>> -> memref<64x128xf32, #tpu.memory_space<vmem_shared>>
      tpu.enqueue_dma source(%arg10 : memref<64x128xf32, #tpu.memory_space<vmem>>) target(%dma_start3A_66 : memref<64x128xf32, #tpu.memory_space<vmem_shared>>) target_semaphore(%run_scoped3A : memref<!tpu.dma_semaphore, #tpu.memory_space<semaphore_mem>>)
      %dma_wait3A = arith.constant 0 : i32
      %dma_wait3A_67 = tpu.memref_slice %arg7[%add3A_48, %dma_wait3A] : memref<10240x128xf32, #tpu.memory_space<vmem_shared>> -> memref<64x128xf32, #tpu.memory_space<vmem_shared>>
      %dma_wait3A_68 = arith.constant 0 : i32
      %dma_wait3A_69 = tpu.memref_slice %arg7[%add3A_48, %dma_wait3A_68] : memref<10240x128xf32, #tpu.memory_space<vmem_shared>> -> memref<64x128xf32, #tpu.memory_space<vmem_shared>>
      tpu.wait_dma2 semaphore(%run_scoped3A : memref<!tpu.dma_semaphore, #tpu.memory_space<semaphore_mem>>) src(%arg10 : memref<64x128xf32, #tpu.memory_space<vmem>>) dst(%dma_wait3A_69 : memref<64x128xf32, #tpu.memory_space<vmem_shared>>)
      tpu.yield
    }) : () -> ()
    %mul3A_49 = arith.constant 640 : i32
    %mul3A_50 = arith.muli %arg1, %mul3A_49 : i32
    %add3A_51 = arith.constant 576 : i32
    %add3A_52 = arith.addi %mul3A_50, %add3A_51 : i32
    "tpu.region"() ({
      %run_scoped3A = tpu.sem_alloc : memref<!tpu.dma_semaphore, #tpu.memory_space<semaphore_mem>>
      %dma_start3A = arith.constant 0 : i32
      %dma_start3A_64 = tpu.memref_slice %arg7[%add3A_52, %dma_start3A] : memref<10240x128xf32, #tpu.memory_space<vmem_shared>> -> memref<64x128xf32, #tpu.memory_space<vmem_shared>>
      %dma_start3A_65 = arith.constant 0 : i32
      %dma_start3A_66 = tpu.memref_slice %arg7[%add3A_52, %dma_start3A_65] : memref<10240x128xf32, #tpu.memory_space<vmem_shared>> -> memref<64x128xf32, #tpu.memory_space<vmem_shared>>
      tpu.enqueue_dma source(%arg10 : memref<64x128xf32, #tpu.memory_space<vmem>>) target(%dma_start3A_66 : memref<64x128xf32, #tpu.memory_space<vmem_shared>>) target_semaphore(%run_scoped3A : memref<!tpu.dma_semaphore, #tpu.memory_space<semaphore_mem>>)
      %dma_wait3A = arith.constant 0 : i32
      %dma_wait3A_67 = tpu.memref_slice %arg7[%add3A_52, %dma_wait3A] : memref<10240x128xf32, #tpu.memory_space<vmem_shared>> -> memref<64x128xf32, #tpu.memory_space<vmem_shared>>
      %dma_wait3A_68 = arith.constant 0 : i32
      %dma_wait3A_69 = tpu.memref_slice %arg7[%add3A_52, %dma_wait3A_68] : memref<10240x128xf32, #tpu.memory_space<vmem_shared>> -> memref<64x128xf32, #tpu.memory_space<vmem_shared>>
      tpu.wait_dma2 semaphore(%run_scoped3A : memref<!tpu.dma_semaphore, #tpu.memory_space<semaphore_mem>>) src(%arg10 : memref<64x128xf32, #tpu.memory_space<vmem>>) dst(%dma_wait3A_69 : memref<64x128xf32, #tpu.memory_space<vmem_shared>>)
      tpu.yield
    }) : () -> ()
    %barrier3A = arith.constant 0 : index
    tpu.barrier barrier_id(%barrier3A)
    %scan3A_53 = arith.constant 0 : i32
    %scan3A_54 = arith.constant 0 : i32
    %scan3A_55 = arith.constant 10 : i32
    %scan3A_56 = arith.addi %scan3A_54, %scan3A_55 : i32
    %scan3A_57 = arith.constant 1 : i32
    scf.for %scan3A_64 = %scan3A_54 to %scan3A_56 step %scan3A_57  : i32 {
      %mul3A_65 = arith.constant 32 : i32
      %mul3A_66 = arith.muli %scan3A_64, %mul3A_65 : i32
      %add3A_67 = arith.addi %mul3A_66, %add3A : i32
      %mul3A_68 = arith.constant 16 : i32
      %mul3A_69 = arith.muli %add3A_67, %mul3A_68 : i32
      "tpu.region"() ({
        %run_scoped3A = tpu.sem_alloc : memref<!tpu.dma_semaphore, #tpu.memory_space<semaphore_mem>>
        %dma_start3A_899 = arith.constant 0 : i32
        %dma_start3A_900 = tpu.memref_slice %arg3[%mul3A_69, %dma_start3A_899] : memref<5120x64xi32, #tpu.memory_space<hbm>> -> memref<16x64xi32, #tpu.memory_space<hbm>>
        %dma_start3A_901 = arith.constant 0 : i32
        %dma_start3A_902 = tpu.memref_slice %arg3[%mul3A_69, %dma_start3A_901] : memref<5120x64xi32, #tpu.memory_space<hbm>> -> memref<16x64xi32, #tpu.memory_space<hbm>>
        tpu.enqueue_dma source(%dma_start3A_902 : memref<16x64xi32, #tpu.memory_space<hbm>>) target(%arg8 : memref<16x64xi32, #tpu.memory_space<vmem>>) target_semaphore(%run_scoped3A : memref<!tpu.dma_semaphore, #tpu.memory_space<semaphore_mem>>)
        %dma_wait3A_903 = arith.constant 0 : i32
        %dma_wait3A_904 = tpu.memref_slice %arg3[%mul3A_69, %dma_wait3A_903] : memref<5120x64xi32, #tpu.memory_space<hbm>> -> memref<16x64xi32, #tpu.memory_space<hbm>>
        %dma_wait3A_905 = arith.constant 0 : i32
        %dma_wait3A_906 = tpu.memref_slice %arg3[%mul3A_69, %dma_wait3A_905] : memref<5120x64xi32, #tpu.memory_space<hbm>> -> memref<16x64xi32, #tpu.memory_space<hbm>>
        tpu.wait_dma2 semaphore(%run_scoped3A : memref<!tpu.dma_semaphore, #tpu.memory_space<semaphore_mem>>) src(%dma_wait3A_906 : memref<16x64xi32, #tpu.memory_space<hbm>>) dst(%arg8 : memref<16x64xi32, #tpu.memory_space<vmem>>)
        tpu.yield
      }) : () -> ()
      "tpu.region"() ({
        %run_scoped3A = tpu.sem_alloc : memref<!tpu.dma_semaphore, #tpu.memory_space<semaphore_mem>>
        %dma_start3A_899 = arith.constant 0 : i32
        %dma_start3A_900 = tpu.memref_slice %arg4[%mul3A_69, %dma_start3A_899] : memref<5120x64xi32, #tpu.memory_space<hbm>> -> memref<16x64xi32, #tpu.memory_space<hbm>>
        %dma_start3A_901 = arith.constant 0 : i32
        %dma_start3A_902 = tpu.memref_slice %arg4[%mul3A_69, %dma_start3A_901] : memref<5120x64xi32, #tpu.memory_space<hbm>> -> memref<16x64xi32, #tpu.memory_space<hbm>>
        tpu.enqueue_dma source(%dma_start3A_902 : memref<16x64xi32, #tpu.memory_space<hbm>>) target(%arg9 : memref<16x64xi32, #tpu.memory_space<vmem>>) target_semaphore(%run_scoped3A : memref<!tpu.dma_semaphore, #tpu.memory_space<semaphore_mem>>)
        %dma_wait3A_903 = arith.constant 0 : i32
        %dma_wait3A_904 = tpu.memref_slice %arg4[%mul3A_69, %dma_wait3A_903] : memref<5120x64xi32, #tpu.memory_space<hbm>> -> memref<16x64xi32, #tpu.memory_space<hbm>>
        %dma_wait3A_905 = arith.constant 0 : i32
        %dma_wait3A_906 = tpu.memref_slice %arg4[%mul3A_69, %dma_wait3A_905] : memref<5120x64xi32, #tpu.memory_space<hbm>> -> memref<16x64xi32, #tpu.memory_space<hbm>>
        tpu.wait_dma2 semaphore(%run_scoped3A : memref<!tpu.dma_semaphore, #tpu.memory_space<semaphore_mem>>) src(%dma_wait3A_906 : memref<16x64xi32, #tpu.memory_space<hbm>>) dst(%arg9 : memref<16x64xi32, #tpu.memory_space<vmem>>)
        tpu.yield
      }) : () -> ()
      %dma_start3A = arith.constant 0 : i32
      %dma_start3A_70 = arith.constant 0 : i32
      %dma_start3A_71 = tpu.memref_slice %arg8[%dma_start3A, %dma_start3A_70] : memref<16x64xi32, #tpu.memory_space<vmem>> -> memref<1x64xi32, #tpu.memory_space<vmem>>
      %dma_start3A_72 = tpu.memref_squeeze %dma_start3A_71 : memref<1x64xi32, #tpu.memory_space<vmem>> -> memref<64xi32, #tpu.memory_space<vmem>>
      %dma_start3A_73 = arith.constant 0 : i32
      %dma_start3A_74 = arith.constant 0 : i32
      %dma_start3A_75 = tpu.memref_slice %arg2[%dma_start3A_73, %dma_start3A_74] : memref<10240x128xf32, #tpu.memory_space<hbm>> -> memref<10240x128xf32, #tpu.memory_space<hbm>>
      tpu.enqueue_indirect_dma source(%dma_start3A_75 : memref<10240x128xf32, #tpu.memory_space<hbm>>) target(%arg10 : memref<64x128xf32, #tpu.memory_space<vmem>>) offsets(%dma_start3A_72 : memref<64xi32, #tpu.memory_space<vmem>>) semaphore(%arg14 : memref<!tpu.dma_semaphore, #tpu.memory_space<semaphore_mem>>)
      %dma_start3A_76 = arith.constant 1 : i32
      %dma_start3A_77 = arith.constant 0 : i32
      %dma_start3A_78 = tpu.memref_slice %arg8[%dma_start3A_76, %dma_start3A_77] : memref<16x64xi32, #tpu.memory_space<vmem>> -> memref<1x64xi32, #tpu.memory_space<vmem>>
      %dma_start3A_79 = tpu.memref_squeeze %dma_start3A_78 : memref<1x64xi32, #tpu.memory_space<vmem>> -> memref<64xi32, #tpu.memory_space<vmem>>
      %dma_start3A_80 = arith.constant 0 : i32
      %dma_start3A_81 = arith.constant 0 : i32
      %dma_start3A_82 = tpu.memref_slice %arg2[%dma_start3A_80, %dma_start3A_81] : memref<10240x128xf32, #tpu.memory_space<hbm>> -> memref<10240x128xf32, #tpu.memory_space<hbm>>
      tpu.enqueue_indirect_dma source(%dma_start3A_82 : memref<10240x128xf32, #tpu.memory_space<hbm>>) target(%arg11 : memref<64x128xf32, #tpu.memory_space<vmem>>) offsets(%dma_start3A_79 : memref<64xi32, #tpu.memory_space<vmem>>) semaphore(%arg15 : memref<!tpu.dma_semaphore, #tpu.memory_space<semaphore_mem>>)
      %dma_wait3A = arith.constant 0 : i32
      %dma_wait3A_83 = arith.constant 0 : i32
      %dma_wait3A_84 = tpu.memref_slice %arg8[%dma_wait3A, %dma_wait3A_83] : memref<16x64xi32, #tpu.memory_space<vmem>> -> memref<1x64xi32, #tpu.memory_space<vmem>>
      %dma_wait3A_85 = tpu.memref_squeeze %dma_wait3A_84 : memref<1x64xi32, #tpu.memory_space<vmem>> -> memref<64xi32, #tpu.memory_space<vmem>>
      %dma_wait3A_86 = arith.constant 0 : i32
      %dma_wait3A_87 = arith.constant 0 : i32
      %dma_wait3A_88 = tpu.memref_slice %arg2[%dma_wait3A_86, %dma_wait3A_87] : memref<10240x128xf32, #tpu.memory_space<hbm>> -> memref<10240x128xf32, #tpu.memory_space<hbm>>
      tpu.wait_indirect_dma semaphore(%arg14 : memref<!tpu.dma_semaphore, #tpu.memory_space<semaphore_mem>>) src(%dma_wait3A_88 : memref<10240x128xf32, #tpu.memory_space<hbm>>) dst(%arg10 : memref<64x128xf32, #tpu.memory_space<vmem>>)
      %dma_start3A_89 = arith.constant 0 : i32
      %dma_start3A_90 = arith.constant 0 : i32
      %dma_start3A_91 = tpu.memref_slice %arg9[%dma_start3A_89, %dma_start3A_90] : memref<16x64xi32, #tpu.memory_space<vmem>> -> memref<1x64xi32, #tpu.memory_space<vmem>>
      %dma_start3A_92 = tpu.memref_squeeze %dma_start3A_91 : memref<1x64xi32, #tpu.memory_space<vmem>> -> memref<64xi32, #tpu.memory_space<vmem>>
      %dma_start3A_93 = arith.constant 0 : i32
      %dma_start3A_94 = arith.constant 0 : i32
      %dma_start3A_95 = tpu.memref_slice %arg7[%dma_start3A_93, %dma_start3A_94] : memref<10240x128xf32, #tpu.memory_space<vmem_shared>> -> memref<10240x128xf32, #tpu.memory_space<vmem_shared>>
      tpu.enqueue_indirect_dma source(%arg10 : memref<64x128xf32, #tpu.memory_space<vmem>>) target(%dma_start3A_95 : memref<10240x128xf32, #tpu.memory_space<vmem_shared>>) offsets(%dma_start3A_92 : memref<64xi32, #tpu.memory_space<vmem>>) semaphore(%arg17 : memref<!tpu.dma_semaphore, #tpu.memory_space<semaphore_mem>>) {add = true}
      %get3A = arith.constant 0 : i32
      %get3A_96 = arith.index_cast %get3A : i32 to index
      %get3A_97 = arith.constant 0 : index
      %get3A_98 = tpu.vector_load %arg9[%get3A_96, %get3A_97] {strides = array<i32>} : memref<16x64xi32, #tpu.memory_space<vmem>>, vector<16xi32>,
      %broadcast_in_dim3A_99 = arith.constant 1.000000e+00 : f32
      %broadcast_in_dim3A_100 = vector.broadcast %broadcast_in_dim3A_99 : f32 to vector<16xf32>
      tpu.vector_store_idx %arg13[%get3A_98], %broadcast_in_dim3A_100 {add = true} : memref<10240xf32, #tpu.memory_space<vmem>>[vector<16xi32>], vector<16xf32>,
      %get3A_101 = arith.constant 0 : i32
      %get3A_102 = arith.index_cast %get3A_101 : i32 to index
      %get3A_103 = arith.constant 16 : index
      %get3A_104 = tpu.vector_load %arg9[%get3A_102, %get3A_103] {strides = array<i32>} : memref<16x64xi32, #tpu.memory_space<vmem>>, vector<16xi32>,
      %broadcast_in_dim3A_105 = arith.constant 1.000000e+00 : f32
      %broadcast_in_dim3A_106 = vector.broadcast %broadcast_in_dim3A_105 : f32 to vector<16xf32>
      tpu.vector_store_idx %arg13[%get3A_104], %broadcast_in_dim3A_106 {add = true} : memref<10240xf32, #tpu.memory_space<vmem>>[vector<16xi32>], vector<16xf32>,
      %get3A_107 = arith.constant 0 : i32
      %get3A_108 = arith.index_cast %get3A_107 : i32 to index
      %get3A_109 = arith.constant 32 : index
      %get3A_110 = tpu.vector_load %arg9[%get3A_108, %get3A_109] {strides = array<i32>} : memref<16x64xi32, #tpu.memory_space<vmem>>, vector<16xi32>,
      %broadcast_in_dim3A_111 = arith.constant 1.000000e+00 : f32
      %broadcast_in_dim3A_112 = vector.broadcast %broadcast_in_dim3A_111 : f32 to vector<16xf32>
      tpu.vector_store_idx %arg13[%get3A_110], %broadcast_in_dim3A_112 {add = true} : memref<10240xf32, #tpu.memory_space<vmem>>[vector<16xi32>], vector<16xf32>,
      %get3A_113 = arith.constant 0 : i32
      %get3A_114 = arith.index_cast %get3A_113 : i32 to index
      %get3A_115 = arith.constant 48 : index
      %get3A_116 = tpu.vector_load %arg9[%get3A_114, %get3A_115] {strides = array<i32>} : memref<16x64xi32, #tpu.memory_space<vmem>>, vector<16xi32>,
      %broadcast_in_dim3A_117 = arith.constant 1.000000e+00 : f32
      %broadcast_in_dim3A_118 = vector.broadcast %broadcast_in_dim3A_117 : f32 to vector<16xf32>
      tpu.vector_store_idx %arg13[%get3A_116], %broadcast_in_dim3A_118 {add = true} : memref<10240xf32, #tpu.memory_space<vmem>>[vector<16xi32>], vector<16xf32>,
      %dma_start3A_119 = arith.constant 2 : i32
      %dma_start3A_120 = arith.constant 0 : i32
      %dma_start3A_121 = tpu.memref_slice %arg8[%dma_start3A_119, %dma_start3A_120] : memref<16x64xi32, #tpu.memory_space<vmem>> -> memref<1x64xi32, #tpu.memory_space<vmem>>
      %dma_start3A_122 = tpu.memref_squeeze %dma_start3A_121 : memref<1x64xi32, #tpu.memory_space<vmem>> -> memref<64xi32, #tpu.memory_space<vmem>>
      %dma_start3A_123 = arith.constant 0 : i32
      %dma_start3A_124 = arith.constant 0 : i32
      %dma_start3A_125 = tpu.memref_slice %arg2[%dma_start3A_123, %dma_start3A_124] : memref<10240x128xf32, #tpu.memory_space<hbm>> -> memref<10240x128xf32, #tpu.memory_space<hbm>>
      tpu.enqueue_indirect_dma source(%dma_start3A_125 : memref<10240x128xf32, #tpu.memory_space<hbm>>) target(%arg12 : memref<64x128xf32, #tpu.memory_space<vmem>>) offsets(%dma_start3A_122 : memref<64xi32, #tpu.memory_space<vmem>>) semaphore(%arg16 : memref<!tpu.dma_semaphore, #tpu.memory_space<semaphore_mem>>)
      %dma_wait3A_126 = arith.constant 1 : i32
      %dma_wait3A_127 = arith.constant 0 : i32
      %dma_wait3A_128 = tpu.memref_slice %arg8[%dma_wait3A_126, %dma_wait3A_127] : memref<16x64xi32, #tpu.memory_space<vmem>> -> memref<1x64xi32, #tpu.memory_space<vmem>>
      %dma_wait3A_129 = tpu.memref_squeeze %dma_wait3A_128 : memref<1x64xi32, #tpu.memory_space<vmem>> -> memref<64xi32, #tpu.memory_space<vmem>>
      %dma_wait3A_130 = arith.constant 0 : i32
      %dma_wait3A_131 = arith.constant 0 : i32
      %dma_wait3A_132 = tpu.memref_slice %arg2[%dma_wait3A_130, %dma_wait3A_131] : memref<10240x128xf32, #tpu.memory_space<hbm>> -> memref<10240x128xf32, #tpu.memory_space<hbm>>
      tpu.wait_indirect_dma semaphore(%arg15 : memref<!tpu.dma_semaphore, #tpu.memory_space<semaphore_mem>>) src(%dma_wait3A_132 : memref<10240x128xf32, #tpu.memory_space<hbm>>) dst(%arg11 : memref<64x128xf32, #tpu.memory_space<vmem>>)
      %dma_start3A_133 = arith.constant 1 : i32
      %dma_start3A_134 = arith.constant 0 : i32
      %dma_start3A_135 = tpu.memref_slice %arg9[%dma_start3A_133, %dma_start3A_134] : memref<16x64xi32, #tpu.memory_space<vmem>> -> memref<1x64xi32, #tpu.memory_space<vmem>>
      %dma_start3A_136 = tpu.memref_squeeze %dma_start3A_135 : memref<1x64xi32, #tpu.memory_space<vmem>> -> memref<64xi32, #tpu.memory_space<vmem>>
      %dma_start3A_137 = arith.constant 0 : i32
      %dma_start3A_138 = arith.constant 0 : i32
      %dma_start3A_139 = tpu.memref_slice %arg7[%dma_start3A_137, %dma_start3A_138] : memref<10240x128xf32, #tpu.memory_space<vmem_shared>> -> memref<10240x128xf32, #tpu.memory_space<vmem_shared>>
      tpu.enqueue_indirect_dma source(%arg11 : memref<64x128xf32, #tpu.memory_space<vmem>>) target(%dma_start3A_139 : memref<10240x128xf32, #tpu.memory_space<vmem_shared>>) offsets(%dma_start3A_136 : memref<64xi32, #tpu.memory_space<vmem>>) semaphore(%arg18 : memref<!tpu.dma_semaphore, #tpu.memory_space<semaphore_mem>>) {add = true}
      %get3A_140 = arith.constant 1 : i32
      %get3A_141 = arith.index_cast %get3A_140 : i32 to index
      %get3A_142 = arith.constant 0 : index
      %get3A_143 = tpu.vector_load %arg9[%get3A_141, %get3A_142] {strides = array<i32>} : memref<16x64xi32, #tpu.memory_space<vmem>>, vector<16xi32>,
      %broadcast_in_dim3A_144 = arith.constant 1.000000e+00 : f32
      %broadcast_in_dim3A_145 = vector.broadcast %broadcast_in_dim3A_144 : f32 to vector<16xf32>
      tpu.vector_store_idx %arg13[%get3A_143], %broadcast_in_dim3A_145 {add = true} : memref<10240xf32, #tpu.memory_space<vmem>>[vector<16xi32>], vector<16xf32>,
      %get3A_146 = arith.constant 1 : i32
      %get3A_147 = arith.index_cast %get3A_146 : i32 to index
      %get3A_148 = arith.constant 16 : index
      %get3A_149 = tpu.vector_load %arg9[%get3A_147, %get3A_148] {strides = array<i32>} : memref<16x64xi32, #tpu.memory_space<vmem>>, vector<16xi32>,
      %broadcast_in_dim3A_150 = arith.constant 1.000000e+00 : f32
      %broadcast_in_dim3A_151 = vector.broadcast %broadcast_in_dim3A_150 : f32 to vector<16xf32>
      tpu.vector_store_idx %arg13[%get3A_149], %broadcast_in_dim3A_151 {add = true} : memref<10240xf32, #tpu.memory_space<vmem>>[vector<16xi32>], vector<16xf32>,
      %get3A_152 = arith.constant 1 : i32
      %get3A_153 = arith.index_cast %get3A_152 : i32 to index
      %get3A_154 = arith.constant 32 : index
      %get3A_155 = tpu.vector_load %arg9[%get3A_153, %get3A_154] {strides = array<i32>} : memref<16x64xi32, #tpu.memory_space<vmem>>, vector<16xi32>,
      %broadcast_in_dim3A_156 = arith.constant 1.000000e+00 : f32
      %broadcast_in_dim3A_157 = vector.broadcast %broadcast_in_dim3A_156 : f32 to vector<16xf32>
      tpu.vector_store_idx %arg13[%get3A_155], %broadcast_in_dim3A_157 {add = true} : memref<10240xf32, #tpu.memory_space<vmem>>[vector<16xi32>], vector<16xf32>,
      %get3A_158 = arith.constant 1 : i32
      %get3A_159 = arith.index_cast %get3A_158 : i32 to index
      %get3A_160 = arith.constant 48 : index
      %get3A_161 = tpu.vector_load %arg9[%get3A_159, %get3A_160] {strides = array<i32>} : memref<16x64xi32, #tpu.memory_space<vmem>>, vector<16xi32>,
      %broadcast_in_dim3A_162 = arith.constant 1.000000e+00 : f32
      %broadcast_in_dim3A_163 = vector.broadcast %broadcast_in_dim3A_162 : f32 to vector<16xf32>
      tpu.vector_store_idx %arg13[%get3A_161], %broadcast_in_dim3A_163 {add = true} : memref<10240xf32, #tpu.memory_space<vmem>>[vector<16xi32>], vector<16xf32>,
      %dma_wait3A_164 = arith.constant 0 : i32
      %dma_wait3A_165 = arith.constant 0 : i32
      %dma_wait3A_166 = tpu.memref_slice %arg9[%dma_wait3A_164, %dma_wait3A_165] : memref<16x64xi32, #tpu.memory_space<vmem>> -> memref<1x64xi32, #tpu.memory_space<vmem>>
      %dma_wait3A_167 = tpu.memref_squeeze %dma_wait3A_166 : memref<1x64xi32, #tpu.memory_space<vmem>> -> memref<64xi32, #tpu.memory_space<vmem>>
      %dma_wait3A_168 = arith.constant 0 : i32
      %dma_wait3A_169 = arith.constant 0 : i32
      %dma_wait3A_170 = tpu.memref_slice %arg7[%dma_wait3A_168, %dma_wait3A_169] : memref<10240x128xf32, #tpu.memory_space<vmem_shared>> -> memref<10240x128xf32, #tpu.memory_space<vmem_shared>>
      tpu.wait_indirect_dma semaphore(%arg17 : memref<!tpu.dma_semaphore, #tpu.memory_space<semaphore_mem>>) src(%arg10 : memref<64x128xf32, #tpu.memory_space<vmem>>) dst(%dma_wait3A_170 : memref<10240x128xf32, #tpu.memory_space<vmem_shared>>)
      %dma_start3A_171 = arith.constant 3 : i32
      %dma_start3A_172 = arith.constant 0 : i32
      %dma_start3A_173 = tpu.memref_slice %arg8[%dma_start3A_171, %dma_start3A_172] : memref<16x64xi32, #tpu.memory_space<vmem>> -> memref<1x64xi32, #tpu.memory_space<vmem>>
      %dma_start3A_174 = tpu.memref_squeeze %dma_start3A_173 : memref<1x64xi32, #tpu.memory_space<vmem>> -> memref<64xi32, #tpu.memory_space<vmem>>
      %dma_start3A_175 = arith.constant 0 : i32
      %dma_start3A_176 = arith.constant 0 : i32
      %dma_start3A_177 = tpu.memref_slice %arg2[%dma_start3A_175, %dma_start3A_176] : memref<10240x128xf32, #tpu.memory_space<hbm>> -> memref<10240x128xf32, #tpu.memory_space<hbm>>
      tpu.enqueue_indirect_dma source(%dma_start3A_177 : memref<10240x128xf32, #tpu.memory_space<hbm>>) target(%arg10 : memref<64x128xf32, #tpu.memory_space<vmem>>) offsets(%dma_start3A_174 : memref<64xi32, #tpu.memory_space<vmem>>) semaphore(%arg14 : memref<!tpu.dma_semaphore, #tpu.memory_space<semaphore_mem>>)
      %dma_wait3A_178 = arith.constant 2 : i32
      %dma_wait3A_179 = arith.constant 0 : i32
      %dma_wait3A_180 = tpu.memref_slice %arg8[%dma_wait3A_178, %dma_wait3A_179] : memref<16x64xi32, #tpu.memory_space<vmem>> -> memref<1x64xi32, #tpu.memory_space<vmem>>
      %dma_wait3A_181 = tpu.memref_squeeze %dma_wait3A_180 : memref<1x64xi32, #tpu.memory_space<vmem>> -> memref<64xi32, #tpu.memory_space<vmem>>
      %dma_wait3A_182 = arith.constant 0 : i32
      %dma_wait3A_183 = arith.constant 0 : i32
      %dma_wait3A_184 = tpu.memref_slice %arg2[%dma_wait3A_182, %dma_wait3A_183] : memref<10240x128xf32, #tpu.memory_space<hbm>> -> memref<10240x128xf32, #tpu.memory_space<hbm>>
      tpu.wait_indirect_dma semaphore(%arg16 : memref<!tpu.dma_semaphore, #tpu.memory_space<semaphore_mem>>) src(%dma_wait3A_184 : memref<10240x128xf32, #tpu.memory_space<hbm>>) dst(%arg12 : memref<64x128xf32, #tpu.memory_space<vmem>>)
      %dma_start3A_185 = arith.constant 2 : i32
      %dma_start3A_186 = arith.constant 0 : i32
      %dma_start3A_187 = tpu.memref_slice %arg9[%dma_start3A_185, %dma_start3A_186] : memref<16x64xi32, #tpu.memory_space<vmem>> -> memref<1x64xi32, #tpu.memory_space<vmem>>
      %dma_start3A_188 = tpu.memref_squeeze %dma_start3A_187 : memref<1x64xi32, #tpu.memory_space<vmem>> -> memref<64xi32, #tpu.memory_space<vmem>>
      %dma_start3A_189 = arith.constant 0 : i32
      %dma_start3A_190 = arith.constant 0 : i32
      %dma_start3A_191 = tpu.memref_slice %arg7[%dma_start3A_189, %dma_start3A_190] : memref<10240x128xf32, #tpu.memory_space<vmem_shared>> -> memref<10240x128xf32, #tpu.memory_space<vmem_shared>>
      tpu.enqueue_indirect_dma source(%arg12 : memref<64x128xf32, #tpu.memory_space<vmem>>) target(%dma_start3A_191 : memref<10240x128xf32, #tpu.memory_space<vmem_shared>>) offsets(%dma_start3A_188 : memref<64xi32, #tpu.memory_space<vmem>>) semaphore(%arg19 : memref<!tpu.dma_semaphore, #tpu.memory_space<semaphore_mem>>) {add = true}
      %get3A_192 = arith.constant 2 : i32
      %get3A_193 = arith.index_cast %get3A_192 : i32 to index
      %get3A_194 = arith.constant 0 : index
      %get3A_195 = tpu.vector_load %arg9[%get3A_193, %get3A_194] {strides = array<i32>} : memref<16x64xi32, #tpu.memory_space<vmem>>, vector<16xi32>,
      %broadcast_in_dim3A_196 = arith.constant 1.000000e+00 : f32
      %broadcast_in_dim3A_197 = vector.broadcast %broadcast_in_dim3A_196 : f32 to vector<16xf32>
      tpu.vector_store_idx %arg13[%get3A_195], %broadcast_in_dim3A_197 {add = true} : memref<10240xf32, #tpu.memory_space<vmem>>[vector<16xi32>], vector<16xf32>,
      %get3A_198 = arith.constant 2 : i32
      %get3A_199 = arith.index_cast %get3A_198 : i32 to index
      %get3A_200 = arith.constant 16 : index
      %get3A_201 = tpu.vector_load %arg9[%get3A_199, %get3A_200] {strides = array<i32>} : memref<16x64xi32, #tpu.memory_space<vmem>>, vector<16xi32>,
      %broadcast_in_dim3A_202 = arith.constant 1.000000e+00 : f32
      %broadcast_in_dim3A_203 = vector.broadcast %broadcast_in_dim3A_202 : f32 to vector<16xf32>
      tpu.vector_store_idx %arg13[%get3A_201], %broadcast_in_dim3A_203 {add = true} : memref<10240xf32, #tpu.memory_space<vmem>>[vector<16xi32>], vector<16xf32>,
      %get3A_204 = arith.constant 2 : i32
      %get3A_205 = arith.index_cast %get3A_204 : i32 to index
      %get3A_206 = arith.constant 32 : index
      %get3A_207 = tpu.vector_load %arg9[%get3A_205, %get3A_206] {strides = array<i32>} : memref<16x64xi32, #tpu.memory_space<vmem>>, vector<16xi32>,
      %broadcast_in_dim3A_208 = arith.constant 1.000000e+00 : f32
      %broadcast_in_dim3A_209 = vector.broadcast %broadcast_in_dim3A_208 : f32 to vector<16xf32>
      tpu.vector_store_idx %arg13[%get3A_207], %broadcast_in_dim3A_209 {add = true} : memref<10240xf32, #tpu.memory_space<vmem>>[vector<16xi32>], vector<16xf32>,
      %get3A_210 = arith.constant 2 : i32
      %get3A_211 = arith.index_cast %get3A_210 : i32 to index
      %get3A_212 = arith.constant 48 : index
      %get3A_213 = tpu.vector_load %arg9[%get3A_211, %get3A_212] {strides = array<i32>} : memref<16x64xi32, #tpu.memory_space<vmem>>, vector<16xi32>,
      %broadcast_in_dim3A_214 = arith.constant 1.000000e+00 : f32
      %broadcast_in_dim3A_215 = vector.broadcast %broadcast_in_dim3A_214 : f32 to vector<16xf32>
      tpu.vector_store_idx %arg13[%get3A_213], %broadcast_in_dim3A_215 {add = true} : memref<10240xf32, #tpu.memory_space<vmem>>[vector<16xi32>], vector<16xf32>,
      %dma_wait3A_216 = arith.constant 1 : i32
      %dma_wait3A_217 = arith.constant 0 : i32
      %dma_wait3A_218 = tpu.memref_slice %arg9[%dma_wait3A_216, %dma_wait3A_217] : memref<16x64xi32, #tpu.memory_space<vmem>> -> memref<1x64xi32, #tpu.memory_space<vmem>>
      %dma_wait3A_219 = tpu.memref_squeeze %dma_wait3A_218 : memref<1x64xi32, #tpu.memory_space<vmem>> -> memref<64xi32, #tpu.memory_space<vmem>>
      %dma_wait3A_220 = arith.constant 0 : i32
      %dma_wait3A_221 = arith.constant 0 : i32
      %dma_wait3A_222 = tpu.memref_slice %arg7[%dma_wait3A_220, %dma_wait3A_221] : memref<10240x128xf32, #tpu.memory_space<vmem_shared>> -> memref<10240x128xf32, #tpu.memory_space<vmem_shared>>
      tpu.wait_indirect_dma semaphore(%arg18 : memref<!tpu.dma_semaphore, #tpu.memory_space<semaphore_mem>>) src(%arg11 : memref<64x128xf32, #tpu.memory_space<vmem>>) dst(%dma_wait3A_222 : memref<10240x128xf32, #tpu.memory_space<vmem_shared>>)
      %dma_start3A_223 = arith.constant 4 : i32
      %dma_start3A_224 = arith.constant 0 : i32
      %dma_start3A_225 = tpu.memref_slice %arg8[%dma_start3A_223, %dma_start3A_224] : memref<16x64xi32, #tpu.memory_space<vmem>> -> memref<1x64xi32, #tpu.memory_space<vmem>>
      %dma_start3A_226 = tpu.memref_squeeze %dma_start3A_225 : memref<1x64xi32, #tpu.memory_space<vmem>> -> memref<64xi32, #tpu.memory_space<vmem>>
      %dma_start3A_227 = arith.constant 0 : i32
      %dma_start3A_228 = arith.constant 0 : i32
      %dma_start3A_229 = tpu.memref_slice %arg2[%dma_start3A_227, %dma_start3A_228] : memref<10240x128xf32, #tpu.memory_space<hbm>> -> memref<10240x128xf32, #tpu.memory_space<hbm>>
      tpu.enqueue_indirect_dma source(%dma_start3A_229 : memref<10240x128xf32, #tpu.memory_space<hbm>>) target(%arg11 : memref<64x128xf32, #tpu.memory_space<vmem>>) offsets(%dma_start3A_226 : memref<64xi32, #tpu.memory_space<vmem>>) semaphore(%arg15 : memref<!tpu.dma_semaphore, #tpu.memory_space<semaphore_mem>>)
      %dma_wait3A_230 = arith.constant 3 : i32
      %dma_wait3A_231 = arith.constant 0 : i32
      %dma_wait3A_232 = tpu.memref_slice %arg8[%dma_wait3A_230, %dma_wait3A_231] : memref<16x64xi32, #tpu.memory_space<vmem>> -> memref<1x64xi32, #tpu.memory_space<vmem>>
      %dma_wait3A_233 = tpu.memref_squeeze %dma_wait3A_232 : memref<1x64xi32, #tpu.memory_space<vmem>> -> memref<64xi32, #tpu.memory_space<vmem>>
      %dma_wait3A_234 = arith.constant 0 : i32
      %dma_wait3A_235 = arith.constant 0 : i32
      %dma_wait3A_236 = tpu.memref_slice %arg2[%dma_wait3A_234, %dma_wait3A_235] : memref<10240x128xf32, #tpu.memory_space<hbm>> -> memref<10240x128xf32, #tpu.memory_space<hbm>>
      tpu.wait_indirect_dma semaphore(%arg14 : memref<!tpu.dma_semaphore, #tpu.memory_space<semaphore_mem>>) src(%dma_wait3A_236 : memref<10240x128xf32, #tpu.memory_space<hbm>>) dst(%arg10 : memref<64x128xf32, #tpu.memory_space<vmem>>)
      %dma_start3A_237 = arith.constant 3 : i32
      %dma_start3A_238 = arith.constant 0 : i32
      %dma_start3A_239 = tpu.memref_slice %arg9[%dma_start3A_237, %dma_start3A_238] : memref<16x64xi32, #tpu.memory_space<vmem>> -> memref<1x64xi32, #tpu.memory_space<vmem>>
      %dma_start3A_240 = tpu.memref_squeeze %dma_start3A_239 : memref<1x64xi32, #tpu.memory_space<vmem>> -> memref<64xi32, #tpu.memory_space<vmem>>
      %dma_start3A_241 = arith.constant 0 : i32
      %dma_start3A_242 = arith.constant 0 : i32
      %dma_start3A_243 = tpu.memref_slice %arg7[%dma_start3A_241, %dma_start3A_242] : memref<10240x128xf32, #tpu.memory_space<vmem_shared>> -> memref<10240x128xf32, #tpu.memory_space<vmem_shared>>
      tpu.enqueue_indirect_dma source(%arg10 : memref<64x128xf32, #tpu.memory_space<vmem>>) target(%dma_start3A_243 : memref<10240x128xf32, #tpu.memory_space<vmem_shared>>) offsets(%dma_start3A_240 : memref<64xi32, #tpu.memory_space<vmem>>) semaphore(%arg17 : memref<!tpu.dma_semaphore, #tpu.memory_space<semaphore_mem>>) {add = true}
      %get3A_244 = arith.constant 3 : i32
      %get3A_245 = arith.index_cast %get3A_244 : i32 to index
      %get3A_246 = arith.constant 0 : index
      %get3A_247 = tpu.vector_load %arg9[%get3A_245, %get3A_246] {strides = array<i32>} : memref<16x64xi32, #tpu.memory_space<vmem>>, vector<16xi32>,
      %broadcast_in_dim3A_248 = arith.constant 1.000000e+00 : f32
      %broadcast_in_dim3A_249 = vector.broadcast %broadcast_in_dim3A_248 : f32 to vector<16xf32>
      tpu.vector_store_idx %arg13[%get3A_247], %broadcast_in_dim3A_249 {add = true} : memref<10240xf32, #tpu.memory_space<vmem>>[vector<16xi32>], vector<16xf32>,
      %get3A_250 = arith.constant 3 : i32
      %get3A_251 = arith.index_cast %get3A_250 : i32 to index
      %get3A_252 = arith.constant 16 : index
      %get3A_253 = tpu.vector_load %arg9[%get3A_251, %get3A_252] {strides = array<i32>} : memref<16x64xi32, #tpu.memory_space<vmem>>, vector<16xi32>,
      %broadcast_in_dim3A_254 = arith.constant 1.000000e+00 : f32
      %broadcast_in_dim3A_255 = vector.broadcast %broadcast_in_dim3A_254 : f32 to vector<16xf32>
      tpu.vector_store_idx %arg13[%get3A_253], %broadcast_in_dim3A_255 {add = true} : memref<10240xf32, #tpu.memory_space<vmem>>[vector<16xi32>], vector<16xf32>,
      %get3A_256 = arith.constant 3 : i32
      %get3A_257 = arith.index_cast %get3A_256 : i32 to index
      %get3A_258 = arith.constant 32 : index
      %get3A_259 = tpu.vector_load %arg9[%get3A_257, %get3A_258] {strides = array<i32>} : memref<16x64xi32, #tpu.memory_space<vmem>>, vector<16xi32>,
      %broadcast_in_dim3A_260 = arith.constant 1.000000e+00 : f32
      %broadcast_in_dim3A_261 = vector.broadcast %broadcast_in_dim3A_260 : f32 to vector<16xf32>
      tpu.vector_store_idx %arg13[%get3A_259], %broadcast_in_dim3A_261 {add = true} : memref<10240xf32, #tpu.memory_space<vmem>>[vector<16xi32>], vector<16xf32>,
      %get3A_262 = arith.constant 3 : i32
      %get3A_263 = arith.index_cast %get3A_262 : i32 to index
      %get3A_264 = arith.constant 48 : index
      %get3A_265 = tpu.vector_load %arg9[%get3A_263, %get3A_264] {strides = array<i32>} : memref<16x64xi32, #tpu.memory_space<vmem>>, vector<16xi32>,
      %broadcast_in_dim3A_266 = arith.constant 1.000000e+00 : f32
      %broadcast_in_dim3A_267 = vector.broadcast %broadcast_in_dim3A_266 : f32 to vector<16xf32>
      tpu.vector_store_idx %arg13[%get3A_265], %broadcast_in_dim3A_267 {add = true} : memref<10240xf32, #tpu.memory_space<vmem>>[vector<16xi32>], vector<16xf32>,
      %dma_wait3A_268 = arith.constant 2 : i32
      %dma_wait3A_269 = arith.constant 0 : i32
      %dma_wait3A_270 = tpu.memref_slice %arg9[%dma_wait3A_268, %dma_wait3A_269] : memref<16x64xi32, #tpu.memory_space<vmem>> -> memref<1x64xi32, #tpu.memory_space<vmem>>
      %dma_wait3A_271 = tpu.memref_squeeze %dma_wait3A_270 : memref<1x64xi32, #tpu.memory_space<vmem>> -> memref<64xi32, #tpu.memory_space<vmem>>
      %dma_wait3A_272 = arith.constant 0 : i32
      %dma_wait3A_273 = arith.constant 0 : i32
      %dma_wait3A_274 = tpu.memref_slice %arg7[%dma_wait3A_272, %dma_wait3A_273] : memref<10240x128xf32, #tpu.memory_space<vmem_shared>> -> memref<10240x128xf32, #tpu.memory_space<vmem_shared>>
      tpu.wait_indirect_dma semaphore(%arg19 : memref<!tpu.dma_semaphore, #tpu.memory_space<semaphore_mem>>) src(%arg12 : memref<64x128xf32, #tpu.memory_space<vmem>>) dst(%dma_wait3A_274 : memref<10240x128xf32, #tpu.memory_space<vmem_shared>>)
      %dma_start3A_275 = arith.constant 5 : i32
      %dma_start3A_276 = arith.constant 0 : i32
      %dma_start3A_277 = tpu.memref_slice %arg8[%dma_start3A_275, %dma_start3A_276] : memref<16x64xi32, #tpu.memory_space<vmem>> -> memref<1x64xi32, #tpu.memory_space<vmem>>
      %dma_start3A_278 = tpu.memref_squeeze %dma_start3A_277 : memref<1x64xi32, #tpu.memory_space<vmem>> -> memref<64xi32, #tpu.memory_space<vmem>>
      %dma_start3A_279 = arith.constant 0 : i32
      %dma_start3A_280 = arith.constant 0 : i32
      %dma_start3A_281 = tpu.memref_slice %arg2[%dma_start3A_279, %dma_start3A_280] : memref<10240x128xf32, #tpu.memory_space<hbm>> -> memref<10240x128xf32, #tpu.memory_space<hbm>>
      tpu.enqueue_indirect_dma source(%dma_start3A_281 : memref<10240x128xf32, #tpu.memory_space<hbm>>) target(%arg12 : memref<64x128xf32, #tpu.memory_space<vmem>>) offsets(%dma_start3A_278 : memref<64xi32, #tpu.memory_space<vmem>>) semaphore(%arg16 : memref<!tpu.dma_semaphore, #tpu.memory_space<semaphore_mem>>)
      %dma_wait3A_282 = arith.constant 4 : i32
      %dma_wait3A_283 = arith.constant 0 : i32
      %dma_wait3A_284 = tpu.memref_slice %arg8[%dma_wait3A_282, %dma_wait3A_283] : memref<16x64xi32, #tpu.memory_space<vmem>> -> memref<1x64xi32, #tpu.memory_space<vmem>>
      %dma_wait3A_285 = tpu.memref_squeeze %dma_wait3A_284 : memref<1x64xi32, #tpu.memory_space<vmem>> -> memref<64xi32, #tpu.memory_space<vmem>>
      %dma_wait3A_286 = arith.constant 0 : i32
      %dma_wait3A_287 = arith.constant 0 : i32
      %dma_wait3A_288 = tpu.memref_slice %arg2[%dma_wait3A_286, %dma_wait3A_287] : memref<10240x128xf32, #tpu.memory_space<hbm>> -> memref<10240x128xf32, #tpu.memory_space<hbm>>
      tpu.wait_indirect_dma semaphore(%arg15 : memref<!tpu.dma_semaphore, #tpu.memory_space<semaphore_mem>>) src(%dma_wait3A_288 : memref<10240x128xf32, #tpu.memory_space<hbm>>) dst(%arg11 : memref<64x128xf32, #tpu.memory_space<vmem>>)
      %dma_start3A_289 = arith.constant 4 : i32
      %dma_start3A_290 = arith.constant 0 : i32
      %dma_start3A_291 = tpu.memref_slice %arg9[%dma_start3A_289, %dma_start3A_290] : memref<16x64xi32, #tpu.memory_space<vmem>> -> memref<1x64xi32, #tpu.memory_space<vmem>>
      %dma_start3A_292 = tpu.memref_squeeze %dma_start3A_291 : memref<1x64xi32, #tpu.memory_space<vmem>> -> memref<64xi32, #tpu.memory_space<vmem>>
      %dma_start3A_293 = arith.constant 0 : i32
      %dma_start3A_294 = arith.constant 0 : i32
      %dma_start3A_295 = tpu.memref_slice %arg7[%dma_start3A_293, %dma_start3A_294] : memref<10240x128xf32, #tpu.memory_space<vmem_shared>> -> memref<10240x128xf32, #tpu.memory_space<vmem_shared>>
      tpu.enqueue_indirect_dma source(%arg11 : memref<64x128xf32, #tpu.memory_space<vmem>>) target(%dma_start3A_295 : memref<10240x128xf32, #tpu.memory_space<vmem_shared>>) offsets(%dma_start3A_292 : memref<64xi32, #tpu.memory_space<vmem>>) semaphore(%arg18 : memref<!tpu.dma_semaphore, #tpu.memory_space<semaphore_mem>>) {add = true}
      %get3A_296 = arith.constant 4 : i32
      %get3A_297 = arith.index_cast %get3A_296 : i32 to index
      %get3A_298 = arith.constant 0 : index
      %get3A_299 = tpu.vector_load %arg9[%get3A_297, %get3A_298] {strides = array<i32>} : memref<16x64xi32, #tpu.memory_space<vmem>>, vector<16xi32>,
      %broadcast_in_dim3A_300 = arith.constant 1.000000e+00 : f32
      %broadcast_in_dim3A_301 = vector.broadcast %broadcast_in_dim3A_300 : f32 to vector<16xf32>
      tpu.vector_store_idx %arg13[%get3A_299], %broadcast_in_dim3A_301 {add = true} : memref<10240xf32, #tpu.memory_space<vmem>>[vector<16xi32>], vector<16xf32>,
      %get3A_302 = arith.constant 4 : i32
      %get3A_303 = arith.index_cast %get3A_302 : i32 to index
      %get3A_304 = arith.constant 16 : index
      %get3A_305 = tpu.vector_load %arg9[%get3A_303, %get3A_304] {strides = array<i32>} : memref<16x64xi32, #tpu.memory_space<vmem>>, vector<16xi32>,
      %broadcast_in_dim3A_306 = arith.constant 1.000000e+00 : f32
      %broadcast_in_dim3A_307 = vector.broadcast %broadcast_in_dim3A_306 : f32 to vector<16xf32>
      tpu.vector_store_idx %arg13[%get3A_305], %broadcast_in_dim3A_307 {add = true} : memref<10240xf32, #tpu.memory_space<vmem>>[vector<16xi32>], vector<16xf32>,
      %get3A_308 = arith.constant 4 : i32
      %get3A_309 = arith.index_cast %get3A_308 : i32 to index
      %get3A_310 = arith.constant 32 : index
      %get3A_311 = tpu.vector_load %arg9[%get3A_309, %get3A_310] {strides = array<i32>} : memref<16x64xi32, #tpu.memory_space<vmem>>, vector<16xi32>,
      %broadcast_in_dim3A_312 = arith.constant 1.000000e+00 : f32
      %broadcast_in_dim3A_313 = vector.broadcast %broadcast_in_dim3A_312 : f32 to vector<16xf32>
      tpu.vector_store_idx %arg13[%get3A_311], %broadcast_in_dim3A_313 {add = true} : memref<10240xf32, #tpu.memory_space<vmem>>[vector<16xi32>], vector<16xf32>,
      %get3A_314 = arith.constant 4 : i32
      %get3A_315 = arith.index_cast %get3A_314 : i32 to index
      %get3A_316 = arith.constant 48 : index
      %get3A_317 = tpu.vector_load %arg9[%get3A_315, %get3A_316] {strides = array<i32>} : memref<16x64xi32, #tpu.memory_space<vmem>>, vector<16xi32>,
      %broadcast_in_dim3A_318 = arith.constant 1.000000e+00 : f32
      %broadcast_in_dim3A_319 = vector.broadcast %broadcast_in_dim3A_318 : f32 to vector<16xf32>
      tpu.vector_store_idx %arg13[%get3A_317], %broadcast_in_dim3A_319 {add = true} : memref<10240xf32, #tpu.memory_space<vmem>>[vector<16xi32>], vector<16xf32>,
      %dma_wait3A_320 = arith.constant 3 : i32
      %dma_wait3A_321 = arith.constant 0 : i32
      %dma_wait3A_322 = tpu.memref_slice %arg9[%dma_wait3A_320, %dma_wait3A_321] : memref<16x64xi32, #tpu.memory_space<vmem>> -> memref<1x64xi32, #tpu.memory_space<vmem>>
      %dma_wait3A_323 = tpu.memref_squeeze %dma_wait3A_322 : memref<1x64xi32, #tpu.memory_space<vmem>> -> memref<64xi32, #tpu.memory_space<vmem>>
      %dma_wait3A_324 = arith.constant 0 : i32
      %dma_wait3A_325 = arith.constant 0 : i32
      %dma_wait3A_326 = tpu.memref_slice %arg7[%dma_wait3A_324, %dma_wait3A_325] : memref<10240x128xf32, #tpu.memory_space<vmem_shared>> -> memref<10240x128xf32, #tpu.memory_space<vmem_shared>>
      tpu.wait_indirect_dma semaphore(%arg17 : memref<!tpu.dma_semaphore, #tpu.memory_space<semaphore_mem>>) src(%arg10 : memref<64x128xf32, #tpu.memory_space<vmem>>) dst(%dma_wait3A_326 : memref<10240x128xf32, #tpu.memory_space<vmem_shared>>)
      %dma_start3A_327 = arith.constant 6 : i32
      %dma_start3A_328 = arith.constant 0 : i32
      %dma_start3A_329 = tpu.memref_slice %arg8[%dma_start3A_327, %dma_start3A_328] : memref<16x64xi32, #tpu.memory_space<vmem>> -> memref<1x64xi32, #tpu.memory_space<vmem>>
      %dma_start3A_330 = tpu.memref_squeeze %dma_start3A_329 : memref<1x64xi32, #tpu.memory_space<vmem>> -> memref<64xi32, #tpu.memory_space<vmem>>
      %dma_start3A_331 = arith.constant 0 : i32
      %dma_start3A_332 = arith.constant 0 : i32
      %dma_start3A_333 = tpu.memref_slice %arg2[%dma_start3A_331, %dma_start3A_332] : memref<10240x128xf32, #tpu.memory_space<hbm>> -> memref<10240x128xf32, #tpu.memory_space<hbm>>
      tpu.enqueue_indirect_dma source(%dma_start3A_333 : memref<10240x128xf32, #tpu.memory_space<hbm>>) target(%arg10 : memref<64x128xf32, #tpu.memory_space<vmem>>) offsets(%dma_start3A_330 : memref<64xi32, #tpu.memory_space<vmem>>) semaphore(%arg14 : memref<!tpu.dma_semaphore, #tpu.memory_space<semaphore_mem>>)
      %dma_wait3A_334 = arith.constant 5 : i32
      %dma_wait3A_335 = arith.constant 0 : i32
      %dma_wait3A_336 = tpu.memref_slice %arg8[%dma_wait3A_334, %dma_wait3A_335] : memref<16x64xi32, #tpu.memory_space<vmem>> -> memref<1x64xi32, #tpu.memory_space<vmem>>
      %dma_wait3A_337 = tpu.memref_squeeze %dma_wait3A_336 : memref<1x64xi32, #tpu.memory_space<vmem>> -> memref<64xi32, #tpu.memory_space<vmem>>
      %dma_wait3A_338 = arith.constant 0 : i32
      %dma_wait3A_339 = arith.constant 0 : i32
      %dma_wait3A_340 = tpu.memref_slice %arg2[%dma_wait3A_338, %dma_wait3A_339] : memref<10240x128xf32, #tpu.memory_space<hbm>> -> memref<10240x128xf32, #tpu.memory_space<hbm>>
      tpu.wait_indirect_dma semaphore(%arg16 : memref<!tpu.dma_semaphore, #tpu.memory_space<semaphore_mem>>) src(%dma_wait3A_340 : memref<10240x128xf32, #tpu.memory_space<hbm>>) dst(%arg12 : memref<64x128xf32, #tpu.memory_space<vmem>>)
      %dma_start3A_341 = arith.constant 5 : i32
      %dma_start3A_342 = arith.constant 0 : i32
      %dma_start3A_343 = tpu.memref_slice %arg9[%dma_start3A_341, %dma_start3A_342] : memref<16x64xi32, #tpu.memory_space<vmem>> -> memref<1x64xi32, #tpu.memory_space<vmem>>
      %dma_start3A_344 = tpu.memref_squeeze %dma_start3A_343 : memref<1x64xi32, #tpu.memory_space<vmem>> -> memref<64xi32, #tpu.memory_space<vmem>>
      %dma_start3A_345 = arith.constant 0 : i32
      %dma_start3A_346 = arith.constant 0 : i32
      %dma_start3A_347 = tpu.memref_slice %arg7[%dma_start3A_345, %dma_start3A_346] : memref<10240x128xf32, #tpu.memory_space<vmem_shared>> -> memref<10240x128xf32, #tpu.memory_space<vmem_shared>>
      tpu.enqueue_indirect_dma source(%arg12 : memref<64x128xf32, #tpu.memory_space<vmem>>) target(%dma_start3A_347 : memref<10240x128xf32, #tpu.memory_space<vmem_shared>>) offsets(%dma_start3A_344 : memref<64xi32, #tpu.memory_space<vmem>>) semaphore(%arg19 : memref<!tpu.dma_semaphore, #tpu.memory_space<semaphore_mem>>) {add = true}
      %get3A_348 = arith.constant 5 : i32
      %get3A_349 = arith.index_cast %get3A_348 : i32 to index
      %get3A_350 = arith.constant 0 : index
      %get3A_351 = tpu.vector_load %arg9[%get3A_349, %get3A_350] {strides = array<i32>} : memref<16x64xi32, #tpu.memory_space<vmem>>, vector<16xi32>,
      %broadcast_in_dim3A_352 = arith.constant 1.000000e+00 : f32
      %broadcast_in_dim3A_353 = vector.broadcast %broadcast_in_dim3A_352 : f32 to vector<16xf32>
      tpu.vector_store_idx %arg13[%get3A_351], %broadcast_in_dim3A_353 {add = true} : memref<10240xf32, #tpu.memory_space<vmem>>[vector<16xi32>], vector<16xf32>,
      %get3A_354 = arith.constant 5 : i32
      %get3A_355 = arith.index_cast %get3A_354 : i32 to index
      %get3A_356 = arith.constant 16 : index
      %get3A_357 = tpu.vector_load %arg9[%get3A_355, %get3A_356] {strides = array<i32>} : memref<16x64xi32, #tpu.memory_space<vmem>>, vector<16xi32>,
      %broadcast_in_dim3A_358 = arith.constant 1.000000e+00 : f32
      %broadcast_in_dim3A_359 = vector.broadcast %broadcast_in_dim3A_358 : f32 to vector<16xf32>
      tpu.vector_store_idx %arg13[%get3A_357], %broadcast_in_dim3A_359 {add = true} : memref<10240xf32, #tpu.memory_space<vmem>>[vector<16xi32>], vector<16xf32>,
      %get3A_360 = arith.constant 5 : i32
      %get3A_361 = arith.index_cast %get3A_360 : i32 to index
      %get3A_362 = arith.constant 32 : index
      %get3A_363 = tpu.vector_load %arg9[%get3A_361, %get3A_362] {strides = array<i32>} : memref<16x64xi32, #tpu.memory_space<vmem>>, vector<16xi32>,
      %broadcast_in_dim3A_364 = arith.constant 1.000000e+00 : f32
      %broadcast_in_dim3A_365 = vector.broadcast %broadcast_in_dim3A_364 : f32 to vector<16xf32>
      tpu.vector_store_idx %arg13[%get3A_363], %broadcast_in_dim3A_365 {add = true} : memref<10240xf32, #tpu.memory_space<vmem>>[vector<16xi32>], vector<16xf32>,
      %get3A_366 = arith.constant 5 : i32
      %get3A_367 = arith.index_cast %get3A_366 : i32 to index
      %get3A_368 = arith.constant 48 : index
      %get3A_369 = tpu.vector_load %arg9[%get3A_367, %get3A_368] {strides = array<i32>} : memref<16x64xi32, #tpu.memory_space<vmem>>, vector<16xi32>,
      %broadcast_in_dim3A_370 = arith.constant 1.000000e+00 : f32
      %broadcast_in_dim3A_371 = vector.broadcast %broadcast_in_dim3A_370 : f32 to vector<16xf32>
      tpu.vector_store_idx %arg13[%get3A_369], %broadcast_in_dim3A_371 {add = true} : memref<10240xf32, #tpu.memory_space<vmem>>[vector<16xi32>], vector<16xf32>,
      %dma_wait3A_372 = arith.constant 4 : i32
      %dma_wait3A_373 = arith.constant 0 : i32
      %dma_wait3A_374 = tpu.memref_slice %arg9[%dma_wait3A_372, %dma_wait3A_373] : memref<16x64xi32, #tpu.memory_space<vmem>> -> memref<1x64xi32, #tpu.memory_space<vmem>>
      %dma_wait3A_375 = tpu.memref_squeeze %dma_wait3A_374 : memref<1x64xi32, #tpu.memory_space<vmem>> -> memref<64xi32, #tpu.memory_space<vmem>>
      %dma_wait3A_376 = arith.constant 0 : i32
      %dma_wait3A_377 = arith.constant 0 : i32
      %dma_wait3A_378 = tpu.memref_slice %arg7[%dma_wait3A_376, %dma_wait3A_377] : memref<10240x128xf32, #tpu.memory_space<vmem_shared>> -> memref<10240x128xf32, #tpu.memory_space<vmem_shared>>
      tpu.wait_indirect_dma semaphore(%arg18 : memref<!tpu.dma_semaphore, #tpu.memory_space<semaphore_mem>>) src(%arg11 : memref<64x128xf32, #tpu.memory_space<vmem>>) dst(%dma_wait3A_378 : memref<10240x128xf32, #tpu.memory_space<vmem_shared>>)
      %dma_start3A_379 = arith.constant 7 : i32
      %dma_start3A_380 = arith.constant 0 : i32
      %dma_start3A_381 = tpu.memref_slice %arg8[%dma_start3A_379, %dma_start3A_380] : memref<16x64xi32, #tpu.memory_space<vmem>> -> memref<1x64xi32, #tpu.memory_space<vmem>>
      %dma_start3A_382 = tpu.memref_squeeze %dma_start3A_381 : memref<1x64xi32, #tpu.memory_space<vmem>> -> memref<64xi32, #tpu.memory_space<vmem>>
      %dma_start3A_383 = arith.constant 0 : i32
      %dma_start3A_384 = arith.constant 0 : i32
      %dma_start3A_385 = tpu.memref_slice %arg2[%dma_start3A_383, %dma_start3A_384] : memref<10240x128xf32, #tpu.memory_space<hbm>> -> memref<10240x128xf32, #tpu.memory_space<hbm>>
      tpu.enqueue_indirect_dma source(%dma_start3A_385 : memref<10240x128xf32, #tpu.memory_space<hbm>>) target(%arg11 : memref<64x128xf32, #tpu.memory_space<vmem>>) offsets(%dma_start3A_382 : memref<64xi32, #tpu.memory_space<vmem>>) semaphore(%arg15 : memref<!tpu.dma_semaphore, #tpu.memory_space<semaphore_mem>>)
      %dma_wait3A_386 = arith.constant 6 : i32
      %dma_wait3A_387 = arith.constant 0 : i32
      %dma_wait3A_388 = tpu.memref_slice %arg8[%dma_wait3A_386, %dma_wait3A_387] : memref<16x64xi32, #tpu.memory_space<vmem>> -> memref<1x64xi32, #tpu.memory_space<vmem>>
      %dma_wait3A_389 = tpu.memref_squeeze %dma_wait3A_388 : memref<1x64xi32, #tpu.memory_space<vmem>> -> memref<64xi32, #tpu.memory_space<vmem>>
      %dma_wait3A_390 = arith.constant 0 : i32
      %dma_wait3A_391 = arith.constant 0 : i32
      %dma_wait3A_392 = tpu.memref_slice %arg2[%dma_wait3A_390, %dma_wait3A_391] : memref<10240x128xf32, #tpu.memory_space<hbm>> -> memref<10240x128xf32, #tpu.memory_space<hbm>>
      tpu.wait_indirect_dma semaphore(%arg14 : memref<!tpu.dma_semaphore, #tpu.memory_space<semaphore_mem>>) src(%dma_wait3A_392 : memref<10240x128xf32, #tpu.memory_space<hbm>>) dst(%arg10 : memref<64x128xf32, #tpu.memory_space<vmem>>)
      %dma_start3A_393 = arith.constant 6 : i32
      %dma_start3A_394 = arith.constant 0 : i32
      %dma_start3A_395 = tpu.memref_slice %arg9[%dma_start3A_393, %dma_start3A_394] : memref<16x64xi32, #tpu.memory_space<vmem>> -> memref<1x64xi32, #tpu.memory_space<vmem>>
      %dma_start3A_396 = tpu.memref_squeeze %dma_start3A_395 : memref<1x64xi32, #tpu.memory_space<vmem>> -> memref<64xi32, #tpu.memory_space<vmem>>
      %dma_start3A_397 = arith.constant 0 : i32
      %dma_start3A_398 = arith.constant 0 : i32
      %dma_start3A_399 = tpu.memref_slice %arg7[%dma_start3A_397, %dma_start3A_398] : memref<10240x128xf32, #tpu.memory_space<vmem_shared>> -> memref<10240x128xf32, #tpu.memory_space<vmem_shared>>
      tpu.enqueue_indirect_dma source(%arg10 : memref<64x128xf32, #tpu.memory_space<vmem>>) target(%dma_start3A_399 : memref<10240x128xf32, #tpu.memory_space<vmem_shared>>) offsets(%dma_start3A_396 : memref<64xi32, #tpu.memory_space<vmem>>) semaphore(%arg17 : memref<!tpu.dma_semaphore, #tpu.memory_space<semaphore_mem>>) {add = true}
      %get3A_400 = arith.constant 6 : i32
      %get3A_401 = arith.index_cast %get3A_400 : i32 to index
      %get3A_402 = arith.constant 0 : index
      %get3A_403 = tpu.vector_load %arg9[%get3A_401, %get3A_402] {strides = array<i32>} : memref<16x64xi32, #tpu.memory_space<vmem>>, vector<16xi32>,
      %broadcast_in_dim3A_404 = arith.constant 1.000000e+00 : f32
      %broadcast_in_dim3A_405 = vector.broadcast %broadcast_in_dim3A_404 : f32 to vector<16xf32>
      tpu.vector_store_idx %arg13[%get3A_403], %broadcast_in_dim3A_405 {add = true} : memref<10240xf32, #tpu.memory_space<vmem>>[vector<16xi32>], vector<16xf32>,
      %get3A_406 = arith.constant 6 : i32
      %get3A_407 = arith.index_cast %get3A_406 : i32 to index
      %get3A_408 = arith.constant 16 : index
      %get3A_409 = tpu.vector_load %arg9[%get3A_407, %get3A_408] {strides = array<i32>} : memref<16x64xi32, #tpu.memory_space<vmem>>, vector<16xi32>,
      %broadcast_in_dim3A_410 = arith.constant 1.000000e+00 : f32
      %broadcast_in_dim3A_411 = vector.broadcast %broadcast_in_dim3A_410 : f32 to vector<16xf32>
      tpu.vector_store_idx %arg13[%get3A_409], %broadcast_in_dim3A_411 {add = true} : memref<10240xf32, #tpu.memory_space<vmem>>[vector<16xi32>], vector<16xf32>,
      %get3A_412 = arith.constant 6 : i32
      %get3A_413 = arith.index_cast %get3A_412 : i32 to index
      %get3A_414 = arith.constant 32 : index
      %get3A_415 = tpu.vector_load %arg9[%get3A_413, %get3A_414] {strides = array<i32>} : memref<16x64xi32, #tpu.memory_space<vmem>>, vector<16xi32>,
      %broadcast_in_dim3A_416 = arith.constant 1.000000e+00 : f32
      %broadcast_in_dim3A_417 = vector.broadcast %broadcast_in_dim3A_416 : f32 to vector<16xf32>
      tpu.vector_store_idx %arg13[%get3A_415], %broadcast_in_dim3A_417 {add = true} : memref<10240xf32, #tpu.memory_space<vmem>>[vector<16xi32>], vector<16xf32>,
      %get3A_418 = arith.constant 6 : i32
      %get3A_419 = arith.index_cast %get3A_418 : i32 to index
      %get3A_420 = arith.constant 48 : index
      %get3A_421 = tpu.vector_load %arg9[%get3A_419, %get3A_420] {strides = array<i32>} : memref<16x64xi32, #tpu.memory_space<vmem>>, vector<16xi32>,
      %broadcast_in_dim3A_422 = arith.constant 1.000000e+00 : f32
      %broadcast_in_dim3A_423 = vector.broadcast %broadcast_in_dim3A_422 : f32 to vector<16xf32>
      tpu.vector_store_idx %arg13[%get3A_421], %broadcast_in_dim3A_423 {add = true} : memref<10240xf32, #tpu.memory_space<vmem>>[vector<16xi32>], vector<16xf32>,
      %dma_wait3A_424 = arith.constant 5 : i32
      %dma_wait3A_425 = arith.constant 0 : i32
      %dma_wait3A_426 = tpu.memref_slice %arg9[%dma_wait3A_424, %dma_wait3A_425] : memref<16x64xi32, #tpu.memory_space<vmem>> -> memref<1x64xi32, #tpu.memory_space<vmem>>
      %dma_wait3A_427 = tpu.memref_squeeze %dma_wait3A_426 : memref<1x64xi32, #tpu.memory_space<vmem>> -> memref<64xi32, #tpu.memory_space<vmem>>
      %dma_wait3A_428 = arith.constant 0 : i32
      %dma_wait3A_429 = arith.constant 0 : i32
      %dma_wait3A_430 = tpu.memref_slice %arg7[%dma_wait3A_428, %dma_wait3A_429] : memref<10240x128xf32, #tpu.memory_space<vmem_shared>> -> memref<10240x128xf32, #tpu.memory_space<vmem_shared>>
      tpu.wait_indirect_dma semaphore(%arg19 : memref<!tpu.dma_semaphore, #tpu.memory_space<semaphore_mem>>) src(%arg12 : memref<64x128xf32, #tpu.memory_space<vmem>>) dst(%dma_wait3A_430 : memref<10240x128xf32, #tpu.memory_space<vmem_shared>>)
      %dma_start3A_431 = arith.constant 8 : i32
      %dma_start3A_432 = arith.constant 0 : i32
      %dma_start3A_433 = tpu.memref_slice %arg8[%dma_start3A_431, %dma_start3A_432] : memref<16x64xi32, #tpu.memory_space<vmem>> -> memref<1x64xi32, #tpu.memory_space<vmem>>
      %dma_start3A_434 = tpu.memref_squeeze %dma_start3A_433 : memref<1x64xi32, #tpu.memory_space<vmem>> -> memref<64xi32, #tpu.memory_space<vmem>>
      %dma_start3A_435 = arith.constant 0 : i32
      %dma_start3A_436 = arith.constant 0 : i32
      %dma_start3A_437 = tpu.memref_slice %arg2[%dma_start3A_435, %dma_start3A_436] : memref<10240x128xf32, #tpu.memory_space<hbm>> -> memref<10240x128xf32, #tpu.memory_space<hbm>>
      tpu.enqueue_indirect_dma source(%dma_start3A_437 : memref<10240x128xf32, #tpu.memory_space<hbm>>) target(%arg12 : memref<64x128xf32, #tpu.memory_space<vmem>>) offsets(%dma_start3A_434 : memref<64xi32, #tpu.memory_space<vmem>>) semaphore(%arg16 : memref<!tpu.dma_semaphore, #tpu.memory_space<semaphore_mem>>)
      %dma_wait3A_438 = arith.constant 7 : i32
      %dma_wait3A_439 = arith.constant 0 : i32
      %dma_wait3A_440 = tpu.memref_slice %arg8[%dma_wait3A_438, %dma_wait3A_439] : memref<16x64xi32, #tpu.memory_space<vmem>> -> memref<1x64xi32, #tpu.memory_space<vmem>>
      %dma_wait3A_441 = tpu.memref_squeeze %dma_wait3A_440 : memref<1x64xi32, #tpu.memory_space<vmem>> -> memref<64xi32, #tpu.memory_space<vmem>>
      %dma_wait3A_442 = arith.constant 0 : i32
      %dma_wait3A_443 = arith.constant 0 : i32
      %dma_wait3A_444 = tpu.memref_slice %arg2[%dma_wait3A_442, %dma_wait3A_443] : memref<10240x128xf32, #tpu.memory_space<hbm>> -> memref<10240x128xf32, #tpu.memory_space<hbm>>
      tpu.wait_indirect_dma semaphore(%arg15 : memref<!tpu.dma_semaphore, #tpu.memory_space<semaphore_mem>>) src(%dma_wait3A_444 : memref<10240x128xf32, #tpu.memory_space<hbm>>) dst(%arg11 : memref<64x128xf32, #tpu.memory_space<vmem>>)
      %dma_start3A_445 = arith.constant 7 : i32
      %dma_start3A_446 = arith.constant 0 : i32
      %dma_start3A_447 = tpu.memref_slice %arg9[%dma_start3A_445, %dma_start3A_446] : memref<16x64xi32, #tpu.memory_space<vmem>> -> memref<1x64xi32, #tpu.memory_space<vmem>>
      %dma_start3A_448 = tpu.memref_squeeze %dma_start3A_447 : memref<1x64xi32, #tpu.memory_space<vmem>> -> memref<64xi32, #tpu.memory_space<vmem>>
      %dma_start3A_449 = arith.constant 0 : i32
      %dma_start3A_450 = arith.constant 0 : i32
      %dma_start3A_451 = tpu.memref_slice %arg7[%dma_start3A_449, %dma_start3A_450] : memref<10240x128xf32, #tpu.memory_space<vmem_shared>> -> memref<10240x128xf32, #tpu.memory_space<vmem_shared>>
      tpu.enqueue_indirect_dma source(%arg11 : memref<64x128xf32, #tpu.memory_space<vmem>>) target(%dma_start3A_451 : memref<10240x128xf32, #tpu.memory_space<vmem_shared>>) offsets(%dma_start3A_448 : memref<64xi32, #tpu.memory_space<vmem>>) semaphore(%arg18 : memref<!tpu.dma_semaphore, #tpu.memory_space<semaphore_mem>>) {add = true}
      %get3A_452 = arith.constant 7 : i32
      %get3A_453 = arith.index_cast %get3A_452 : i32 to index
      %get3A_454 = arith.constant 0 : index
      %get3A_455 = tpu.vector_load %arg9[%get3A_453, %get3A_454] {strides = array<i32>} : memref<16x64xi32, #tpu.memory_space<vmem>>, vector<16xi32>,
      %broadcast_in_dim3A_456 = arith.constant 1.000000e+00 : f32
      %broadcast_in_dim3A_457 = vector.broadcast %broadcast_in_dim3A_456 : f32 to vector<16xf32>
      tpu.vector_store_idx %arg13[%get3A_455], %broadcast_in_dim3A_457 {add = true} : memref<10240xf32, #tpu.memory_space<vmem>>[vector<16xi32>], vector<16xf32>,
      %get3A_458 = arith.constant 7 : i32
      %get3A_459 = arith.index_cast %get3A_458 : i32 to index
      %get3A_460 = arith.constant 16 : index
      %get3A_461 = tpu.vector_load %arg9[%get3A_459, %get3A_460] {strides = array<i32>} : memref<16x64xi32, #tpu.memory_space<vmem>>, vector<16xi32>,
      %broadcast_in_dim3A_462 = arith.constant 1.000000e+00 : f32
      %broadcast_in_dim3A_463 = vector.broadcast %broadcast_in_dim3A_462 : f32 to vector<16xf32>
      tpu.vector_store_idx %arg13[%get3A_461], %broadcast_in_dim3A_463 {add = true} : memref<10240xf32, #tpu.memory_space<vmem>>[vector<16xi32>], vector<16xf32>,
      %get3A_464 = arith.constant 7 : i32
      %get3A_465 = arith.index_cast %get3A_464 : i32 to index
      %get3A_466 = arith.constant 32 : index
      %get3A_467 = tpu.vector_load %arg9[%get3A_465, %get3A_466] {strides = array<i32>} : memref<16x64xi32, #tpu.memory_space<vmem>>, vector<16xi32>,
      %broadcast_in_dim3A_468 = arith.constant 1.000000e+00 : f32
      %broadcast_in_dim3A_469 = vector.broadcast %broadcast_in_dim3A_468 : f32 to vector<16xf32>
      tpu.vector_store_idx %arg13[%get3A_467], %broadcast_in_dim3A_469 {add = true} : memref<10240xf32, #tpu.memory_space<vmem>>[vector<16xi32>], vector<16xf32>,
      %get3A_470 = arith.constant 7 : i32
      %get3A_471 = arith.index_cast %get3A_470 : i32 to index
      %get3A_472 = arith.constant 48 : index
      %get3A_473 = tpu.vector_load %arg9[%get3A_471, %get3A_472] {strides = array<i32>} : memref<16x64xi32, #tpu.memory_space<vmem>>, vector<16xi32>,
      %broadcast_in_dim3A_474 = arith.constant 1.000000e+00 : f32
      %broadcast_in_dim3A_475 = vector.broadcast %broadcast_in_dim3A_474 : f32 to vector<16xf32>
      tpu.vector_store_idx %arg13[%get3A_473], %broadcast_in_dim3A_475 {add = true} : memref<10240xf32, #tpu.memory_space<vmem>>[vector<16xi32>], vector<16xf32>,
      %dma_wait3A_476 = arith.constant 6 : i32
      %dma_wait3A_477 = arith.constant 0 : i32
      %dma_wait3A_478 = tpu.memref_slice %arg9[%dma_wait3A_476, %dma_wait3A_477] : memref<16x64xi32, #tpu.memory_space<vmem>> -> memref<1x64xi32, #tpu.memory_space<vmem>>
      %dma_wait3A_479 = tpu.memref_squeeze %dma_wait3A_478 : memref<1x64xi32, #tpu.memory_space<vmem>> -> memref<64xi32, #tpu.memory_space<vmem>>
      %dma_wait3A_480 = arith.constant 0 : i32
      %dma_wait3A_481 = arith.constant 0 : i32
      %dma_wait3A_482 = tpu.memref_slice %arg7[%dma_wait3A_480, %dma_wait3A_481] : memref<10240x128xf32, #tpu.memory_space<vmem_shared>> -> memref<10240x128xf32, #tpu.memory_space<vmem_shared>>
      tpu.wait_indirect_dma semaphore(%arg17 : memref<!tpu.dma_semaphore, #tpu.memory_space<semaphore_mem>>) src(%arg10 : memref<64x128xf32, #tpu.memory_space<vmem>>) dst(%dma_wait3A_482 : memref<10240x128xf32, #tpu.memory_space<vmem_shared>>)
      %dma_start3A_483 = arith.constant 9 : i32
      %dma_start3A_484 = arith.constant 0 : i32
      %dma_start3A_485 = tpu.memref_slice %arg8[%dma_start3A_483, %dma_start3A_484] : memref<16x64xi32, #tpu.memory_space<vmem>> -> memref<1x64xi32, #tpu.memory_space<vmem>>
      %dma_start3A_486 = tpu.memref_squeeze %dma_start3A_485 : memref<1x64xi32, #tpu.memory_space<vmem>> -> memref<64xi32, #tpu.memory_space<vmem>>
      %dma_start3A_487 = arith.constant 0 : i32
      %dma_start3A_488 = arith.constant 0 : i32
      %dma_start3A_489 = tpu.memref_slice %arg2[%dma_start3A_487, %dma_start3A_488] : memref<10240x128xf32, #tpu.memory_space<hbm>> -> memref<10240x128xf32, #tpu.memory_space<hbm>>
      tpu.enqueue_indirect_dma source(%dma_start3A_489 : memref<10240x128xf32, #tpu.memory_space<hbm>>) target(%arg10 : memref<64x128xf32, #tpu.memory_space<vmem>>) offsets(%dma_start3A_486 : memref<64xi32, #tpu.memory_space<vmem>>) semaphore(%arg14 : memref<!tpu.dma_semaphore, #tpu.memory_space<semaphore_mem>>)
      %dma_wait3A_490 = arith.constant 8 : i32
      %dma_wait3A_491 = arith.constant 0 : i32
      %dma_wait3A_492 = tpu.memref_slice %arg8[%dma_wait3A_490, %dma_wait3A_491] : memref<16x64xi32, #tpu.memory_space<vmem>> -> memref<1x64xi32, #tpu.memory_space<vmem>>
      %dma_wait3A_493 = tpu.memref_squeeze %dma_wait3A_492 : memref<1x64xi32, #tpu.memory_space<vmem>> -> memref<64xi32, #tpu.memory_space<vmem>>
      %dma_wait3A_494 = arith.constant 0 : i32
      %dma_wait3A_495 = arith.constant 0 : i32
      %dma_wait3A_496 = tpu.memref_slice %arg2[%dma_wait3A_494, %dma_wait3A_495] : memref<10240x128xf32, #tpu.memory_space<hbm>> -> memref<10240x128xf32, #tpu.memory_space<hbm>>
      tpu.wait_indirect_dma semaphore(%arg16 : memref<!tpu.dma_semaphore, #tpu.memory_space<semaphore_mem>>) src(%dma_wait3A_496 : memref<10240x128xf32, #tpu.memory_space<hbm>>) dst(%arg12 : memref<64x128xf32, #tpu.memory_space<vmem>>)
      %dma_start3A_497 = arith.constant 8 : i32
      %dma_start3A_498 = arith.constant 0 : i32
      %dma_start3A_499 = tpu.memref_slice %arg9[%dma_start3A_497, %dma_start3A_498] : memref<16x64xi32, #tpu.memory_space<vmem>> -> memref<1x64xi32, #tpu.memory_space<vmem>>
      %dma_start3A_500 = tpu.memref_squeeze %dma_start3A_499 : memref<1x64xi32, #tpu.memory_space<vmem>> -> memref<64xi32, #tpu.memory_space<vmem>>
      %dma_start3A_501 = arith.constant 0 : i32
      %dma_start3A_502 = arith.constant 0 : i32
      %dma_start3A_503 = tpu.memref_slice %arg7[%dma_start3A_501, %dma_start3A_502] : memref<10240x128xf32, #tpu.memory_space<vmem_shared>> -> memref<10240x128xf32, #tpu.memory_space<vmem_shared>>
      tpu.enqueue_indirect_dma source(%arg12 : memref<64x128xf32, #tpu.memory_space<vmem>>) target(%dma_start3A_503 : memref<10240x128xf32, #tpu.memory_space<vmem_shared>>) offsets(%dma_start3A_500 : memref<64xi32, #tpu.memory_space<vmem>>) semaphore(%arg19 : memref<!tpu.dma_semaphore, #tpu.memory_space<semaphore_mem>>) {add = true}
      %get3A_504 = arith.constant 8 : i32
      %get3A_505 = arith.index_cast %get3A_504 : i32 to index
      %get3A_506 = arith.constant 0 : index
      %get3A_507 = tpu.vector_load %arg9[%get3A_505, %get3A_506] {strides = array<i32>} : memref<16x64xi32, #tpu.memory_space<vmem>>, vector<16xi32>,
      %broadcast_in_dim3A_508 = arith.constant 1.000000e+00 : f32
      %broadcast_in_dim3A_509 = vector.broadcast %broadcast_in_dim3A_508 : f32 to vector<16xf32>
      tpu.vector_store_idx %arg13[%get3A_507], %broadcast_in_dim3A_509 {add = true} : memref<10240xf32, #tpu.memory_space<vmem>>[vector<16xi32>], vector<16xf32>,
      %get3A_510 = arith.constant 8 : i32
      %get3A_511 = arith.index_cast %get3A_510 : i32 to index
      %get3A_512 = arith.constant 16 : index
      %get3A_513 = tpu.vector_load %arg9[%get3A_511, %get3A_512] {strides = array<i32>} : memref<16x64xi32, #tpu.memory_space<vmem>>, vector<16xi32>,
      %broadcast_in_dim3A_514 = arith.constant 1.000000e+00 : f32
      %broadcast_in_dim3A_515 = vector.broadcast %broadcast_in_dim3A_514 : f32 to vector<16xf32>
      tpu.vector_store_idx %arg13[%get3A_513], %broadcast_in_dim3A_515 {add = true} : memref<10240xf32, #tpu.memory_space<vmem>>[vector<16xi32>], vector<16xf32>,
      %get3A_516 = arith.constant 8 : i32
      %get3A_517 = arith.index_cast %get3A_516 : i32 to index
      %get3A_518 = arith.constant 32 : index
      %get3A_519 = tpu.vector_load %arg9[%get3A_517, %get3A_518] {strides = array<i32>} : memref<16x64xi32, #tpu.memory_space<vmem>>, vector<16xi32>,
      %broadcast_in_dim3A_520 = arith.constant 1.000000e+00 : f32
      %broadcast_in_dim3A_521 = vector.broadcast %broadcast_in_dim3A_520 : f32 to vector<16xf32>
      tpu.vector_store_idx %arg13[%get3A_519], %broadcast_in_dim3A_521 {add = true} : memref<10240xf32, #tpu.memory_space<vmem>>[vector<16xi32>], vector<16xf32>,
      %get3A_522 = arith.constant 8 : i32
      %get3A_523 = arith.index_cast %get3A_522 : i32 to index
      %get3A_524 = arith.constant 48 : index
      %get3A_525 = tpu.vector_load %arg9[%get3A_523, %get3A_524] {strides = array<i32>} : memref<16x64xi32, #tpu.memory_space<vmem>>, vector<16xi32>,
      %broadcast_in_dim3A_526 = arith.constant 1.000000e+00 : f32
      %broadcast_in_dim3A_527 = vector.broadcast %broadcast_in_dim3A_526 : f32 to vector<16xf32>
      tpu.vector_store_idx %arg13[%get3A_525], %broadcast_in_dim3A_527 {add = true} : memref<10240xf32, #tpu.memory_space<vmem>>[vector<16xi32>], vector<16xf32>,
      %dma_wait3A_528 = arith.constant 7 : i32
      %dma_wait3A_529 = arith.constant 0 : i32
      %dma_wait3A_530 = tpu.memref_slice %arg9[%dma_wait3A_528, %dma_wait3A_529] : memref<16x64xi32, #tpu.memory_space<vmem>> -> memref<1x64xi32, #tpu.memory_space<vmem>>
      %dma_wait3A_531 = tpu.memref_squeeze %dma_wait3A_530 : memref<1x64xi32, #tpu.memory_space<vmem>> -> memref<64xi32, #tpu.memory_space<vmem>>
      %dma_wait3A_532 = arith.constant 0 : i32
      %dma_wait3A_533 = arith.constant 0 : i32
      %dma_wait3A_534 = tpu.memref_slice %arg7[%dma_wait3A_532, %dma_wait3A_533] : memref<10240x128xf32, #tpu.memory_space<vmem_shared>> -> memref<10240x128xf32, #tpu.memory_space<vmem_shared>>
      tpu.wait_indirect_dma semaphore(%arg18 : memref<!tpu.dma_semaphore, #tpu.memory_space<semaphore_mem>>) src(%arg11 : memref<64x128xf32, #tpu.memory_space<vmem>>) dst(%dma_wait3A_534 : memref<10240x128xf32, #tpu.memory_space<vmem_shared>>)
      %dma_start3A_535 = arith.constant 10 : i32
      %dma_start3A_536 = arith.constant 0 : i32
      %dma_start3A_537 = tpu.memref_slice %arg8[%dma_start3A_535, %dma_start3A_536] : memref<16x64xi32, #tpu.memory_space<vmem>> -> memref<1x64xi32, #tpu.memory_space<vmem>>
      %dma_start3A_538 = tpu.memref_squeeze %dma_start3A_537 : memref<1x64xi32, #tpu.memory_space<vmem>> -> memref<64xi32, #tpu.memory_space<vmem>>
      %dma_start3A_539 = arith.constant 0 : i32
      %dma_start3A_540 = arith.constant 0 : i32
      %dma_start3A_541 = tpu.memref_slice %arg2[%dma_start3A_539, %dma_start3A_540] : memref<10240x128xf32, #tpu.memory_space<hbm>> -> memref<10240x128xf32, #tpu.memory_space<hbm>>
      tpu.enqueue_indirect_dma source(%dma_start3A_541 : memref<10240x128xf32, #tpu.memory_space<hbm>>) target(%arg11 : memref<64x128xf32, #tpu.memory_space<vmem>>) offsets(%dma_start3A_538 : memref<64xi32, #tpu.memory_space<vmem>>) semaphore(%arg15 : memref<!tpu.dma_semaphore, #tpu.memory_space<semaphore_mem>>)
      %dma_wait3A_542 = arith.constant 9 : i32
      %dma_wait3A_543 = arith.constant 0 : i32
      %dma_wait3A_544 = tpu.memref_slice %arg8[%dma_wait3A_542, %dma_wait3A_543] : memref<16x64xi32, #tpu.memory_space<vmem>> -> memref<1x64xi32, #tpu.memory_space<vmem>>
      %dma_wait3A_545 = tpu.memref_squeeze %dma_wait3A_544 : memref<1x64xi32, #tpu.memory_space<vmem>> -> memref<64xi32, #tpu.memory_space<vmem>>
      %dma_wait3A_546 = arith.constant 0 : i32
      %dma_wait3A_547 = arith.constant 0 : i32
      %dma_wait3A_548 = tpu.memref_slice %arg2[%dma_wait3A_546, %dma_wait3A_547] : memref<10240x128xf32, #tpu.memory_space<hbm>> -> memref<10240x128xf32, #tpu.memory_space<hbm>>
      tpu.wait_indirect_dma semaphore(%arg14 : memref<!tpu.dma_semaphore, #tpu.memory_space<semaphore_mem>>) src(%dma_wait3A_548 : memref<10240x128xf32, #tpu.memory_space<hbm>>) dst(%arg10 : memref<64x128xf32, #tpu.memory_space<vmem>>)
      %dma_start3A_549 = arith.constant 9 : i32
      %dma_start3A_550 = arith.constant 0 : i32
      %dma_start3A_551 = tpu.memref_slice %arg9[%dma_start3A_549, %dma_start3A_550] : memref<16x64xi32, #tpu.memory_space<vmem>> -> memref<1x64xi32, #tpu.memory_space<vmem>>
      %dma_start3A_552 = tpu.memref_squeeze %dma_start3A_551 : memref<1x64xi32, #tpu.memory_space<vmem>> -> memref<64xi32, #tpu.memory_space<vmem>>
      %dma_start3A_553 = arith.constant 0 : i32
      %dma_start3A_554 = arith.constant 0 : i32
      %dma_start3A_555 = tpu.memref_slice %arg7[%dma_start3A_553, %dma_start3A_554] : memref<10240x128xf32, #tpu.memory_space<vmem_shared>> -> memref<10240x128xf32, #tpu.memory_space<vmem_shared>>
      tpu.enqueue_indirect_dma source(%arg10 : memref<64x128xf32, #tpu.memory_space<vmem>>) target(%dma_start3A_555 : memref<10240x128xf32, #tpu.memory_space<vmem_shared>>) offsets(%dma_start3A_552 : memref<64xi32, #tpu.memory_space<vmem>>) semaphore(%arg17 : memref<!tpu.dma_semaphore, #tpu.memory_space<semaphore_mem>>) {add = true}
      %get3A_556 = arith.constant 9 : i32
      %get3A_557 = arith.index_cast %get3A_556 : i32 to index
      %get3A_558 = arith.constant 0 : index
      %get3A_559 = tpu.vector_load %arg9[%get3A_557, %get3A_558] {strides = array<i32>} : memref<16x64xi32, #tpu.memory_space<vmem>>, vector<16xi32>,
      %broadcast_in_dim3A_560 = arith.constant 1.000000e+00 : f32
      %broadcast_in_dim3A_561 = vector.broadcast %broadcast_in_dim3A_560 : f32 to vector<16xf32>
      tpu.vector_store_idx %arg13[%get3A_559], %broadcast_in_dim3A_561 {add = true} : memref<10240xf32, #tpu.memory_space<vmem>>[vector<16xi32>], vector<16xf32>,
      %get3A_562 = arith.constant 9 : i32
      %get3A_563 = arith.index_cast %get3A_562 : i32 to index
      %get3A_564 = arith.constant 16 : index
      %get3A_565 = tpu.vector_load %arg9[%get3A_563, %get3A_564] {strides = array<i32>} : memref<16x64xi32, #tpu.memory_space<vmem>>, vector<16xi32>,
      %broadcast_in_dim3A_566 = arith.constant 1.000000e+00 : f32
      %broadcast_in_dim3A_567 = vector.broadcast %broadcast_in_dim3A_566 : f32 to vector<16xf32>
      tpu.vector_store_idx %arg13[%get3A_565], %broadcast_in_dim3A_567 {add = true} : memref<10240xf32, #tpu.memory_space<vmem>>[vector<16xi32>], vector<16xf32>,
      %get3A_568 = arith.constant 9 : i32
      %get3A_569 = arith.index_cast %get3A_568 : i32 to index
      %get3A_570 = arith.constant 32 : index
      %get3A_571 = tpu.vector_load %arg9[%get3A_569, %get3A_570] {strides = array<i32>} : memref<16x64xi32, #tpu.memory_space<vmem>>, vector<16xi32>,
      %broadcast_in_dim3A_572 = arith.constant 1.000000e+00 : f32
      %broadcast_in_dim3A_573 = vector.broadcast %broadcast_in_dim3A_572 : f32 to vector<16xf32>
      tpu.vector_store_idx %arg13[%get3A_571], %broadcast_in_dim3A_573 {add = true} : memref<10240xf32, #tpu.memory_space<vmem>>[vector<16xi32>], vector<16xf32>,
      %get3A_574 = arith.constant 9 : i32
      %get3A_575 = arith.index_cast %get3A_574 : i32 to index
      %get3A_576 = arith.constant 48 : index
      %get3A_577 = tpu.vector_load %arg9[%get3A_575, %get3A_576] {strides = array<i32>} : memref<16x64xi32, #tpu.memory_space<vmem>>, vector<16xi32>,
      %broadcast_in_dim3A_578 = arith.constant 1.000000e+00 : f32
      %broadcast_in_dim3A_579 = vector.broadcast %broadcast_in_dim3A_578 : f32 to vector<16xf32>
      tpu.vector_store_idx %arg13[%get3A_577], %broadcast_in_dim3A_579 {add = true} : memref<10240xf32, #tpu.memory_space<vmem>>[vector<16xi32>], vector<16xf32>,
      %dma_wait3A_580 = arith.constant 8 : i32
      %dma_wait3A_581 = arith.constant 0 : i32
      %dma_wait3A_582 = tpu.memref_slice %arg9[%dma_wait3A_580, %dma_wait3A_581] : memref<16x64xi32, #tpu.memory_space<vmem>> -> memref<1x64xi32, #tpu.memory_space<vmem>>
      %dma_wait3A_583 = tpu.memref_squeeze %dma_wait3A_582 : memref<1x64xi32, #tpu.memory_space<vmem>> -> memref<64xi32, #tpu.memory_space<vmem>>
      %dma_wait3A_584 = arith.constant 0 : i32
      %dma_wait3A_585 = arith.constant 0 : i32
      %dma_wait3A_586 = tpu.memref_slice %arg7[%dma_wait3A_584, %dma_wait3A_585] : memref<10240x128xf32, #tpu.memory_space<vmem_shared>> -> memref<10240x128xf32, #tpu.memory_space<vmem_shared>>
      tpu.wait_indirect_dma semaphore(%arg19 : memref<!tpu.dma_semaphore, #tpu.memory_space<semaphore_mem>>) src(%arg12 : memref<64x128xf32, #tpu.memory_space<vmem>>) dst(%dma_wait3A_586 : memref<10240x128xf32, #tpu.memory_space<vmem_shared>>)
      %dma_start3A_587 = arith.constant 11 : i32
      %dma_start3A_588 = arith.constant 0 : i32
      %dma_start3A_589 = tpu.memref_slice %arg8[%dma_start3A_587, %dma_start3A_588] : memref<16x64xi32, #tpu.memory_space<vmem>> -> memref<1x64xi32, #tpu.memory_space<vmem>>
      %dma_start3A_590 = tpu.memref_squeeze %dma_start3A_589 : memref<1x64xi32, #tpu.memory_space<vmem>> -> memref<64xi32, #tpu.memory_space<vmem>>
      %dma_start3A_591 = arith.constant 0 : i32
      %dma_start3A_592 = arith.constant 0 : i32
      %dma_start3A_593 = tpu.memref_slice %arg2[%dma_start3A_591, %dma_start3A_592] : memref<10240x128xf32, #tpu.memory_space<hbm>> -> memref<10240x128xf32, #tpu.memory_space<hbm>>
      tpu.enqueue_indirect_dma source(%dma_start3A_593 : memref<10240x128xf32, #tpu.memory_space<hbm>>) target(%arg12 : memref<64x128xf32, #tpu.memory_space<vmem>>) offsets(%dma_start3A_590 : memref<64xi32, #tpu.memory_space<vmem>>) semaphore(%arg16 : memref<!tpu.dma_semaphore, #tpu.memory_space<semaphore_mem>>)
      %dma_wait3A_594 = arith.constant 10 : i32
      %dma_wait3A_595 = arith.constant 0 : i32
      %dma_wait3A_596 = tpu.memref_slice %arg8[%dma_wait3A_594, %dma_wait3A_595] : memref<16x64xi32, #tpu.memory_space<vmem>> -> memref<1x64xi32, #tpu.memory_space<vmem>>
      %dma_wait3A_597 = tpu.memref_squeeze %dma_wait3A_596 : memref<1x64xi32, #tpu.memory_space<vmem>> -> memref<64xi32, #tpu.memory_space<vmem>>
      %dma_wait3A_598 = arith.constant 0 : i32
      %dma_wait3A_599 = arith.constant 0 : i32
      %dma_wait3A_600 = tpu.memref_slice %arg2[%dma_wait3A_598, %dma_wait3A_599] : memref<10240x128xf32, #tpu.memory_space<hbm>> -> memref<10240x128xf32, #tpu.memory_space<hbm>>
      tpu.wait_indirect_dma semaphore(%arg15 : memref<!tpu.dma_semaphore, #tpu.memory_space<semaphore_mem>>) src(%dma_wait3A_600 : memref<10240x128xf32, #tpu.memory_space<hbm>>) dst(%arg11 : memref<64x128xf32, #tpu.memory_space<vmem>>)
      %dma_start3A_601 = arith.constant 10 : i32
      %dma_start3A_602 = arith.constant 0 : i32
      %dma_start3A_603 = tpu.memref_slice %arg9[%dma_start3A_601, %dma_start3A_602] : memref<16x64xi32, #tpu.memory_space<vmem>> -> memref<1x64xi32, #tpu.memory_space<vmem>>
      %dma_start3A_604 = tpu.memref_squeeze %dma_start3A_603 : memref<1x64xi32, #tpu.memory_space<vmem>> -> memref<64xi32, #tpu.memory_space<vmem>>
      %dma_start3A_605 = arith.constant 0 : i32
      %dma_start3A_606 = arith.constant 0 : i32
      %dma_start3A_607 = tpu.memref_slice %arg7[%dma_start3A_605, %dma_start3A_606] : memref<10240x128xf32, #tpu.memory_space<vmem_shared>> -> memref<10240x128xf32, #tpu.memory_space<vmem_shared>>
      tpu.enqueue_indirect_dma source(%arg11 : memref<64x128xf32, #tpu.memory_space<vmem>>) target(%dma_start3A_607 : memref<10240x128xf32, #tpu.memory_space<vmem_shared>>) offsets(%dma_start3A_604 : memref<64xi32, #tpu.memory_space<vmem>>) semaphore(%arg18 : memref<!tpu.dma_semaphore, #tpu.memory_space<semaphore_mem>>) {add = true}
      %get3A_608 = arith.constant 10 : i32
      %get3A_609 = arith.index_cast %get3A_608 : i32 to index
      %get3A_610 = arith.constant 0 : index
      %get3A_611 = tpu.vector_load %arg9[%get3A_609, %get3A_610] {strides = array<i32>} : memref<16x64xi32, #tpu.memory_space<vmem>>, vector<16xi32>,
      %broadcast_in_dim3A_612 = arith.constant 1.000000e+00 : f32
      %broadcast_in_dim3A_613 = vector.broadcast %broadcast_in_dim3A_612 : f32 to vector<16xf32>
      tpu.vector_store_idx %arg13[%get3A_611], %broadcast_in_dim3A_613 {add = true} : memref<10240xf32, #tpu.memory_space<vmem>>[vector<16xi32>], vector<16xf32>,
      %get3A_614 = arith.constant 10 : i32
      %get3A_615 = arith.index_cast %get3A_614 : i32 to index
      %get3A_616 = arith.constant 16 : index
      %get3A_617 = tpu.vector_load %arg9[%get3A_615, %get3A_616] {strides = array<i32>} : memref<16x64xi32, #tpu.memory_space<vmem>>, vector<16xi32>,
      %broadcast_in_dim3A_618 = arith.constant 1.000000e+00 : f32
      %broadcast_in_dim3A_619 = vector.broadcast %broadcast_in_dim3A_618 : f32 to vector<16xf32>
      tpu.vector_store_idx %arg13[%get3A_617], %broadcast_in_dim3A_619 {add = true} : memref<10240xf32, #tpu.memory_space<vmem>>[vector<16xi32>], vector<16xf32>,
      %get3A_620 = arith.constant 10 : i32
      %get3A_621 = arith.index_cast %get3A_620 : i32 to index
      %get3A_622 = arith.constant 32 : index
      %get3A_623 = tpu.vector_load %arg9[%get3A_621, %get3A_622] {strides = array<i32>} : memref<16x64xi32, #tpu.memory_space<vmem>>, vector<16xi32>,
      %broadcast_in_dim3A_624 = arith.constant 1.000000e+00 : f32
      %broadcast_in_dim3A_625 = vector.broadcast %broadcast_in_dim3A_624 : f32 to vector<16xf32>
      tpu.vector_store_idx %arg13[%get3A_623], %broadcast_in_dim3A_625 {add = true} : memref<10240xf32, #tpu.memory_space<vmem>>[vector<16xi32>], vector<16xf32>,
      %get3A_626 = arith.constant 10 : i32
      %get3A_627 = arith.index_cast %get3A_626 : i32 to index
      %get3A_628 = arith.constant 48 : index
      %get3A_629 = tpu.vector_load %arg9[%get3A_627, %get3A_628] {strides = array<i32>} : memref<16x64xi32, #tpu.memory_space<vmem>>, vector<16xi32>,
      %broadcast_in_dim3A_630 = arith.constant 1.000000e+00 : f32
      %broadcast_in_dim3A_631 = vector.broadcast %broadcast_in_dim3A_630 : f32 to vector<16xf32>
      tpu.vector_store_idx %arg13[%get3A_629], %broadcast_in_dim3A_631 {add = true} : memref<10240xf32, #tpu.memory_space<vmem>>[vector<16xi32>], vector<16xf32>,
      %dma_wait3A_632 = arith.constant 9 : i32
      %dma_wait3A_633 = arith.constant 0 : i32
      %dma_wait3A_634 = tpu.memref_slice %arg9[%dma_wait3A_632, %dma_wait3A_633] : memref<16x64xi32, #tpu.memory_space<vmem>> -> memref<1x64xi32, #tpu.memory_space<vmem>>
      %dma_wait3A_635 = tpu.memref_squeeze %dma_wait3A_634 : memref<1x64xi32, #tpu.memory_space<vmem>> -> memref<64xi32, #tpu.memory_space<vmem>>
      %dma_wait3A_636 = arith.constant 0 : i32
      %dma_wait3A_637 = arith.constant 0 : i32
      %dma_wait3A_638 = tpu.memref_slice %arg7[%dma_wait3A_636, %dma_wait3A_637] : memref<10240x128xf32, #tpu.memory_space<vmem_shared>> -> memref<10240x128xf32, #tpu.memory_space<vmem_shared>>
      tpu.wait_indirect_dma semaphore(%arg17 : memref<!tpu.dma_semaphore, #tpu.memory_space<semaphore_mem>>) src(%arg10 : memref<64x128xf32, #tpu.memory_space<vmem>>) dst(%dma_wait3A_638 : memref<10240x128xf32, #tpu.memory_space<vmem_shared>>)
      %dma_start3A_639 = arith.constant 12 : i32
      %dma_start3A_640 = arith.constant 0 : i32
      %dma_start3A_641 = tpu.memref_slice %arg8[%dma_start3A_639, %dma_start3A_640] : memref<16x64xi32, #tpu.memory_space<vmem>> -> memref<1x64xi32, #tpu.memory_space<vmem>>
      %dma_start3A_642 = tpu.memref_squeeze %dma_start3A_641 : memref<1x64xi32, #tpu.memory_space<vmem>> -> memref<64xi32, #tpu.memory_space<vmem>>
      %dma_start3A_643 = arith.constant 0 : i32
      %dma_start3A_644 = arith.constant 0 : i32
      %dma_start3A_645 = tpu.memref_slice %arg2[%dma_start3A_643, %dma_start3A_644] : memref<10240x128xf32, #tpu.memory_space<hbm>> -> memref<10240x128xf32, #tpu.memory_space<hbm>>
      tpu.enqueue_indirect_dma source(%dma_start3A_645 : memref<10240x128xf32, #tpu.memory_space<hbm>>) target(%arg10 : memref<64x128xf32, #tpu.memory_space<vmem>>) offsets(%dma_start3A_642 : memref<64xi32, #tpu.memory_space<vmem>>) semaphore(%arg14 : memref<!tpu.dma_semaphore, #tpu.memory_space<semaphore_mem>>)
      %dma_wait3A_646 = arith.constant 11 : i32
      %dma_wait3A_647 = arith.constant 0 : i32
      %dma_wait3A_648 = tpu.memref_slice %arg8[%dma_wait3A_646, %dma_wait3A_647] : memref<16x64xi32, #tpu.memory_space<vmem>> -> memref<1x64xi32, #tpu.memory_space<vmem>>
      %dma_wait3A_649 = tpu.memref_squeeze %dma_wait3A_648 : memref<1x64xi32, #tpu.memory_space<vmem>> -> memref<64xi32, #tpu.memory_space<vmem>>
      %dma_wait3A_650 = arith.constant 0 : i32
      %dma_wait3A_651 = arith.constant 0 : i32
      %dma_wait3A_652 = tpu.memref_slice %arg2[%dma_wait3A_650, %dma_wait3A_651] : memref<10240x128xf32, #tpu.memory_space<hbm>> -> memref<10240x128xf32, #tpu.memory_space<hbm>>
      tpu.wait_indirect_dma semaphore(%arg16 : memref<!tpu.dma_semaphore, #tpu.memory_space<semaphore_mem>>) src(%dma_wait3A_652 : memref<10240x128xf32, #tpu.memory_space<hbm>>) dst(%arg12 : memref<64x128xf32, #tpu.memory_space<vmem>>)
      %dma_start3A_653 = arith.constant 11 : i32
      %dma_start3A_654 = arith.constant 0 : i32
      %dma_start3A_655 = tpu.memref_slice %arg9[%dma_start3A_653, %dma_start3A_654] : memref<16x64xi32, #tpu.memory_space<vmem>> -> memref<1x64xi32, #tpu.memory_space<vmem>>
      %dma_start3A_656 = tpu.memref_squeeze %dma_start3A_655 : memref<1x64xi32, #tpu.memory_space<vmem>> -> memref<64xi32, #tpu.memory_space<vmem>>
      %dma_start3A_657 = arith.constant 0 : i32
      %dma_start3A_658 = arith.constant 0 : i32
      %dma_start3A_659 = tpu.memref_slice %arg7[%dma_start3A_657, %dma_start3A_658] : memref<10240x128xf32, #tpu.memory_space<vmem_shared>> -> memref<10240x128xf32, #tpu.memory_space<vmem_shared>>
      tpu.enqueue_indirect_dma source(%arg12 : memref<64x128xf32, #tpu.memory_space<vmem>>) target(%dma_start3A_659 : memref<10240x128xf32, #tpu.memory_space<vmem_shared>>) offsets(%dma_start3A_656 : memref<64xi32, #tpu.memory_space<vmem>>) semaphore(%arg19 : memref<!tpu.dma_semaphore, #tpu.memory_space<semaphore_mem>>) {add = true}
      %get3A_660 = arith.constant 11 : i32
      %get3A_661 = arith.index_cast %get3A_660 : i32 to index
      %get3A_662 = arith.constant 0 : index
      %get3A_663 = tpu.vector_load %arg9[%get3A_661, %get3A_662] {strides = array<i32>} : memref<16x64xi32, #tpu.memory_space<vmem>>, vector<16xi32>,
      %broadcast_in_dim3A_664 = arith.constant 1.000000e+00 : f32
      %broadcast_in_dim3A_665 = vector.broadcast %broadcast_in_dim3A_664 : f32 to vector<16xf32>
      tpu.vector_store_idx %arg13[%get3A_663], %broadcast_in_dim3A_665 {add = true} : memref<10240xf32, #tpu.memory_space<vmem>>[vector<16xi32>], vector<16xf32>,
      %get3A_666 = arith.constant 11 : i32
      %get3A_667 = arith.index_cast %get3A_666 : i32 to index
      %get3A_668 = arith.constant 16 : index
      %get3A_669 = tpu.vector_load %arg9[%get3A_667, %get3A_668] {strides = array<i32>} : memref<16x64xi32, #tpu.memory_space<vmem>>, vector<16xi32>,
      %broadcast_in_dim3A_670 = arith.constant 1.000000e+00 : f32
      %broadcast_in_dim3A_671 = vector.broadcast %broadcast_in_dim3A_670 : f32 to vector<16xf32>
      tpu.vector_store_idx %arg13[%get3A_669], %broadcast_in_dim3A_671 {add = true} : memref<10240xf32, #tpu.memory_space<vmem>>[vector<16xi32>], vector<16xf32>,
      %get3A_672 = arith.constant 11 : i32
      %get3A_673 = arith.index_cast %get3A_672 : i32 to index
      %get3A_674 = arith.constant 32 : index
      %get3A_675 = tpu.vector_load %arg9[%get3A_673, %get3A_674] {strides = array<i32>} : memref<16x64xi32, #tpu.memory_space<vmem>>, vector<16xi32>,
      %broadcast_in_dim3A_676 = arith.constant 1.000000e+00 : f32
      %broadcast_in_dim3A_677 = vector.broadcast %broadcast_in_dim3A_676 : f32 to vector<16xf32>
      tpu.vector_store_idx %arg13[%get3A_675], %broadcast_in_dim3A_677 {add = true} : memref<10240xf32, #tpu.memory_space<vmem>>[vector<16xi32>], vector<16xf32>,
      %get3A_678 = arith.constant 11 : i32
      %get3A_679 = arith.index_cast %get3A_678 : i32 to index
      %get3A_680 = arith.constant 48 : index
      %get3A_681 = tpu.vector_load %arg9[%get3A_679, %get3A_680] {strides = array<i32>} : memref<16x64xi32, #tpu.memory_space<vmem>>, vector<16xi32>,
      %broadcast_in_dim3A_682 = arith.constant 1.000000e+00 : f32
      %broadcast_in_dim3A_683 = vector.broadcast %broadcast_in_dim3A_682 : f32 to vector<16xf32>
      tpu.vector_store_idx %arg13[%get3A_681], %broadcast_in_dim3A_683 {add = true} : memref<10240xf32, #tpu.memory_space<vmem>>[vector<16xi32>], vector<16xf32>,
      %dma_wait3A_684 = arith.constant 10 : i32
      %dma_wait3A_685 = arith.constant 0 : i32
      %dma_wait3A_686 = tpu.memref_slice %arg9[%dma_wait3A_684, %dma_wait3A_685] : memref<16x64xi32, #tpu.memory_space<vmem>> -> memref<1x64xi32, #tpu.memory_space<vmem>>
      %dma_wait3A_687 = tpu.memref_squeeze %dma_wait3A_686 : memref<1x64xi32, #tpu.memory_space<vmem>> -> memref<64xi32, #tpu.memory_space<vmem>>
      %dma_wait3A_688 = arith.constant 0 : i32
      %dma_wait3A_689 = arith.constant 0 : i32
      %dma_wait3A_690 = tpu.memref_slice %arg7[%dma_wait3A_688, %dma_wait3A_689] : memref<10240x128xf32, #tpu.memory_space<vmem_shared>> -> memref<10240x128xf32, #tpu.memory_space<vmem_shared>>
      tpu.wait_indirect_dma semaphore(%arg18 : memref<!tpu.dma_semaphore, #tpu.memory_space<semaphore_mem>>) src(%arg11 : memref<64x128xf32, #tpu.memory_space<vmem>>) dst(%dma_wait3A_690 : memref<10240x128xf32, #tpu.memory_space<vmem_shared>>)
      %dma_start3A_691 = arith.constant 13 : i32
      %dma_start3A_692 = arith.constant 0 : i32
      %dma_start3A_693 = tpu.memref_slice %arg8[%dma_start3A_691, %dma_start3A_692] : memref<16x64xi32, #tpu.memory_space<vmem>> -> memref<1x64xi32, #tpu.memory_space<vmem>>
      %dma_start3A_694 = tpu.memref_squeeze %dma_start3A_693 : memref<1x64xi32, #tpu.memory_space<vmem>> -> memref<64xi32, #tpu.memory_space<vmem>>
      %dma_start3A_695 = arith.constant 0 : i32
      %dma_start3A_696 = arith.constant 0 : i32
      %dma_start3A_697 = tpu.memref_slice %arg2[%dma_start3A_695, %dma_start3A_696] : memref<10240x128xf32, #tpu.memory_space<hbm>> -> memref<10240x128xf32, #tpu.memory_space<hbm>>
      tpu.enqueue_indirect_dma source(%dma_start3A_697 : memref<10240x128xf32, #tpu.memory_space<hbm>>) target(%arg11 : memref<64x128xf32, #tpu.memory_space<vmem>>) offsets(%dma_start3A_694 : memref<64xi32, #tpu.memory_space<vmem>>) semaphore(%arg15 : memref<!tpu.dma_semaphore, #tpu.memory_space<semaphore_mem>>)
      %dma_wait3A_698 = arith.constant 12 : i32
      %dma_wait3A_699 = arith.constant 0 : i32
      %dma_wait3A_700 = tpu.memref_slice %arg8[%dma_wait3A_698, %dma_wait3A_699] : memref<16x64xi32, #tpu.memory_space<vmem>> -> memref<1x64xi32, #tpu.memory_space<vmem>>
      %dma_wait3A_701 = tpu.memref_squeeze %dma_wait3A_700 : memref<1x64xi32, #tpu.memory_space<vmem>> -> memref<64xi32, #tpu.memory_space<vmem>>
      %dma_wait3A_702 = arith.constant 0 : i32
      %dma_wait3A_703 = arith.constant 0 : i32
      %dma_wait3A_704 = tpu.memref_slice %arg2[%dma_wait3A_702, %dma_wait3A_703] : memref<10240x128xf32, #tpu.memory_space<hbm>> -> memref<10240x128xf32, #tpu.memory_space<hbm>>
      tpu.wait_indirect_dma semaphore(%arg14 : memref<!tpu.dma_semaphore, #tpu.memory_space<semaphore_mem>>) src(%dma_wait3A_704 : memref<10240x128xf32, #tpu.memory_space<hbm>>) dst(%arg10 : memref<64x128xf32, #tpu.memory_space<vmem>>)
      %dma_start3A_705 = arith.constant 12 : i32
      %dma_start3A_706 = arith.constant 0 : i32
      %dma_start3A_707 = tpu.memref_slice %arg9[%dma_start3A_705, %dma_start3A_706] : memref<16x64xi32, #tpu.memory_space<vmem>> -> memref<1x64xi32, #tpu.memory_space<vmem>>
      %dma_start3A_708 = tpu.memref_squeeze %dma_start3A_707 : memref<1x64xi32, #tpu.memory_space<vmem>> -> memref<64xi32, #tpu.memory_space<vmem>>
      %dma_start3A_709 = arith.constant 0 : i32
      %dma_start3A_710 = arith.constant 0 : i32
      %dma_start3A_711 = tpu.memref_slice %arg7[%dma_start3A_709, %dma_start3A_710] : memref<10240x128xf32, #tpu.memory_space<vmem_shared>> -> memref<10240x128xf32, #tpu.memory_space<vmem_shared>>
      tpu.enqueue_indirect_dma source(%arg10 : memref<64x128xf32, #tpu.memory_space<vmem>>) target(%dma_start3A_711 : memref<10240x128xf32, #tpu.memory_space<vmem_shared>>) offsets(%dma_start3A_708 : memref<64xi32, #tpu.memory_space<vmem>>) semaphore(%arg17 : memref<!tpu.dma_semaphore, #tpu.memory_space<semaphore_mem>>) {add = true}
      %get3A_712 = arith.constant 12 : i32
      %get3A_713 = arith.index_cast %get3A_712 : i32 to index
      %get3A_714 = arith.constant 0 : index
      %get3A_715 = tpu.vector_load %arg9[%get3A_713, %get3A_714] {strides = array<i32>} : memref<16x64xi32, #tpu.memory_space<vmem>>, vector<16xi32>,
      %broadcast_in_dim3A_716 = arith.constant 1.000000e+00 : f32
      %broadcast_in_dim3A_717 = vector.broadcast %broadcast_in_dim3A_716 : f32 to vector<16xf32>
      tpu.vector_store_idx %arg13[%get3A_715], %broadcast_in_dim3A_717 {add = true} : memref<10240xf32, #tpu.memory_space<vmem>>[vector<16xi32>], vector<16xf32>,
      %get3A_718 = arith.constant 12 : i32
      %get3A_719 = arith.index_cast %get3A_718 : i32 to index
      %get3A_720 = arith.constant 16 : index
      %get3A_721 = tpu.vector_load %arg9[%get3A_719, %get3A_720] {strides = array<i32>} : memref<16x64xi32, #tpu.memory_space<vmem>>, vector<16xi32>,
      %broadcast_in_dim3A_722 = arith.constant 1.000000e+00 : f32
      %broadcast_in_dim3A_723 = vector.broadcast %broadcast_in_dim3A_722 : f32 to vector<16xf32>
      tpu.vector_store_idx %arg13[%get3A_721], %broadcast_in_dim3A_723 {add = true} : memref<10240xf32, #tpu.memory_space<vmem>>[vector<16xi32>], vector<16xf32>,
      %get3A_724 = arith.constant 12 : i32
      %get3A_725 = arith.index_cast %get3A_724 : i32 to index
      %get3A_726 = arith.constant 32 : index
      %get3A_727 = tpu.vector_load %arg9[%get3A_725, %get3A_726] {strides = array<i32>} : memref<16x64xi32, #tpu.memory_space<vmem>>, vector<16xi32>,
      %broadcast_in_dim3A_728 = arith.constant 1.000000e+00 : f32
      %broadcast_in_dim3A_729 = vector.broadcast %broadcast_in_dim3A_728 : f32 to vector<16xf32>
      tpu.vector_store_idx %arg13[%get3A_727], %broadcast_in_dim3A_729 {add = true} : memref<10240xf32, #tpu.memory_space<vmem>>[vector<16xi32>], vector<16xf32>,
      %get3A_730 = arith.constant 12 : i32
      %get3A_731 = arith.index_cast %get3A_730 : i32 to index
      %get3A_732 = arith.constant 48 : index
      %get3A_733 = tpu.vector_load %arg9[%get3A_731, %get3A_732] {strides = array<i32>} : memref<16x64xi32, #tpu.memory_space<vmem>>, vector<16xi32>,
      %broadcast_in_dim3A_734 = arith.constant 1.000000e+00 : f32
      %broadcast_in_dim3A_735 = vector.broadcast %broadcast_in_dim3A_734 : f32 to vector<16xf32>
      tpu.vector_store_idx %arg13[%get3A_733], %broadcast_in_dim3A_735 {add = true} : memref<10240xf32, #tpu.memory_space<vmem>>[vector<16xi32>], vector<16xf32>,
      %dma_wait3A_736 = arith.constant 11 : i32
      %dma_wait3A_737 = arith.constant 0 : i32
      %dma_wait3A_738 = tpu.memref_slice %arg9[%dma_wait3A_736, %dma_wait3A_737] : memref<16x64xi32, #tpu.memory_space<vmem>> -> memref<1x64xi32, #tpu.memory_space<vmem>>
      %dma_wait3A_739 = tpu.memref_squeeze %dma_wait3A_738 : memref<1x64xi32, #tpu.memory_space<vmem>> -> memref<64xi32, #tpu.memory_space<vmem>>
      %dma_wait3A_740 = arith.constant 0 : i32
      %dma_wait3A_741 = arith.constant 0 : i32
      %dma_wait3A_742 = tpu.memref_slice %arg7[%dma_wait3A_740, %dma_wait3A_741] : memref<10240x128xf32, #tpu.memory_space<vmem_shared>> -> memref<10240x128xf32, #tpu.memory_space<vmem_shared>>
      tpu.wait_indirect_dma semaphore(%arg19 : memref<!tpu.dma_semaphore, #tpu.memory_space<semaphore_mem>>) src(%arg12 : memref<64x128xf32, #tpu.memory_space<vmem>>) dst(%dma_wait3A_742 : memref<10240x128xf32, #tpu.memory_space<vmem_shared>>)
      %dma_start3A_743 = arith.constant 14 : i32
      %dma_start3A_744 = arith.constant 0 : i32
      %dma_start3A_745 = tpu.memref_slice %arg8[%dma_start3A_743, %dma_start3A_744] : memref<16x64xi32, #tpu.memory_space<vmem>> -> memref<1x64xi32, #tpu.memory_space<vmem>>
      %dma_start3A_746 = tpu.memref_squeeze %dma_start3A_745 : memref<1x64xi32, #tpu.memory_space<vmem>> -> memref<64xi32, #tpu.memory_space<vmem>>
      %dma_start3A_747 = arith.constant 0 : i32
      %dma_start3A_748 = arith.constant 0 : i32
      %dma_start3A_749 = tpu.memref_slice %arg2[%dma_start3A_747, %dma_start3A_748] : memref<10240x128xf32, #tpu.memory_space<hbm>> -> memref<10240x128xf32, #tpu.memory_space<hbm>>
      tpu.enqueue_indirect_dma source(%dma_start3A_749 : memref<10240x128xf32, #tpu.memory_space<hbm>>) target(%arg12 : memref<64x128xf32, #tpu.memory_space<vmem>>) offsets(%dma_start3A_746 : memref<64xi32, #tpu.memory_space<vmem>>) semaphore(%arg16 : memref<!tpu.dma_semaphore, #tpu.memory_space<semaphore_mem>>)
      %dma_wait3A_750 = arith.constant 13 : i32
      %dma_wait3A_751 = arith.constant 0 : i32
      %dma_wait3A_752 = tpu.memref_slice %arg8[%dma_wait3A_750, %dma_wait3A_751] : memref<16x64xi32, #tpu.memory_space<vmem>> -> memref<1x64xi32, #tpu.memory_space<vmem>>
      %dma_wait3A_753 = tpu.memref_squeeze %dma_wait3A_752 : memref<1x64xi32, #tpu.memory_space<vmem>> -> memref<64xi32, #tpu.memory_space<vmem>>
      %dma_wait3A_754 = arith.constant 0 : i32
      %dma_wait3A_755 = arith.constant 0 : i32
      %dma_wait3A_756 = tpu.memref_slice %arg2[%dma_wait3A_754, %dma_wait3A_755] : memref<10240x128xf32, #tpu.memory_space<hbm>> -> memref<10240x128xf32, #tpu.memory_space<hbm>>
      tpu.wait_indirect_dma semaphore(%arg15 : memref<!tpu.dma_semaphore, #tpu.memory_space<semaphore_mem>>) src(%dma_wait3A_756 : memref<10240x128xf32, #tpu.memory_space<hbm>>) dst(%arg11 : memref<64x128xf32, #tpu.memory_space<vmem>>)
      %dma_start3A_757 = arith.constant 13 : i32
      %dma_start3A_758 = arith.constant 0 : i32
      %dma_start3A_759 = tpu.memref_slice %arg9[%dma_start3A_757, %dma_start3A_758] : memref<16x64xi32, #tpu.memory_space<vmem>> -> memref<1x64xi32, #tpu.memory_space<vmem>>
      %dma_start3A_760 = tpu.memref_squeeze %dma_start3A_759 : memref<1x64xi32, #tpu.memory_space<vmem>> -> memref<64xi32, #tpu.memory_space<vmem>>
      %dma_start3A_761 = arith.constant 0 : i32
      %dma_start3A_762 = arith.constant 0 : i32
      %dma_start3A_763 = tpu.memref_slice %arg7[%dma_start3A_761, %dma_start3A_762] : memref<10240x128xf32, #tpu.memory_space<vmem_shared>> -> memref<10240x128xf32, #tpu.memory_space<vmem_shared>>
      tpu.enqueue_indirect_dma source(%arg11 : memref<64x128xf32, #tpu.memory_space<vmem>>) target(%dma_start3A_763 : memref<10240x128xf32, #tpu.memory_space<vmem_shared>>) offsets(%dma_start3A_760 : memref<64xi32, #tpu.memory_space<vmem>>) semaphore(%arg18 : memref<!tpu.dma_semaphore, #tpu.memory_space<semaphore_mem>>) {add = true}
      %get3A_764 = arith.constant 13 : i32
      %get3A_765 = arith.index_cast %get3A_764 : i32 to index
      %get3A_766 = arith.constant 0 : index
      %get3A_767 = tpu.vector_load %arg9[%get3A_765, %get3A_766] {strides = array<i32>} : memref<16x64xi32, #tpu.memory_space<vmem>>, vector<16xi32>,
      %broadcast_in_dim3A_768 = arith.constant 1.000000e+00 : f32
      %broadcast_in_dim3A_769 = vector.broadcast %broadcast_in_dim3A_768 : f32 to vector<16xf32>
      tpu.vector_store_idx %arg13[%get3A_767], %broadcast_in_dim3A_769 {add = true} : memref<10240xf32, #tpu.memory_space<vmem>>[vector<16xi32>], vector<16xf32>,
      %get3A_770 = arith.constant 13 : i32
      %get3A_771 = arith.index_cast %get3A_770 : i32 to index
      %get3A_772 = arith.constant 16 : index
      %get3A_773 = tpu.vector_load %arg9[%get3A_771, %get3A_772] {strides = array<i32>} : memref<16x64xi32, #tpu.memory_space<vmem>>, vector<16xi32>,
      %broadcast_in_dim3A_774 = arith.constant 1.000000e+00 : f32
      %broadcast_in_dim3A_775 = vector.broadcast %broadcast_in_dim3A_774 : f32 to vector<16xf32>
      tpu.vector_store_idx %arg13[%get3A_773], %broadcast_in_dim3A_775 {add = true} : memref<10240xf32, #tpu.memory_space<vmem>>[vector<16xi32>], vector<16xf32>,
      %get3A_776 = arith.constant 13 : i32
      %get3A_777 = arith.index_cast %get3A_776 : i32 to index
      %get3A_778 = arith.constant 32 : index
      %get3A_779 = tpu.vector_load %arg9[%get3A_777, %get3A_778] {strides = array<i32>} : memref<16x64xi32, #tpu.memory_space<vmem>>, vector<16xi32>,
      %broadcast_in_dim3A_780 = arith.constant 1.000000e+00 : f32
      %broadcast_in_dim3A_781 = vector.broadcast %broadcast_in_dim3A_780 : f32 to vector<16xf32>
      tpu.vector_store_idx %arg13[%get3A_779], %broadcast_in_dim3A_781 {add = true} : memref<10240xf32, #tpu.memory_space<vmem>>[vector<16xi32>], vector<16xf32>,
      %get3A_782 = arith.constant 13 : i32
      %get3A_783 = arith.index_cast %get3A_782 : i32 to index
      %get3A_784 = arith.constant 48 : index
      %get3A_785 = tpu.vector_load %arg9[%get3A_783, %get3A_784] {strides = array<i32>} : memref<16x64xi32, #tpu.memory_space<vmem>>, vector<16xi32>,
      %broadcast_in_dim3A_786 = arith.constant 1.000000e+00 : f32
      %broadcast_in_dim3A_787 = vector.broadcast %broadcast_in_dim3A_786 : f32 to vector<16xf32>
      tpu.vector_store_idx %arg13[%get3A_785], %broadcast_in_dim3A_787 {add = true} : memref<10240xf32, #tpu.memory_space<vmem>>[vector<16xi32>], vector<16xf32>,
      %dma_wait3A_788 = arith.constant 12 : i32
      %dma_wait3A_789 = arith.constant 0 : i32
      %dma_wait3A_790 = tpu.memref_slice %arg9[%dma_wait3A_788, %dma_wait3A_789] : memref<16x64xi32, #tpu.memory_space<vmem>> -> memref<1x64xi32, #tpu.memory_space<vmem>>
      %dma_wait3A_791 = tpu.memref_squeeze %dma_wait3A_790 : memref<1x64xi32, #tpu.memory_space<vmem>> -> memref<64xi32, #tpu.memory_space<vmem>>
      %dma_wait3A_792 = arith.constant 0 : i32
      %dma_wait3A_793 = arith.constant 0 : i32
      %dma_wait3A_794 = tpu.memref_slice %arg7[%dma_wait3A_792, %dma_wait3A_793] : memref<10240x128xf32, #tpu.memory_space<vmem_shared>> -> memref<10240x128xf32, #tpu.memory_space<vmem_shared>>
      tpu.wait_indirect_dma semaphore(%arg17 : memref<!tpu.dma_semaphore, #tpu.memory_space<semaphore_mem>>) src(%arg10 : memref<64x128xf32, #tpu.memory_space<vmem>>) dst(%dma_wait3A_794 : memref<10240x128xf32, #tpu.memory_space<vmem_shared>>)
      %dma_start3A_795 = arith.constant 15 : i32
      %dma_start3A_796 = arith.constant 0 : i32
      %dma_start3A_797 = tpu.memref_slice %arg8[%dma_start3A_795, %dma_start3A_796] : memref<16x64xi32, #tpu.memory_space<vmem>> -> memref<1x64xi32, #tpu.memory_space<vmem>>
      %dma_start3A_798 = tpu.memref_squeeze %dma_start3A_797 : memref<1x64xi32, #tpu.memory_space<vmem>> -> memref<64xi32, #tpu.memory_space<vmem>>
      %dma_start3A_799 = arith.constant 0 : i32
      %dma_start3A_800 = arith.constant 0 : i32
      %dma_start3A_801 = tpu.memref_slice %arg2[%dma_start3A_799, %dma_start3A_800] : memref<10240x128xf32, #tpu.memory_space<hbm>> -> memref<10240x128xf32, #tpu.memory_space<hbm>>
      tpu.enqueue_indirect_dma source(%dma_start3A_801 : memref<10240x128xf32, #tpu.memory_space<hbm>>) target(%arg10 : memref<64x128xf32, #tpu.memory_space<vmem>>) offsets(%dma_start3A_798 : memref<64xi32, #tpu.memory_space<vmem>>) semaphore(%arg14 : memref<!tpu.dma_semaphore, #tpu.memory_space<semaphore_mem>>)
      %dma_wait3A_802 = arith.constant 14 : i32
      %dma_wait3A_803 = arith.constant 0 : i32
      %dma_wait3A_804 = tpu.memref_slice %arg8[%dma_wait3A_802, %dma_wait3A_803] : memref<16x64xi32, #tpu.memory_space<vmem>> -> memref<1x64xi32, #tpu.memory_space<vmem>>
      %dma_wait3A_805 = tpu.memref_squeeze %dma_wait3A_804 : memref<1x64xi32, #tpu.memory_space<vmem>> -> memref<64xi32, #tpu.memory_space<vmem>>
      %dma_wait3A_806 = arith.constant 0 : i32
      %dma_wait3A_807 = arith.constant 0 : i32
      %dma_wait3A_808 = tpu.memref_slice %arg2[%dma_wait3A_806, %dma_wait3A_807] : memref<10240x128xf32, #tpu.memory_space<hbm>> -> memref<10240x128xf32, #tpu.memory_space<hbm>>
      tpu.wait_indirect_dma semaphore(%arg16 : memref<!tpu.dma_semaphore, #tpu.memory_space<semaphore_mem>>) src(%dma_wait3A_808 : memref<10240x128xf32, #tpu.memory_space<hbm>>) dst(%arg12 : memref<64x128xf32, #tpu.memory_space<vmem>>)
      %dma_start3A_809 = arith.constant 14 : i32
      %dma_start3A_810 = arith.constant 0 : i32
      %dma_start3A_811 = tpu.memref_slice %arg9[%dma_start3A_809, %dma_start3A_810] : memref<16x64xi32, #tpu.memory_space<vmem>> -> memref<1x64xi32, #tpu.memory_space<vmem>>
      %dma_start3A_812 = tpu.memref_squeeze %dma_start3A_811 : memref<1x64xi32, #tpu.memory_space<vmem>> -> memref<64xi32, #tpu.memory_space<vmem>>
      %dma_start3A_813 = arith.constant 0 : i32
      %dma_start3A_814 = arith.constant 0 : i32
      %dma_start3A_815 = tpu.memref_slice %arg7[%dma_start3A_813, %dma_start3A_814] : memref<10240x128xf32, #tpu.memory_space<vmem_shared>> -> memref<10240x128xf32, #tpu.memory_space<vmem_shared>>
      tpu.enqueue_indirect_dma source(%arg12 : memref<64x128xf32, #tpu.memory_space<vmem>>) target(%dma_start3A_815 : memref<10240x128xf32, #tpu.memory_space<vmem_shared>>) offsets(%dma_start3A_812 : memref<64xi32, #tpu.memory_space<vmem>>) semaphore(%arg19 : memref<!tpu.dma_semaphore, #tpu.memory_space<semaphore_mem>>) {add = true}
      %get3A_816 = arith.constant 14 : i32
      %get3A_817 = arith.index_cast %get3A_816 : i32 to index
      %get3A_818 = arith.constant 0 : index
      %get3A_819 = tpu.vector_load %arg9[%get3A_817, %get3A_818] {strides = array<i32>} : memref<16x64xi32, #tpu.memory_space<vmem>>, vector<16xi32>,
      %broadcast_in_dim3A_820 = arith.constant 1.000000e+00 : f32
      %broadcast_in_dim3A_821 = vector.broadcast %broadcast_in_dim3A_820 : f32 to vector<16xf32>
      tpu.vector_store_idx %arg13[%get3A_819], %broadcast_in_dim3A_821 {add = true} : memref<10240xf32, #tpu.memory_space<vmem>>[vector<16xi32>], vector<16xf32>,
      %get3A_822 = arith.constant 14 : i32
      %get3A_823 = arith.index_cast %get3A_822 : i32 to index
      %get3A_824 = arith.constant 16 : index
      %get3A_825 = tpu.vector_load %arg9[%get3A_823, %get3A_824] {strides = array<i32>} : memref<16x64xi32, #tpu.memory_space<vmem>>, vector<16xi32>,
      %broadcast_in_dim3A_826 = arith.constant 1.000000e+00 : f32
      %broadcast_in_dim3A_827 = vector.broadcast %broadcast_in_dim3A_826 : f32 to vector<16xf32>
      tpu.vector_store_idx %arg13[%get3A_825], %broadcast_in_dim3A_827 {add = true} : memref<10240xf32, #tpu.memory_space<vmem>>[vector<16xi32>], vector<16xf32>,
      %get3A_828 = arith.constant 14 : i32
      %get3A_829 = arith.index_cast %get3A_828 : i32 to index
      %get3A_830 = arith.constant 32 : index
      %get3A_831 = tpu.vector_load %arg9[%get3A_829, %get3A_830] {strides = array<i32>} : memref<16x64xi32, #tpu.memory_space<vmem>>, vector<16xi32>,
      %broadcast_in_dim3A_832 = arith.constant 1.000000e+00 : f32
      %broadcast_in_dim3A_833 = vector.broadcast %broadcast_in_dim3A_832 : f32 to vector<16xf32>
      tpu.vector_store_idx %arg13[%get3A_831], %broadcast_in_dim3A_833 {add = true} : memref<10240xf32, #tpu.memory_space<vmem>>[vector<16xi32>], vector<16xf32>,
      %get3A_834 = arith.constant 14 : i32
      %get3A_835 = arith.index_cast %get3A_834 : i32 to index
      %get3A_836 = arith.constant 48 : index
      %get3A_837 = tpu.vector_load %arg9[%get3A_835, %get3A_836] {strides = array<i32>} : memref<16x64xi32, #tpu.memory_space<vmem>>, vector<16xi32>,
      %broadcast_in_dim3A_838 = arith.constant 1.000000e+00 : f32
      %broadcast_in_dim3A_839 = vector.broadcast %broadcast_in_dim3A_838 : f32 to vector<16xf32>
      tpu.vector_store_idx %arg13[%get3A_837], %broadcast_in_dim3A_839 {add = true} : memref<10240xf32, #tpu.memory_space<vmem>>[vector<16xi32>], vector<16xf32>,
      %dma_wait3A_840 = arith.constant 13 : i32
      %dma_wait3A_841 = arith.constant 0 : i32
      %dma_wait3A_842 = tpu.memref_slice %arg9[%dma_wait3A_840, %dma_wait3A_841] : memref<16x64xi32, #tpu.memory_space<vmem>> -> memref<1x64xi32, #tpu.memory_space<vmem>>
      %dma_wait3A_843 = tpu.memref_squeeze %dma_wait3A_842 : memref<1x64xi32, #tpu.memory_space<vmem>> -> memref<64xi32, #tpu.memory_space<vmem>>
      %dma_wait3A_844 = arith.constant 0 : i32
      %dma_wait3A_845 = arith.constant 0 : i32
      %dma_wait3A_846 = tpu.memref_slice %arg7[%dma_wait3A_844, %dma_wait3A_845] : memref<10240x128xf32, #tpu.memory_space<vmem_shared>> -> memref<10240x128xf32, #tpu.memory_space<vmem_shared>>
      tpu.wait_indirect_dma semaphore(%arg18 : memref<!tpu.dma_semaphore, #tpu.memory_space<semaphore_mem>>) src(%arg11 : memref<64x128xf32, #tpu.memory_space<vmem>>) dst(%dma_wait3A_846 : memref<10240x128xf32, #tpu.memory_space<vmem_shared>>)
      %dma_wait3A_847 = arith.constant 15 : i32
      %dma_wait3A_848 = arith.constant 0 : i32
      %dma_wait3A_849 = tpu.memref_slice %arg8[%dma_wait3A_847, %dma_wait3A_848] : memref<16x64xi32, #tpu.memory_space<vmem>> -> memref<1x64xi32, #tpu.memory_space<vmem>>
      %dma_wait3A_850 = tpu.memref_squeeze %dma_wait3A_849 : memref<1x64xi32, #tpu.memory_space<vmem>> -> memref<64xi32, #tpu.memory_space<vmem>>
      %dma_wait3A_851 = arith.constant 0 : i32
      %dma_wait3A_852 = arith.constant 0 : i32
      %dma_wait3A_853 = tpu.memref_slice %arg2[%dma_wait3A_851, %dma_wait3A_852] : memref<10240x128xf32, #tpu.memory_space<hbm>> -> memref<10240x128xf32, #tpu.memory_space<hbm>>
      tpu.wait_indirect_dma semaphore(%arg14 : memref<!tpu.dma_semaphore, #tpu.memory_space<semaphore_mem>>) src(%dma_wait3A_853 : memref<10240x128xf32, #tpu.memory_space<hbm>>) dst(%arg10 : memref<64x128xf32, #tpu.memory_space<vmem>>)
      %dma_start3A_854 = arith.constant 15 : i32
      %dma_start3A_855 = arith.constant 0 : i32
      %dma_start3A_856 = tpu.memref_slice %arg9[%dma_start3A_854, %dma_start3A_855] : memref<16x64xi32, #tpu.memory_space<vmem>> -> memref<1x64xi32, #tpu.memory_space<vmem>>
      %dma_start3A_857 = tpu.memref_squeeze %dma_start3A_856 : memref<1x64xi32, #tpu.memory_space<vmem>> -> memref<64xi32, #tpu.memory_space<vmem>>
      %dma_start3A_858 = arith.constant 0 : i32
      %dma_start3A_859 = arith.constant 0 : i32
      %dma_start3A_860 = tpu.memref_slice %arg7[%dma_start3A_858, %dma_start3A_859] : memref<10240x128xf32, #tpu.memory_space<vmem_shared>> -> memref<10240x128xf32, #tpu.memory_space<vmem_shared>>
      tpu.enqueue_indirect_dma source(%arg10 : memref<64x128xf32, #tpu.memory_space<vmem>>) target(%dma_start3A_860 : memref<10240x128xf32, #tpu.memory_space<vmem_shared>>) offsets(%dma_start3A_857 : memref<64xi32, #tpu.memory_space<vmem>>) semaphore(%arg17 : memref<!tpu.dma_semaphore, #tpu.memory_space<semaphore_mem>>) {add = true}
      %get3A_861 = arith.constant 15 : i32
      %get3A_862 = arith.index_cast %get3A_861 : i32 to index
      %get3A_863 = arith.constant 0 : index
      %get3A_864 = tpu.vector_load %arg9[%get3A_862, %get3A_863] {strides = array<i32>} : memref<16x64xi32, #tpu.memory_space<vmem>>, vector<16xi32>,
      %broadcast_in_dim3A_865 = arith.constant 1.000000e+00 : f32
      %broadcast_in_dim3A_866 = vector.broadcast %broadcast_in_dim3A_865 : f32 to vector<16xf32>
      tpu.vector_store_idx %arg13[%get3A_864], %broadcast_in_dim3A_866 {add = true} : memref<10240xf32, #tpu.memory_space<vmem>>[vector<16xi32>], vector<16xf32>,
      %get3A_867 = arith.constant 15 : i32
      %get3A_868 = arith.index_cast %get3A_867 : i32 to index
      %get3A_869 = arith.constant 16 : index
      %get3A_870 = tpu.vector_load %arg9[%get3A_868, %get3A_869] {strides = array<i32>} : memref<16x64xi32, #tpu.memory_space<vmem>>, vector<16xi32>,
      %broadcast_in_dim3A_871 = arith.constant 1.000000e+00 : f32
      %broadcast_in_dim3A_872 = vector.broadcast %broadcast_in_dim3A_871 : f32 to vector<16xf32>
      tpu.vector_store_idx %arg13[%get3A_870], %broadcast_in_dim3A_872 {add = true} : memref<10240xf32, #tpu.memory_space<vmem>>[vector<16xi32>], vector<16xf32>,
      %get3A_873 = arith.constant 15 : i32
      %get3A_874 = arith.index_cast %get3A_873 : i32 to index
      %get3A_875 = arith.constant 32 : index
      %get3A_876 = tpu.vector_load %arg9[%get3A_874, %get3A_875] {strides = array<i32>} : memref<16x64xi32, #tpu.memory_space<vmem>>, vector<16xi32>,
      %broadcast_in_dim3A_877 = arith.constant 1.000000e+00 : f32
      %broadcast_in_dim3A_878 = vector.broadcast %broadcast_in_dim3A_877 : f32 to vector<16xf32>
      tpu.vector_store_idx %arg13[%get3A_876], %broadcast_in_dim3A_878 {add = true} : memref<10240xf32, #tpu.memory_space<vmem>>[vector<16xi32>], vector<16xf32>,
      %get3A_879 = arith.constant 15 : i32
      %get3A_880 = arith.index_cast %get3A_879 : i32 to index
      %get3A_881 = arith.constant 48 : index
      %get3A_882 = tpu.vector_load %arg9[%get3A_880, %get3A_881] {strides = array<i32>} : memref<16x64xi32, #tpu.memory_space<vmem>>, vector<16xi32>,
      %broadcast_in_dim3A_883 = arith.constant 1.000000e+00 : f32
      %broadcast_in_dim3A_884 = vector.broadcast %broadcast_in_dim3A_883 : f32 to vector<16xf32>
      tpu.vector_store_idx %arg13[%get3A_882], %broadcast_in_dim3A_884 {add = true} : memref<10240xf32, #tpu.memory_space<vmem>>[vector<16xi32>], vector<16xf32>,
      %dma_wait3A_885 = arith.constant 14 : i32
      %dma_wait3A_886 = arith.constant 0 : i32
      %dma_wait3A_887 = tpu.memref_slice %arg9[%dma_wait3A_885, %dma_wait3A_886] : memref<16x64xi32, #tpu.memory_space<vmem>> -> memref<1x64xi32, #tpu.memory_space<vmem>>
      %dma_wait3A_888 = tpu.memref_squeeze %dma_wait3A_887 : memref<1x64xi32, #tpu.memory_space<vmem>> -> memref<64xi32, #tpu.memory_space<vmem>>
      %dma_wait3A_889 = arith.constant 0 : i32
      %dma_wait3A_890 = arith.constant 0 : i32
      %dma_wait3A_891 = tpu.memref_slice %arg7[%dma_wait3A_889, %dma_wait3A_890] : memref<10240x128xf32, #tpu.memory_space<vmem_shared>> -> memref<10240x128xf32, #tpu.memory_space<vmem_shared>>
      tpu.wait_indirect_dma semaphore(%arg19 : memref<!tpu.dma_semaphore, #tpu.memory_space<semaphore_mem>>) src(%arg12 : memref<64x128xf32, #tpu.memory_space<vmem>>) dst(%dma_wait3A_891 : memref<10240x128xf32, #tpu.memory_space<vmem_shared>>)
      %dma_wait3A_892 = arith.constant 15 : i32
      %dma_wait3A_893 = arith.constant 0 : i32
      %dma_wait3A_894 = tpu.memref_slice %arg9[%dma_wait3A_892, %dma_wait3A_893] : memref<16x64xi32, #tpu.memory_space<vmem>> -> memref<1x64xi32, #tpu.memory_space<vmem>>
      %dma_wait3A_895 = tpu.memref_squeeze %dma_wait3A_894 : memref<1x64xi32, #tpu.memory_space<vmem>> -> memref<64xi32, #tpu.memory_space<vmem>>
      %dma_wait3A_896 = arith.constant 0 : i32
      %dma_wait3A_897 = arith.constant 0 : i32
      %dma_wait3A_898 = tpu.memref_slice %arg7[%dma_wait3A_896, %dma_wait3A_897] : memref<10240x128xf32, #tpu.memory_space<vmem_shared>> -> memref<10240x128xf32, #tpu.memory_space<vmem_shared>>
      tpu.wait_indirect_dma semaphore(%arg17 : memref<!tpu.dma_semaphore, #tpu.memory_space<semaphore_mem>>) src(%arg10 : memref<64x128xf32, #tpu.memory_space<vmem>>) dst(%dma_wait3A_898 : memref<10240x128xf32, #tpu.memory_space<vmem_shared>>)
    }
    %scan3A_58 = arith.constant 10 : i32
    %barrier3A_59 = arith.constant 0 : index
    tpu.barrier barrier_id(%barrier3A_59)
    %mul3A_60 = arith.constant 640 : i32
    %mul3A_61 = arith.muli %arg1, %mul3A_60 : i32
    %mul3A_62 = arith.constant 640 : i32
    %mul3A_63 = arith.muli %arg1, %mul3A_62 : i32
    "tpu.region"() ({
      %run_scoped3A = tpu.sem_alloc : memref<!tpu.dma_semaphore, #tpu.memory_space<semaphore_mem>>
      %dma_start3A = arith.constant 0 : i32
      %dma_start3A_64 = arith.constant 0 : i32
      %dma_start3A_65 = tpu.memref_slice %arg5[%arg0, %dma_start3A, %dma_start3A_64] : memref<2x10240x128xf32, #tpu.memory_space<hbm>> -> memref<1x10240x128xf32, #tpu.memory_space<hbm>>
      %dma_start3A_66 = tpu.memref_squeeze %dma_start3A_65 : memref<1x10240x128xf32, #tpu.memory_space<hbm>> -> memref<10240x128xf32, #tpu.memory_space<hbm>>
      %dma_start3A_67 = arith.constant 0 : i32
      %dma_start3A_68 = tpu.memref_slice %dma_start3A_66[%mul3A_63, %dma_start3A_67] : memref<10240x128xf32, #tpu.memory_space<hbm>> -> memref<640x128xf32, #tpu.memory_space<hbm>>
      %dma_start3A_69 = arith.constant 0 : i32
      %dma_start3A_70 = tpu.memref_slice %arg7[%mul3A_61, %dma_start3A_69] : memref<10240x128xf32, #tpu.memory_space<vmem_shared>> -> memref<640x128xf32, #tpu.memory_space<vmem_shared>>
      tpu.enqueue_dma source(%dma_start3A_70 : memref<640x128xf32, #tpu.memory_space<vmem_shared>>) target(%dma_start3A_68 : memref<640x128xf32, #tpu.memory_space<hbm>>) target_semaphore(%run_scoped3A : memref<!tpu.dma_semaphore, #tpu.memory_space<semaphore_mem>>)
      %dma_wait3A = arith.constant 0 : i32
      %dma_wait3A_71 = arith.constant 0 : i32
      %dma_wait3A_72 = tpu.memref_slice %arg5[%arg0, %dma_wait3A, %dma_wait3A_71] : memref<2x10240x128xf32, #tpu.memory_space<hbm>> -> memref<1x10240x128xf32, #tpu.memory_space<hbm>>
      %dma_wait3A_73 = tpu.memref_squeeze %dma_wait3A_72 : memref<1x10240x128xf32, #tpu.memory_space<hbm>> -> memref<10240x128xf32, #tpu.memory_space<hbm>>
      %dma_wait3A_74 = arith.constant 0 : i32
      %dma_wait3A_75 = tpu.memref_slice %dma_wait3A_73[%mul3A_63, %dma_wait3A_74] : memref<10240x128xf32, #tpu.memory_space<hbm>> -> memref<640x128xf32, #tpu.memory_space<hbm>>
      %dma_wait3A_76 = arith.constant 0 : i32
      %dma_wait3A_77 = tpu.memref_slice %arg7[%mul3A_61, %dma_wait3A_76] : memref<10240x128xf32, #tpu.memory_space<vmem_shared>> -> memref<640x128xf32, #tpu.memory_space<vmem_shared>>
      tpu.wait_dma2 semaphore(%run_scoped3A : memref<!tpu.dma_semaphore, #tpu.memory_space<semaphore_mem>>) src(%dma_wait3A_77 : memref<640x128xf32, #tpu.memory_space<vmem_shared>>) dst(%dma_wait3A_75 : memref<640x128xf32, #tpu.memory_space<hbm>>)
      tpu.yield
    }) : () -> ()
    "tpu.region"() ({
      %run_scoped3A = tpu.sem_alloc : memref<!tpu.dma_semaphore, #tpu.memory_space<semaphore_mem>>
      %dma_start3A = arith.constant 0 : i32
      %dma_start3A_64 = tpu.memref_slice %arg6[%add3A, %dma_start3A] : memref<32x10240xf32, #tpu.memory_space<hbm>> -> memref<1x10240xf32, #tpu.memory_space<hbm>>
      %dma_start3A_65 = tpu.memref_squeeze %dma_start3A_64 : memref<1x10240xf32, #tpu.memory_space<hbm>> -> memref<10240xf32, #tpu.memory_space<hbm>>
      %dma_start3A_66 = arith.constant 0 : i32
      %dma_start3A_67 = tpu.memref_slice %arg6[%add3A, %dma_start3A_66] : memref<32x10240xf32, #tpu.memory_space<hbm>> -> memref<1x10240xf32, #tpu.memory_space<hbm>>
      %dma_start3A_68 = tpu.memref_squeeze %dma_start3A_67 : memref<1x10240xf32, #tpu.memory_space<hbm>> -> memref<10240xf32, #tpu.memory_space<hbm>>
      tpu.enqueue_dma source(%arg13 : memref<10240xf32, #tpu.memory_space<vmem>>) target(%dma_start3A_68 : memref<10240xf32, #tpu.memory_space<hbm>>) target_semaphore(%run_scoped3A : memref<!tpu.dma_semaphore, #tpu.memory_space<semaphore_mem>>)
      %dma_wait3A = arith.constant 0 : i32
      %dma_wait3A_69 = tpu.memref_slice %arg6[%add3A, %dma_wait3A] : memref<32x10240xf32, #tpu.memory_space<hbm>> -> memref<1x10240xf32, #tpu.memory_space<hbm>>
      %dma_wait3A_70 = tpu.memref_squeeze %dma_wait3A_69 : memref<1x10240xf32, #tpu.memory_space<hbm>> -> memref<10240xf32, #tpu.memory_space<hbm>>
      %dma_wait3A_71 = arith.constant 0 : i32
      %dma_wait3A_72 = tpu.memref_slice %arg6[%add3A, %dma_wait3A_71] : memref<32x10240xf32, #tpu.memory_space<hbm>> -> memref<1x10240xf32, #tpu.memory_space<hbm>>
      %dma_wait3A_73 = tpu.memref_squeeze %dma_wait3A_72 : memref<1x10240xf32, #tpu.memory_space<hbm>> -> memref<10240xf32, #tpu.memory_space<hbm>>
      tpu.wait_dma2 semaphore(%run_scoped3A : memref<!tpu.dma_semaphore, #tpu.memory_space<semaphore_mem>>) src(%arg13 : memref<10240xf32, #tpu.memory_space<vmem>>) dst(%dma_wait3A_73 : memref<10240xf32, #tpu.memory_space<hbm>>)
      tpu.yield
    }) : () -> ()
    return
  }
}

module attributes {stable_mosaic.version = 14 : i64} {
  func.func @_tc1_body(%arg0: i32, %arg1: memref<512x128xf32, #tpu.memory_space<vmem>>, %arg2: memref<128x128xf32, #tpu.memory_space<vmem>>, %arg3: memref<1x128xf32, #tpu.memory_space<vmem>>, %arg4: memref<128x128xf32, #tpu.memory_space<vmem>>, %arg5: memref<1x128xf32, #tpu.memory_space<vmem>>, %arg6: memref<128x1xf32, #tpu.memory_space<vmem>>, %arg7: memref<512x128xf32, #tpu.memory_space<vmem>>, %arg8: memref<512x128xf32, #tpu.memory_space<vmem>>, %arg9: memref<512x1xf32, #tpu.memory_space<vmem>>) attributes {dimension_semantics = [#tpu.dimension_semantics<arbitrary>], iteration_bounds = array<i64: 20>, scalar_prefetch = 0 : i64, scratch_operands = 0 : i64, tpu.core_type = #tpu.core_type<tc>, window_params = [{transform_indices = @transform_0, window_bounds = array<i64: 512, 128>}, {pipeline_mode = #tpu.pipeline_mode<synchronous>, transform_indices = @transform_1, window_bounds = array<i64: 128, 128>}, {pipeline_mode = #tpu.pipeline_mode<synchronous>, transform_indices = @transform_2, window_bounds = array<i64: 1, 128>}, {pipeline_mode = #tpu.pipeline_mode<synchronous>, transform_indices = @transform_3, window_bounds = array<i64: 128, 128>}, {pipeline_mode = #tpu.pipeline_mode<synchronous>, transform_indices = @transform_4, window_bounds = array<i64: 1, 128>}, {pipeline_mode = #tpu.pipeline_mode<synchronous>, transform_indices = @transform_5, window_bounds = array<i64: 128, 1>}, {transform_indices = @transform_6, window_bounds = array<i64: 512, 128>}, {transform_indices = @transform_7, window_bounds = array<i64: 512, 128>}, {transform_indices = @transform_8, window_bounds = array<i64: 512, 1>}]} {
    %get3A = arith.constant 0 : index
    %get3A_0 = arith.constant 0 : index
    %get3A_1 = vector.load %arg1[%get3A, %get3A_0] : memref<512x128xf32, #tpu.memory_space<vmem>>, vector<512x128xf32>
    %get3A_2 = arith.constant 0 : index
    %get3A_3 = arith.constant 0 : index
    %get3A_4 = vector.load %arg2[%get3A_2, %get3A_3] : memref<128x128xf32, #tpu.memory_space<vmem>>, vector<128x128xf32>
    %dot_general3A = arith.constant dense<0.000000e+00> : vector<512x128xf32>
    %dot_general3A_5 = tpu.matmul %get3A_1, %get3A_4, %dot_general3A {dimension_numbers = #tpu.dot_dimension_numbers<[1], [0], [0], [1], [0, 0, 1, 1], [], []>, transpose_lhs_hint = false} : vector<512x128xf32>, vector<128x128xf32>, vector<512x128xf32> -> vector<512x128xf32>
    %get3A_6 = arith.constant 0 : index
    %get3A_7 = arith.constant 0 : index
    %get3A_8 = vector.load %arg3[%get3A_6, %get3A_7] : memref<1x128xf32, #tpu.memory_space<vmem>>, vector<1x128xf32>
    %add3A = vector.broadcast %get3A_8 : vector<1x128xf32> to vector<512x128xf32>
    %add3A_9 = arith.addf %dot_general3A_5, %add3A : vector<512x128xf32>
    %swap3A = arith.constant 0 : index
    %swap3A_10 = arith.constant 0 : index
    %swap3A_11 = vector.load %arg7[%swap3A, %swap3A_10] : memref<512x128xf32, #tpu.memory_space<vmem>>, vector<512x128xf32>
    tpu.vector_store %arg7[%swap3A, %swap3A_10], %add3A_9 {strides = array<i32>} : memref<512x128xf32, #tpu.memory_space<vmem>>, vector<512x128xf32>,
    %get3A_12 = arith.constant 0 : index
    %get3A_13 = arith.constant 0 : index
    %get3A_14 = vector.load %arg4[%get3A_12, %get3A_13] : memref<128x128xf32, #tpu.memory_space<vmem>>, vector<128x128xf32>
    %dot_general3A_15 = arith.constant dense<0.000000e+00> : vector<512x128xf32>
    %dot_general3A_16 = tpu.matmul %get3A_1, %get3A_14, %dot_general3A_15 {dimension_numbers = #tpu.dot_dimension_numbers<[1], [0], [0], [1], [0, 0, 1, 1], [], []>, transpose_lhs_hint = false} : vector<512x128xf32>, vector<128x128xf32>, vector<512x128xf32> -> vector<512x128xf32>
    %get3A_17 = arith.constant 0 : index
    %get3A_18 = arith.constant 0 : index
    %get3A_19 = vector.load %arg5[%get3A_17, %get3A_18] : memref<1x128xf32, #tpu.memory_space<vmem>>, vector<1x128xf32>
    %add3A_20 = vector.broadcast %get3A_19 : vector<1x128xf32> to vector<512x128xf32>
    %add3A_21 = arith.addf %dot_general3A_16, %add3A_20 : vector<512x128xf32>
    %get3A_22 = arith.constant 0 : index
    %get3A_23 = arith.constant 0 : index
    %get3A_24 = vector.load %arg6[%get3A_22, %get3A_23] : memref<128x1xf32, #tpu.memory_space<vmem>>, vector<128x1xf32>
    %dot_general3A_25 = arith.constant dense<0.000000e+00> : vector<512x1xf32>
    %dot_general3A_26 = tpu.matmul %add3A_21, %get3A_24, %dot_general3A_25 {dimension_numbers = #tpu.dot_dimension_numbers<[1], [0], [0], [1], [0, 0, 1, 1], [], []>, transpose_lhs_hint = false} : vector<512x128xf32>, vector<128x1xf32>, vector<512x1xf32> -> vector<512x1xf32>
    %gt3A = arith.constant 0.000000e+00 : f32
    %gt3A_27 = vector.broadcast %gt3A : f32 to vector<512x1xf32>
    %gt3A_28 = arith.cmpf ogt, %dot_general3A_26, %gt3A_27 : vector<512x1xf32>
    %mul3A = arith.constant 2.000000e-01 : f32
    %mul3A_29 = vector.broadcast %mul3A : f32 to vector<512x1xf32>
    %mul3A_30 = arith.mulf %mul3A_29, %dot_general3A_26 : vector<512x1xf32>
    %select_n3A = arith.select %gt3A_28, %dot_general3A_26, %mul3A_30 : vector<512x1xi1>, vector<512x1xf32>
    %exp3A = math.exp %select_n3A : vector<512x1xf32>
    %mul3A_31 = arith.constant 512 : i32
    %mul3A_32 = arith.muli %arg0, %mul3A_31 : i32
    %iota3A = tpu.iota {dimensions = array<i32: 0>} : vector<512x1xi32>
    %add3A_33 = vector.broadcast %mul3A_32 : i32 to vector<512x1xi32>
    %add3A_34 = arith.addi %add3A_33, %iota3A : vector<512x1xi32>
    %lt3A = arith.constant 10000 : i32
    %lt3A_35 = vector.broadcast %lt3A : i32 to vector<512x1xi32>
    %lt3A_36 = arith.cmpi slt, %add3A_34, %lt3A_35 : vector<512x1xi32>
    %mul3A_37 = vector.broadcast %exp3A : vector<512x1xf32> to vector<512x128xf32>
    %mul3A_38 = arith.mulf %add3A_21, %mul3A_37 : vector<512x128xf32>
    %jit3A = arith.constant 0.000000e+00 : f32
    %broadcast_in_dim3A = vector.shape_cast %lt3A_36 : vector<512x1xi1> to vector<512x1xi1>
    %broadcast_in_dim3A_39 = vector.broadcast %broadcast_in_dim3A : vector<512x1xi1> to vector<512x128xi1>
    %broadcast_in_dim3A_40 = vector.broadcast %jit3A : f32 to vector<512x128xf32>
    %select_n3A_41 = arith.select %broadcast_in_dim3A_39, %mul3A_38, %broadcast_in_dim3A_40 : vector<512x128xi1>, vector<512x128xf32>
    %swap3A_42 = arith.constant 0 : index
    %swap3A_43 = arith.constant 0 : index
    %swap3A_44 = vector.load %arg8[%swap3A_42, %swap3A_43] : memref<512x128xf32, #tpu.memory_space<vmem>>, vector<512x128xf32>
    tpu.vector_store %arg8[%swap3A_42, %swap3A_43], %select_n3A_41 {strides = array<i32>} : memref<512x128xf32, #tpu.memory_space<vmem>>, vector<512x128xf32>,
    %jit3A_45 = arith.constant 0.000000e+00 : f32
    %broadcast_in_dim3A_46 = vector.broadcast %jit3A_45 : f32 to vector<512x1xf32>
    %select_n3A_47 = arith.select %lt3A_36, %exp3A, %broadcast_in_dim3A_46 : vector<512x1xi1>, vector<512x1xf32>
    %swap3A_48 = arith.constant 0 : index
    %swap3A_49 = arith.constant 0 : index
    %swap3A_50 = vector.load %arg9[%swap3A_48, %swap3A_49] : memref<512x1xf32, #tpu.memory_space<vmem>>, vector<512x1xf32>
    tpu.vector_store %arg9[%swap3A_48, %swap3A_49], %select_n3A_47 {strides = array<i32>} : memref<512x1xf32, #tpu.memory_space<vmem>>, vector<512x1xf32>,
    return
  }
  func.func @transform_0(%arg0: i32) -> (i32, i32) {
    %c0_i32 = arith.constant 0 : i32
    %c0_i32_0 = arith.constant 0 : i32
    return %arg0, %c0_i32 : i32, i32
  }
  func.func @transform_1(%arg0: i32) -> (i32, i32) {
    %c0_i32 = arith.constant 0 : i32
    %c0_i32_0 = arith.constant 0 : i32
    %c0_i32_1 = arith.constant 0 : i32
    return %c0_i32, %c0_i32_0 : i32, i32
  }
  func.func @transform_2(%arg0: i32) -> (i32, i32) {
    %c0_i32 = arith.constant 0 : i32
    %c0_i32_0 = arith.constant 0 : i32
    %c0_i32_1 = arith.constant 0 : i32
    return %c0_i32, %c0_i32_0 : i32, i32
  }
  func.func @transform_3(%arg0: i32) -> (i32, i32) {
    %c0_i32 = arith.constant 0 : i32
    %c0_i32_0 = arith.constant 0 : i32
    %c0_i32_1 = arith.constant 0 : i32
    return %c0_i32, %c0_i32_0 : i32, i32
  }
  func.func @transform_4(%arg0: i32) -> (i32, i32) {
    %c0_i32 = arith.constant 0 : i32
    %c0_i32_0 = arith.constant 0 : i32
    %c0_i32_1 = arith.constant 0 : i32
    return %c0_i32, %c0_i32_0 : i32, i32
  }
  func.func @transform_5(%arg0: i32) -> (i32, i32) {
    %c0_i32 = arith.constant 0 : i32
    %c0_i32_0 = arith.constant 0 : i32
    %c0_i32_1 = arith.constant 0 : i32
    return %c0_i32, %c0_i32_0 : i32, i32
  }
  func.func @transform_6(%arg0: i32) -> (i32, i32) {
    %c0_i32 = arith.constant 0 : i32
    %c0_i32_0 = arith.constant 0 : i32
    return %arg0, %c0_i32 : i32, i32
  }
  func.func @transform_7(%arg0: i32) -> (i32, i32) {
    %c0_i32 = arith.constant 0 : i32
    %c0_i32_0 = arith.constant 0 : i32
    return %arg0, %c0_i32 : i32, i32
  }
  func.func @transform_8(%arg0: i32) -> (i32, i32) {
    %c0_i32 = arith.constant 0 : i32
    %c0_i32_0 = arith.constant 0 : i32
    return %arg0, %c0_i32 : i32, i32
  }
}

module attributes {stable_mosaic.version = 14 : i64} {
  func.func @_tc2_body(%arg0: i32, %arg1: memref<512x128xf32, #tpu.memory_space<vmem>>, %arg2: memref<512x128xf32, #tpu.memory_space<vmem>>, %arg3: memref<32x512xf32, #tpu.memory_space<vmem>>, %arg4: memref<512x64xf32, #tpu.memory_space<vmem>>, %arg5: memref<128x128xf32, #tpu.memory_space<vmem>>, %arg6: memref<64x128xf32, #tpu.memory_space<vmem>>, %arg7: memref<1x128xf32, #tpu.memory_space<vmem>>, %arg8: memref<512x128xf32, #tpu.memory_space<vmem>>) attributes {dimension_semantics = [#tpu.dimension_semantics<arbitrary>], iteration_bounds = array<i64: 20>, scalar_prefetch = 0 : i64, scratch_operands = 0 : i64, tpu.core_type = #tpu.core_type<tc>, window_params = [{transform_indices = @transform_0, window_bounds = array<i64: 512, 128>}, {transform_indices = @transform_1, window_bounds = array<i64: 512, 128>}, {transform_indices = @transform_2, window_bounds = array<i64: 32, 512>}, {transform_indices = @transform_3, window_bounds = array<i64: 512, 64>}, {pipeline_mode = #tpu.pipeline_mode<synchronous>, transform_indices = @transform_4, window_bounds = array<i64: 128, 128>}, {pipeline_mode = #tpu.pipeline_mode<synchronous>, transform_indices = @transform_5, window_bounds = array<i64: 64, 128>}, {pipeline_mode = #tpu.pipeline_mode<synchronous>, transform_indices = @transform_6, window_bounds = array<i64: 1, 128>}, {transform_indices = @transform_7, window_bounds = array<i64: 512, 128>}]} {
    %get3A = arith.constant 0 : index
    %get3A_0 = arith.constant 0 : index
    %get3A_1 = vector.load %arg1[%get3A, %get3A_0] : memref<512x128xf32, #tpu.memory_space<vmem>>, vector<512x128xf32>
    %get3A_2 = arith.constant 0 : index
    %get3A_3 = arith.constant 0 : index
    %get3A_4 = vector.load %arg2[%get3A_2, %get3A_3] : memref<512x128xf32, #tpu.memory_space<vmem>>, vector<512x128xf32>
    %add3A = arith.addf %get3A_1, %get3A_4 : vector<512x128xf32>
    %get3A_5 = arith.constant 0 : index
    %get3A_6 = arith.constant 0 : index
    %get3A_7 = vector.load %arg3[%get3A_5, %get3A_6] : memref<32x512xf32, #tpu.memory_space<vmem>>, vector<32x512xf32>
    %reduce_sum3A = arith.constant dense<0.000000e+00> : vector<512xf32>
    %reduce_sum3A_8 = vector.multi_reduction <add>, %get3A_7, %reduce_sum3A [0] : vector<32x512xf32> to vector<512xf32>
    %broadcast_in_dim3A = vector.shape_cast %reduce_sum3A_8 : vector<512xf32> to vector<512x1xf32>
    %max3A = arith.constant 1.000000e-30 : f32
    %max3A_9 = vector.broadcast %max3A : f32 to vector<512x1xf32>
    %max3A_10 = arith.maximumf %broadcast_in_dim3A, %max3A_9 : vector<512x1xf32>
    %div3A = vector.broadcast %max3A_10 : vector<512x1xf32> to vector<512x128xf32>
    %div3A_11 = arith.divf %add3A, %div3A : vector<512x128xf32>
    %gt3A = arith.constant 0.000000e+00 : f32
    %gt3A_12 = vector.broadcast %gt3A : f32 to vector<512x128xf32>
    %gt3A_13 = arith.cmpf ogt, %div3A_11, %gt3A_12 : vector<512x128xf32>
    %exp3A = math.exp %div3A_11 : vector<512x128xf32>
    %sub3A = arith.constant 1.000000e+00 : f32
    %sub3A_14 = vector.broadcast %sub3A : f32 to vector<512x128xf32>
    %sub3A_15 = arith.subf %exp3A, %sub3A_14 : vector<512x128xf32>
    %select_n3A = arith.select %gt3A_13, %div3A_11, %sub3A_15 : vector<512x128xi1>, vector<512x128xf32>
    %get3A_16 = arith.constant 0 : index
    %get3A_17 = arith.constant 0 : index
    %get3A_18 = vector.load %arg5[%get3A_16, %get3A_17] : memref<128x128xf32, #tpu.memory_space<vmem>>, vector<128x128xf32>
    %dot_general3A = arith.constant dense<0.000000e+00> : vector<512x128xf32>
    %dot_general3A_19 = tpu.matmul %select_n3A, %get3A_18, %dot_general3A {dimension_numbers = #tpu.dot_dimension_numbers<[1], [0], [0], [1], [0, 0, 1, 1], [], []>, transpose_lhs_hint = false} : vector<512x128xf32>, vector<128x128xf32>, vector<512x128xf32> -> vector<512x128xf32>
    %get3A_20 = arith.constant 0 : index
    %get3A_21 = arith.constant 0 : index
    %get3A_22 = vector.load %arg4[%get3A_20, %get3A_21] : memref<512x64xf32, #tpu.memory_space<vmem>>, vector<512x64xf32>
    %get3A_23 = arith.constant 0 : index
    %get3A_24 = arith.constant 0 : index
    %get3A_25 = vector.load %arg6[%get3A_23, %get3A_24] : memref<64x128xf32, #tpu.memory_space<vmem>>, vector<64x128xf32>
    %dot_general3A_26 = arith.constant dense<0.000000e+00> : vector<512x128xf32>
    %dot_general3A_27 = tpu.matmul %get3A_22, %get3A_25, %dot_general3A_26 {dimension_numbers = #tpu.dot_dimension_numbers<[1], [0], [0], [1], [0, 0, 1, 1], [], []>, transpose_lhs_hint = false} : vector<512x64xf32>, vector<64x128xf32>, vector<512x128xf32> -> vector<512x128xf32>
    %add3A_28 = arith.addf %dot_general3A_19, %dot_general3A_27 : vector<512x128xf32>
    %get3A_29 = arith.constant 0 : index
    %get3A_30 = arith.constant 0 : index
    %get3A_31 = vector.load %arg7[%get3A_29, %get3A_30] : memref<1x128xf32, #tpu.memory_space<vmem>>, vector<1x128xf32>
    %add3A_32 = vector.broadcast %get3A_31 : vector<1x128xf32> to vector<512x128xf32>
    %add3A_33 = arith.addf %add3A_28, %add3A_32 : vector<512x128xf32>
    %mul3A = arith.constant 512 : i32
    %mul3A_34 = arith.muli %arg0, %mul3A : i32
    %iota3A = tpu.iota {dimensions = array<i32: 0>} : vector<512x1xi32>
    %add3A_35 = vector.broadcast %mul3A_34 : i32 to vector<512x1xi32>
    %add3A_36 = arith.addi %add3A_35, %iota3A : vector<512x1xi32>
    %lt3A = arith.constant 10000 : i32
    %lt3A_37 = vector.broadcast %lt3A : i32 to vector<512x1xi32>
    %lt3A_38 = arith.cmpi slt, %add3A_36, %lt3A_37 : vector<512x1xi32>
    %jit3A = arith.constant 0.000000e+00 : f32
    %broadcast_in_dim3A_39 = vector.shape_cast %lt3A_38 : vector<512x1xi1> to vector<512x1xi1>
    %broadcast_in_dim3A_40 = vector.broadcast %broadcast_in_dim3A_39 : vector<512x1xi1> to vector<512x128xi1>
    %broadcast_in_dim3A_41 = vector.broadcast %jit3A : f32 to vector<512x128xf32>
    %select_n3A_42 = arith.select %broadcast_in_dim3A_40, %add3A_33, %broadcast_in_dim3A_41 : vector<512x128xi1>, vector<512x128xf32>
    %swap3A = arith.constant 0 : index
    %swap3A_43 = arith.constant 0 : index
    %swap3A_44 = vector.load %arg8[%swap3A, %swap3A_43] : memref<512x128xf32, #tpu.memory_space<vmem>>, vector<512x128xf32>
    tpu.vector_store %arg8[%swap3A, %swap3A_43], %select_n3A_42 {strides = array<i32>} : memref<512x128xf32, #tpu.memory_space<vmem>>, vector<512x128xf32>,
    return
  }
  func.func @transform_0(%arg0: i32) -> (i32, i32) {
    %c0_i32 = arith.constant 0 : i32
    %c0_i32_0 = arith.constant 0 : i32
    return %arg0, %c0_i32 : i32, i32
  }
  func.func @transform_1(%arg0: i32) -> (i32, i32) {
    %c0_i32 = arith.constant 0 : i32
    %c0_i32_0 = arith.constant 0 : i32
    return %arg0, %c0_i32 : i32, i32
  }
  func.func @transform_2(%arg0: i32) -> (i32, i32) {
    %c0_i32 = arith.constant 0 : i32
    %c0_i32_0 = arith.constant 0 : i32
    return %c0_i32, %arg0 : i32, i32
  }
  func.func @transform_3(%arg0: i32) -> (i32, i32) {
    %c0_i32 = arith.constant 0 : i32
    %c0_i32_0 = arith.constant 0 : i32
    return %arg0, %c0_i32 : i32, i32
  }
  func.func @transform_4(%arg0: i32) -> (i32, i32) {
    %c0_i32 = arith.constant 0 : i32
    %c0_i32_0 = arith.constant 0 : i32
    %c0_i32_1 = arith.constant 0 : i32
    return %c0_i32, %c0_i32_0 : i32, i32
  }
  func.func @transform_5(%arg0: i32) -> (i32, i32) {
    %c0_i32 = arith.constant 0 : i32
    %c0_i32_0 = arith.constant 0 : i32
    %c0_i32_1 = arith.constant 0 : i32
    return %c0_i32, %c0_i32_0 : i32, i32
  }
  func.func @transform_6(%arg0: i32) -> (i32, i32) {
    %c0_i32 = arith.constant 0 : i32
    %c0_i32_0 = arith.constant 0 : i32
    %c0_i32_1 = arith.constant 0 : i32
    return %c0_i32, %c0_i32_0 : i32, i32
  }
  func.func @transform_7(%arg0: i32) -> (i32, i32) {
    %c0_i32 = arith.constant 0 : i32
    %c0_i32_0 = arith.constant 0 : i32
    return %arg0, %c0_i32 : i32, i32
  }
}

module attributes {stable_mosaic.version = 14 : i64} {
  func.func @_tc3_body(%arg0: i32, %arg1: memref<512x128xf32, #tpu.memory_space<vmem>>, %arg2: memref<512x128xf32, #tpu.memory_space<vmem>>, %arg3: memref<32x512xf32, #tpu.memory_space<vmem>>, %arg4: memref<512x128xf32, #tpu.memory_space<vmem>>, %arg5: memref<512x128xf32, #tpu.memory_space<vmem>>) attributes {dimension_semantics = [#tpu.dimension_semantics<arbitrary>], iteration_bounds = array<i64: 20>, scalar_prefetch = 0 : i64, scratch_operands = 0 : i64, tpu.core_type = #tpu.core_type<tc>, window_params = [{transform_indices = @transform_0, window_bounds = array<i64: 512, 128>}, {transform_indices = @transform_1, window_bounds = array<i64: 512, 128>}, {transform_indices = @transform_2, window_bounds = array<i64: 32, 512>}, {transform_indices = @transform_3, window_bounds = array<i64: 512, 128>}, {transform_indices = @transform_4, window_bounds = array<i64: 512, 128>}]} {
    %get3A = arith.constant 0 : index
    %get3A_0 = arith.constant 0 : index
    %get3A_1 = vector.load %arg1[%get3A, %get3A_0] : memref<512x128xf32, #tpu.memory_space<vmem>>, vector<512x128xf32>
    %get3A_2 = arith.constant 0 : index
    %get3A_3 = arith.constant 0 : index
    %get3A_4 = vector.load %arg2[%get3A_2, %get3A_3] : memref<512x128xf32, #tpu.memory_space<vmem>>, vector<512x128xf32>
    %add3A = arith.addf %get3A_1, %get3A_4 : vector<512x128xf32>
    %get3A_5 = arith.constant 0 : index
    %get3A_6 = arith.constant 0 : index
    %get3A_7 = vector.load %arg3[%get3A_5, %get3A_6] : memref<32x512xf32, #tpu.memory_space<vmem>>, vector<32x512xf32>
    %reduce_sum3A = arith.constant dense<0.000000e+00> : vector<512xf32>
    %reduce_sum3A_8 = vector.multi_reduction <add>, %get3A_7, %reduce_sum3A [0] : vector<32x512xf32> to vector<512xf32>
    %broadcast_in_dim3A = vector.shape_cast %reduce_sum3A_8 : vector<512xf32> to vector<512x1xf32>
    %max3A = arith.constant 1.000000e+00 : f32
    %max3A_9 = vector.broadcast %max3A : f32 to vector<512x1xf32>
    %max3A_10 = arith.maximumf %broadcast_in_dim3A, %max3A_9 : vector<512x1xf32>
    %div3A = vector.broadcast %max3A_10 : vector<512x1xf32> to vector<512x128xf32>
    %div3A_11 = arith.divf %add3A, %div3A : vector<512x128xf32>
    %gt3A = arith.constant 0.000000e+00 : f32
    %gt3A_12 = vector.broadcast %gt3A : f32 to vector<512x128xf32>
    %gt3A_13 = arith.cmpf ogt, %div3A_11, %gt3A_12 : vector<512x128xf32>
    %exp3A = math.exp %div3A_11 : vector<512x128xf32>
    %sub3A = arith.constant 1.000000e+00 : f32
    %sub3A_14 = vector.broadcast %sub3A : f32 to vector<512x128xf32>
    %sub3A_15 = arith.subf %exp3A, %sub3A_14 : vector<512x128xf32>
    %select_n3A = arith.select %gt3A_13, %div3A_11, %sub3A_15 : vector<512x128xi1>, vector<512x128xf32>
    %get3A_16 = arith.constant 0 : index
    %get3A_17 = arith.constant 0 : index
    %get3A_18 = vector.load %arg4[%get3A_16, %get3A_17] : memref<512x128xf32, #tpu.memory_space<vmem>>, vector<512x128xf32>
    %add3A_19 = arith.addf %select_n3A, %get3A_18 : vector<512x128xf32>
    %swap3A = arith.constant 0 : index
    %swap3A_20 = arith.constant 0 : index
    %swap3A_21 = vector.load %arg5[%swap3A, %swap3A_20] : memref<512x128xf32, #tpu.memory_space<vmem>>, vector<512x128xf32>
    tpu.vector_store %arg5[%swap3A, %swap3A_20], %add3A_19 {strides = array<i32>} : memref<512x128xf32, #tpu.memory_space<vmem>>, vector<512x128xf32>,
    return
  }
  func.func @transform_0(%arg0: i32) -> (i32, i32) {
    %c0_i32 = arith.constant 0 : i32
    %c0_i32_0 = arith.constant 0 : i32
    return %arg0, %c0_i32 : i32, i32
  }
  func.func @transform_1(%arg0: i32) -> (i32, i32) {
    %c0_i32 = arith.constant 0 : i32
    %c0_i32_0 = arith.constant 0 : i32
    return %arg0, %c0_i32 : i32, i32
  }
  func.func @transform_2(%arg0: i32) -> (i32, i32) {
    %c0_i32 = arith.constant 0 : i32
    %c0_i32_0 = arith.constant 0 : i32
    return %c0_i32, %arg0 : i32, i32
  }
  func.func @transform_3(%arg0: i32) -> (i32, i32) {
    %c0_i32 = arith.constant 0 : i32
    %c0_i32_0 = arith.constant 0 : i32
    return %arg0, %c0_i32 : i32, i32
  }
  func.func @transform_4(%arg0: i32) -> (i32, i32) {
    %c0_i32 = arith.constant 0 : i32
    %c0_i32_0 = arith.constant 0 : i32
    return %arg0, %c0_i32 : i32, i32
  }
}

</mosaic_0001>

<sc_bundles>
// kernel: kernel.10.cloned.1.call-start
scs
__scs_entry_jumppad:
0x0: {  	(pc) =	sbr.rel $0x88, $3  }
0x1: {  	(tag) =	ssettag $0x0;
	lr =	simm.s32 $0x1  }
0x2: {  	[smem:$0x3F97] =	sst lr;
	_ =	strace $0xD0000000  }
0x3: {  	_ = 	snop  }
0x4: {  	_ = 	snop  }
0x5: {  	_ = 	snop  }
0x6: {  	_ = 	snop  }
0x7: {  	_ = 	snop  }
__scs_overlays_trampoline_lowered:
0x8: {  	[smem:$0x3FA6] =	sst s0  }
0x9: {  	[smem:$0x3FA7] =	sst s1  }
0xa: {  	[smem:$0x3FA8] =	sst s2  }
0xb: {  	[smem:$0x3FA9] =	sst s3  }
0xc: {  	[smem:$0x3FAA] =	sst s4  }
0xd: {  	[smem:$0x3FAB] =	sst s5  }
0xe: {  	[smem:$0x3FAC] =	sst s6  }
0xf: {  	[smem:$0x3FAD] =	sst s7  }
0x10: {  	[smem:$0x3FAE] =	sst s8  }
0x11: {  	[smem:$0x3FAF] =	sst s9;
	s0 =	simm.s32 @!p0 $0x0  }
0x12: {  	s1 =	sld [smem:$0x3F95];
	s0 =	simm.s32 @p0 $0x1  }
0x13: {  	[smem:$0x3FB0] =	sst s0;
	s0 =	simm.s32 @!p1 $0x0  }
0x14: {  	s2 =	sld [smem:$0x3F94];
	s0 =	simm.s32 @p1 $0x1  }
0x15: {  	[smem:$0x3FB1] =	sst s0;
	s0 =	simm.s32 @!p2 $0x0  }
0x16: {  	s3 =	sld [smem:$0x3FDB];
	s0 =	simm.s32 @p2 $0x1  }
0x17: {  	s4 =	simm.s32 $0x1BF5;
	[smem:$0x3FB3] =	sst s0  }
0x18: {  	s0 =	sld [smem:$0x3F96];
	_ =	swait.ge [sflag:s4], $0x0  }
0x19: {  	s7 =	sld [smem:$0x3F97]  }
0x1a: {  	s8 =	sadd.s32 $0xFFFFE003, lr  }
0x1b: {  	s9 =	sadd.s32 $0xFFFFFEF7, lr;
	s5 =	simm.s32 $0xFFFFFFFF;
	p2 =	slt.u32 s8, $0xFFFFF086  }
0x1c: {  	p1 =	slt.u32 s9, $0xF7A;
	s5 =	simm.s32 @!p2 $0x0  }
0x1d: {  	s5 =	simm.s32 @p1 $0x1;
	p0 =	seq.s32 s7, s2  }
0x1e: {  	s7 =	smul.u32 @!p0 $0xF7A, s2;
	p2 =	seq.s32 @!p0 s5, $0x0  }
0x1f: {  	s9 =	smul.u32 $0xF7A, s1;
	s8 =	simm.s32 @!p0 $0x1BF5;
	p2 =	por !p2, p0  }
0x20: {  	[sflag:s8] =	ssyncset.s32 @!p0 $0xFFFFF086;
	s6 =	sadd.s32 @!p0 s3, s7;
	s7 =	simm.s32 @!p0 $0x108  }
0x21: {  	s3 =	sadd.s32 s3, s9;
	s6 =	sadd.s32 @!p0 $0x88, s6;
	s7 =	simm.s32 @p2 $0x1082  }
0x22: {  	[simem:s7], [sflag:s8] =	dma.local @!p0 [hbm:s6], $0xF7A  }
0x23: {  	s9 =	sor.u32 $0xD0000000, s2;
	s6 =	simm.s32 $0x108;
	_ =	swait.ge @!p0 [sflag:s8], $0x0  }
0x24: {  	s3 =	sadd.s32 $0x88, s3;
	s6 =	simm.s32 @!p1 $0x1082;
	[sflag:s4] =	ssyncset.s32 $0xFFFFF086  }
0x25: {  	[simem:s6], [sflag:s4] =	dma.local [hbm:s3], $0xF7A  }
0x26: {  	[smem:$0x3F97] =	sst s1;
	(tag) =	ssettag s2;
	_ =	strace s9  }
0x27: {  	s1 =	sld [smem:$0x3FA7]  }
0x28: {  	s2 =	sld [smem:$0x3FA8]  }
0x29: {  	s4 =	sld [smem:$0x3FAA]  }
0x2a: {  	p0 =	seq.s32 s5, $0x0;
	s5 =	sld [smem:$0x3FAB]  }
0x2b: {  	s6 =	sld [smem:$0x3FAC]  }
0x2c: {  	s7 =	sld [smem:$0x3FAD]  }
0x2d: {  	s3 =	simm.s32 $0x108;
	s8 =	sld [smem:$0x3FAE]  }
0x2e: {  	s3 =	simm.s32 @!p0 $0x1082;
	s9 =	sld [smem:$0x3FAF]  }
0x2f: {  	lr =	sadd.s32 s0, s3;
	s0 =	sld [smem:$0x3FA6]  }
0x30: {  	s3 =	sld [smem:$0x3FA9]  }
0x31: {  	[smem:$0x3FB2] =	sst s10  }
0x32: {  	s10 =	sld [smem:$0x3FB0];
	_ =	sdelay $0x3  }
0x33: {  	p0 =	seq.s32 s10, $0x1;
	s10 =	sld [smem:$0x3FB2];
	_ =	sdelay $0x3  }
0x34: {  	[smem:$0x3FB2] =	sst s10  }
0x35: {  	s10 =	sld [smem:$0x3FB1];
	_ =	sdelay $0x3  }
0x36: {  	p1 =	seq.s32 s10, $0x1;
	s10 =	sld [smem:$0x3FB2];
	_ =	sdelay $0x3  }
0x37: {  	[smem:$0x3FB2] =	sst s10  }
0x38: {  	s10 =	sld [smem:$0x3FB3]  }
0x39: {  	_ = 	snop;
	(pc) =	sbr.ind lr, $3  }
0x3a: {  	_ = 	snop  }
0x3b: {  	_ = 	snop  }
0x3c: {  	p2 =	seq.s32 s10, $0x1;
	s10 =	sld [smem:$0x3FB2]  }
0x3d: {  	_ =	shalt  }
0x3e: {  	_ =	shalt  }
0x3f: {  	_ =	shalt  }
0x40: {  	_ =	shalt  }
0x41: {  	_ =	shalt  }
0x42: {  	_ =	shalt  }
0x43: {  	_ =	shalt  }
0x44: {  	_ =	shalt  }
0x45: {  	_ =	shalt  }
0x46: {  	_ =	shalt  }
0x47: {  	_ =	shalt  }
0x48: {  	_ =	shalt  }
0x49: {  	_ =	shalt  }
0x4a: {  	_ =	shalt  }
0x4b: {  	_ =	shalt  }
0x4c: {  	_ =	shalt  }
0x4d: {  	_ =	shalt  }
0x4e: {  	_ =	shalt  }
0x4f: {  	_ =	shalt  }
0x50: {  	_ =	shalt  }
0x51: {  	_ =	shalt  }
0x52: {  	_ =	shalt  }
0x53: {  	_ =	shalt  }
0x54: {  	_ =	shalt  }
0x55: {  	_ =	shalt  }
0x56: {  	_ =	shalt  }
0x57: {  	_ =	shalt  }
0x58: {  	_ =	shalt  }
0x59: {  	_ =	shalt  }
0x5a: {  	_ =	shalt  }
0x5b: {  	_ =	shalt  }
0x5c: {  	_ =	shalt  }
0x5d: {  	_ =	shalt  }
0x5e: {  	_ =	shalt  }
0x5f: {  	_ =	shalt  }
0x60: {  	_ =	shalt  }
0x61: {  	_ =	shalt  }
0x62: {  	_ =	shalt  }
0x63: {  	_ =	shalt  }
0x64: {  	_ =	shalt  }
0x65: {  	_ =	shalt  }
0x66: {  	_ =	shalt  }
0x67: {  	_ =	shalt  }
0x68: {  	_ =	shalt  }
0x69: {  	_ =	shalt  }
0x6a: {  	_ =	shalt  }
0x6b: {  	_ =	shalt  }
0x6c: {  	_ =	shalt  }
0x6d: {  	_ =	shalt  }
0x6e: {  	_ =	shalt  }
0x6f: {  	_ =	shalt  }
0x70: {  	_ =	shalt  }
0x71: {  	_ =	shalt  }
0x72: {  	_ =	shalt  }
0x73: {  	_ =	shalt  }
0x74: {  	_ =	shalt  }
0x75: {  	_ =	shalt  }
0x76: {  	_ =	shalt  }
0x77: {  	_ =	shalt  }
0x78: {  	_ =	shalt  }
0x79: {  	_ =	shalt  }
0x7a: {  	_ =	shalt  }
0x7b: {  	_ =	shalt  }
0x7c: {  	_ =	shalt  }
0x7d: {  	_ =	shalt  }
0x7e: {  	_ =	shalt  }
0x7f: {  	_ =	shalt  }
0x80: {  	_ =	shalt  }
0x81: {  	_ =	shalt  }
0x82: {  	_ =	shalt  }
0x83: {  	_ =	shalt  }
0x84: {  	_ =	shalt  }
0x85: {  	_ =	shalt  }
0x86: {  	_ =	shalt  }
0x87: {  	_ =	shalt  }
.Lfunc_end0:
.L_simem_size_0:
called_computation.1_lowered:
.L_overlay_start_0:
0x88: {  	s2 =	sld [smem:$0x3FD9]  }
0x89: {  	s3 =	sld [smem:$0x3FFE];
	_ =	sdelay $0x1  }
0x8a: {  	s1 =	srdreg.scid  }
0x8b: {  	s0 =	sand.u32 $0x1, s1  }
0x8c: {  	s17 =	sshll.u32 s0, $0xA;
	s2 =	sadd.s32 s3, s2  }
0x8d: {  	s2 =	sadd.s32 s2, s17  }
0x8e: {  	[smem:$0x3FBE] =	sst s2  }
0x8f: {  	_ = 	snop  }
0x90: {  	s2 =	sld [smem:$0x3FD0];
	(tm) =	ssettm $0x1  }
0x91: {  	s18 =	sld [smem:$0x3FFB];
	_ =	sdelay $0x3  }
0x92: {  	_ =	strace s18  }
0x93: {  	s3 =	sld [smem:$0x3FFC];
	_ =	sdelay $0x3  }
0x94: {  	_ =	strace s3  }
0x95: {  	s3 =	sld [smem:$0x3FFD];
	_ =	sdelay $0x3  }
0x96: {  	_ =	strace s3  }
0x97: {  	_ =	strace $0x8FFFFFFF  }
0x98: {  	s19 =	sld [smem:$0x3FDB];
	_ =	sdelay $0x1  }
0x99: {  	s4 =	simm.s32 $_scs_section_size  }
0x9a: {  	s5 =	simm.s32 $_size__tile_overlayer_lowered;
	s6 =	simm.s32 $_tile_overlayer_lowered  }
0x9b: {  	s22 =	simm.s32 $0x1BFF;
	s21 =	sshll.u32 s6, $0x1;
	s3 =	sadd.s32 s4, s19  }
0x9c: {  	s7 =	simm.s32 $0x0;
	s20 =	sshll.u32 s5, $0x1;
	s5 =	sadd.s32 s21, s3  }
0x9d: {  	[timem:s7], [sflag:s22] =	dma.local [hbm:s5], s20  }
0x9e: {  	_ =	swait.ge [sflag:s22], s20  }
0x9f: {  	s4 =	ssub.s32 $0x0, s20;
	[sflag:s22] =	ssyncset.done $0x0  }
0xa0: {  	[sflag:s22] =	ssyncadd.s32 s4;
	_ =	sdelay $0x1  }
0xa1: {  	s23 =	simm.s32 $0x1B8B  }
0xa2: {  	_ =	swait.ge [sflag:s23], $0x1  }
0xa3: {  	[sflag:s23] =	ssyncset.done $0x0  }
0xa4: {  	s25 =	simm.s32 $0x1B8E;
	s24 =	sld [smem:$0x3FFE];
	[sflag:s23] =	ssyncadd.s32 $0xFFFFFFFF  }
0xa5: {  	s26 =	simm.s32 $execute0_lowered;
	[smem:$0x3FD2] =	sst s25  }
0xa6: {  	s5 =	sshll.u32 s26, $0x1;
	_ =	strace $0x80000049;
	[dreg:$0x1] =	wrdreg $0xFFFFFFFF  }
0xa7: {  	s28 =	simm.s32 $_size_execute0_lowered;
	s3 =	sadd.s32 s3, s5;
	[dreg:$0x0] =	wrdreg $0x0  }
0xa8: {  	s5 =	sshll.u32 s28, $0x1;
	[dreg:$0x2] =	wrdreg s3  }
0xa9: {  	[dreg:$0x3] =	wrdreg s5  }
0xaa: {  	[dreg:$0x4] =	wrdreg $0xC0  }
0xab: {  	_ =	task [dreg:s7], $0x5FFFF  }
0xac: {  	[dreg:$0x1] =	wrdreg $0xFFFFFFFF  }
0xad: {  	[dreg:$0x0] =	wrdreg $0x60  }
0xae: {  	[dreg:$0x2] =	wrdreg s24  }
0xaf: {  	[dreg:$0x3] =	wrdreg s2  }
0xb0: {  	[dreg:$0x4] =	wrdreg $0x0  }
0xb1: {  	[dreg:$0x5] =	wrdreg $0x9  }
0xb2: {  	_ =	task.clear_ibuf [dreg:s7], $0x6FFFF;
	_ =	strace $0x90000049  }
0xb3: {  	s29 =	simm.s32 $0x9;
	_ =	strace $0x8000004B  }
0xb4: {  	_ =	swait.ge [sflag:s29], $0x1  }
0xb5: {  	[sflag:s29] =	ssyncadd.s32 $0xFFFFFFFF  }
0xb6: {  	_ =	strace $0x9000004B  }
0xb7: {  	_ =	sfence  }
0xb8: {  	s30 =	sld [smem:$0x0];
	_ =	sdelay $0x2  }
0xb9: {  	s31 =	sshll.u32 s1, $0xD;
	s1 =	sshrl.u32 s1, $0x2  }
0xba: {  	s3 =	sand.u32 $0x4000, s31;
	s1 =	sadd.s32 s1, s30  }
0xbb: {  	s0 =	sor.u32 s3, s0;
	s1 =	sshll.u32 s1, $0x11  }
0xbc: {  	s0 =	sor.u32 s1, s0  }
0xbd: {  	s0 =	sadd.s32 $0x8F2B, s0  }
0xbe: {  	[sflag:s0] =	ssyncadd.remote.s32 $0x1  }
0xbf: {  	_ =	sfence.sel $0xFFFF  }
0xc0: {  	[dreg:$0x0] =	wrdreg $0xFFFFFFFF;
	(pc) =	sbr.abs _section_cstart, $3  }
0xc1: {  	[dreg:$0x1] =	wrdreg $0xFFFFFFFF  }
0xc2: {  	_ =	task.clear_ibuf [dreg:s7], $0x2FFFF;
	_ =	strace $0x9FFFFFFF  }
0xc3: {  	(tm) =	ssettm $0x7FFFFFFF  }
tec
execute0_lowered:
.L_overlay_start_1:
0x0: {  	(tag) =	ssettag $0x1  }
0x1: {  	s0 =	rddreg [dreg:$0x0]  }
0x2: {  	s1 =	srdreg.scid;
	s5 =	rddreg [dreg:$0x1]  }
0x3: {  	s2 =	rddreg [dreg:$0x2];
	s12 =	stileid.u32  }
0x4: {  	s3 =	simm.s32 $0x0;
	s13 =	simm.s32 $0x14100;
	s15 =	simm.s32 $0x14880  }
0x5: {  	s17 =	simm.s32 $0x14180;
	s19 =	simm.s32 $0x14900;
	s21 =	simm.s32 $0x14200  }
0x6: {  	s23 =	simm.s32 $0x14980;
	s28 =	simm.s32 $0x2;
	s29 =	simm.s32 $0x4  }
0x7: {  	s30 =	simm.s32 $0x3;
	s31 =	simm.s32 $0x5;
	[smem:$0x7FF] =	sst s3  }
0x8: {  	s1 =	sand.u32 $0x1, s1;
	_ =	strace $0x8000004A;
	[dreg:$0x7] =	wrdreg s13  }
0x9: {  	s8 =	sshll.u32 s12, $0x7;
	s25 =	sshll.u32 s12, $0x8;
	[dreg:$0x8] =	wrdreg s15  }
0xa: {  	s11 =	smul.u32 $0x50000, s12;
	s4 =	sshll.u32 s1, $0x4;
	[dreg:$0x9] =	wrdreg s17  }
0xb: {  	s6 =	smul.u32 $0x28000, s1;
	s9 =	sshll.u32 s1, $0xC;
	[dreg:$0xa] =	wrdreg s19  }
0xc: {  	s8 =	sand.u32 $0x380, s8;
	s1 =	ssub.s32 $0x2, s1;
	[dreg:$0xb] =	wrdreg s21  }
0xd: {  	[dreg:$0xc] =	wrdreg s23;
	s15 =	simm.s32 $0x14380;
	s19 =	simm.s32 $0x14400  }
0xe: {  	s17 =	simm.s32 $0x15000;
	s21 =	simm.s32 $0x14480;
	s23 =	simm.s32 $0x14500  }
0xf: {  	s4 =	sor.u32 s12, s4;
	s10 =	sadd.s32 s9, s0;
	[dreg:$0x11] =	wrdreg s15  }
0x10: {  	s26 =	sshrl.u32 s1, $0x1;
	s5 =	sadd.s32 s9, s5;
	[dreg:$0x13] =	wrdreg s19  }
0x11: {  	s9 =	simm.s32 $0x14A00;
	[dreg:$0x15] =	wrdreg s21;
	s19 =	simm.s32 $0x14000  }
0x12: {  	[dreg:$0x17] =	wrdreg s23;
	s21 =	simm.s32 $0x40;
	s23 =	simm.s32 $0x1  }
0x13: {  	s15 =	simm.s32 $0x0;
	s5 =	sadd.s32 s25, s5;
	[dreg:$0xe] =	wrdreg s9  }
0x14: {  	s10 =	sadd.s32 s25, s10;
	s25 =	simm.s32 $0x14280;
	[dreg:$0x5] =	wrdreg s5  }
0x15: {  	s1 =	ssub.s32 s1, s26;
	s10 =	sadd.s32 $0x29E00, s10;
	[dreg:$0xd] =	wrdreg s25  }
0x16: {  	s4 =	sshrl.u32 s4, $0x3;
	s1 =	smax.u32 s1, $0x1;
	[dreg:$0x4] =	wrdreg s10  }
0x17: {  	s6 =	sadd.s32 s6, s0;
	s25 =	simm.s32 $0x14580;
	[smem:$0x7FC] =	sst s1  }
0x18: {  	s10 =	sshrl.u32 s11, $0x2;
	s11 =	simm.s32 $0x14080;
	[dreg:$0x19] =	wrdreg s25  }
0x19: {  	s9 =	simm.s32 $0x14E00;
	s5 =	sadd.s32 s10, s2;
	[dreg:$0x6] =	wrdreg s11  }
0x1a: {  	s7 =	smul.u32 $0x14000, s4;
	s11 =	simm.s32 $0x14300;
	[smem:$0x7F9] =	sst s5  }
0x1b: {  	s4 =	sadd.s32 $0x1E00, s0;
	s14 =	sadd.s32 $0x2000, s5;
	[dreg:$0xf] =	wrdreg s11  }
0x1c: {  	s6 =	sadd.s32 $0x3DE00, s6;
	s16 =	sadd.s32 $0x4000, s5;
	[dreg:$0x1a] =	wrdreg s14  }
0x1d: {  	s25 =	simm.s32 $0x1B000;
	s18 =	sadd.s32 $0x6000, s5;
	[dreg:$0x1b] =	wrdreg s16  }
0x1e: {  	s1 =	simm.s32 $0x14D00;
	s20 =	sadd.s32 $0x8000, s5;
	[dreg:$0x1c] =	wrdreg s18  }
0x1f: {  	s7 =	sor.u32 s8, s7;
	s22 =	sadd.s32 $0xA000, s5;
	[dreg:$0x1d] =	wrdreg s20  }
0x20: {  	s8 =	simm.s32 $0x14680;
	s24 =	sadd.s32 $0xC000, s5;
	[dreg:$0x1e] =	wrdreg s22  }
0x21: {  	s7 =	sshrl.u32 s7, $0x3;
	s26 =	sadd.s32 $0xE000, s5;
	[dreg:$0x1f] =	wrdreg s24  }
0x22: {  	s10 =	sadd.s32 $0x10000, s5;
	s13 =	sadd.s32 $0x12000, s5;
	[smem:$0x7F7] =	sst s26  }
0x23: {  	s11 =	simm.s32 $0x14E80;
	s0 =	sadd.s32 s7, s0;
	[smem:$0x7F8] =	sst s10  }
0x24: {  	[smem:$0x7FA] =	sst s13;
	s14 =	simm.s32 $0x14A80;
	s16 =	smul.u32 $0x2800, s12  }
0x25: {  	s18 =	simm.s32 $0x14B00;
	s20 =	simm.s32 $0x14B80;
	s22 =	simm.s32 $0x14C00  }
0x26: {  	s24 =	simm.s32 $0x14C80;
	s7 =	simm.s32 $0x14D80;
	[dreg:$0x10] =	wrdreg s14  }
0x27: {  	s10 =	simm.s32 $0x14700;
	s12 =	simm.s32 $0x14780;
	[dreg:$0x12] =	wrdreg s18  }
0x28: {  	s13 =	simm.s32 $0x14F00;
	s0 =	sadd.s32 $0x8DE00, s0;
	[dreg:$0x14] =	wrdreg s20  }
0x29: {  	s18 =	simm.s32 $0x7;
	[dreg:$0x16] =	wrdreg s22;
	s20 =	simm.s32 $0x14800  }
0x2a: {  	[dreg:$0x18] =	wrdreg s24;
	s22 =	simm.s32 $0x17000;
	s14 =	simm.s32 $0x14F80  }
0x2b: {  	[smem:$0x7FB] =	sst s0;
	s26 =	sadd.s32 s16, s6;
	s0 =	simm.s32 $0x6  }
0x2c: {  	v0 =	vimm.f32 $0.0e+00;
	v1 =	vimm.f32 $1.000000000e+00;
	s6 =	simm.s32 $0x14600;
	[smem:$0x7FD] =	sst s26;
	s26 =	simm.s32 $0x19000  }
.LBB2_1:
0x2d: {  	s16 =	simm.s32 $0x0;
	s24 =	simm.s32 $0x200  }
.LBB2_2:
0x2e: {  	p0 =	sne.s32 s24, $0x7E00;
	[tilespmem:s16+$0x15070] =	vst v0  }
0x2f: {  	[tilespmem:s16+$0x15000] =	vst v0  }
0x30: {  	[tilespmem:s16+$0x15010] =	vst v0  }
.Ltmp0:
0x31: {  	[tilespmem:s16+$0x15020] =	vst v0;
	(pc) =	sbr.rel @p0 .LBB2_2-.Ltmp0, $4  }
0x32: {  	[tilespmem:s16+$0x15030] =	vst v0  }
0x33: {  	[tilespmem:s16+$0x15040] =	vst v0  }
0x34: {  	[tilespmem:s16+$0x15050] =	vst v0  }
0x35: {  	[tilespmem:s16+$0x15060] =	vst v0;
	s16 =	sshra.s32 s24, $0x2;
	s24 =	sadd.s32 $0x200, s24  }
0x36: {  	[tilespmem:s16+$0x15070] =	vst v0  }
0x37: {  	[tilespmem:s16+$0x15000] =	vst v0  }
0x38: {  	[tilespmem:s16+$0x15010] =	vst v0  }
0x39: {  	[tilespmem:s16+$0x15020] =	vst v0  }
0x3a: {  	[tilespmem:s16+$0x15030] =	vst v0  }
0x3b: {  	[tilespmem:s16+$0x15040] =	vst v0  }
0x3c: {  	[tilespmem:s16+$0x15050] =	vst v0  }
0x3d: {  	[tilespmem:s16+$0x15060] =	vst v0;
	s16 =	simm.s32 $0x40;
	s24 =	simm.s32 $0x0  }
.LBB2_4:
0x3e: {  	p0 =	sne.s32 s16, $0x9FC0;
	[tilespmem:s24+$0x1B000] =	vst v0;
	s24 =	smov.u32 s16;
	s16 =	sadd.s32 $0x40, s16  }
.Ltmp1:
0x3f: {  	(pc) =	sbr.rel @p0 .LBB2_4-.Ltmp1, $2  }
0x40: {  	_ =	sdelay $0x2  }
0x41: {  	s24 =	sshra.s32 s24, $0x2  }
0x42: {  	s5 =	sld [smem:$0x7F9];
	_ =	sdelay $0x1  }
0x43: {  	[tilespmem:s24+$0x1B000] =	vst v0  }
0x44: {  	[spmem:s5] =	stream.linear.scatter [tilespmem:s17], [sflag:$0x7], $0x2000, $0x38;
	[tilespmem:$0x1D800] =	vst v63  }
0x45: {  	_ =	swait.ge [sflag:s18], $0x2000  }
0x46: {  	[sflag:s18] =	ssyncset.done $0x0  }
0x47: {  	s16 =	rddreg [dreg:$0x1a];
	[sflag:s18] =	ssyncadd.s32 $0xFFFFE000  }
0x48: {  	[spmem:s16] =	stream.linear.scatter [tilespmem:s17], [sflag:$0x7], $0x2000, $0x38;
	[tilespmem:$0x1D800] =	vst v63  }
0x49: {  	_ =	swait.ge [sflag:s18], $0x2000  }
0x4a: {  	[sflag:s18] =	ssyncset.done $0x0  }
0x4b: {  	s5 =	rddreg [dreg:$0x1b];
	[sflag:s18] =	ssyncadd.s32 $0xFFFFE000  }
0x4c: {  	[spmem:s5] =	stream.linear.scatter [tilespmem:s17], [sflag:$0x7], $0x2000, $0x38;
	[tilespmem:$0x1D800] =	vst v63  }
0x4d: {  	_ =	swait.ge [sflag:s18], $0x2000  }
0x4e: {  	[sflag:s18] =	ssyncset.done $0x0  }
0x4f: {  	s24 =	rddreg [dreg:$0x1c];
	[sflag:s18] =	ssyncadd.s32 $0xFFFFE000  }
0x50: {  	[spmem:s24] =	stream.linear.scatter [tilespmem:s17], [sflag:$0x7], $0x2000, $0x38;
	[tilespmem:$0x1D800] =	vst v63  }
0x51: {  	_ =	swait.ge [sflag:s18], $0x2000  }
0x52: {  	[sflag:s18] =	ssyncset.done $0x0  }
0x53: {  	s5 =	rddreg [dreg:$0x1d];
	[sflag:s18] =	ssyncadd.s32 $0xFFFFE000  }
0x54: {  	[spmem:s5] =	stream.linear.scatter [tilespmem:s17], [sflag:$0x7], $0x2000, $0x38;
	[tilespmem:$0x1D800] =	vst v63  }
0x55: {  	_ =	swait.ge [sflag:s18], $0x2000  }
0x56: {  	[sflag:s18] =	ssyncset.done $0x0  }
0x57: {  	s24 =	rddreg [dreg:$0x1e];
	[sflag:s18] =	ssyncadd.s32 $0xFFFFE000  }
0x58: {  	[spmem:s24] =	stream.linear.scatter [tilespmem:s17], [sflag:$0x7], $0x2000, $0x38;
	[tilespmem:$0x1D800] =	vst v63  }
0x59: {  	_ =	swait.ge [sflag:s18], $0x2000  }
0x5a: {  	[sflag:s18] =	ssyncset.done $0x0  }
0x5b: {  	s5 =	rddreg [dreg:$0x1f];
	[sflag:s18] =	ssyncadd.s32 $0xFFFFE000  }
0x5c: {  	[spmem:s5] =	stream.linear.scatter [tilespmem:s17], [sflag:$0x7], $0x2000, $0x38;
	[tilespmem:$0x1D800] =	vst v63  }
0x5d: {  	_ =	swait.ge [sflag:s18], $0x2000  }
0x5e: {  	s24 =	sld [smem:$0x7F7]  }
0x5f: {  	[sflag:s18] =	ssyncset.done $0x0  }
0x60: {  	[sflag:s18] =	ssyncadd.s32 $0xFFFFE000  }
0x61: {  	[spmem:s24] =	stream.linear.scatter [tilespmem:s17], [sflag:$0x7], $0x2000, $0x38;
	[tilespmem:$0x1D800] =	vst v63  }
0x62: {  	_ =	swait.ge [sflag:s18], $0x2000  }
0x63: {  	s5 =	sld [smem:$0x7F8]  }
0x64: {  	[sflag:s18] =	ssyncset.done $0x0  }
0x65: {  	[sflag:s18] =	ssyncadd.s32 $0xFFFFE000  }
0x66: {  	[spmem:s5] =	stream.linear.scatter [tilespmem:s17], [sflag:$0x7], $0x2000, $0x38;
	[tilespmem:$0x1D800] =	vst v63  }
0x67: {  	_ =	swait.ge [sflag:s18], $0x2000  }
0x68: {  	s24 =	sld [smem:$0x7FA]  }
0x69: {  	[sflag:s18] =	ssyncset.done $0x0  }
0x6a: {  	[sflag:s18] =	ssyncadd.s32 $0xFFFFE000  }
0x6b: {  	[spmem:s24] =	stream.linear.scatter [tilespmem:s17], [sflag:$0x7], $0x2000, $0x38;
	[tilespmem:$0x1D800] =	vst v63  }
0x6c: {  	_ =	swait.ge [sflag:s18], $0x2000  }
0x6d: {  	[sflag:s18] =	ssyncset.done $0x0  }
0x6e: {  	[sflag:s18] =	ssyncadd.s32 $0xFFFFE000  }
0x6f: {  	s16 =	simm.s32 $0x0;
	[bflag:$0x0] =	sbarrier.arrive $0xFFFF  }
.LBB2_6:
0x70: {  	s24 =	rddreg [dreg:$0x4]  }
0x71: {  	s24 =	sadd.s32 s16, s24  }
0x72: {  	[tilespmem:s19], [sflag:$0x7] =	stream.linear.gather [hbm4b:s24+s3], $0x800, $0x38;
	[tilespmem:$0x1D800] =	vst v63  }
0x73: {  	_ =	swait.ge [sflag:s18], $0x800  }
0x74: {  	s5 =	rddreg [dreg:$0x5];
	[sflag:s18] =	ssyncset.done $0x0  }
0x75: {  	[sflag:s18] =	ssyncadd.s32 $0xFFFFF800;
	s24 =	sadd.s32 s16, s5  }
0x76: {  	[tilespmem:s20], [sflag:$0x7] =	stream.linear.gather [hbm4b:s24+s3], $0x800, $0x38;
	[tilespmem:$0x1D800] =	vst v63  }
0x77: {  	_ =	swait.ge [sflag:s18], $0x800  }
0x78: {  	[sflag:s18] =	ssyncset.done $0x0  }
0x79: {  	[sflag:s18] =	ssyncadd.s32 $0xFFFFF800  }
0x7a: {  	[tilespmem:s17], [sflag:$0x1] =	stream.indirect.gather [hbm4b:s4+s21], $0x80, s19, s21, $0xb8;
	[tilespmem:$0x1D800] =	vst v63  }
0x7b: {  	s5 =	rddreg [dreg:$0x6]  }
0x7c: {  	[tilespmem:s22], [sflag:$0x2] =	stream.indirect.gather [hbm4b:s4+s21], $0x80, s5, s21, $0xb8;
	[tilespmem:$0x1D800] =	vst v63  }
0x7d: {  	_ =	swait.ge [sflag:s23], $0x2000  }
0x7e: {  	[sflag:s23] =	ssyncset.done $0x0  }
0x7f: {  	[sflag:s23] =	ssyncadd.s32 $0xFFFFE000  }
0x80: {  	[spmem:s2] =	stream.indirect.scatter.add.f32 [tilespmem:s17], [sflag:$0x4], $0x80, s20, s21, $0xb8;
	[tilespmem:$0x1D800] =	vst v63  }
0x81: {  	v2 =	vld [tilespmem:$0x14800];
	_ =	sdelay $0x7  }
0x82: {  	[tilespmem:v2+s25+$0x0] =	vst.idx.add.f32.msk $0xffff, v1  }
0x83: {  	v2 =	vld [tilespmem:$0x14810];
	_ =	sdelay $0x7  }
0x84: {  	[tilespmem:v2+s25+$0x0] =	vst.idx.add.f32.msk $0xffff, v1  }
0x85: {  	v2 =	vld [tilespmem:$0x14820];
	_ =	sdelay $0x7  }
0x86: {  	[tilespmem:v2+s25+$0x0] =	vst.idx.add.f32.msk $0xffff, v1  }
0x87: {  	v2 =	vld [tilespmem:$0x14830];
	_ =	sdelay $0x7  }
0x88: {  	s5 =	rddreg [dreg:$0x7];
	[tilespmem:v2+s25+$0x0] =	vst.idx.add.f32.msk $0xffff, v1  }
0x89: {  	[tilespmem:s26], [sflag:$0x3] =	stream.indirect.gather [hbm4b:s4+s21], $0x80, s5, s21, $0xb8;
	[tilespmem:$0x1D800] =	vst v63  }
0x8a: {  	_ =	swait.ge [sflag:s28], $0x2000  }
0x8b: {  	[sflag:s28] =	ssyncset.done $0x0  }
0x8c: {  	s5 =	rddreg [dreg:$0x8];
	[sflag:s28] =	ssyncadd.s32 $0xFFFFE000  }
0x8d: {  	[spmem:s2] =	stream.indirect.scatter.add.f32 [tilespmem:s22], [sflag:$0x5], $0x80, s5, s21, $0xb8;
	[tilespmem:$0x1D800] =	vst v63  }
0x8e: {  	v2 =	vld [tilespmem:$0x14880];
	_ =	sdelay $0x7  }
0x8f: {  	[tilespmem:v2+s25+$0x0] =	vst.idx.add.f32.msk $0xffff, v1  }
0x90: {  	v2 =	vld [tilespmem:$0x14890];
	_ =	sdelay $0x7  }
0x91: {  	[tilespmem:v2+s25+$0x0] =	vst.idx.add.f32.msk $0xffff, v1  }
0x92: {  	v2 =	vld [tilespmem:$0x148A0];
	_ =	sdelay $0x7  }
0x93: {  	[tilespmem:v2+s25+$0x0] =	vst.idx.add.f32.msk $0xffff, v1  }
0x94: {  	v2 =	vld [tilespmem:$0x148B0];
	_ =	sdelay $0x7  }
0x95: {  	[tilespmem:v2+s25+$0x0] =	vst.idx.add.f32.msk $0xffff, v1  }
0x96: {  	_ =	swait.ge [sflag:s29], $0x2000  }
0x97: {  	[sflag:s29] =	ssyncset.done $0x0  }
0x98: {  	s5 =	rddreg [dreg:$0x9];
	[sflag:s29] =	ssyncadd.s32 $0xFFFFE000  }
0x99: {  	[tilespmem:s17], [sflag:$0x1] =	stream.indirect.gather [hbm4b:s4+s21], $0x80, s5, s21, $0xb8;
	[tilespmem:$0x1D800] =	vst v63  }
0x9a: {  	_ =	swait.ge [sflag:s30], $0x2000  }
0x9b: {  	[sflag:s30] =	ssyncset.done $0x0  }
0x9c: {  	s5 =	rddreg [dreg:$0xa];
	[sflag:s30] =	ssyncadd.s32 $0xFFFFE000  }
0x9d: {  	[spmem:s2] =	stream.indirect.scatter.add.f32 [tilespmem:s26], [sflag:$0x6], $0x80, s5, s21, $0xb8;
	[tilespmem:$0x1D800] =	vst v63  }
0x9e: {  	v2 =	vld [tilespmem:$0x14900];
	_ =	sdelay $0x7  }
0x9f: {  	[tilespmem:v2+s25+$0x0] =	vst.idx.add.f32.msk $0xffff, v1  }
0xa0: {  	v2 =	vld [tilespmem:$0x14910];
	_ =	sdelay $0x7  }
0xa1: {  	[tilespmem:v2+s25+$0x0] =	vst.idx.add.f32.msk $0xffff, v1  }
0xa2: {  	v2 =	vld [tilespmem:$0x14920];
	_ =	sdelay $0x7  }
0xa3: {  	[tilespmem:v2+s25+$0x0] =	vst.idx.add.f32.msk $0xffff, v1  }
0xa4: {  	v2 =	vld [tilespmem:$0x14930];
	_ =	sdelay $0x7  }
0xa5: {  	[tilespmem:v2+s25+$0x0] =	vst.idx.add.f32.msk $0xffff, v1  }
0xa6: {  	_ =	swait.ge [sflag:s31], $0x2000  }
0xa7: {  	[sflag:s31] =	ssyncset.done $0x0  }
0xa8: {  	s5 =	rddreg [dreg:$0xb];
	[sflag:s31] =	ssyncadd.s32 $0xFFFFE000  }
0xa9: {  	[tilespmem:s22], [sflag:$0x2] =	stream.indirect.gather [hbm4b:s4+s21], $0x80, s5, s21, $0xb8;
	[tilespmem:$0x1D800] =	vst v63  }
0xaa: {  	_ =	swait.ge [sflag:s23], $0x2000  }
0xab: {  	[sflag:s23] =	ssyncset.done $0x0  }
0xac: {  	s5 =	rddreg [dreg:$0xc];
	[sflag:s23] =	ssyncadd.s32 $0xFFFFE000  }
0xad: {  	[spmem:s2] =	stream.indirect.scatter.add.f32 [tilespmem:s17], [sflag:$0x4], $0x80, s5, s21, $0xb8;
	[tilespmem:$0x1D800] =	vst v63  }
0xae: {  	v2 =	vld [tilespmem:$0x14980];
	_ =	sdelay $0x7  }
0xaf: {  	[tilespmem:v2+s25+$0x0] =	vst.idx.add.f32.msk $0xffff, v1  }
0xb0: {  	v2 =	vld [tilespmem:$0x14990];
	_ =	sdelay $0x7  }
0xb1: {  	[tilespmem:v2+s25+$0x0] =	vst.idx.add.f32.msk $0xffff, v1  }
0xb2: {  	v2 =	vld [tilespmem:$0x149A0];
	_ =	sdelay $0x7  }
0xb3: {  	[tilespmem:v2+s25+$0x0] =	vst.idx.add.f32.msk $0xffff, v1  }
0xb4: {  	v2 =	vld [tilespmem:$0x149B0];
	_ =	sdelay $0x7  }
0xb5: {  	[tilespmem:v2+s25+$0x0] =	vst.idx.add.f32.msk $0xffff, v1  }
0xb6: {  	_ =	swait.ge [sflag:s0], $0x2000  }
0xb7: {  	[sflag:s0] =	ssyncset.done $0x0  }
0xb8: {  	s5 =	rddreg [dreg:$0xd];
	[sflag:s0] =	ssyncadd.s32 $0xFFFFE000  }
0xb9: {  	[tilespmem:s26], [sflag:$0x3] =	stream.indirect.gather [hbm4b:s4+s21], $0x80, s5, s21, $0xb8;
	[tilespmem:$0x1D800] =	vst v63  }
0xba: {  	_ =	swait.ge [sflag:s28], $0x2000  }
0xbb: {  	[sflag:s28] =	ssyncset.done $0x0  }
0xbc: {  	s5 =	rddreg [dreg:$0xe];
	[sflag:s28] =	ssyncadd.s32 $0xFFFFE000  }
0xbd: {  	[spmem:s2] =	stream.indirect.scatter.add.f32 [tilespmem:s22], [sflag:$0x5], $0x80, s5, s21, $0xb8;
	[tilespmem:$0x1D800] =	vst v63  }
0xbe: {  	v2 =	vld [tilespmem:$0x14A00];
	_ =	sdelay $0x7  }
0xbf: {  	[tilespmem:v2+s25+$0x0] =	vst.idx.add.f32.msk $0xffff, v1  }
0xc0: {  	v2 =	vld [tilespmem:$0x14A10];
	_ =	sdelay $0x7  }
0xc1: {  	[tilespmem:v2+s25+$0x0] =	vst.idx.add.f32.msk $0xffff, v1  }
0xc2: {  	v2 =	vld [tilespmem:$0x14A20];
	_ =	sdelay $0x7  }
0xc3: {  	[tilespmem:v2+s25+$0x0] =	vst.idx.add.f32.msk $0xffff, v1  }
0xc4: {  	v2 =	vld [tilespmem:$0x14A30];
	_ =	sdelay $0x7  }
0xc5: {  	[tilespmem:v2+s25+$0x0] =	vst.idx.add.f32.msk $0xffff, v1  }
0xc6: {  	_ =	swait.ge [sflag:s29], $0x2000  }
0xc7: {  	[sflag:s29] =	ssyncset.done $0x0  }
0xc8: {  	s5 =	rddreg [dreg:$0xf];
	[sflag:s29] =	ssyncadd.s32 $0xFFFFE000  }
0xc9: {  	[tilespmem:s17], [sflag:$0x1] =	stream.indirect.gather [hbm4b:s4+s21], $0x80, s5, s21, $0xb8;
	[tilespmem:$0x1D800] =	vst v63  }
0xca: {  	_ =	swait.ge [sflag:s30], $0x2000  }
0xcb: {  	[sflag:s30] =	ssyncset.done $0x0  }
0xcc: {  	s5 =	rddreg [dreg:$0x10];
	[sflag:s30] =	ssyncadd.s32 $0xFFFFE000  }
0xcd: {  	[spmem:s2] =	stream.indirect.scatter.add.f32 [tilespmem:s26], [sflag:$0x6], $0x80, s5, s21, $0xb8;
	[tilespmem:$0x1D800] =	vst v63  }
0xce: {  	v2 =	vld [tilespmem:$0x14A80];
	_ =	sdelay $0x7  }
0xcf: {  	[tilespmem:v2+s25+$0x0] =	vst.idx.add.f32.msk $0xffff, v1  }
0xd0: {  	v2 =	vld [tilespmem:$0x14A90];
	_ =	sdelay $0x7  }
0xd1: {  	[tilespmem:v2+s25+$0x0] =	vst.idx.add.f32.msk $0xffff, v1  }
0xd2: {  	v2 =	vld [tilespmem:$0x14AA0];
	_ =	sdelay $0x7  }
0xd3: {  	[tilespmem:v2+s25+$0x0] =	vst.idx.add.f32.msk $0xffff, v1  }
0xd4: {  	v2 =	vld [tilespmem:$0x14AB0];
	_ =	sdelay $0x7  }
0xd5: {  	[tilespmem:v2+s25+$0x0] =	vst.idx.add.f32.msk $0xffff, v1  }
0xd6: {  	_ =	swait.ge [sflag:s31], $0x2000  }
0xd7: {  	[sflag:s31] =	ssyncset.done $0x0  }
0xd8: {  	s5 =	rddreg [dreg:$0x11];
	[sflag:s31] =	ssyncadd.s32 $0xFFFFE000  }
0xd9: {  	[tilespmem:s22], [sflag:$0x2] =	stream.indirect.gather [hbm4b:s4+s21], $0x80, s5, s21, $0xb8;
	[tilespmem:$0x1D800] =	vst v63  }
0xda: {  	_ =	swait.ge [sflag:s23], $0x2000  }
0xdb: {  	[sflag:s23] =	ssyncset.done $0x0  }
0xdc: {  	s5 =	rddreg [dreg:$0x12];
	[sflag:s23] =	ssyncadd.s32 $0xFFFFE000  }
0xdd: {  	[spmem:s2] =	stream.indirect.scatter.add.f32 [tilespmem:s17], [sflag:$0x4], $0x80, s5, s21, $0xb8;
	[tilespmem:$0x1D800] =	vst v63  }
0xde: {  	v2 =	vld [tilespmem:$0x14B00];
	_ =	sdelay $0x7  }
0xdf: {  	[tilespmem:v2+s25+$0x0] =	vst.idx.add.f32.msk $0xffff, v1  }
0xe0: {  	v2 =	vld [tilespmem:$0x14B10];
	_ =	sdelay $0x7  }
0xe1: {  	[tilespmem:v2+s25+$0x0] =	vst.idx.add.f32.msk $0xffff, v1  }
0xe2: {  	v2 =	vld [tilespmem:$0x14B20];
	_ =	sdelay $0x7  }
0xe3: {  	[tilespmem:v2+s25+$0x0] =	vst.idx.add.f32.msk $0xffff, v1  }
0xe4: {  	v2 =	vld [tilespmem:$0x14B30];
	_ =	sdelay $0x7  }
0xe5: {  	[tilespmem:v2+s25+$0x0] =	vst.idx.add.f32.msk $0xffff, v1  }
0xe6: {  	_ =	swait.ge [sflag:s0], $0x2000  }
0xe7: {  	[sflag:s0] =	ssyncset.done $0x0  }
0xe8: {  	s5 =	rddreg [dreg:$0x13];
	[sflag:s0] =	ssyncadd.s32 $0xFFFFE000  }
0xe9: {  	[tilespmem:s26], [sflag:$0x3] =	stream.indirect.gather [hbm4b:s4+s21], $0x80, s5, s21, $0xb8;
	[tilespmem:$0x1D800] =	vst v63  }
0xea: {  	_ =	swait.ge [sflag:s28], $0x2000  }
0xeb: {  	[sflag:s28] =	ssyncset.done $0x0  }
0xec: {  	s5 =	rddreg [dreg:$0x14];
	[sflag:s28] =	ssyncadd.s32 $0xFFFFE000  }
0xed: {  	[spmem:s2] =	stream.indirect.scatter.add.f32 [tilespmem:s22], [sflag:$0x5], $0x80, s5, s21, $0xb8;
	[tilespmem:$0x1D800] =	vst v63  }
0xee: {  	v2 =	vld [tilespmem:$0x14B80];
	_ =	sdelay $0x7  }
0xef: {  	[tilespmem:v2+s25+$0x0] =	vst.idx.add.f32.msk $0xffff, v1  }
0xf0: {  	v2 =	vld [tilespmem:$0x14B90];
	_ =	sdelay $0x7  }
0xf1: {  	[tilespmem:v2+s25+$0x0] =	vst.idx.add.f32.msk $0xffff, v1  }
0xf2: {  	v2 =	vld [tilespmem:$0x14BA0];
	_ =	sdelay $0x7  }
0xf3: {  	[tilespmem:v2+s25+$0x0] =	vst.idx.add.f32.msk $0xffff, v1  }
0xf4: {  	v2 =	vld [tilespmem:$0x14BB0];
	_ =	sdelay $0x7  }
0xf5: {  	[tilespmem:v2+s25+$0x0] =	vst.idx.add.f32.msk $0xffff, v1  }
0xf6: {  	_ =	swait.ge [sflag:s29], $0x2000  }
0xf7: {  	[sflag:s29] =	ssyncset.done $0x0  }
0xf8: {  	s5 =	rddreg [dreg:$0x15];
	[sflag:s29] =	ssyncadd.s32 $0xFFFFE000  }
0xf9: {  	[tilespmem:s17], [sflag:$0x1] =	stream.indirect.gather [hbm4b:s4+s21], $0x80, s5, s21, $0xb8;
	[tilespmem:$0x1D800] =	vst v63  }
0xfa: {  	_ =	swait.ge [sflag:s30], $0x2000  }
0xfb: {  	[sflag:s30] =	ssyncset.done $0x0  }
0xfc: {  	s5 =	rddreg [dreg:$0x16];
	[sflag:s30] =	ssyncadd.s32 $0xFFFFE000  }
0xfd: {  	[spmem:s2] =	stream.indirect.scatter.add.f32 [tilespmem:s26], [sflag:$0x6], $0x80, s5, s21, $0xb8;
	[tilespmem:$0x1D800] =	vst v63  }
0xfe: {  	v2 =	vld [tilespmem:$0x14C00];
	_ =	sdelay $0x7  }
0xff: {  	[tilespmem:v2+s25+$0x0] =	vst.idx.add.f32.msk $0xffff, v1  }
0x100: {  	v2 =	vld [tilespmem:$0x14C10];
	_ =	sdelay $0x7  }
0x101: {  	[tilespmem:v2+s25+$0x0] =	vst.idx.add.f32.msk $0xffff, v1  }
0x102: {  	v2 =	vld [tilespmem:$0x14C20];
	_ =	sdelay $0x7  }
0x103: {  	[tilespmem:v2+s25+$0x0] =	vst.idx.add.f32.msk $0xffff, v1  }
0x104: {  	v2 =	vld [tilespmem:$0x14C30];
	_ =	sdelay $0x7  }
0x105: {  	[tilespmem:v2+s25+$0x0] =	vst.idx.add.f32.msk $0xffff, v1  }
0x106: {  	_ =	swait.ge [sflag:s31], $0x2000  }
0x107: {  	[sflag:s31] =	ssyncset.done $0x0  }
0x108: {  	s5 =	rddreg [dreg:$0x17];
	[sflag:s31] =	ssyncadd.s32 $0xFFFFE000  }
0x109: {  	[tilespmem:s22], [sflag:$0x2] =	stream.indirect.gather [hbm4b:s4+s21], $0x80, s5, s21, $0xb8;
	[tilespmem:$0x1D800] =	vst v63  }
0x10a: {  	_ =	swait.ge [sflag:s23], $0x2000  }
0x10b: {  	[sflag:s23] =	ssyncset.done $0x0  }
0x10c: {  	s5 =	rddreg [dreg:$0x18];
	[sflag:s23] =	ssyncadd.s32 $0xFFFFE000  }
0x10d: {  	[spmem:s2] =	stream.indirect.scatter.add.f32 [tilespmem:s17], [sflag:$0x4], $0x80, s5, s21, $0xb8;
	[tilespmem:$0x1D800] =	vst v63  }
0x10e: {  	v2 =	vld [tilespmem:$0x14C80];
	_ =	sdelay $0x7  }
0x10f: {  	[tilespmem:v2+s25+$0x0] =	vst.idx.add.f32.msk $0xffff, v1  }
0x110: {  	v2 =	vld [tilespmem:$0x14C90];
	_ =	sdelay $0x7  }
0x111: {  	[tilespmem:v2+s25+$0x0] =	vst.idx.add.f32.msk $0xffff, v1  }
0x112: {  	v2 =	vld [tilespmem:$0x14CA0];
	_ =	sdelay $0x7  }
0x113: {  	[tilespmem:v2+s25+$0x0] =	vst.idx.add.f32.msk $0xffff, v1  }
0x114: {  	v2 =	vld [tilespmem:$0x14CB0];
	_ =	sdelay $0x7  }
0x115: {  	[tilespmem:v2+s25+$0x0] =	vst.idx.add.f32.msk $0xffff, v1  }
0x116: {  	_ =	swait.ge [sflag:s0], $0x2000  }
0x117: {  	[sflag:s0] =	ssyncset.done $0x0  }
0x118: {  	s5 =	rddreg [dreg:$0x19];
	[sflag:s0] =	ssyncadd.s32 $0xFFFFE000  }
0x119: {  	[tilespmem:s26], [sflag:$0x3] =	stream.indirect.gather [hbm4b:s4+s21], $0x80, s5, s21, $0xb8;
	[tilespmem:$0x1D800] =	vst v63  }
0x11a: {  	_ =	swait.ge [sflag:s28], $0x2000  }
0x11b: {  	[sflag:s28] =	ssyncset.done $0x0  }
0x11c: {  	[sflag:s28] =	ssyncadd.s32 $0xFFFFE000  }
0x11d: {  	[spmem:s2] =	stream.indirect.scatter.add.f32 [tilespmem:s22], [sflag:$0x5], $0x80, s1, s21, $0xb8;
	[tilespmem:$0x1D800] =	vst v63  }
0x11e: {  	v2 =	vld [tilespmem:$0x14D00];
	_ =	sdelay $0x7  }
0x11f: {  	[tilespmem:v2+s25+$0x0] =	vst.idx.add.f32.msk $0xffff, v1  }
0x120: {  	v2 =	vld [tilespmem:$0x14D10];
	_ =	sdelay $0x7  }
0x121: {  	[tilespmem:v2+s25+$0x0] =	vst.idx.add.f32.msk $0xffff, v1  }
0x122: {  	v2 =	vld [tilespmem:$0x14D20];
	_ =	sdelay $0x7  }
0x123: {  	[tilespmem:v2+s25+$0x0] =	vst.idx.add.f32.msk $0xffff, v1  }
0x124: {  	v2 =	vld [tilespmem:$0x14D30];
	_ =	sdelay $0x7  }
0x125: {  	[tilespmem:v2+s25+$0x0] =	vst.idx.add.f32.msk $0xffff, v1  }
0x126: {  	_ =	swait.ge [sflag:s29], $0x2000  }
0x127: {  	[sflag:s29] =	ssyncset.done $0x0  }
0x128: {  	[sflag:s29] =	ssyncadd.s32 $0xFFFFE000  }
0x129: {  	[tilespmem:s17], [sflag:$0x1] =	stream.indirect.gather [hbm4b:s4+s21], $0x80, s6, s21, $0xb8;
	[tilespmem:$0x1D800] =	vst v63  }
0x12a: {  	_ =	swait.ge [sflag:s30], $0x2000  }
0x12b: {  	[sflag:s30] =	ssyncset.done $0x0  }
0x12c: {  	[sflag:s30] =	ssyncadd.s32 $0xFFFFE000  }
0x12d: {  	[spmem:s2] =	stream.indirect.scatter.add.f32 [tilespmem:s26], [sflag:$0x6], $0x80, s7, s21, $0xb8;
	[tilespmem:$0x1D800] =	vst v63  }
0x12e: {  	v2 =	vld [tilespmem:$0x14D80];
	_ =	sdelay $0x7  }
0x12f: {  	[tilespmem:v2+s25+$0x0] =	vst.idx.add.f32.msk $0xffff, v1  }
0x130: {  	v2 =	vld [tilespmem:$0x14D90];
	_ =	sdelay $0x7  }
0x131: {  	[tilespmem:v2+s25+$0x0] =	vst.idx.add.f32.msk $0xffff, v1  }
0x132: {  	v2 =	vld [tilespmem:$0x14DA0];
	_ =	sdelay $0x7  }
0x133: {  	[tilespmem:v2+s25+$0x0] =	vst.idx.add.f32.msk $0xffff, v1  }
0x134: {  	v2 =	vld [tilespmem:$0x14DB0];
	_ =	sdelay $0x7  }
0x135: {  	[tilespmem:v2+s25+$0x0] =	vst.idx.add.f32.msk $0xffff, v1  }
0x136: {  	_ =	swait.ge [sflag:s31], $0x2000  }
0x137: {  	[sflag:s31] =	ssyncset.done $0x0  }
0x138: {  	[sflag:s31] =	ssyncadd.s32 $0xFFFFE000  }
0x139: {  	[tilespmem:s22], [sflag:$0x2] =	stream.indirect.gather [hbm4b:s4+s21], $0x80, s8, s21, $0xb8;
	[tilespmem:$0x1D800] =	vst v63  }
0x13a: {  	_ =	swait.ge [sflag:s23], $0x2000  }
0x13b: {  	[sflag:s23] =	ssyncset.done $0x0  }
0x13c: {  	[sflag:s23] =	ssyncadd.s32 $0xFFFFE000  }
0x13d: {  	[spmem:s2] =	stream.indirect.scatter.add.f32 [tilespmem:s17], [sflag:$0x4], $0x80, s9, s21, $0xb8;
	[tilespmem:$0x1D800] =	vst v63  }
0x13e: {  	v2 =	vld [tilespmem:$0x14E00];
	_ =	sdelay $0x7  }
0x13f: {  	[tilespmem:v2+s25+$0x0] =	vst.idx.add.f32.msk $0xffff, v1  }
0x140: {  	v2 =	vld [tilespmem:$0x14E10];
	_ =	sdelay $0x7  }
0x141: {  	[tilespmem:v2+s25+$0x0] =	vst.idx.add.f32.msk $0xffff, v1  }
0x142: {  	v2 =	vld [tilespmem:$0x14E20];
	_ =	sdelay $0x7  }
0x143: {  	[tilespmem:v2+s25+$0x0] =	vst.idx.add.f32.msk $0xffff, v1  }
0x144: {  	v2 =	vld [tilespmem:$0x14E30];
	_ =	sdelay $0x7  }
0x145: {  	[tilespmem:v2+s25+$0x0] =	vst.idx.add.f32.msk $0xffff, v1  }
0x146: {  	_ =	swait.ge [sflag:s0], $0x2000  }
0x147: {  	[sflag:s0] =	ssyncset.done $0x0  }
0x148: {  	[sflag:s0] =	ssyncadd.s32 $0xFFFFE000  }
0x149: {  	[tilespmem:s26], [sflag:$0x3] =	stream.indirect.gather [hbm4b:s4+s21], $0x80, s10, s21, $0xb8;
	[tilespmem:$0x1D800] =	vst v63  }
0x14a: {  	_ =	swait.ge [sflag:s28], $0x2000  }
0x14b: {  	[sflag:s28] =	ssyncset.done $0x0  }
0x14c: {  	[sflag:s28] =	ssyncadd.s32 $0xFFFFE000  }
0x14d: {  	[spmem:s2] =	stream.indirect.scatter.add.f32 [tilespmem:s22], [sflag:$0x5], $0x80, s11, s21, $0xb8;
	[tilespmem:$0x1D800] =	vst v63  }
0x14e: {  	v2 =	vld [tilespmem:$0x14E80];
	_ =	sdelay $0x7  }
0x14f: {  	[tilespmem:v2+s25+$0x0] =	vst.idx.add.f32.msk $0xffff, v1  }
0x150: {  	v2 =	vld [tilespmem:$0x14E90];
	_ =	sdelay $0x7  }
0x151: {  	[tilespmem:v2+s25+$0x0] =	vst.idx.add.f32.msk $0xffff, v1  }
0x152: {  	v2 =	vld [tilespmem:$0x14EA0];
	_ =	sdelay $0x7  }
0x153: {  	[tilespmem:v2+s25+$0x0] =	vst.idx.add.f32.msk $0xffff, v1  }
0x154: {  	v2 =	vld [tilespmem:$0x14EB0];
	_ =	sdelay $0x7  }
0x155: {  	[tilespmem:v2+s25+$0x0] =	vst.idx.add.f32.msk $0xffff, v1  }
0x156: {  	_ =	swait.ge [sflag:s29], $0x2000  }
0x157: {  	[sflag:s29] =	ssyncset.done $0x0  }
0x158: {  	[sflag:s29] =	ssyncadd.s32 $0xFFFFE000  }
0x159: {  	[tilespmem:s17], [sflag:$0x1] =	stream.indirect.gather [hbm4b:s4+s21], $0x80, s12, s21, $0xb8;
	[tilespmem:$0x1D800] =	vst v63  }
0x15a: {  	_ =	swait.ge [sflag:s30], $0x2000  }
0x15b: {  	[sflag:s30] =	ssyncset.done $0x0  }
0x15c: {  	[sflag:s30] =	ssyncadd.s32 $0xFFFFE000  }
0x15d: {  	[spmem:s2] =	stream.indirect.scatter.add.f32 [tilespmem:s26], [sflag:$0x6], $0x80, s13, s21, $0xb8;
	[tilespmem:$0x1D800] =	vst v63  }
0x15e: {  	v2 =	vld [tilespmem:$0x14F00];
	_ =	sdelay $0x7  }
0x15f: {  	[tilespmem:v2+s25+$0x0] =	vst.idx.add.f32.msk $0xffff, v1  }
0x160: {  	v2 =	vld [tilespmem:$0x14F10];
	_ =	sdelay $0x7  }
0x161: {  	[tilespmem:v2+s25+$0x0] =	vst.idx.add.f32.msk $0xffff, v1  }
0x162: {  	v2 =	vld [tilespmem:$0x14F20];
	_ =	sdelay $0x7  }
0x163: {  	[tilespmem:v2+s25+$0x0] =	vst.idx.add.f32.msk $0xffff, v1  }
0x164: {  	v2 =	vld [tilespmem:$0x14F30];
	_ =	sdelay $0x7  }
0x165: {  	[tilespmem:v2+s25+$0x0] =	vst.idx.add.f32.msk $0xffff, v1  }
0x166: {  	_ =	swait.ge [sflag:s31], $0x2000  }
0x167: {  	[sflag:s31] =	ssyncset.done $0x0  }
0x168: {  	[sflag:s31] =	ssyncadd.s32 $0xFFFFE000  }
0x169: {  	_ =	swait.ge [sflag:s23], $0x2000  }
0x16a: {  	[sflag:s23] =	ssyncset.done $0x0  }
0x16b: {  	[sflag:s23] =	ssyncadd.s32 $0xFFFFE000  }
0x16c: {  	[spmem:s2] =	stream.indirect.scatter.add.f32 [tilespmem:s17], [sflag:$0x4], $0x80, s14, s21, $0xb8;
	[tilespmem:$0x1D800] =	vst v63  }
0x16d: {  	v2 =	vld [tilespmem:$0x14F80];
	_ =	sdelay $0x7  }
0x16e: {  	[tilespmem:v2+s25+$0x0] =	vst.idx.add.f32.msk $0xffff, v1  }
0x16f: {  	v2 =	vld [tilespmem:$0x14F90];
	_ =	sdelay $0x7  }
0x170: {  	[tilespmem:v2+s25+$0x0] =	vst.idx.add.f32.msk $0xffff, v1  }
0x171: {  	v2 =	vld [tilespmem:$0x14FA0];
	_ =	sdelay $0x7  }
0x172: {  	[tilespmem:v2+s25+$0x0] =	vst.idx.add.f32.msk $0xffff, v1  }
0x173: {  	v2 =	vld [tilespmem:$0x14FB0];
	_ =	sdelay $0x7  }
0x174: {  	[tilespmem:v2+s25+$0x0] =	vst.idx.add.f32.msk $0xffff, v1  }
0x175: {  	p0 =	sne.s32 s16, $0x12000;
	_ =	swait.ge [sflag:s0], $0x2000  }
.Ltmp2:
0x176: {  	[sflag:s0] =	ssyncset.done $0x0;
	(pc) =	sbr.rel @p0 .LBB2_6-.Ltmp2, $4  }
0x177: {  	[sflag:s0] =	ssyncadd.s32 $0xFFFFE000  }
0x178: {  	_ =	swait.ge [sflag:s29], $0x2000  }
0x179: {  	[sflag:s29] =	ssyncset.done $0x0  }
0x17a: {  	s16 =	sadd.s32 $0x2000, s16;
	[sflag:s29] =	ssyncadd.s32 $0xFFFFE000  }
0x17b: {  	[bflag:$0x0] =	sbarrier.arrive $0xFFFF  }
0x17c: {  	s5 =	sld [smem:$0x7F9];
	_ =	sdelay $0x2  }
0x17d: {  	s16 =	stileid.u32;
	s24 =	sshrl.u32 s5, $0x3;
	s5 =	sld [smem:$0x7FD]  }
0x17e: {  	s16 =	sshll.u32 s16, $0x6  }
0x17f: {  	s16 =	sor.u32 $0x1C07, s16  }
0x180: {  	[hbm:s5], [sflag:s16] =	dma.local [spmem:s24], $0x2800  }
0x181: {  	_ =	swait.ge [sflag:s18], $0x2800  }
0x182: {  	s16 =	sld [smem:$0x7FB]  }
0x183: {  	[sflag:s18] =	ssyncset.done $0x0  }
0x184: {  	s5 =	simm.s32 $0x80;
	s24 =	simm.s32 $0x400;
	[sflag:s18] =	ssyncadd.s32 $0xFFFFD800  }
0x185: {  	[hbm4b:s16+s5] =	stream.strided.scatter [tilespmem:s25], [sflag:$0x7], $0x2800, s24, s5, $0x38;
	[tilespmem:$0x1D800] =	vst v63  }
0x186: {  	_ =	swait.ge [sflag:s18], $0x2800  }
0x187: {  	s24 =	sld [smem:$0x7FC];
	_ =	sdelay $0x1  }
0x188: {  	s15 =	sadd.s32 $0x1, s15  }
0x189: {  	p0 =	sne.s32 s15, s24  }
.Ltmp3:
0x18a: {  	_ = 	snop;
	(pc) =	sbr.rel @p0 .LBB2_1-.Ltmp3, $3  }
0x18b: {  	_ =	sdelay $0x1  }
0x18c: {  	[sflag:s18] =	ssyncset.done $0x0  }
0x18d: {  	[sflag:s18] =	ssyncadd.s32 $0xFFFFD800  }
0x18e: {  	_ =	sfence.sel $0x180000  }
0x18f: {  	[bflag:$0x0] =	sbarrier.arrive $0xFFFF  }
0x190: {  	_ =	strace $0x9000004A  }
0x191: {  	s0 =	stileid.u32;
	[bflag:$0x2] =	sbarrier.arrive $0xFFFF  }
0x192: {  	p0 =	sne.s32 s0, $0x0;
	s0 =	rddreg [dreg:$0x3]  }
0x193: {  	s0 =	sadd.s32 @!p0 $0x100000, s0  }
0x194: {  	[sflag:s0] =	ssyncadd.tile.s32 @!p0 $0x1;
	_ =	shalt  }
.Lfunc_end2:
_tile_overlayer_lowered:
.L_overlay_start_2:
0x195: {  	(tag) =	ssettag $0x2  }
0x196: {  	s0 =	rddreg [dreg:$0x0];
	s2 =	stileid.u32  }
0x197: {  	s1 =	rddreg [dreg:$0x1];
	p0 =	sne.s32 s2, $0x0  }
0x198: {  	s3 =	rddreg [dreg:$0x2];
	[bflag:$0x3] =	sbarrier.arrive $0xFFFF;
	s2 =	simm.s32 @!p0 $0x1C07  }
0x199: {  	[timem:s3], [sflag:s2] =	dma.local @!p0 [hbm:s0], s1  }
0x19a: {  	s0 =	simm.s32 @!p0 $0x7  }
0x19b: {  	_ =	swait.ge @!p0 [sflag:s0], s1  }
0x19c: {  	s1 =	ssub.s32 @!p0 $0x0, s1;
	[sflag:s0] =	ssyncset.done @!p0 $0x0  }
0x19d: {  	[sflag:s0] =	ssyncadd.s32 @!p0 s1  }
0x19e: {  	[bflag:$0x3] =	sbarrier.arrive $0xFFFF  }
0x19f: {  	_ =	shalt  }

// kernel: kernel.7.cloned.1.call-start
scs
__scs_entry_jumppad:
0x0: {  	(pc) =	sbr.rel $0x88, $3  }
0x1: {  	(tag) =	ssettag $0x0;
	lr =	simm.s32 $0x1  }
0x2: {  	[smem:$0x3F97] =	sst lr;
	_ =	strace $0xD0000000  }
0x3: {  	_ = 	snop  }
0x4: {  	_ = 	snop  }
0x5: {  	_ = 	snop  }
0x6: {  	_ = 	snop  }
0x7: {  	_ = 	snop  }
__scs_overlays_trampoline_lowered:
0x8: {  	[smem:$0x3FA6] =	sst s0  }
0x9: {  	[smem:$0x3FA7] =	sst s1  }
0xa: {  	[smem:$0x3FA8] =	sst s2  }
0xb: {  	[smem:$0x3FA9] =	sst s3  }
0xc: {  	[smem:$0x3FAA] =	sst s4  }
0xd: {  	[smem:$0x3FAB] =	sst s5  }
0xe: {  	[smem:$0x3FAC] =	sst s6  }
0xf: {  	[smem:$0x3FAD] =	sst s7  }
0x10: {  	[smem:$0x3FAE] =	sst s8  }
0x11: {  	[smem:$0x3FAF] =	sst s9;
	s0 =	simm.s32 @!p0 $0x0  }
0x12: {  	s1 =	sld [smem:$0x3F95];
	s0 =	simm.s32 @p0 $0x1  }
0x13: {  	[smem:$0x3FB0] =	sst s0;
	s0 =	simm.s32 @!p1 $0x0  }
0x14: {  	s2 =	sld [smem:$0x3F94];
	s0 =	simm.s32 @p1 $0x1  }
0x15: {  	[smem:$0x3FB1] =	sst s0;
	s0 =	simm.s32 @!p2 $0x0  }
0x16: {  	s3 =	sld [smem:$0x3FDB];
	s0 =	simm.s32 @p2 $0x1  }
0x17: {  	s4 =	simm.s32 $0x1BF5;
	[smem:$0x3FB3] =	sst s0  }
0x18: {  	s0 =	sld [smem:$0x3F96];
	_ =	swait.ge [sflag:s4], $0x0  }
0x19: {  	s7 =	sld [smem:$0x3F97]  }
0x1a: {  	s8 =	sadd.s32 $0xFFFFE003, lr  }
0x1b: {  	s9 =	sadd.s32 $0xFFFFFEF7, lr;
	s5 =	simm.s32 $0xFFFFFFFF;
	p2 =	slt.u32 s8, $0xFFFFF086  }
0x1c: {  	p1 =	slt.u32 s9, $0xF7A;
	s5 =	simm.s32 @!p2 $0x0  }
0x1d: {  	s5 =	simm.s32 @p1 $0x1;
	p0 =	seq.s32 s7, s2  }
0x1e: {  	s7 =	smul.u32 @!p0 $0xF7A, s2;
	p2 =	seq.s32 @!p0 s5, $0x0  }
0x1f: {  	s9 =	smul.u32 $0xF7A, s1;
	s8 =	simm.s32 @!p0 $0x1BF5;
	p2 =	por !p2, p0  }
0x20: {  	[sflag:s8] =	ssyncset.s32 @!p0 $0xFFFFF086;
	s6 =	sadd.s32 @!p0 s3, s7;
	s7 =	simm.s32 @!p0 $0x108  }
0x21: {  	s3 =	sadd.s32 s3, s9;
	s6 =	sadd.s32 @!p0 $0x88, s6;
	s7 =	simm.s32 @p2 $0x1082  }
0x22: {  	[simem:s7], [sflag:s8] =	dma.local @!p0 [hbm:s6], $0xF7A  }
0x23: {  	s9 =	sor.u32 $0xD0000000, s2;
	s6 =	simm.s32 $0x108;
	_ =	swait.ge @!p0 [sflag:s8], $0x0  }
0x24: {  	s3 =	sadd.s32 $0x88, s3;
	s6 =	simm.s32 @!p1 $0x1082;
	[sflag:s4] =	ssyncset.s32 $0xFFFFF086  }
0x25: {  	[simem:s6], [sflag:s4] =	dma.local [hbm:s3], $0xF7A  }
0x26: {  	[smem:$0x3F97] =	sst s1;
	(tag) =	ssettag s2;
	_ =	strace s9  }
0x27: {  	s1 =	sld [smem:$0x3FA7]  }
0x28: {  	s2 =	sld [smem:$0x3FA8]  }
0x29: {  	s4 =	sld [smem:$0x3FAA]  }
0x2a: {  	p0 =	seq.s32 s5, $0x0;
	s5 =	sld [smem:$0x3FAB]  }
0x2b: {  	s6 =	sld [smem:$0x3FAC]  }
0x2c: {  	s7 =	sld [smem:$0x3FAD]  }
0x2d: {  	s3 =	simm.s32 $0x108;
	s8 =	sld [smem:$0x3FAE]  }
0x2e: {  	s3 =	simm.s32 @!p0 $0x1082;
	s9 =	sld [smem:$0x3FAF]  }
0x2f: {  	lr =	sadd.s32 s0, s3;
	s0 =	sld [smem:$0x3FA6]  }
0x30: {  	s3 =	sld [smem:$0x3FA9]  }
0x31: {  	[smem:$0x3FB2] =	sst s10  }
0x32: {  	s10 =	sld [smem:$0x3FB0];
	_ =	sdelay $0x3  }
0x33: {  	p0 =	seq.s32 s10, $0x1;
	s10 =	sld [smem:$0x3FB2];
	_ =	sdelay $0x3  }
0x34: {  	[smem:$0x3FB2] =	sst s10  }
0x35: {  	s10 =	sld [smem:$0x3FB1];
	_ =	sdelay $0x3  }
0x36: {  	p1 =	seq.s32 s10, $0x1;
	s10 =	sld [smem:$0x3FB2];
	_ =	sdelay $0x3  }
0x37: {  	[smem:$0x3FB2] =	sst s10  }
0x38: {  	s10 =	sld [smem:$0x3FB3]  }
0x39: {  	_ = 	snop;
	(pc) =	sbr.ind lr, $3  }
0x3a: {  	_ = 	snop  }
0x3b: {  	_ = 	snop  }
0x3c: {  	p2 =	seq.s32 s10, $0x1;
	s10 =	sld [smem:$0x3FB2]  }
0x3d: {  	_ =	shalt  }
0x3e: {  	_ =	shalt  }
0x3f: {  	_ =	shalt  }
0x40: {  	_ =	shalt  }
0x41: {  	_ =	shalt  }
0x42: {  	_ =	shalt  }
0x43: {  	_ =	shalt  }
0x44: {  	_ =	shalt  }
0x45: {  	_ =	shalt  }
0x46: {  	_ =	shalt  }
0x47: {  	_ =	shalt  }
0x48: {  	_ =	shalt  }
0x49: {  	_ =	shalt  }
0x4a: {  	_ =	shalt  }
0x4b: {  	_ =	shalt  }
0x4c: {  	_ =	shalt  }
0x4d: {  	_ =	shalt  }
0x4e: {  	_ =	shalt  }
0x4f: {  	_ =	shalt  }
0x50: {  	_ =	shalt  }
0x51: {  	_ =	shalt  }
0x52: {  	_ =	shalt  }
0x53: {  	_ =	shalt  }
0x54: {  	_ =	shalt  }
0x55: {  	_ =	shalt  }
0x56: {  	_ =	shalt  }
0x57: {  	_ =	shalt  }
0x58: {  	_ =	shalt  }
0x59: {  	_ =	shalt  }
0x5a: {  	_ =	shalt  }
0x5b: {  	_ =	shalt  }
0x5c: {  	_ =	shalt  }
0x5d: {  	_ =	shalt  }
0x5e: {  	_ =	shalt  }
0x5f: {  	_ =	shalt  }
0x60: {  	_ =	shalt  }
0x61: {  	_ =	shalt  }
0x62: {  	_ =	shalt  }
0x63: {  	_ =	shalt  }
0x64: {  	_ =	shalt  }
0x65: {  	_ =	shalt  }
0x66: {  	_ =	shalt  }
0x67: {  	_ =	shalt  }
0x68: {  	_ =	shalt  }
0x69: {  	_ =	shalt  }
0x6a: {  	_ =	shalt  }
0x6b: {  	_ =	shalt  }
0x6c: {  	_ =	shalt  }
0x6d: {  	_ =	shalt  }
0x6e: {  	_ =	shalt  }
0x6f: {  	_ =	shalt  }
0x70: {  	_ =	shalt  }
0x71: {  	_ =	shalt  }
0x72: {  	_ =	shalt  }
0x73: {  	_ =	shalt  }
0x74: {  	_ =	shalt  }
0x75: {  	_ =	shalt  }
0x76: {  	_ =	shalt  }
0x77: {  	_ =	shalt  }
0x78: {  	_ =	shalt  }
0x79: {  	_ =	shalt  }
0x7a: {  	_ =	shalt  }
0x7b: {  	_ =	shalt  }
0x7c: {  	_ =	shalt  }
0x7d: {  	_ =	shalt  }
0x7e: {  	_ =	shalt  }
0x7f: {  	_ =	shalt  }
0x80: {  	_ =	shalt  }
0x81: {  	_ =	shalt  }
0x82: {  	_ =	shalt  }
0x83: {  	_ =	shalt  }
0x84: {  	_ =	shalt  }
0x85: {  	_ =	shalt  }
0x86: {  	_ =	shalt  }
0x87: {  	_ =	shalt  }
.Lfunc_end0:
.L_simem_size_0:
called_computation_lowered:
.L_overlay_start_0:
0x88: {  	s2 =	sld [smem:$0x3FD9]  }
0x89: {  	s3 =	sld [smem:$0x3FFE];
	_ =	sdelay $0x1  }
0x8a: {  	s1 =	srdreg.scid  }
0x8b: {  	s0 =	sand.u32 $0x1, s1  }
0x8c: {  	s17 =	sshll.u32 s0, $0xA;
	s2 =	sadd.s32 s3, s2  }
0x8d: {  	s2 =	sadd.s32 s2, s17  }
0x8e: {  	[smem:$0x3FBE] =	sst s2  }
0x8f: {  	_ = 	snop  }
0x90: {  	s2 =	sld [smem:$0x3FD0];
	(tm) =	ssettm $0x1  }
0x91: {  	s18 =	sld [smem:$0x3FFB];
	_ =	sdelay $0x3  }
0x92: {  	_ =	strace s18  }
0x93: {  	s3 =	sld [smem:$0x3FFC];
	_ =	sdelay $0x3  }
0x94: {  	_ =	strace s3  }
0x95: {  	s3 =	sld [smem:$0x3FFD];
	_ =	sdelay $0x3  }
0x96: {  	_ =	strace s3  }
0x97: {  	_ =	strace $0x8FFFFFFF  }
0x98: {  	s19 =	sld [smem:$0x3FDB];
	_ =	sdelay $0x1  }
0x99: {  	s4 =	simm.s32 $_scs_section_size  }
0x9a: {  	s5 =	simm.s32 $_size__tile_overlayer_lowered;
	s6 =	simm.s32 $_tile_overlayer_lowered  }
0x9b: {  	s22 =	simm.s32 $0x1BFF;
	s21 =	sshll.u32 s6, $0x1;
	s3 =	sadd.s32 s4, s19  }
0x9c: {  	s7 =	simm.s32 $0x0;
	s20 =	sshll.u32 s5, $0x1;
	s5 =	sadd.s32 s21, s3  }
0x9d: {  	[timem:s7], [sflag:s22] =	dma.local [hbm:s5], s20  }
0x9e: {  	_ =	swait.ge [sflag:s22], s20  }
0x9f: {  	s4 =	ssub.s32 $0x0, s20;
	[sflag:s22] =	ssyncset.done $0x0  }
0xa0: {  	[sflag:s22] =	ssyncadd.s32 s4;
	_ =	sdelay $0x1  }
0xa1: {  	s23 =	simm.s32 $0x1B8B  }
0xa2: {  	_ =	swait.ge [sflag:s23], $0x1  }
0xa3: {  	[sflag:s23] =	ssyncset.done $0x0  }
0xa4: {  	s25 =	simm.s32 $0x1B8E;
	s24 =	sld [smem:$0x3FFE];
	[sflag:s23] =	ssyncadd.s32 $0xFFFFFFFF  }
0xa5: {  	s26 =	simm.s32 $execute0_lowered;
	[smem:$0x3FD2] =	sst s25  }
0xa6: {  	s5 =	sshll.u32 s26, $0x1;
	_ =	strace $0x80000046;
	[dreg:$0x1] =	wrdreg $0xFFFFFFFF  }
0xa7: {  	s28 =	simm.s32 $_size_execute0_lowered;
	s3 =	sadd.s32 s3, s5;
	[dreg:$0x0] =	wrdreg $0x0  }
0xa8: {  	s5 =	sshll.u32 s28, $0x1;
	[dreg:$0x2] =	wrdreg s3  }
0xa9: {  	[dreg:$0x3] =	wrdreg s5  }
0xaa: {  	[dreg:$0x4] =	wrdreg $0xC0  }
0xab: {  	_ =	task [dreg:s7], $0x5FFFF  }
0xac: {  	[dreg:$0x1] =	wrdreg $0xFFFFFFFF  }
0xad: {  	[dreg:$0x0] =	wrdreg $0x60  }
0xae: {  	[dreg:$0x2] =	wrdreg s24  }
0xaf: {  	[dreg:$0x3] =	wrdreg s2  }
0xb0: {  	[dreg:$0x4] =	wrdreg $0x0  }
0xb1: {  	[dreg:$0x5] =	wrdreg $0x9  }
0xb2: {  	_ =	task.clear_ibuf [dreg:s7], $0x6FFFF;
	_ =	strace $0x90000046  }
0xb3: {  	s29 =	simm.s32 $0x9;
	_ =	strace $0x80000048  }
0xb4: {  	_ =	swait.ge [sflag:s29], $0x1  }
0xb5: {  	[sflag:s29] =	ssyncadd.s32 $0xFFFFFFFF  }
0xb6: {  	_ =	strace $0x90000048  }
0xb7: {  	_ =	sfence  }
0xb8: {  	s30 =	sld [smem:$0x0];
	_ =	sdelay $0x2  }
0xb9: {  	s31 =	sshll.u32 s1, $0xD;
	s1 =	sshrl.u32 s1, $0x2  }
0xba: {  	s3 =	sand.u32 $0x4000, s31;
	s1 =	sadd.s32 s1, s30  }
0xbb: {  	s0 =	sor.u32 s3, s0;
	s1 =	sshll.u32 s1, $0x11  }
0xbc: {  	s0 =	sor.u32 s1, s0  }
0xbd: {  	s0 =	sadd.s32 $0x8F2B, s0  }
0xbe: {  	[sflag:s0] =	ssyncadd.remote.s32 $0x1  }
0xbf: {  	_ =	sfence.sel $0xFFFF  }
0xc0: {  	[dreg:$0x0] =	wrdreg $0xFFFFFFFF;
	(pc) =	sbr.abs _section_cstart, $3  }
0xc1: {  	[dreg:$0x1] =	wrdreg $0xFFFFFFFF  }
0xc2: {  	_ =	task.clear_ibuf [dreg:s7], $0x2FFFF;
	_ =	strace $0x9FFFFFFF  }
0xc3: {  	(tm) =	ssettm $0x7FFFFFFF  }
tec
execute0_lowered:
.L_overlay_start_1:
0x0: {  	(tag) =	ssettag $0x1  }
0x1: {  	s0 =	srdreg.scid;
	s1 =	rddreg [dreg:$0x0]  }
0x2: {  	s5 =	rddreg [dreg:$0x1];
	s12 =	stileid.u32  }
0x3: {  	s2 =	rddreg [dreg:$0x2];
	s26 =	simm.s32 $0x14080;
	s13 =	simm.s32 $0x14880  }
0x4: {  	s15 =	simm.s32 $0x14180;
	s17 =	simm.s32 $0x14900;
	s19 =	simm.s32 $0x14200  }
0x5: {  	s28 =	simm.s32 $0x17000;
	s29 =	simm.s32 $0x1;
	s30 =	simm.s32 $0x1D780  }
0x6: {  	s31 =	simm.s32 $0x19000;
	s0 =	sand.u32 $0x1, s0;
	s6 =	sshll.u32 s12, $0x7  }
0x7: {  	s23 =	sshll.u32 s12, $0x8;
	s3 =	sshll.u32 s0, $0x4;
	s9 =	sshll.u32 s0, $0xC  }
0x8: {  	s4 =	sor.u32 s12, s3;
	s3 =	simm.s32 $0x0;
	s5 =	sadd.s32 s9, s5  }
0x9: {  	s11 =	smul.u32 $0x50000, s12;
	[smem:$0x7FF] =	sst s3;
	s5 =	sadd.s32 s23, s5  }
0xa: {  	s6 =	sand.u32 $0x380, s6;
	_ =	strace $0x80000047;
	[dreg:$0x4] =	wrdreg s5  }
0xb: {  	s21 =	sadd.s32 s9, s1;
	s9 =	simm.s32 $0x14100;
	[dreg:$0x6] =	wrdreg s26  }
0xc: {  	s10 =	smul.u32 $0x28000, s0;
	s0 =	ssub.s32 $0x2, s0;
	[dreg:$0x7] =	wrdreg s9  }
0xd: {  	s22 =	sshrl.u32 s0, $0x1;
	s25 =	sshrl.u32 s11, $0x2;
	[dreg:$0x8] =	wrdreg s13  }
0xe: {  	s4 =	sshrl.u32 s4, $0x3;
	s10 =	sadd.s32 s10, s1;
	[dreg:$0x9] =	wrdreg s15  }
0xf: {  	s0 =	ssub.s32 s0, s22;
	s7 =	smul.u32 $0x13C00, s4;
	[dreg:$0xa] =	wrdreg s17  }
0x10: {  	s5 =	sadd.s32 s25, s2;
	[dreg:$0xb] =	wrdreg s19;
	s25 =	simm.s32 $0x14A00  }
0x11: {  	s8 =	smul.u32 $0x14000, s4;
	s4 =	sadd.s32 $0x1E00, s1;
	[dreg:$0xe] =	wrdreg s25  }
0x12: {  	s9 =	simm.s32 $0x14300;
	s13 =	simm.s32 $0x14A80;
	[smem:$0x7F8] =	sst s5  }
0x13: {  	s15 =	sadd.s32 $0x47C00, s10;
	s17 =	smul.u32 $0x2800, s12;
	[dreg:$0xf] =	wrdreg s9  }
0x14: {  	s19 =	simm.s32 $0x14B80;
	s0 =	smax.u32 s0, $0x1;
	[dreg:$0x10] =	wrdreg s13  }
0x15: {  	s10 =	simm.s32 $0x14D80;
	s12 =	simm.s32 $0x14E00;
	[smem:$0x7FC] =	sst s0  }
0x16: {  	s11 =	sadd.s32 $0x2000, s5;
	s14 =	sadd.s32 $0x4000, s5;
	[dreg:$0x14] =	wrdreg s19  }
0x17: {  	s16 =	sadd.s32 $0x6000, s5;
	s18 =	sadd.s32 $0x8000, s5;
	[dreg:$0x1b] =	wrdreg s11  }
0x18: {  	s20 =	sadd.s32 $0xA000, s5;
	s22 =	sadd.s32 $0xC000, s5;
	[dreg:$0x1c] =	wrdreg s14  }
0x19: {  	s26 =	sadd.s32 $0x10000, s5;
	s19 =	simm.s32 $0x7;
	[dreg:$0x1d] =	wrdreg s16  }
0x1a: {  	s25 =	simm.s32 $0x14D00;
	s0 =	simm.s32 $0x4;
	[dreg:$0x1e] =	wrdreg s18  }
0x1b: {  	s9 =	simm.s32 $0x14600;
	s13 =	simm.s32 $0x14700;
	[dreg:$0x1f] =	wrdreg s20  }
0x1c: {  	s7 =	sor.u32 s6, s7;
	s6 =	sor.u32 s6, s8;
	[smem:$0x7F5] =	sst s22  }
0x1d: {  	s8 =	sadd.s32 s23, s21;
	s21 =	simm.s32 $0x14980;
	[smem:$0x7F7] =	sst s26  }
0x1e: {  	s23 =	simm.s32 $0x14280;
	s11 =	sadd.s32 $0x12000, s5;
	[dreg:$0x1a] =	wrdreg s25  }
0x1f: {  	s14 =	simm.s32 $0x14380;
	s16 =	simm.s32 $0x14B00;
	[dreg:$0xc] =	wrdreg s21  }
0x20: {  	s18 =	simm.s32 $0x14400;
	s20 =	simm.s32 $0x14480;
	[dreg:$0xd] =	wrdreg s23  }
0x21: {  	s22 =	simm.s32 $0x14500;
	s26 =	sadd.s32 s17, s15;
	[smem:$0x7F9] =	sst s11  }
0x22: {  	s25 =	simm.s32 $0x14800;
	s15 =	simm.s32 $0x14780;
	[dreg:$0x11] =	wrdreg s14  }
0x23: {  	s17 =	simm.s32 $0x0;
	s7 =	sshrl.u32 s7, $0x3;
	[dreg:$0x12] =	wrdreg s16  }
0x24: {  	s6 =	sshrl.u32 s6, $0x3;
	s24 =	sadd.s32 $0x29E00, s8;
	[dreg:$0x13] =	wrdreg s18  }
0x25: {  	s18 =	simm.s32 $0x15000;
	[dreg:$0x15] =	wrdreg s20;
	s21 =	simm.s32 $0x14C00  }
0x26: {  	[dreg:$0x17] =	wrdreg s22;
	s23 =	simm.s32 $0x14C80;
	s22 =	simm.s32 $0x1B000  }
0x27: {  	[smem:$0x7FD] =	sst s26;
	s26 =	simm.s32 $0x40;
	s8 =	simm.s32 $0x6  }
0x28: {  	s11 =	simm.s32 $0x14680;
	s14 =	simm.s32 $0x14E80;
	[dreg:$0x5] =	wrdreg s24  }
0x29: {  	s16 =	simm.s32 $0x14F00;
	s20 =	simm.s32 $0x14F80;
	[dreg:$0x16] =	wrdreg s21  }
0x2a: {  	s7 =	sadd.s32 s7, s1;
	s24 =	sadd.s32 $0xE000, s5;
	[dreg:$0x18] =	wrdreg s23  }
0x2b: {  	s1 =	sadd.s32 s6, s1;
	[smem:$0x7F6] =	sst s24;
	s7 =	sadd.s32 $0x3DE00, s7  }
0x2c: {  	s23 =	simm.s32 $0x14000;
	s1 =	sadd.s32 $0x97C00, s1;
	[smem:$0x7FA] =	sst s7  }
0x2d: {  	s6 =	simm.s32 $0x3;
	s24 =	simm.s32 $0x14580;
	[smem:$0x7FB] =	sst s1  }
0x2e: {  	v0 =	vimm.f32 $0.0e+00;
	[dreg:$0x19] =	wrdreg s24;
	s1 =	simm.s32 $0x2;
	s7 =	simm.s32 $0x5  }
.LBB2_1:
0x2f: {  	s21 =	simm.s32 $0x0;
	s24 =	simm.s32 $0x200  }
.LBB2_2:
0x30: {  	p0 =	sne.s32 s24, $0x7E00;
	[tilespmem:s21+$0x15070] =	vst v0  }
0x31: {  	[tilespmem:s21+$0x15000] =	vst v0  }
0x32: {  	[tilespmem:s21+$0x15010] =	vst v0  }
.Ltmp0:
0x33: {  	[tilespmem:s21+$0x15020] =	vst v0;
	(pc) =	sbr.rel @p0 .LBB2_2-.Ltmp0, $4  }
0x34: {  	[tilespmem:s21+$0x15030] =	vst v0  }
0x35: {  	[tilespmem:s21+$0x15040] =	vst v0  }
0x36: {  	[tilespmem:s21+$0x15050] =	vst v0  }
0x37: {  	[tilespmem:s21+$0x15060] =	vst v0;
	s21 =	sshra.s32 s24, $0x2;
	s24 =	sadd.s32 $0x200, s24  }
0x38: {  	[tilespmem:s21+$0x15070] =	vst v0  }
0x39: {  	[tilespmem:s21+$0x15000] =	vst v0  }
0x3a: {  	[tilespmem:s21+$0x15010] =	vst v0  }
0x3b: {  	[tilespmem:s21+$0x15020] =	vst v0  }
0x3c: {  	[tilespmem:s21+$0x15030] =	vst v0  }
0x3d: {  	[tilespmem:s21+$0x15040] =	vst v0  }
0x3e: {  	[tilespmem:s21+$0x15050] =	vst v0  }
0x3f: {  	[tilespmem:s21+$0x15060] =	vst v0;
	s21 =	simm.s32 $0x40;
	s24 =	simm.s32 $0x0  }
.LBB2_4:
0x40: {  	p0 =	sne.s32 s21, $0x9FC0;
	[tilespmem:s24+$0x1D780] =	vst v0;
	s24 =	smov.u32 s21;
	s21 =	sadd.s32 $0x40, s21  }
.Ltmp1:
0x41: {  	(pc) =	sbr.rel @p0 .LBB2_4-.Ltmp1, $2  }
0x42: {  	_ =	sdelay $0x2  }
0x43: {  	s24 =	sshra.s32 s24, $0x2  }
0x44: {  	s5 =	sld [smem:$0x7F8];
	_ =	sdelay $0x1  }
0x45: {  	[tilespmem:s24+$0x1D780] =	vst v0  }
0x46: {  	[spmem:s5] =	stream.linear.scatter [tilespmem:s18], [sflag:$0x7], $0x2000, $0x38;
	[tilespmem:$0x1FF80] =	vst v63  }
0x47: {  	_ =	swait.ge [sflag:s19], $0x2000  }
0x48: {  	[sflag:s19] =	ssyncset.done $0x0  }
0x49: {  	s21 =	rddreg [dreg:$0x1b];
	[sflag:s19] =	ssyncadd.s32 $0xFFFFE000  }
0x4a: {  	[spmem:s21] =	stream.linear.scatter [tilespmem:s18], [sflag:$0x7], $0x2000, $0x38;
	[tilespmem:$0x1FF80] =	vst v63  }
0x4b: {  	_ =	swait.ge [sflag:s19], $0x2000  }
0x4c: {  	[sflag:s19] =	ssyncset.done $0x0  }
0x4d: {  	s5 =	rddreg [dreg:$0x1c];
	[sflag:s19] =	ssyncadd.s32 $0xFFFFE000  }
0x4e: {  	[spmem:s5] =	stream.linear.scatter [tilespmem:s18], [sflag:$0x7], $0x2000, $0x38;
	[tilespmem:$0x1FF80] =	vst v63  }
0x4f: {  	_ =	swait.ge [sflag:s19], $0x2000  }
0x50: {  	[sflag:s19] =	ssyncset.done $0x0  }
0x51: {  	s24 =	rddreg [dreg:$0x1d];
	[sflag:s19] =	ssyncadd.s32 $0xFFFFE000  }
0x52: {  	[spmem:s24] =	stream.linear.scatter [tilespmem:s18], [sflag:$0x7], $0x2000, $0x38;
	[tilespmem:$0x1FF80] =	vst v63  }
0x53: {  	_ =	swait.ge [sflag:s19], $0x2000  }
0x54: {  	[sflag:s19] =	ssyncset.done $0x0  }
0x55: {  	s5 =	rddreg [dreg:$0x1e];
	[sflag:s19] =	ssyncadd.s32 $0xFFFFE000  }
0x56: {  	[spmem:s5] =	stream.linear.scatter [tilespmem:s18], [sflag:$0x7], $0x2000, $0x38;
	[tilespmem:$0x1FF80] =	vst v63  }
0x57: {  	_ =	swait.ge [sflag:s19], $0x2000  }
0x58: {  	[sflag:s19] =	ssyncset.done $0x0  }
0x59: {  	s24 =	rddreg [dreg:$0x1f];
	[sflag:s19] =	ssyncadd.s32 $0xFFFFE000  }
0x5a: {  	[spmem:s24] =	stream.linear.scatter [tilespmem:s18], [sflag:$0x7], $0x2000, $0x38;
	[tilespmem:$0x1FF80] =	vst v63  }
0x5b: {  	_ =	swait.ge [sflag:s19], $0x2000  }
0x5c: {  	s5 =	sld [smem:$0x7F5]  }
0x5d: {  	[sflag:s19] =	ssyncset.done $0x0  }
0x5e: {  	[sflag:s19] =	ssyncadd.s32 $0xFFFFE000  }
0x5f: {  	[spmem:s5] =	stream.linear.scatter [tilespmem:s18], [sflag:$0x7], $0x2000, $0x38;
	[tilespmem:$0x1FF80] =	vst v63  }
0x60: {  	_ =	swait.ge [sflag:s19], $0x2000  }
0x61: {  	s24 =	sld [smem:$0x7F6]  }
0x62: {  	[sflag:s19] =	ssyncset.done $0x0  }
0x63: {  	[sflag:s19] =	ssyncadd.s32 $0xFFFFE000  }
0x64: {  	[spmem:s24] =	stream.linear.scatter [tilespmem:s18], [sflag:$0x7], $0x2000, $0x38;
	[tilespmem:$0x1FF80] =	vst v63  }
0x65: {  	_ =	swait.ge [sflag:s19], $0x2000  }
0x66: {  	s5 =	sld [smem:$0x7F7]  }
0x67: {  	[sflag:s19] =	ssyncset.done $0x0  }
0x68: {  	[sflag:s19] =	ssyncadd.s32 $0xFFFFE000  }
0x69: {  	[spmem:s5] =	stream.linear.scatter [tilespmem:s18], [sflag:$0x7], $0x2000, $0x38;
	[tilespmem:$0x1FF80] =	vst v63  }
0x6a: {  	_ =	swait.ge [sflag:s19], $0x2000  }
0x6b: {  	s24 =	sld [smem:$0x7F9]  }
0x6c: {  	[sflag:s19] =	ssyncset.done $0x0  }
0x6d: {  	[sflag:s19] =	ssyncadd.s32 $0xFFFFE000  }
0x6e: {  	[spmem:s24] =	stream.linear.scatter [tilespmem:s18], [sflag:$0x7], $0x2000, $0x38;
	[tilespmem:$0x1FF80] =	vst v63  }
0x6f: {  	_ =	swait.ge [sflag:s19], $0x2000  }
0x70: {  	s21 =	sld [smem:$0x7FA]  }
0x71: {  	[sflag:s19] =	ssyncset.done $0x0  }
0x72: {  	s5 =	simm.s32 $0x400;
	s24 =	simm.s32 $0x80;
	[sflag:s19] =	ssyncadd.s32 $0xFFFFE000  }
0x73: {  	[tilespmem:s22], [sflag:$0x7] =	stream.strided.gather [hbm4b:s21+s24], $0x2780, s5, s24, $0x38;
	[tilespmem:$0x1FF80] =	vst v63  }
0x74: {  	_ =	swait.ge [sflag:s19], $0x2780  }
0x75: {  	[sflag:s19] =	ssyncset.done $0x0  }
0x76: {  	[sflag:s19] =	ssyncadd.s32 $0xFFFFD880  }
0x77: {  	s21 =	simm.s32 $0x0;
	[bflag:$0x0] =	sbarrier.arrive $0xFFFF  }
.LBB2_6:
0x78: {  	s24 =	rddreg [dreg:$0x4]  }
0x79: {  	s24 =	sadd.s32 s21, s24  }
0x7a: {  	[tilespmem:s23], [sflag:$0x7] =	stream.linear.gather [hbm4b:s24+s3], $0x800, $0x38;
	[tilespmem:$0x1FF80] =	vst v63  }
0x7b: {  	_ =	swait.ge [sflag:s19], $0x800  }
0x7c: {  	s5 =	rddreg [dreg:$0x5];
	[sflag:s19] =	ssyncset.done $0x0  }
0x7d: {  	[sflag:s19] =	ssyncadd.s32 $0xFFFFF800;
	s24 =	sadd.s32 s21, s5  }
0x7e: {  	[tilespmem:s25], [sflag:$0x7] =	stream.linear.gather [hbm4b:s24+s3], $0x800, $0x38;
	[tilespmem:$0x1FF80] =	vst v63  }
0x7f: {  	_ =	swait.ge [sflag:s19], $0x800  }
0x80: {  	[sflag:s19] =	ssyncset.done $0x0  }
0x81: {  	[sflag:s19] =	ssyncadd.s32 $0xFFFFF800  }
0x82: {  	[tilespmem:s18], [sflag:$0x1] =	stream.indirect.gather [hbm4b:s4+s26], $0x80, s23, s26, $0xb8;
	[tilespmem:$0x1FF80] =	vst v63  }
0x83: {  	s5 =	rddreg [dreg:$0x6]  }
0x84: {  	[tilespmem:s28], [sflag:$0x2] =	stream.indirect.gather [hbm4b:s4+s26], $0x80, s5, s26, $0xb8;
	[tilespmem:$0x1FF80] =	vst v63  }
0x85: {  	_ =	swait.ge [sflag:s29], $0x2000  }
0x86: {  	[sflag:s29] =	ssyncset.done $0x0  }
0x87: {  	[sflag:s29] =	ssyncadd.s32 $0xFFFFE000  }
0x88: {  	[spmem:s2] =	stream.indirect.scatter.add.f32 [tilespmem:s18], [sflag:$0x4], $0x80, s25, s26, $0xb8;
	[tilespmem:$0x1FF80] =	vst v63  }
0x89: {  	v1 =	vld [tilespmem:$0x14000];
	_ =	sdelay $0x4  }
0x8a: {  	v2 =	vld [tilespmem:$0x14800];
	_ =	sdelay $0x2  }
0x8b: {  	v1 =	vld.idx.msk [tilespmem:v1+s22+$0x0], $0xffff;
	_ =	sdelay $0x4  }
0x8c: {  	[tilespmem:v2+s30+$0x0] =	vst.idx.add.f32.msk $0xffff, v1  }
0x8d: {  	v1 =	vld [tilespmem:$0x14010];
	_ =	sdelay $0x4  }
0x8e: {  	v2 =	vld [tilespmem:$0x14810];
	_ =	sdelay $0x2  }
0x8f: {  	v1 =	vld.idx.msk [tilespmem:v1+s22+$0x0], $0xffff;
	_ =	sdelay $0x4  }
0x90: {  	[tilespmem:v2+s30+$0x0] =	vst.idx.add.f32.msk $0xffff, v1  }
0x91: {  	v1 =	vld [tilespmem:$0x14020];
	_ =	sdelay $0x4  }
0x92: {  	v2 =	vld [tilespmem:$0x14820];
	_ =	sdelay $0x2  }
0x93: {  	v1 =	vld.idx.msk [tilespmem:v1+s22+$0x0], $0xffff;
	_ =	sdelay $0x4  }
0x94: {  	[tilespmem:v2+s30+$0x0] =	vst.idx.add.f32.msk $0xffff, v1  }
0x95: {  	v1 =	vld [tilespmem:$0x14030];
	_ =	sdelay $0x4  }
0x96: {  	v2 =	vld [tilespmem:$0x14830];
	_ =	sdelay $0x2  }
0x97: {  	v1 =	vld.idx.msk [tilespmem:v1+s22+$0x0], $0xffff;
	_ =	sdelay $0x4  }
0x98: {  	s5 =	rddreg [dreg:$0x7];
	[tilespmem:v2+s30+$0x0] =	vst.idx.add.f32.msk $0xffff, v1  }
0x99: {  	[tilespmem:s31], [sflag:$0x3] =	stream.indirect.gather [hbm4b:s4+s26], $0x80, s5, s26, $0xb8;
	[tilespmem:$0x1FF80] =	vst v63  }
0x9a: {  	_ =	swait.ge [sflag:s1], $0x2000  }
0x9b: {  	[sflag:s1] =	ssyncset.done $0x0  }
0x9c: {  	s5 =	rddreg [dreg:$0x8];
	[sflag:s1] =	ssyncadd.s32 $0xFFFFE000  }
0x9d: {  	[spmem:s2] =	stream.indirect.scatter.add.f32 [tilespmem:s28], [sflag:$0x5], $0x80, s5, s26, $0xb8;
	[tilespmem:$0x1FF80] =	vst v63  }
0x9e: {  	v1 =	vld [tilespmem:$0x14080];
	_ =	sdelay $0x4  }
0x9f: {  	v2 =	vld [tilespmem:$0x14880];
	_ =	sdelay $0x2  }
0xa0: {  	v1 =	vld.idx.msk [tilespmem:v1+s22+$0x0], $0xffff;
	_ =	sdelay $0x4  }
0xa1: {  	[tilespmem:v2+s30+$0x0] =	vst.idx.add.f32.msk $0xffff, v1  }
0xa2: {  	v1 =	vld [tilespmem:$0x14090];
	_ =	sdelay $0x4  }
0xa3: {  	v2 =	vld [tilespmem:$0x14890];
	_ =	sdelay $0x2  }
0xa4: {  	v1 =	vld.idx.msk [tilespmem:v1+s22+$0x0], $0xffff;
	_ =	sdelay $0x4  }
0xa5: {  	[tilespmem:v2+s30+$0x0] =	vst.idx.add.f32.msk $0xffff, v1  }
0xa6: {  	v1 =	vld [tilespmem:$0x140A0];
	_ =	sdelay $0x4  }
0xa7: {  	v2 =	vld [tilespmem:$0x148A0];
	_ =	sdelay $0x2  }
0xa8: {  	v1 =	vld.idx.msk [tilespmem:v1+s22+$0x0], $0xffff;
	_ =	sdelay $0x4  }
0xa9: {  	[tilespmem:v2+s30+$0x0] =	vst.idx.add.f32.msk $0xffff, v1  }
0xaa: {  	v1 =	vld [tilespmem:$0x140B0];
	_ =	sdelay $0x4  }
0xab: {  	v2 =	vld [tilespmem:$0x148B0];
	_ =	sdelay $0x2  }
0xac: {  	v1 =	vld.idx.msk [tilespmem:v1+s22+$0x0], $0xffff;
	_ =	sdelay $0x4  }
0xad: {  	[tilespmem:v2+s30+$0x0] =	vst.idx.add.f32.msk $0xffff, v1  }
0xae: {  	_ =	swait.ge [sflag:s0], $0x2000  }
0xaf: {  	[sflag:s0] =	ssyncset.done $0x0  }
0xb0: {  	s5 =	rddreg [dreg:$0x9];
	[sflag:s0] =	ssyncadd.s32 $0xFFFFE000  }
0xb1: {  	[tilespmem:s18], [sflag:$0x1] =	stream.indirect.gather [hbm4b:s4+s26], $0x80, s5, s26, $0xb8;
	[tilespmem:$0x1FF80] =	vst v63  }
0xb2: {  	_ =	swait.ge [sflag:s6], $0x2000  }
0xb3: {  	[sflag:s6] =	ssyncset.done $0x0  }
0xb4: {  	s5 =	rddreg [dreg:$0xa];
	[sflag:s6] =	ssyncadd.s32 $0xFFFFE000  }
0xb5: {  	[spmem:s2] =	stream.indirect.scatter.add.f32 [tilespmem:s31], [sflag:$0x6], $0x80, s5, s26, $0xb8;
	[tilespmem:$0x1FF80] =	vst v63  }
0xb6: {  	v1 =	vld [tilespmem:$0x14100];
	_ =	sdelay $0x4  }
0xb7: {  	v2 =	vld [tilespmem:$0x14900];
	_ =	sdelay $0x2  }
0xb8: {  	v1 =	vld.idx.msk [tilespmem:v1+s22+$0x0], $0xffff;
	_ =	sdelay $0x4  }
0xb9: {  	[tilespmem:v2+s30+$0x0] =	vst.idx.add.f32.msk $0xffff, v1  }
0xba: {  	v1 =	vld [tilespmem:$0x14110];
	_ =	sdelay $0x4  }
0xbb: {  	v2 =	vld [tilespmem:$0x14910];
	_ =	sdelay $0x2  }
0xbc: {  	v1 =	vld.idx.msk [tilespmem:v1+s22+$0x0], $0xffff;
	_ =	sdelay $0x4  }
0xbd: {  	[tilespmem:v2+s30+$0x0] =	vst.idx.add.f32.msk $0xffff, v1  }
0xbe: {  	v1 =	vld [tilespmem:$0x14120];
	_ =	sdelay $0x4  }
0xbf: {  	v2 =	vld [tilespmem:$0x14920];
	_ =	sdelay $0x2  }
0xc0: {  	v1 =	vld.idx.msk [tilespmem:v1+s22+$0x0], $0xffff;
	_ =	sdelay $0x4  }
0xc1: {  	[tilespmem:v2+s30+$0x0] =	vst.idx.add.f32.msk $0xffff, v1  }
0xc2: {  	v1 =	vld [tilespmem:$0x14130];
	_ =	sdelay $0x4  }
0xc3: {  	v2 =	vld [tilespmem:$0x14930];
	_ =	sdelay $0x2  }
0xc4: {  	v1 =	vld.idx.msk [tilespmem:v1+s22+$0x0], $0xffff;
	_ =	sdelay $0x4  }
0xc5: {  	[tilespmem:v2+s30+$0x0] =	vst.idx.add.f32.msk $0xffff, v1  }
0xc6: {  	_ =	swait.ge [sflag:s7], $0x2000  }
0xc7: {  	[sflag:s7] =	ssyncset.done $0x0  }
0xc8: {  	s5 =	rddreg [dreg:$0xb];
	[sflag:s7] =	ssyncadd.s32 $0xFFFFE000  }
0xc9: {  	[tilespmem:s28], [sflag:$0x2] =	stream.indirect.gather [hbm4b:s4+s26], $0x80, s5, s26, $0xb8;
	[tilespmem:$0x1FF80] =	vst v63  }
0xca: {  	_ =	swait.ge [sflag:s29], $0x2000  }
0xcb: {  	[sflag:s29] =	ssyncset.done $0x0  }
0xcc: {  	s5 =	rddreg [dreg:$0xc];
	[sflag:s29] =	ssyncadd.s32 $0xFFFFE000  }
0xcd: {  	[spmem:s2] =	stream.indirect.scatter.add.f32 [tilespmem:s18], [sflag:$0x4], $0x80, s5, s26, $0xb8;
	[tilespmem:$0x1FF80] =	vst v63  }
0xce: {  	v1 =	vld [tilespmem:$0x14180];
	_ =	sdelay $0x4  }
0xcf: {  	v2 =	vld [tilespmem:$0x14980];
	_ =	sdelay $0x2  }
0xd0: {  	v1 =	vld.idx.msk [tilespmem:v1+s22+$0x0], $0xffff;
	_ =	sdelay $0x4  }
0xd1: {  	[tilespmem:v2+s30+$0x0] =	vst.idx.add.f32.msk $0xffff, v1  }
0xd2: {  	v1 =	vld [tilespmem:$0x14190];
	_ =	sdelay $0x4  }
0xd3: {  	v2 =	vld [tilespmem:$0x14990];
	_ =	sdelay $0x2  }
0xd4: {  	v1 =	vld.idx.msk [tilespmem:v1+s22+$0x0], $0xffff;
	_ =	sdelay $0x4  }
0xd5: {  	[tilespmem:v2+s30+$0x0] =	vst.idx.add.f32.msk $0xffff, v1  }
0xd6: {  	v1 =	vld [tilespmem:$0x141A0];
	_ =	sdelay $0x4  }
0xd7: {  	v2 =	vld [tilespmem:$0x149A0];
	_ =	sdelay $0x2  }
0xd8: {  	v1 =	vld.idx.msk [tilespmem:v1+s22+$0x0], $0xffff;
	_ =	sdelay $0x4  }
0xd9: {  	[tilespmem:v2+s30+$0x0] =	vst.idx.add.f32.msk $0xffff, v1  }
0xda: {  	v1 =	vld [tilespmem:$0x141B0];
	_ =	sdelay $0x4  }
0xdb: {  	v2 =	vld [tilespmem:$0x149B0];
	_ =	sdelay $0x2  }
0xdc: {  	v1 =	vld.idx.msk [tilespmem:v1+s22+$0x0], $0xffff;
	_ =	sdelay $0x4  }
0xdd: {  	[tilespmem:v2+s30+$0x0] =	vst.idx.add.f32.msk $0xffff, v1  }
0xde: {  	_ =	swait.ge [sflag:s8], $0x2000  }
0xdf: {  	[sflag:s8] =	ssyncset.done $0x0  }
0xe0: {  	s5 =	rddreg [dreg:$0xd];
	[sflag:s8] =	ssyncadd.s32 $0xFFFFE000  }
0xe1: {  	[tilespmem:s31], [sflag:$0x3] =	stream.indirect.gather [hbm4b:s4+s26], $0x80, s5, s26, $0xb8;
	[tilespmem:$0x1FF80] =	vst v63  }
0xe2: {  	_ =	swait.ge [sflag:s1], $0x2000  }
0xe3: {  	[sflag:s1] =	ssyncset.done $0x0  }
0xe4: {  	s5 =	rddreg [dreg:$0xe];
	[sflag:s1] =	ssyncadd.s32 $0xFFFFE000  }
0xe5: {  	[spmem:s2] =	stream.indirect.scatter.add.f32 [tilespmem:s28], [sflag:$0x5], $0x80, s5, s26, $0xb8;
	[tilespmem:$0x1FF80] =	vst v63  }
0xe6: {  	v1 =	vld [tilespmem:$0x14200];
	_ =	sdelay $0x4  }
0xe7: {  	v2 =	vld [tilespmem:$0x14A00];
	_ =	sdelay $0x2  }
0xe8: {  	v1 =	vld.idx.msk [tilespmem:v1+s22+$0x0], $0xffff;
	_ =	sdelay $0x4  }
0xe9: {  	[tilespmem:v2+s30+$0x0] =	vst.idx.add.f32.msk $0xffff, v1  }
0xea: {  	v1 =	vld [tilespmem:$0x14210];
	_ =	sdelay $0x4  }
0xeb: {  	v2 =	vld [tilespmem:$0x14A10];
	_ =	sdelay $0x2  }
0xec: {  	v1 =	vld.idx.msk [tilespmem:v1+s22+$0x0], $0xffff;
	_ =	sdelay $0x4  }
0xed: {  	[tilespmem:v2+s30+$0x0] =	vst.idx.add.f32.msk $0xffff, v1  }
0xee: {  	v1 =	vld [tilespmem:$0x14220];
	_ =	sdelay $0x4  }
0xef: {  	v2 =	vld [tilespmem:$0x14A20];
	_ =	sdelay $0x2  }
0xf0: {  	v1 =	vld.idx.msk [tilespmem:v1+s22+$0x0], $0xffff;
	_ =	sdelay $0x4  }
0xf1: {  	[tilespmem:v2+s30+$0x0] =	vst.idx.add.f32.msk $0xffff, v1  }
0xf2: {  	v1 =	vld [tilespmem:$0x14230];
	_ =	sdelay $0x4  }
0xf3: {  	v2 =	vld [tilespmem:$0x14A30];
	_ =	sdelay $0x2  }
0xf4: {  	v1 =	vld.idx.msk [tilespmem:v1+s22+$0x0], $0xffff;
	_ =	sdelay $0x4  }
0xf5: {  	[tilespmem:v2+s30+$0x0] =	vst.idx.add.f32.msk $0xffff, v1  }
0xf6: {  	_ =	swait.ge [sflag:s0], $0x2000  }
0xf7: {  	[sflag:s0] =	ssyncset.done $0x0  }
0xf8: {  	s5 =	rddreg [dreg:$0xf];
	[sflag:s0] =	ssyncadd.s32 $0xFFFFE000  }
0xf9: {  	[tilespmem:s18], [sflag:$0x1] =	stream.indirect.gather [hbm4b:s4+s26], $0x80, s5, s26, $0xb8;
	[tilespmem:$0x1FF80] =	vst v63  }
0xfa: {  	_ =	swait.ge [sflag:s6], $0x2000  }
0xfb: {  	[sflag:s6] =	ssyncset.done $0x0  }
0xfc: {  	s5 =	rddreg [dreg:$0x10];
	[sflag:s6] =	ssyncadd.s32 $0xFFFFE000  }
0xfd: {  	[spmem:s2] =	stream.indirect.scatter.add.f32 [tilespmem:s31], [sflag:$0x6], $0x80, s5, s26, $0xb8;
	[tilespmem:$0x1FF80] =	vst v63  }
0xfe: {  	v1 =	vld [tilespmem:$0x14280];
	_ =	sdelay $0x4  }
0xff: {  	v2 =	vld [tilespmem:$0x14A80];
	_ =	sdelay $0x2  }
0x100: {  	v1 =	vld.idx.msk [tilespmem:v1+s22+$0x0], $0xffff;
	_ =	sdelay $0x4  }
0x101: {  	[tilespmem:v2+s30+$0x0] =	vst.idx.add.f32.msk $0xffff, v1  }
0x102: {  	v1 =	vld [tilespmem:$0x14290];
	_ =	sdelay $0x4  }
0x103: {  	v2 =	vld [tilespmem:$0x14A90];
	_ =	sdelay $0x2  }
0x104: {  	v1 =	vld.idx.msk [tilespmem:v1+s22+$0x0], $0xffff;
	_ =	sdelay $0x4  }
0x105: {  	[tilespmem:v2+s30+$0x0] =	vst.idx.add.f32.msk $0xffff, v1  }
0x106: {  	v1 =	vld [tilespmem:$0x142A0];
	_ =	sdelay $0x4  }
0x107: {  	v2 =	vld [tilespmem:$0x14AA0];
	_ =	sdelay $0x2  }
0x108: {  	v1 =	vld.idx.msk [tilespmem:v1+s22+$0x0], $0xffff;
	_ =	sdelay $0x4  }
0x109: {  	[tilespmem:v2+s30+$0x0] =	vst.idx.add.f32.msk $0xffff, v1  }
0x10a: {  	v1 =	vld [tilespmem:$0x142B0];
	_ =	sdelay $0x4  }
0x10b: {  	v2 =	vld [tilespmem:$0x14AB0];
	_ =	sdelay $0x2  }
0x10c: {  	v1 =	vld.idx.msk [tilespmem:v1+s22+$0x0], $0xffff;
	_ =	sdelay $0x4  }
0x10d: {  	[tilespmem:v2+s30+$0x0] =	vst.idx.add.f32.msk $0xffff, v1  }
0x10e: {  	_ =	swait.ge [sflag:s7], $0x2000  }
0x10f: {  	[sflag:s7] =	ssyncset.done $0x0  }
0x110: {  	s5 =	rddreg [dreg:$0x11];
	[sflag:s7] =	ssyncadd.s32 $0xFFFFE000  }
0x111: {  	[tilespmem:s28], [sflag:$0x2] =	stream.indirect.gather [hbm4b:s4+s26], $0x80, s5, s26, $0xb8;
	[tilespmem:$0x1FF80] =	vst v63  }
0x112: {  	_ =	swait.ge [sflag:s29], $0x2000  }
0x113: {  	[sflag:s29] =	ssyncset.done $0x0  }
0x114: {  	s5 =	rddreg [dreg:$0x12];
	[sflag:s29] =	ssyncadd.s32 $0xFFFFE000  }
0x115: {  	[spmem:s2] =	stream.indirect.scatter.add.f32 [tilespmem:s18], [sflag:$0x4], $0x80, s5, s26, $0xb8;
	[tilespmem:$0x1FF80] =	vst v63  }
0x116: {  	v1 =	vld [tilespmem:$0x14300];
	_ =	sdelay $0x4  }
0x117: {  	v2 =	vld [tilespmem:$0x14B00];
	_ =	sdelay $0x2  }
0x118: {  	v1 =	vld.idx.msk [tilespmem:v1+s22+$0x0], $0xffff;
	_ =	sdelay $0x4  }
0x119: {  	[tilespmem:v2+s30+$0x0] =	vst.idx.add.f32.msk $0xffff, v1  }
0x11a: {  	v1 =	vld [tilespmem:$0x14310];
	_ =	sdelay $0x4  }
0x11b: {  	v2 =	vld [tilespmem:$0x14B10];
	_ =	sdelay $0x2  }
0x11c: {  	v1 =	vld.idx.msk [tilespmem:v1+s22+$0x0], $0xffff;
	_ =	sdelay $0x4  }
0x11d: {  	[tilespmem:v2+s30+$0x0] =	vst.idx.add.f32.msk $0xffff, v1  }
0x11e: {  	v1 =	vld [tilespmem:$0x14320];
	_ =	sdelay $0x4  }
0x11f: {  	v2 =	vld [tilespmem:$0x14B20];
	_ =	sdelay $0x2  }
0x120: {  	v1 =	vld.idx.msk [tilespmem:v1+s22+$0x0], $0xffff;
	_ =	sdelay $0x4  }
0x121: {  	[tilespmem:v2+s30+$0x0] =	vst.idx.add.f32.msk $0xffff, v1  }
0x122: {  	v1 =	vld [tilespmem:$0x14330];
	_ =	sdelay $0x4  }
0x123: {  	v2 =	vld [tilespmem:$0x14B30];
	_ =	sdelay $0x2  }
0x124: {  	v1 =	vld.idx.msk [tilespmem:v1+s22+$0x0], $0xffff;
	_ =	sdelay $0x4  }
0x125: {  	[tilespmem:v2+s30+$0x0] =	vst.idx.add.f32.msk $0xffff, v1  }
0x126: {  	_ =	swait.ge [sflag:s8], $0x2000  }
0x127: {  	[sflag:s8] =	ssyncset.done $0x0  }
0x128: {  	s5 =	rddreg [dreg:$0x13];
	[sflag:s8] =	ssyncadd.s32 $0xFFFFE000  }
0x129: {  	[tilespmem:s31], [sflag:$0x3] =	stream.indirect.gather [hbm4b:s4+s26], $0x80, s5, s26, $0xb8;
	[tilespmem:$0x1FF80] =	vst v63  }
0x12a: {  	_ =	swait.ge [sflag:s1], $0x2000  }
0x12b: {  	[sflag:s1] =	ssyncset.done $0x0  }
0x12c: {  	s5 =	rddreg [dreg:$0x14];
	[sflag:s1] =	ssyncadd.s32 $0xFFFFE000  }
0x12d: {  	[spmem:s2] =	stream.indirect.scatter.add.f32 [tilespmem:s28], [sflag:$0x5], $0x80, s5, s26, $0xb8;
	[tilespmem:$0x1FF80] =	vst v63  }
0x12e: {  	v1 =	vld [tilespmem:$0x14380];
	_ =	sdelay $0x4  }
0x12f: {  	v2 =	vld [tilespmem:$0x14B80];
	_ =	sdelay $0x2  }
0x130: {  	v1 =	vld.idx.msk [tilespmem:v1+s22+$0x0], $0xffff;
	_ =	sdelay $0x4  }
0x131: {  	[tilespmem:v2+s30+$0x0] =	vst.idx.add.f32.msk $0xffff, v1  }
0x132: {  	v1 =	vld [tilespmem:$0x14390];
	_ =	sdelay $0x4  }
0x133: {  	v2 =	vld [tilespmem:$0x14B90];
	_ =	sdelay $0x2  }
0x134: {  	v1 =	vld.idx.msk [tilespmem:v1+s22+$0x0], $0xffff;
	_ =	sdelay $0x4  }
0x135: {  	[tilespmem:v2+s30+$0x0] =	vst.idx.add.f32.msk $0xffff, v1  }
0x136: {  	v1 =	vld [tilespmem:$0x143A0];
	_ =	sdelay $0x4  }
0x137: {  	v2 =	vld [tilespmem:$0x14BA0];
	_ =	sdelay $0x2  }
0x138: {  	v1 =	vld.idx.msk [tilespmem:v1+s22+$0x0], $0xffff;
	_ =	sdelay $0x4  }
0x139: {  	[tilespmem:v2+s30+$0x0] =	vst.idx.add.f32.msk $0xffff, v1  }
0x13a: {  	v1 =	vld [tilespmem:$0x143B0];
	_ =	sdelay $0x4  }
0x13b: {  	v2 =	vld [tilespmem:$0x14BB0];
	_ =	sdelay $0x2  }
0x13c: {  	v1 =	vld.idx.msk [tilespmem:v1+s22+$0x0], $0xffff;
	_ =	sdelay $0x4  }
0x13d: {  	[tilespmem:v2+s30+$0x0] =	vst.idx.add.f32.msk $0xffff, v1  }
0x13e: {  	_ =	swait.ge [sflag:s0], $0x2000  }
0x13f: {  	[sflag:s0] =	ssyncset.done $0x0  }
0x140: {  	s5 =	rddreg [dreg:$0x15];
	[sflag:s0] =	ssyncadd.s32 $0xFFFFE000  }
0x141: {  	[tilespmem:s18], [sflag:$0x1] =	stream.indirect.gather [hbm4b:s4+s26], $0x80, s5, s26, $0xb8;
	[tilespmem:$0x1FF80] =	vst v63  }
0x142: {  	_ =	swait.ge [sflag:s6], $0x2000  }
0x143: {  	[sflag:s6] =	ssyncset.done $0x0  }
0x144: {  	s5 =	rddreg [dreg:$0x16];
	[sflag:s6] =	ssyncadd.s32 $0xFFFFE000  }
0x145: {  	[spmem:s2] =	stream.indirect.scatter.add.f32 [tilespmem:s31], [sflag:$0x6], $0x80, s5, s26, $0xb8;
	[tilespmem:$0x1FF80] =	vst v63  }
0x146: {  	v1 =	vld [tilespmem:$0x14400];
	_ =	sdelay $0x4  }
0x147: {  	v2 =	vld [tilespmem:$0x14C00];
	_ =	sdelay $0x2  }
0x148: {  	v1 =	vld.idx.msk [tilespmem:v1+s22+$0x0], $0xffff;
	_ =	sdelay $0x4  }
0x149: {  	[tilespmem:v2+s30+$0x0] =	vst.idx.add.f32.msk $0xffff, v1  }
0x14a: {  	v1 =	vld [tilespmem:$0x14410];
	_ =	sdelay $0x4  }
0x14b: {  	v2 =	vld [tilespmem:$0x14C10];
	_ =	sdelay $0x2  }
0x14c: {  	v1 =	vld.idx.msk [tilespmem:v1+s22+$0x0], $0xffff;
	_ =	sdelay $0x4  }
0x14d: {  	[tilespmem:v2+s30+$0x0] =	vst.idx.add.f32.msk $0xffff, v1  }
0x14e: {  	v1 =	vld [tilespmem:$0x14420];
	_ =	sdelay $0x4  }
0x14f: {  	v2 =	vld [tilespmem:$0x14C20];
	_ =	sdelay $0x2  }
0x150: {  	v1 =	vld.idx.msk [tilespmem:v1+s22+$0x0], $0xffff;
	_ =	sdelay $0x4  }
0x151: {  	[tilespmem:v2+s30+$0x0] =	vst.idx.add.f32.msk $0xffff, v1  }
0x152: {  	v1 =	vld [tilespmem:$0x14430];
	_ =	sdelay $0x4  }
0x153: {  	v2 =	vld [tilespmem:$0x14C30];
	_ =	sdelay $0x2  }
0x154: {  	v1 =	vld.idx.msk [tilespmem:v1+s22+$0x0], $0xffff;
	_ =	sdelay $0x4  }
0x155: {  	[tilespmem:v2+s30+$0x0] =	vst.idx.add.f32.msk $0xffff, v1  }
0x156: {  	_ =	swait.ge [sflag:s7], $0x2000  }
0x157: {  	[sflag:s7] =	ssyncset.done $0x0  }
0x158: {  	s5 =	rddreg [dreg:$0x17];
	[sflag:s7] =	ssyncadd.s32 $0xFFFFE000  }
0x159: {  	[tilespmem:s28], [sflag:$0x2] =	stream.indirect.gather [hbm4b:s4+s26], $0x80, s5, s26, $0xb8;
	[tilespmem:$0x1FF80] =	vst v63  }
0x15a: {  	_ =	swait.ge [sflag:s29], $0x2000  }
0x15b: {  	[sflag:s29] =	ssyncset.done $0x0  }
0x15c: {  	s5 =	rddreg [dreg:$0x18];
	[sflag:s29] =	ssyncadd.s32 $0xFFFFE000  }
0x15d: {  	[spmem:s2] =	stream.indirect.scatter.add.f32 [tilespmem:s18], [sflag:$0x4], $0x80, s5, s26, $0xb8;
	[tilespmem:$0x1FF80] =	vst v63  }
0x15e: {  	v1 =	vld [tilespmem:$0x14480];
	_ =	sdelay $0x4  }
0x15f: {  	v2 =	vld [tilespmem:$0x14C80];
	_ =	sdelay $0x2  }
0x160: {  	v1 =	vld.idx.msk [tilespmem:v1+s22+$0x0], $0xffff;
	_ =	sdelay $0x4  }
0x161: {  	[tilespmem:v2+s30+$0x0] =	vst.idx.add.f32.msk $0xffff, v1  }
0x162: {  	v1 =	vld [tilespmem:$0x14490];
	_ =	sdelay $0x4  }
0x163: {  	v2 =	vld [tilespmem:$0x14C90];
	_ =	sdelay $0x2  }
0x164: {  	v1 =	vld.idx.msk [tilespmem:v1+s22+$0x0], $0xffff;
	_ =	sdelay $0x4  }
0x165: {  	[tilespmem:v2+s30+$0x0] =	vst.idx.add.f32.msk $0xffff, v1  }
0x166: {  	v1 =	vld [tilespmem:$0x144A0];
	_ =	sdelay $0x4  }
0x167: {  	v2 =	vld [tilespmem:$0x14CA0];
	_ =	sdelay $0x2  }
0x168: {  	v1 =	vld.idx.msk [tilespmem:v1+s22+$0x0], $0xffff;
	_ =	sdelay $0x4  }
0x169: {  	[tilespmem:v2+s30+$0x0] =	vst.idx.add.f32.msk $0xffff, v1  }
0x16a: {  	v1 =	vld [tilespmem:$0x144B0];
	_ =	sdelay $0x4  }
0x16b: {  	v2 =	vld [tilespmem:$0x14CB0];
	_ =	sdelay $0x2  }
0x16c: {  	v1 =	vld.idx.msk [tilespmem:v1+s22+$0x0], $0xffff;
	_ =	sdelay $0x4  }
0x16d: {  	[tilespmem:v2+s30+$0x0] =	vst.idx.add.f32.msk $0xffff, v1  }
0x16e: {  	_ =	swait.ge [sflag:s8], $0x2000  }
0x16f: {  	[sflag:s8] =	ssyncset.done $0x0  }
0x170: {  	s5 =	rddreg [dreg:$0x19];
	[sflag:s8] =	ssyncadd.s32 $0xFFFFE000  }
0x171: {  	[tilespmem:s31], [sflag:$0x3] =	stream.indirect.gather [hbm4b:s4+s26], $0x80, s5, s26, $0xb8;
	[tilespmem:$0x1FF80] =	vst v63  }
0x172: {  	_ =	swait.ge [sflag:s1], $0x2000  }
0x173: {  	[sflag:s1] =	ssyncset.done $0x0  }
0x174: {  	s5 =	rddreg [dreg:$0x1a];
	[sflag:s1] =	ssyncadd.s32 $0xFFFFE000  }
0x175: {  	[spmem:s2] =	stream.indirect.scatter.add.f32 [tilespmem:s28], [sflag:$0x5], $0x80, s5, s26, $0xb8;
	[tilespmem:$0x1FF80] =	vst v63  }
0x176: {  	v1 =	vld [tilespmem:$0x14500];
	_ =	sdelay $0x4  }
0x177: {  	v2 =	vld [tilespmem:$0x14D00];
	_ =	sdelay $0x2  }
0x178: {  	v1 =	vld.idx.msk [tilespmem:v1+s22+$0x0], $0xffff;
	_ =	sdelay $0x4  }
0x179: {  	[tilespmem:v2+s30+$0x0] =	vst.idx.add.f32.msk $0xffff, v1  }
0x17a: {  	v1 =	vld [tilespmem:$0x14510];
	_ =	sdelay $0x4  }
0x17b: {  	v2 =	vld [tilespmem:$0x14D10];
	_ =	sdelay $0x2  }
0x17c: {  	v1 =	vld.idx.msk [tilespmem:v1+s22+$0x0], $0xffff;
	_ =	sdelay $0x4  }
0x17d: {  	[tilespmem:v2+s30+$0x0] =	vst.idx.add.f32.msk $0xffff, v1  }
0x17e: {  	v1 =	vld [tilespmem:$0x14520];
	_ =	sdelay $0x4  }
0x17f: {  	v2 =	vld [tilespmem:$0x14D20];
	_ =	sdelay $0x2  }
0x180: {  	v1 =	vld.idx.msk [tilespmem:v1+s22+$0x0], $0xffff;
	_ =	sdelay $0x4  }
0x181: {  	[tilespmem:v2+s30+$0x0] =	vst.idx.add.f32.msk $0xffff, v1  }
0x182: {  	v1 =	vld [tilespmem:$0x14530];
	_ =	sdelay $0x4  }
0x183: {  	v2 =	vld [tilespmem:$0x14D30];
	_ =	sdelay $0x2  }
0x184: {  	v1 =	vld.idx.msk [tilespmem:v1+s22+$0x0], $0xffff;
	_ =	sdelay $0x4  }
0x185: {  	[tilespmem:v2+s30+$0x0] =	vst.idx.add.f32.msk $0xffff, v1  }
0x186: {  	_ =	swait.ge [sflag:s0], $0x2000  }
0x187: {  	[sflag:s0] =	ssyncset.done $0x0  }
0x188: {  	[sflag:s0] =	ssyncadd.s32 $0xFFFFE000  }
0x189: {  	[tilespmem:s18], [sflag:$0x1] =	stream.indirect.gather [hbm4b:s4+s26], $0x80, s9, s26, $0xb8;
	[tilespmem:$0x1FF80] =	vst v63  }
0x18a: {  	_ =	swait.ge [sflag:s6], $0x2000  }
0x18b: {  	[sflag:s6] =	ssyncset.done $0x0  }
0x18c: {  	[sflag:s6] =	ssyncadd.s32 $0xFFFFE000  }
0x18d: {  	[spmem:s2] =	stream.indirect.scatter.add.f32 [tilespmem:s31], [sflag:$0x6], $0x80, s10, s26, $0xb8;
	[tilespmem:$0x1FF80] =	vst v63  }
0x18e: {  	v1 =	vld [tilespmem:$0x14580];
	_ =	sdelay $0x4  }
0x18f: {  	v2 =	vld [tilespmem:$0x14D80];
	_ =	sdelay $0x2  }
0x190: {  	v1 =	vld.idx.msk [tilespmem:v1+s22+$0x0], $0xffff;
	_ =	sdelay $0x4  }
0x191: {  	[tilespmem:v2+s30+$0x0] =	vst.idx.add.f32.msk $0xffff, v1  }
0x192: {  	v1 =	vld [tilespmem:$0x14590];
	_ =	sdelay $0x4  }
0x193: {  	v2 =	vld [tilespmem:$0x14D90];
	_ =	sdelay $0x2  }
0x194: {  	v1 =	vld.idx.msk [tilespmem:v1+s22+$0x0], $0xffff;
	_ =	sdelay $0x4  }
0x195: {  	[tilespmem:v2+s30+$0x0] =	vst.idx.add.f32.msk $0xffff, v1  }
0x196: {  	v1 =	vld [tilespmem:$0x145A0];
	_ =	sdelay $0x4  }
0x197: {  	v2 =	vld [tilespmem:$0x14DA0];
	_ =	sdelay $0x2  }
0x198: {  	v1 =	vld.idx.msk [tilespmem:v1+s22+$0x0], $0xffff;
	_ =	sdelay $0x4  }
0x199: {  	[tilespmem:v2+s30+$0x0] =	vst.idx.add.f32.msk $0xffff, v1  }
0x19a: {  	v1 =	vld [tilespmem:$0x145B0];
	_ =	sdelay $0x4  }
0x19b: {  	v2 =	vld [tilespmem:$0x14DB0];
	_ =	sdelay $0x2  }
0x19c: {  	v1 =	vld.idx.msk [tilespmem:v1+s22+$0x0], $0xffff;
	_ =	sdelay $0x4  }
0x19d: {  	[tilespmem:v2+s30+$0x0] =	vst.idx.add.f32.msk $0xffff, v1  }
0x19e: {  	_ =	swait.ge [sflag:s7], $0x2000  }
0x19f: {  	[sflag:s7] =	ssyncset.done $0x0  }
0x1a0: {  	[sflag:s7] =	ssyncadd.s32 $0xFFFFE000  }
0x1a1: {  	[tilespmem:s28], [sflag:$0x2] =	stream.indirect.gather [hbm4b:s4+s26], $0x80, s11, s26, $0xb8;
	[tilespmem:$0x1FF80] =	vst v63  }
0x1a2: {  	_ =	swait.ge [sflag:s29], $0x2000  }
0x1a3: {  	[sflag:s29] =	ssyncset.done $0x0  }
0x1a4: {  	[sflag:s29] =	ssyncadd.s32 $0xFFFFE000  }
0x1a5: {  	[spmem:s2] =	stream.indirect.scatter.add.f32 [tilespmem:s18], [sflag:$0x4], $0x80, s12, s26, $0xb8;
	[tilespmem:$0x1FF80] =	vst v63  }
0x1a6: {  	v1 =	vld [tilespmem:$0x14600];
	_ =	sdelay $0x4  }
0x1a7: {  	v2 =	vld [tilespmem:$0x14E00];
	_ =	sdelay $0x2  }
0x1a8: {  	v1 =	vld.idx.msk [tilespmem:v1+s22+$0x0], $0xffff;
	_ =	sdelay $0x4  }
0x1a9: {  	[tilespmem:v2+s30+$0x0] =	vst.idx.add.f32.msk $0xffff, v1  }
0x1aa: {  	v1 =	vld [tilespmem:$0x14610];
	_ =	sdelay $0x4  }
0x1ab: {  	v2 =	vld [tilespmem:$0x14E10];
	_ =	sdelay $0x2  }
0x1ac: {  	v1 =	vld.idx.msk [tilespmem:v1+s22+$0x0], $0xffff;
	_ =	sdelay $0x4  }
0x1ad: {  	[tilespmem:v2+s30+$0x0] =	vst.idx.add.f32.msk $0xffff, v1  }
0x1ae: {  	v1 =	vld [tilespmem:$0x14620];
	_ =	sdelay $0x4  }
0x1af: {  	v2 =	vld [tilespmem:$0x14E20];
	_ =	sdelay $0x2  }
0x1b0: {  	v1 =	vld.idx.msk [tilespmem:v1+s22+$0x0], $0xffff;
	_ =	sdelay $0x4  }
0x1b1: {  	[tilespmem:v2+s30+$0x0] =	vst.idx.add.f32.msk $0xffff, v1  }
0x1b2: {  	v1 =	vld [tilespmem:$0x14630];
	_ =	sdelay $0x4  }
0x1b3: {  	v2 =	vld [tilespmem:$0x14E30];
	_ =	sdelay $0x2  }
0x1b4: {  	v1 =	vld.idx.msk [tilespmem:v1+s22+$0x0], $0xffff;
	_ =	sdelay $0x4  }
0x1b5: {  	[tilespmem:v2+s30+$0x0] =	vst.idx.add.f32.msk $0xffff, v1  }
0x1b6: {  	_ =	swait.ge [sflag:s8], $0x2000  }
0x1b7: {  	[sflag:s8] =	ssyncset.done $0x0  }
0x1b8: {  	[sflag:s8] =	ssyncadd.s32 $0xFFFFE000  }
0x1b9: {  	[tilespmem:s31], [sflag:$0x3] =	stream.indirect.gather [hbm4b:s4+s26], $0x80, s13, s26, $0xb8;
	[tilespmem:$0x1FF80] =	vst v63  }
0x1ba: {  	_ =	swait.ge [sflag:s1], $0x2000  }
0x1bb: {  	[sflag:s1] =	ssyncset.done $0x0  }
0x1bc: {  	[sflag:s1] =	ssyncadd.s32 $0xFFFFE000  }
0x1bd: {  	[spmem:s2] =	stream.indirect.scatter.add.f32 [tilespmem:s28], [sflag:$0x5], $0x80, s14, s26, $0xb8;
	[tilespmem:$0x1FF80] =	vst v63  }
0x1be: {  	v1 =	vld [tilespmem:$0x14680];
	_ =	sdelay $0x4  }
0x1bf: {  	v2 =	vld [tilespmem:$0x14E80];
	_ =	sdelay $0x2  }
0x1c0: {  	v1 =	vld.idx.msk [tilespmem:v1+s22+$0x0], $0xffff;
	_ =	sdelay $0x4  }
0x1c1: {  	[tilespmem:v2+s30+$0x0] =	vst.idx.add.f32.msk $0xffff, v1  }
0x1c2: {  	v1 =	vld [tilespmem:$0x14690];
	_ =	sdelay $0x4  }
0x1c3: {  	v2 =	vld [tilespmem:$0x14E90];
	_ =	sdelay $0x2  }
0x1c4: {  	v1 =	vld.idx.msk [tilespmem:v1+s22+$0x0], $0xffff;
	_ =	sdelay $0x4  }
0x1c5: {  	[tilespmem:v2+s30+$0x0] =	vst.idx.add.f32.msk $0xffff, v1  }
0x1c6: {  	v1 =	vld [tilespmem:$0x146A0];
	_ =	sdelay $0x4  }
0x1c7: {  	v2 =	vld [tilespmem:$0x14EA0];
	_ =	sdelay $0x2  }
0x1c8: {  	v1 =	vld.idx.msk [tilespmem:v1+s22+$0x0], $0xffff;
	_ =	sdelay $0x4  }
0x1c9: {  	[tilespmem:v2+s30+$0x0] =	vst.idx.add.f32.msk $0xffff, v1  }
0x1ca: {  	v1 =	vld [tilespmem:$0x146B0];
	_ =	sdelay $0x4  }
0x1cb: {  	v2 =	vld [tilespmem:$0x14EB0];
	_ =	sdelay $0x2  }
0x1cc: {  	v1 =	vld.idx.msk [tilespmem:v1+s22+$0x0], $0xffff;
	_ =	sdelay $0x4  }
0x1cd: {  	[tilespmem:v2+s30+$0x0] =	vst.idx.add.f32.msk $0xffff, v1  }
0x1ce: {  	_ =	swait.ge [sflag:s0], $0x2000  }
0x1cf: {  	[sflag:s0] =	ssyncset.done $0x0  }
0x1d0: {  	[sflag:s0] =	ssyncadd.s32 $0xFFFFE000  }
0x1d1: {  	[tilespmem:s18], [sflag:$0x1] =	stream.indirect.gather [hbm4b:s4+s26], $0x80, s15, s26, $0xb8;
	[tilespmem:$0x1FF80] =	vst v63  }
0x1d2: {  	_ =	swait.ge [sflag:s6], $0x2000  }
0x1d3: {  	[sflag:s6] =	ssyncset.done $0x0  }
0x1d4: {  	[sflag:s6] =	ssyncadd.s32 $0xFFFFE000  }
0x1d5: {  	[spmem:s2] =	stream.indirect.scatter.add.f32 [tilespmem:s31], [sflag:$0x6], $0x80, s16, s26, $0xb8;
	[tilespmem:$0x1FF80] =	vst v63  }
0x1d6: {  	v1 =	vld [tilespmem:$0x14700];
	_ =	sdelay $0x4  }
0x1d7: {  	v2 =	vld [tilespmem:$0x14F00];
	_ =	sdelay $0x2  }
0x1d8: {  	v1 =	vld.idx.msk [tilespmem:v1+s22+$0x0], $0xffff;
	_ =	sdelay $0x4  }
0x1d9: {  	[tilespmem:v2+s30+$0x0] =	vst.idx.add.f32.msk $0xffff, v1  }
0x1da: {  	v1 =	vld [tilespmem:$0x14710];
	_ =	sdelay $0x4  }
0x1db: {  	v2 =	vld [tilespmem:$0x14F10];
	_ =	sdelay $0x2  }
0x1dc: {  	v1 =	vld.idx.msk [tilespmem:v1+s22+$0x0], $0xffff;
	_ =	sdelay $0x4  }
0x1dd: {  	[tilespmem:v2+s30+$0x0] =	vst.idx.add.f32.msk $0xffff, v1  }
0x1de: {  	v1 =	vld [tilespmem:$0x14720];
	_ =	sdelay $0x4  }
0x1df: {  	v2 =	vld [tilespmem:$0x14F20];
	_ =	sdelay $0x2  }
0x1e0: {  	v1 =	vld.idx.msk [tilespmem:v1+s22+$0x0], $0xffff;
	_ =	sdelay $0x4  }
0x1e1: {  	[tilespmem:v2+s30+$0x0] =	vst.idx.add.f32.msk $0xffff, v1  }
0x1e2: {  	v1 =	vld [tilespmem:$0x14730];
	_ =	sdelay $0x4  }
0x1e3: {  	v2 =	vld [tilespmem:$0x14F30];
	_ =	sdelay $0x2  }
0x1e4: {  	v1 =	vld.idx.msk [tilespmem:v1+s22+$0x0], $0xffff;
	_ =	sdelay $0x4  }
0x1e5: {  	[tilespmem:v2+s30+$0x0] =	vst.idx.add.f32.msk $0xffff, v1  }
0x1e6: {  	_ =	swait.ge [sflag:s7], $0x2000  }
0x1e7: {  	[sflag:s7] =	ssyncset.done $0x0  }
0x1e8: {  	[sflag:s7] =	ssyncadd.s32 $0xFFFFE000  }
0x1e9: {  	_ =	swait.ge [sflag:s29], $0x2000  }
0x1ea: {  	[sflag:s29] =	ssyncset.done $0x0  }
0x1eb: {  	[sflag:s29] =	ssyncadd.s32 $0xFFFFE000  }
0x1ec: {  	[spmem:s2] =	stream.indirect.scatter.add.f32 [tilespmem:s18], [sflag:$0x4], $0x80, s20, s26, $0xb8;
	[tilespmem:$0x1FF80] =	vst v63  }
0x1ed: {  	v1 =	vld [tilespmem:$0x14780];
	_ =	sdelay $0x4  }
0x1ee: {  	v2 =	vld [tilespmem:$0x14F80];
	_ =	sdelay $0x2  }
0x1ef: {  	v1 =	vld.idx.msk [tilespmem:v1+s22+$0x0], $0xffff;
	_ =	sdelay $0x4  }
0x1f0: {  	[tilespmem:v2+s30+$0x0] =	vst.idx.add.f32.msk $0xffff, v1  }
0x1f1: {  	v1 =	vld [tilespmem:$0x14790];
	_ =	sdelay $0x4  }
0x1f2: {  	v2 =	vld [tilespmem:$0x14F90];
	_ =	sdelay $0x2  }
0x1f3: {  	v1 =	vld.idx.msk [tilespmem:v1+s22+$0x0], $0xffff;
	_ =	sdelay $0x4  }
0x1f4: {  	[tilespmem:v2+s30+$0x0] =	vst.idx.add.f32.msk $0xffff, v1  }
0x1f5: {  	v1 =	vld [tilespmem:$0x147A0];
	_ =	sdelay $0x4  }
0x1f6: {  	v2 =	vld [tilespmem:$0x14FA0];
	_ =	sdelay $0x2  }
0x1f7: {  	v1 =	vld.idx.msk [tilespmem:v1+s22+$0x0], $0xffff;
	_ =	sdelay $0x4  }
0x1f8: {  	[tilespmem:v2+s30+$0x0] =	vst.idx.add.f32.msk $0xffff, v1  }
0x1f9: {  	v1 =	vld [tilespmem:$0x147B0];
	_ =	sdelay $0x4  }
0x1fa: {  	v2 =	vld [tilespmem:$0x14FB0];
	_ =	sdelay $0x2  }
0x1fb: {  	v1 =	vld.idx.msk [tilespmem:v1+s22+$0x0], $0xffff;
	_ =	sdelay $0x4  }
0x1fc: {  	[tilespmem:v2+s30+$0x0] =	vst.idx.add.f32.msk $0xffff, v1  }
0x1fd: {  	p0 =	sne.s32 s21, $0x12000;
	_ =	swait.ge [sflag:s8], $0x2000  }
.Ltmp2:
0x1fe: {  	[sflag:s8] =	ssyncset.done $0x0;
	(pc) =	sbr.rel @p0 .LBB2_6-.Ltmp2, $4  }
0x1ff: {  	[sflag:s8] =	ssyncadd.s32 $0xFFFFE000  }
0x200: {  	_ =	swait.ge [sflag:s0], $0x2000  }
0x201: {  	[sflag:s0] =	ssyncset.done $0x0  }
0x202: {  	s21 =	sadd.s32 $0x2000, s21;
	[sflag:s0] =	ssyncadd.s32 $0xFFFFE000  }
0x203: {  	[bflag:$0x0] =	sbarrier.arrive $0xFFFF  }
0x204: {  	s5 =	sld [smem:$0x7F8];
	_ =	sdelay $0x2  }
0x205: {  	s21 =	stileid.u32;
	s24 =	sshrl.u32 s5, $0x3;
	s5 =	sld [smem:$0x7FD]  }
0x206: {  	s21 =	sshll.u32 s21, $0x6  }
0x207: {  	s21 =	sor.u32 $0x1C07, s21  }
0x208: {  	[hbm:s5], [sflag:s21] =	dma.local [spmem:s24], $0x2800  }
0x209: {  	_ =	swait.ge [sflag:s19], $0x2800  }
0x20a: {  	s21 =	sld [smem:$0x7FB]  }
0x20b: {  	[sflag:s19] =	ssyncset.done $0x0  }
0x20c: {  	s24 =	simm.s32 $0x80;
	s5 =	simm.s32 $0x400;
	[sflag:s19] =	ssyncadd.s32 $0xFFFFD800  }
0x20d: {  	[hbm4b:s21+s24] =	stream.strided.scatter [tilespmem:s30], [sflag:$0x7], $0x2800, s5, s24, $0x38;
	[tilespmem:$0x1FF80] =	vst v63  }
0x20e: {  	_ =	swait.ge [sflag:s19], $0x2800  }
0x20f: {  	s24 =	sld [smem:$0x7FC];
	_ =	sdelay $0x1  }
0x210: {  	s17 =	sadd.s32 $0x1, s17  }
0x211: {  	p0 =	sne.s32 s17, s24  }
.Ltmp3:
0x212: {  	_ = 	snop;
	(pc) =	sbr.rel @p0 .LBB2_1-.Ltmp3, $3  }
0x213: {  	_ =	sdelay $0x1  }
0x214: {  	[sflag:s19] =	ssyncset.done $0x0  }
0x215: {  	[sflag:s19] =	ssyncadd.s32 $0xFFFFD800  }
0x216: {  	_ =	sfence.sel $0x180000  }
0x217: {  	[bflag:$0x0] =	sbarrier.arrive $0xFFFF  }
0x218: {  	_ =	strace $0x90000047  }
0x219: {  	s0 =	stileid.u32;
	[bflag:$0x2] =	sbarrier.arrive $0xFFFF  }
0x21a: {  	p0 =	sne.s32 s0, $0x0;
	s0 =	rddreg [dreg:$0x3]  }
0x21b: {  	s0 =	sadd.s32 @!p0 $0x100000, s0  }
0x21c: {  	[sflag:s0] =	ssyncadd.tile.s32 @!p0 $0x1;
	_ =	shalt  }
.Lfunc_end2:
_tile_overlayer_lowered:
.L_overlay_start_2:
0x21d: {  	(tag) =	ssettag $0x2  }
0x21e: {  	s0 =	rddreg [dreg:$0x0];
	s2 =	stileid.u32  }
0x21f: {  	s1 =	rddreg [dreg:$0x1];
	p0 =	sne.s32 s2, $0x0  }
0x220: {  	s3 =	rddreg [dreg:$0x2];
	[bflag:$0x3] =	sbarrier.arrive $0xFFFF;
	s2 =	simm.s32 @!p0 $0x1C07  }
0x221: {  	[timem:s3], [sflag:s2] =	dma.local @!p0 [hbm:s0], s1  }
0x222: {  	s0 =	simm.s32 @!p0 $0x7  }
0x223: {  	_ =	swait.ge @!p0 [sflag:s0], s1  }
0x224: {  	s1 =	ssub.s32 @!p0 $0x0, s1;
	[sflag:s0] =	ssyncset.done @!p0 $0x0  }
0x225: {  	[sflag:s0] =	ssyncadd.s32 @!p0 s1  }
0x226: {  	[bflag:$0x3] =	sbarrier.arrive $0xFFFF  }
0x227: {  	_ =	shalt  }

</sc_bundles>
